<compile_context>
chip_gen: v7x
topology: tpu7x:2x2x1
jax: 0.10.2.dev20260603
libtpu: 0.0.44.dev20260713+nightly
codegen_flags: <defaults>
</compile_context>

<pallas_src>
import functools

import jax
import jax.numpy as jnp
from jax import lax
from jax.experimental import pallas as pl
from jax.experimental.pallas import tpu as pltpu
from jax.experimental.pallas import tpu_sc as plsc

NUM_TOKENS = 32768
NUM_EXPERTS = 256
N_GROUP = 8
EPG = NUM_EXPERTS // N_GROUP
TOPK_GROUP = 4
LANES = 16

NUM_WORKERS = 32
TOK_PER_WORKER = NUM_TOKENS // NUM_WORKERS
TILES_PER_WORKER = TOK_PER_WORKER // LANES

_mesh = plsc.VectorSubcoreMesh(
    core_axis_name="c", subcore_axis_name="s", num_cores=2, num_subcores=16
)


@functools.partial(
    pl.kernel,
    out_type=(
        jax.ShapeDtypeStruct((NUM_TOKENS, NUM_EXPERTS), jnp.float32),
        jax.ShapeDtypeStruct((NUM_TOKENS, N_GROUP), jnp.float32),
    ),
    mesh=_mesh,
    scratch_types=[
        pltpu.VMEM((LANES, NUM_EXPERTS), jnp.float32),
        pltpu.VMEM((LANES, N_GROUP), jnp.float32),
    ],
    compiler_params=pltpu.CompilerParams(
        use_tc_tiling_on_sc=False, needs_layout_passes=False
    ),
)
def _routing_kernel(scores_hbm, masked_hbm, gmask_hbm, tile_v, gm_v):
    wid = lax.axis_index("s") * 2 + lax.axis_index("c")
    t0 = wid * TOK_PER_WORKER

    lane_iota = lax.broadcasted_iota(jnp.int32, (LANES,), 0)
    neg_inf = jnp.full((LANES,), -jnp.inf, jnp.float32)
    ones = jnp.full((LANES,), 1.0, jnp.float32)
    zeros = jnp.full((LANES,), 0.0, jnp.float32)

    def tile_body(i, carry):
        row = t0 + i * LANES
        pltpu.sync_copy(scores_hbm.at[pl.ds(row, LANES)], tile_v)

        sums = []
        for g in range(N_GROUP):
            m1 = None
            m2 = None
            for e in range(EPG):
                col = jnp.full((LANES,), g * EPG + e, jnp.int32)
                v = plsc.load_gather(tile_v, [lane_iota, col])
                if m1 is None:
                    m1 = v
                elif m2 is None:
                    m2 = jnp.minimum(m1, v)
                    m1 = jnp.maximum(m1, v)
                else:
                    m2 = jnp.maximum(m2, jnp.minimum(m1, v))
                    m1 = jnp.maximum(m1, v)
            sums.append(m1 + m2)

        ranks = [jnp.zeros((LANES,), jnp.int32) for _ in range(N_GROUP)]
        one_i = jnp.ones((LANES,), jnp.int32)
        for g in range(N_GROUP):
            for j in range(g):
                gt = (sums[j] > sums[g]).astype(jnp.int32)
                eq = (sums[j] == sums[g]).astype(jnp.int32)
                a = gt + eq
                ranks[g] = ranks[g] + a
                ranks[j] = ranks[j] + (one_i - a)

        for g in range(N_GROUP):
            sel = ranks[g] < TOPK_GROUP
            notsel = jnp.logical_not(sel)
            gcol = jnp.full((LANES,), g, jnp.int32)
            plsc.store_scatter(gm_v, [lane_iota, gcol],
                               jnp.where(sel, ones, zeros))
            for e in range(EPG):
                col = jnp.full((LANES,), g * EPG + e, jnp.int32)
                plsc.store_scatter(tile_v, [lane_iota, col], neg_inf,
                                   mask=notsel)

        pltpu.sync_copy(tile_v, masked_hbm.at[pl.ds(row, LANES)])
        pltpu.sync_copy(gm_v, gmask_hbm.at[pl.ds(row, LANES)])
        return carry

    lax.fori_loop(0, TILES_PER_WORKER, tile_body, 0)


def kernel(scores):
    return _routing_kernel(scores)

# --- scband reference (transcript-rebuilt; emitter-appended) ---
"""Pipeline reference for scband-model-33002528702887 (READ-ONLY COPY).

The authoritative reference and input builder live on the scoring server;
editing this copy changes nothing except your own understanding.
"""

import jax, jax.numpy as jnp
import numpy as np

NUM_EXPERTS = 256
N_GROUP = 8
TOPK_GROUP = 4


def setup_inputs(seed: int = 0) -> dict:
    key = jax.random.key(seed)
    # scores are post-sigmoid expert affinities in [0, 1)
    scores = jax.random.uniform(key, (32768, NUM_EXPERTS), dtype=jnp.float32)
    return {"scores": scores}


def reference(scores):
    experts_per_group = NUM_EXPERTS // N_GROUP
    num_tokens = scores.shape[0]
    # 1. Reshape into groups
    group_scores_reshaped = scores.reshape(num_tokens, N_GROUP, experts_per_group)
    # 2. Top-2 per group, summed -> group quality
    top2_per_group, _ = jax.lax.top_k(group_scores_reshaped, 2)
    group_scores = top2_per_group.sum(axis=-1)
    # 3. Select top-k groups
    _, group_idx = jax.lax.top_k(group_scores, TOPK_GROUP)
    # scatter 1s into group mask (scatter-overwrite)
    group_mask = jnp.zeros_like(group_scores).at[
        jnp.arange(num_tokens)[:, None], group_idx
    ].set(1.0)
    # 4. Expand mask to experts and mask out non-selected groups
    score_mask = jnp.broadcast_to(
        group_mask[:, :, None], (num_tokens, N_GROUP, experts_per_group)
    ).reshape(num_tokens, NUM_EXPERTS)
    masked_scores = jnp.where(score_mask.astype(bool), scores, -jnp.inf)
    return masked_scores, group_mask

if __name__ == "__main__":
    import jax
    _d = setup_inputs()
    print(jax.jit(kernel)(*tuple(_d.values())))

</pallas_src>

<mosaic_0001>
#map = affine_map<(d0, d1) -> (0, 0)>
module attributes {stable_mosaic.version = 14 : i64} {
  func.func @_routing_kernel(%arg0: i32, %arg1: i32, %arg2: memref<32768x256xf32, #tpu.memory_space<hbm>>, %arg3: memref<32768x256xf32, #tpu.memory_space<hbm>>, %arg4: memref<32768x8xf32, #tpu.memory_space<hbm>>, %arg5: memref<16x256xf32, #tpu.memory_space<vmem>>, %arg6: memref<16x8xf32, #tpu.memory_space<vmem>>) attributes {dimension_semantics = [#tpu.dimension_semantics<core_parallel>, #tpu.dimension_semantics<subcore_parallel>], iteration_bounds = array<i64: 2, 16>, scalar_prefetch = 0 : i64, scratch_operands = 2 : i64, tpu.core_type = #tpu.core_type<sc_vector_subcore>, window_params = [{transform_indices = #map}, {transform_indices = #map}, {transform_indices = #map}]} {
    %mul3A = arith.constant 2 : i32
    %mul3A_0 = arith.muli %arg1, %mul3A : i32
    %add3A = arith.addi %mul3A_0, %arg0 : i32
    %mul3A_1 = arith.constant 1024 : i32
    %mul3A_2 = arith.muli %add3A, %mul3A_1 : i32
    %iota3A = tpu.iota {dimensions = array<i32: 0>} : vector<16xi32>
    %broadcast_in_dim3A = arith.constant 0xFF800000 : f32
    %broadcast_in_dim3A_3 = vector.broadcast %broadcast_in_dim3A : f32 to vector<16xf32>
    %broadcast_in_dim3A_4 = arith.constant 1.000000e+00 : f32
    %broadcast_in_dim3A_5 = vector.broadcast %broadcast_in_dim3A_4 : f32 to vector<16xf32>
    %broadcast_in_dim3A_6 = arith.constant 0.000000e+00 : f32
    %broadcast_in_dim3A_7 = vector.broadcast %broadcast_in_dim3A_6 : f32 to vector<16xf32>
    %scan3A = arith.constant 0 : i32
    %scan3A_8 = arith.constant 0 : i32
    %scan3A_9 = arith.constant 64 : i32
    %scan3A_10 = arith.addi %scan3A_8, %scan3A_9 : i32
    %scan3A_11 = arith.constant 1 : i32
    scf.for %scan3A_13 = %scan3A_8 to %scan3A_10 step %scan3A_11  : i32 {
      %mul3A_14 = arith.constant 16 : i32
      %mul3A_15 = arith.muli %scan3A_13, %mul3A_14 : i32
      %add3A_16 = arith.addi %mul3A_2, %mul3A_15 : i32
      "tpu.region"() ({
        %run_scoped3A = tpu.sem_alloc : memref<!tpu.dma_semaphore, #tpu.memory_space<semaphore_mem>>
        %dma_start3A = arith.constant 0 : i32
        %dma_start3A_2337 = tpu.memref_slice %arg2[%add3A_16, %dma_start3A] : memref<32768x256xf32, #tpu.memory_space<hbm>> -> memref<16x256xf32, #tpu.memory_space<hbm>>
        %dma_start3A_2338 = arith.constant 0 : i32
        %dma_start3A_2339 = tpu.memref_slice %arg2[%add3A_16, %dma_start3A_2338] : memref<32768x256xf32, #tpu.memory_space<hbm>> -> memref<16x256xf32, #tpu.memory_space<hbm>>
        tpu.enqueue_dma source(%dma_start3A_2339 : memref<16x256xf32, #tpu.memory_space<hbm>>) target(%arg5 : memref<16x256xf32, #tpu.memory_space<vmem>>) target_semaphore(%run_scoped3A : memref<!tpu.dma_semaphore, #tpu.memory_space<semaphore_mem>>)
        %dma_wait3A = arith.constant 0 : i32
        %dma_wait3A_2340 = tpu.memref_slice %arg2[%add3A_16, %dma_wait3A] : memref<32768x256xf32, #tpu.memory_space<hbm>> -> memref<16x256xf32, #tpu.memory_space<hbm>>
        %dma_wait3A_2341 = arith.constant 0 : i32
        %dma_wait3A_2342 = tpu.memref_slice %arg2[%add3A_16, %dma_wait3A_2341] : memref<32768x256xf32, #tpu.memory_space<hbm>> -> memref<16x256xf32, #tpu.memory_space<hbm>>
        tpu.wait_dma2 semaphore(%run_scoped3A : memref<!tpu.dma_semaphore, #tpu.memory_space<semaphore_mem>>) src(%dma_wait3A_2342 : memref<16x256xf32, #tpu.memory_space<hbm>>) dst(%arg5 : memref<16x256xf32, #tpu.memory_space<vmem>>)
        tpu.yield
      }) : () -> ()
      %broadcast_in_dim3A_17 = arith.constant 0 : i32
      %broadcast_in_dim3A_18 = vector.broadcast %broadcast_in_dim3A_17 : i32 to vector<16xi32>
      %gather3A = tpu.vector_load_idx %arg5[%iota3A, %broadcast_in_dim3A_18] : memref<16x256xf32, #tpu.memory_space<vmem>>[vector<16xi32>, vector<16xi32>], vector<16xf32>,
      %broadcast_in_dim3A_19 = arith.constant 1 : i32
      %broadcast_in_dim3A_20 = vector.broadcast %broadcast_in_dim3A_19 : i32 to vector<16xi32>
      %gather3A_21 = tpu.vector_load_idx %arg5[%iota3A, %broadcast_in_dim3A_20] : memref<16x256xf32, #tpu.memory_space<vmem>>[vector<16xi32>, vector<16xi32>], vector<16xf32>,
      %min3A = arith.minimumf %gather3A, %gather3A_21 : vector<16xf32>
      %max3A = arith.maximumf %gather3A, %gather3A_21 : vector<16xf32>
      %broadcast_in_dim3A_22 = arith.constant 2 : i32
      %broadcast_in_dim3A_23 = vector.broadcast %broadcast_in_dim3A_22 : i32 to vector<16xi32>
      %gather3A_24 = tpu.vector_load_idx %arg5[%iota3A, %broadcast_in_dim3A_23] : memref<16x256xf32, #tpu.memory_space<vmem>>[vector<16xi32>, vector<16xi32>], vector<16xf32>,
      %min3A_25 = arith.minimumf %max3A, %gather3A_24 : vector<16xf32>
      %max3A_26 = arith.maximumf %min3A, %min3A_25 : vector<16xf32>
      %max3A_27 = arith.maximumf %max3A, %gather3A_24 : vector<16xf32>
      %broadcast_in_dim3A_28 = arith.constant 3 : i32
      %broadcast_in_dim3A_29 = vector.broadcast %broadcast_in_dim3A_28 : i32 to vector<16xi32>
      %gather3A_30 = tpu.vector_load_idx %arg5[%iota3A, %broadcast_in_dim3A_29] : memref<16x256xf32, #tpu.memory_space<vmem>>[vector<16xi32>, vector<16xi32>], vector<16xf32>,
      %min3A_31 = arith.minimumf %max3A_27, %gather3A_30 : vector<16xf32>
      %max3A_32 = arith.maximumf %max3A_26, %min3A_31 : vector<16xf32>
      %max3A_33 = arith.maximumf %max3A_27, %gather3A_30 : vector<16xf32>
      %broadcast_in_dim3A_34 = arith.constant 4 : i32
      %broadcast_in_dim3A_35 = vector.broadcast %broadcast_in_dim3A_34 : i32 to vector<16xi32>
      %gather3A_36 = tpu.vector_load_idx %arg5[%iota3A, %broadcast_in_dim3A_35] : memref<16x256xf32, #tpu.memory_space<vmem>>[vector<16xi32>, vector<16xi32>], vector<16xf32>,
      %min3A_37 = arith.minimumf %max3A_33, %gather3A_36 : vector<16xf32>
      %max3A_38 = arith.maximumf %max3A_32, %min3A_37 : vector<16xf32>
      %max3A_39 = arith.maximumf %max3A_33, %gather3A_36 : vector<16xf32>
      %broadcast_in_dim3A_40 = arith.constant 5 : i32
      %broadcast_in_dim3A_41 = vector.broadcast %broadcast_in_dim3A_40 : i32 to vector<16xi32>
      %gather3A_42 = tpu.vector_load_idx %arg5[%iota3A, %broadcast_in_dim3A_41] : memref<16x256xf32, #tpu.memory_space<vmem>>[vector<16xi32>, vector<16xi32>], vector<16xf32>,
      %min3A_43 = arith.minimumf %max3A_39, %gather3A_42 : vector<16xf32>
      %max3A_44 = arith.maximumf %max3A_38, %min3A_43 : vector<16xf32>
      %max3A_45 = arith.maximumf %max3A_39, %gather3A_42 : vector<16xf32>
      %broadcast_in_dim3A_46 = arith.constant 6 : i32
      %broadcast_in_dim3A_47 = vector.broadcast %broadcast_in_dim3A_46 : i32 to vector<16xi32>
      %gather3A_48 = tpu.vector_load_idx %arg5[%iota3A, %broadcast_in_dim3A_47] : memref<16x256xf32, #tpu.memory_space<vmem>>[vector<16xi32>, vector<16xi32>], vector<16xf32>,
      %min3A_49 = arith.minimumf %max3A_45, %gather3A_48 : vector<16xf32>
      %max3A_50 = arith.maximumf %max3A_44, %min3A_49 : vector<16xf32>
      %max3A_51 = arith.maximumf %max3A_45, %gather3A_48 : vector<16xf32>
      %broadcast_in_dim3A_52 = arith.constant 7 : i32
      %broadcast_in_dim3A_53 = vector.broadcast %broadcast_in_dim3A_52 : i32 to vector<16xi32>
      %gather3A_54 = tpu.vector_load_idx %arg5[%iota3A, %broadcast_in_dim3A_53] : memref<16x256xf32, #tpu.memory_space<vmem>>[vector<16xi32>, vector<16xi32>], vector<16xf32>,
      %min3A_55 = arith.minimumf %max3A_51, %gather3A_54 : vector<16xf32>
      %max3A_56 = arith.maximumf %max3A_50, %min3A_55 : vector<16xf32>
      %max3A_57 = arith.maximumf %max3A_51, %gather3A_54 : vector<16xf32>
      %broadcast_in_dim3A_58 = arith.constant 8 : i32
      %broadcast_in_dim3A_59 = vector.broadcast %broadcast_in_dim3A_58 : i32 to vector<16xi32>
      %gather3A_60 = tpu.vector_load_idx %arg5[%iota3A, %broadcast_in_dim3A_59] : memref<16x256xf32, #tpu.memory_space<vmem>>[vector<16xi32>, vector<16xi32>], vector<16xf32>,
      %min3A_61 = arith.minimumf %max3A_57, %gather3A_60 : vector<16xf32>
      %max3A_62 = arith.maximumf %max3A_56, %min3A_61 : vector<16xf32>
      %max3A_63 = arith.maximumf %max3A_57, %gather3A_60 : vector<16xf32>
      %broadcast_in_dim3A_64 = arith.constant 9 : i32
      %broadcast_in_dim3A_65 = vector.broadcast %broadcast_in_dim3A_64 : i32 to vector<16xi32>
      %gather3A_66 = tpu.vector_load_idx %arg5[%iota3A, %broadcast_in_dim3A_65] : memref<16x256xf32, #tpu.memory_space<vmem>>[vector<16xi32>, vector<16xi32>], vector<16xf32>,
      %min3A_67 = arith.minimumf %max3A_63, %gather3A_66 : vector<16xf32>
      %max3A_68 = arith.maximumf %max3A_62, %min3A_67 : vector<16xf32>
      %max3A_69 = arith.maximumf %max3A_63, %gather3A_66 : vector<16xf32>
      %broadcast_in_dim3A_70 = arith.constant 10 : i32
      %broadcast_in_dim3A_71 = vector.broadcast %broadcast_in_dim3A_70 : i32 to vector<16xi32>
      %gather3A_72 = tpu.vector_load_idx %arg5[%iota3A, %broadcast_in_dim3A_71] : memref<16x256xf32, #tpu.memory_space<vmem>>[vector<16xi32>, vector<16xi32>], vector<16xf32>,
      %min3A_73 = arith.minimumf %max3A_69, %gather3A_72 : vector<16xf32>
      %max3A_74 = arith.maximumf %max3A_68, %min3A_73 : vector<16xf32>
      %max3A_75 = arith.maximumf %max3A_69, %gather3A_72 : vector<16xf32>
      %broadcast_in_dim3A_76 = arith.constant 11 : i32
      %broadcast_in_dim3A_77 = vector.broadcast %broadcast_in_dim3A_76 : i32 to vector<16xi32>
      %gather3A_78 = tpu.vector_load_idx %arg5[%iota3A, %broadcast_in_dim3A_77] : memref<16x256xf32, #tpu.memory_space<vmem>>[vector<16xi32>, vector<16xi32>], vector<16xf32>,
      %min3A_79 = arith.minimumf %max3A_75, %gather3A_78 : vector<16xf32>
      %max3A_80 = arith.maximumf %max3A_74, %min3A_79 : vector<16xf32>
      %max3A_81 = arith.maximumf %max3A_75, %gather3A_78 : vector<16xf32>
      %broadcast_in_dim3A_82 = arith.constant 12 : i32
      %broadcast_in_dim3A_83 = vector.broadcast %broadcast_in_dim3A_82 : i32 to vector<16xi32>
      %gather3A_84 = tpu.vector_load_idx %arg5[%iota3A, %broadcast_in_dim3A_83] : memref<16x256xf32, #tpu.memory_space<vmem>>[vector<16xi32>, vector<16xi32>], vector<16xf32>,
      %min3A_85 = arith.minimumf %max3A_81, %gather3A_84 : vector<16xf32>
      %max3A_86 = arith.maximumf %max3A_80, %min3A_85 : vector<16xf32>
      %max3A_87 = arith.maximumf %max3A_81, %gather3A_84 : vector<16xf32>
      %broadcast_in_dim3A_88 = arith.constant 13 : i32
      %broadcast_in_dim3A_89 = vector.broadcast %broadcast_in_dim3A_88 : i32 to vector<16xi32>
      %gather3A_90 = tpu.vector_load_idx %arg5[%iota3A, %broadcast_in_dim3A_89] : memref<16x256xf32, #tpu.memory_space<vmem>>[vector<16xi32>, vector<16xi32>], vector<16xf32>,
      %min3A_91 = arith.minimumf %max3A_87, %gather3A_90 : vector<16xf32>
      %max3A_92 = arith.maximumf %max3A_86, %min3A_91 : vector<16xf32>
      %max3A_93 = arith.maximumf %max3A_87, %gather3A_90 : vector<16xf32>
      %broadcast_in_dim3A_94 = arith.constant 14 : i32
      %broadcast_in_dim3A_95 = vector.broadcast %broadcast_in_dim3A_94 : i32 to vector<16xi32>
      %gather3A_96 = tpu.vector_load_idx %arg5[%iota3A, %broadcast_in_dim3A_95] : memref<16x256xf32, #tpu.memory_space<vmem>>[vector<16xi32>, vector<16xi32>], vector<16xf32>,
      %min3A_97 = arith.minimumf %max3A_93, %gather3A_96 : vector<16xf32>
      %max3A_98 = arith.maximumf %max3A_92, %min3A_97 : vector<16xf32>
      %max3A_99 = arith.maximumf %max3A_93, %gather3A_96 : vector<16xf32>
      %broadcast_in_dim3A_100 = arith.constant 15 : i32
      %broadcast_in_dim3A_101 = vector.broadcast %broadcast_in_dim3A_100 : i32 to vector<16xi32>
      %gather3A_102 = tpu.vector_load_idx %arg5[%iota3A, %broadcast_in_dim3A_101] : memref<16x256xf32, #tpu.memory_space<vmem>>[vector<16xi32>, vector<16xi32>], vector<16xf32>,
      %min3A_103 = arith.minimumf %max3A_99, %gather3A_102 : vector<16xf32>
      %max3A_104 = arith.maximumf %max3A_98, %min3A_103 : vector<16xf32>
      %max3A_105 = arith.maximumf %max3A_99, %gather3A_102 : vector<16xf32>
      %broadcast_in_dim3A_106 = arith.constant 16 : i32
      %broadcast_in_dim3A_107 = vector.broadcast %broadcast_in_dim3A_106 : i32 to vector<16xi32>
      %gather3A_108 = tpu.vector_load_idx %arg5[%iota3A, %broadcast_in_dim3A_107] : memref<16x256xf32, #tpu.memory_space<vmem>>[vector<16xi32>, vector<16xi32>], vector<16xf32>,
      %min3A_109 = arith.minimumf %max3A_105, %gather3A_108 : vector<16xf32>
      %max3A_110 = arith.maximumf %max3A_104, %min3A_109 : vector<16xf32>
      %max3A_111 = arith.maximumf %max3A_105, %gather3A_108 : vector<16xf32>
      %broadcast_in_dim3A_112 = arith.constant 17 : i32
      %broadcast_in_dim3A_113 = vector.broadcast %broadcast_in_dim3A_112 : i32 to vector<16xi32>
      %gather3A_114 = tpu.vector_load_idx %arg5[%iota3A, %broadcast_in_dim3A_113] : memref<16x256xf32, #tpu.memory_space<vmem>>[vector<16xi32>, vector<16xi32>], vector<16xf32>,
      %min3A_115 = arith.minimumf %max3A_111, %gather3A_114 : vector<16xf32>
      %max3A_116 = arith.maximumf %max3A_110, %min3A_115 : vector<16xf32>
      %max3A_117 = arith.maximumf %max3A_111, %gather3A_114 : vector<16xf32>
      %broadcast_in_dim3A_118 = arith.constant 18 : i32
      %broadcast_in_dim3A_119 = vector.broadcast %broadcast_in_dim3A_118 : i32 to vector<16xi32>
      %gather3A_120 = tpu.vector_load_idx %arg5[%iota3A, %broadcast_in_dim3A_119] : memref<16x256xf32, #tpu.memory_space<vmem>>[vector<16xi32>, vector<16xi32>], vector<16xf32>,
      %min3A_121 = arith.minimumf %max3A_117, %gather3A_120 : vector<16xf32>
      %max3A_122 = arith.maximumf %max3A_116, %min3A_121 : vector<16xf32>
      %max3A_123 = arith.maximumf %max3A_117, %gather3A_120 : vector<16xf32>
      %broadcast_in_dim3A_124 = arith.constant 19 : i32
      %broadcast_in_dim3A_125 = vector.broadcast %broadcast_in_dim3A_124 : i32 to vector<16xi32>
      %gather3A_126 = tpu.vector_load_idx %arg5[%iota3A, %broadcast_in_dim3A_125] : memref<16x256xf32, #tpu.memory_space<vmem>>[vector<16xi32>, vector<16xi32>], vector<16xf32>,
      %min3A_127 = arith.minimumf %max3A_123, %gather3A_126 : vector<16xf32>
      %max3A_128 = arith.maximumf %max3A_122, %min3A_127 : vector<16xf32>
      %max3A_129 = arith.maximumf %max3A_123, %gather3A_126 : vector<16xf32>
      %broadcast_in_dim3A_130 = arith.constant 20 : i32
      %broadcast_in_dim3A_131 = vector.broadcast %broadcast_in_dim3A_130 : i32 to vector<16xi32>
      %gather3A_132 = tpu.vector_load_idx %arg5[%iota3A, %broadcast_in_dim3A_131] : memref<16x256xf32, #tpu.memory_space<vmem>>[vector<16xi32>, vector<16xi32>], vector<16xf32>,
      %min3A_133 = arith.minimumf %max3A_129, %gather3A_132 : vector<16xf32>
      %max3A_134 = arith.maximumf %max3A_128, %min3A_133 : vector<16xf32>
      %max3A_135 = arith.maximumf %max3A_129, %gather3A_132 : vector<16xf32>
      %broadcast_in_dim3A_136 = arith.constant 21 : i32
      %broadcast_in_dim3A_137 = vector.broadcast %broadcast_in_dim3A_136 : i32 to vector<16xi32>
      %gather3A_138 = tpu.vector_load_idx %arg5[%iota3A, %broadcast_in_dim3A_137] : memref<16x256xf32, #tpu.memory_space<vmem>>[vector<16xi32>, vector<16xi32>], vector<16xf32>,
      %min3A_139 = arith.minimumf %max3A_135, %gather3A_138 : vector<16xf32>
      %max3A_140 = arith.maximumf %max3A_134, %min3A_139 : vector<16xf32>
      %max3A_141 = arith.maximumf %max3A_135, %gather3A_138 : vector<16xf32>
      %broadcast_in_dim3A_142 = arith.constant 22 : i32
      %broadcast_in_dim3A_143 = vector.broadcast %broadcast_in_dim3A_142 : i32 to vector<16xi32>
      %gather3A_144 = tpu.vector_load_idx %arg5[%iota3A, %broadcast_in_dim3A_143] : memref<16x256xf32, #tpu.memory_space<vmem>>[vector<16xi32>, vector<16xi32>], vector<16xf32>,
      %min3A_145 = arith.minimumf %max3A_141, %gather3A_144 : vector<16xf32>
      %max3A_146 = arith.maximumf %max3A_140, %min3A_145 : vector<16xf32>
      %max3A_147 = arith.maximumf %max3A_141, %gather3A_144 : vector<16xf32>
      %broadcast_in_dim3A_148 = arith.constant 23 : i32
      %broadcast_in_dim3A_149 = vector.broadcast %broadcast_in_dim3A_148 : i32 to vector<16xi32>
      %gather3A_150 = tpu.vector_load_idx %arg5[%iota3A, %broadcast_in_dim3A_149] : memref<16x256xf32, #tpu.memory_space<vmem>>[vector<16xi32>, vector<16xi32>], vector<16xf32>,
      %min3A_151 = arith.minimumf %max3A_147, %gather3A_150 : vector<16xf32>
      %max3A_152 = arith.maximumf %max3A_146, %min3A_151 : vector<16xf32>
      %max3A_153 = arith.maximumf %max3A_147, %gather3A_150 : vector<16xf32>
      %broadcast_in_dim3A_154 = arith.constant 24 : i32
      %broadcast_in_dim3A_155 = vector.broadcast %broadcast_in_dim3A_154 : i32 to vector<16xi32>
      %gather3A_156 = tpu.vector_load_idx %arg5[%iota3A, %broadcast_in_dim3A_155] : memref<16x256xf32, #tpu.memory_space<vmem>>[vector<16xi32>, vector<16xi32>], vector<16xf32>,
      %min3A_157 = arith.minimumf %max3A_153, %gather3A_156 : vector<16xf32>
      %max3A_158 = arith.maximumf %max3A_152, %min3A_157 : vector<16xf32>
      %max3A_159 = arith.maximumf %max3A_153, %gather3A_156 : vector<16xf32>
      %broadcast_in_dim3A_160 = arith.constant 25 : i32
      %broadcast_in_dim3A_161 = vector.broadcast %broadcast_in_dim3A_160 : i32 to vector<16xi32>
      %gather3A_162 = tpu.vector_load_idx %arg5[%iota3A, %broadcast_in_dim3A_161] : memref<16x256xf32, #tpu.memory_space<vmem>>[vector<16xi32>, vector<16xi32>], vector<16xf32>,
      %min3A_163 = arith.minimumf %max3A_159, %gather3A_162 : vector<16xf32>
      %max3A_164 = arith.maximumf %max3A_158, %min3A_163 : vector<16xf32>
      %max3A_165 = arith.maximumf %max3A_159, %gather3A_162 : vector<16xf32>
      %broadcast_in_dim3A_166 = arith.constant 26 : i32
      %broadcast_in_dim3A_167 = vector.broadcast %broadcast_in_dim3A_166 : i32 to vector<16xi32>
      %gather3A_168 = tpu.vector_load_idx %arg5[%iota3A, %broadcast_in_dim3A_167] : memref<16x256xf32, #tpu.memory_space<vmem>>[vector<16xi32>, vector<16xi32>], vector<16xf32>,
      %min3A_169 = arith.minimumf %max3A_165, %gather3A_168 : vector<16xf32>
      %max3A_170 = arith.maximumf %max3A_164, %min3A_169 : vector<16xf32>
      %max3A_171 = arith.maximumf %max3A_165, %gather3A_168 : vector<16xf32>
      %broadcast_in_dim3A_172 = arith.constant 27 : i32
      %broadcast_in_dim3A_173 = vector.broadcast %broadcast_in_dim3A_172 : i32 to vector<16xi32>
      %gather3A_174 = tpu.vector_load_idx %arg5[%iota3A, %broadcast_in_dim3A_173] : memref<16x256xf32, #tpu.memory_space<vmem>>[vector<16xi32>, vector<16xi32>], vector<16xf32>,
      %min3A_175 = arith.minimumf %max3A_171, %gather3A_174 : vector<16xf32>
      %max3A_176 = arith.maximumf %max3A_170, %min3A_175 : vector<16xf32>
      %max3A_177 = arith.maximumf %max3A_171, %gather3A_174 : vector<16xf32>
      %broadcast_in_dim3A_178 = arith.constant 28 : i32
      %broadcast_in_dim3A_179 = vector.broadcast %broadcast_in_dim3A_178 : i32 to vector<16xi32>
      %gather3A_180 = tpu.vector_load_idx %arg5[%iota3A, %broadcast_in_dim3A_179] : memref<16x256xf32, #tpu.memory_space<vmem>>[vector<16xi32>, vector<16xi32>], vector<16xf32>,
      %min3A_181 = arith.minimumf %max3A_177, %gather3A_180 : vector<16xf32>
      %max3A_182 = arith.maximumf %max3A_176, %min3A_181 : vector<16xf32>
      %max3A_183 = arith.maximumf %max3A_177, %gather3A_180 : vector<16xf32>
      %broadcast_in_dim3A_184 = arith.constant 29 : i32
      %broadcast_in_dim3A_185 = vector.broadcast %broadcast_in_dim3A_184 : i32 to vector<16xi32>
      %gather3A_186 = tpu.vector_load_idx %arg5[%iota3A, %broadcast_in_dim3A_185] : memref<16x256xf32, #tpu.memory_space<vmem>>[vector<16xi32>, vector<16xi32>], vector<16xf32>,
      %min3A_187 = arith.minimumf %max3A_183, %gather3A_186 : vector<16xf32>
      %max3A_188 = arith.maximumf %max3A_182, %min3A_187 : vector<16xf32>
      %max3A_189 = arith.maximumf %max3A_183, %gather3A_186 : vector<16xf32>
      %broadcast_in_dim3A_190 = arith.constant 30 : i32
      %broadcast_in_dim3A_191 = vector.broadcast %broadcast_in_dim3A_190 : i32 to vector<16xi32>
      %gather3A_192 = tpu.vector_load_idx %arg5[%iota3A, %broadcast_in_dim3A_191] : memref<16x256xf32, #tpu.memory_space<vmem>>[vector<16xi32>, vector<16xi32>], vector<16xf32>,
      %min3A_193 = arith.minimumf %max3A_189, %gather3A_192 : vector<16xf32>
      %max3A_194 = arith.maximumf %max3A_188, %min3A_193 : vector<16xf32>
      %max3A_195 = arith.maximumf %max3A_189, %gather3A_192 : vector<16xf32>
      %broadcast_in_dim3A_196 = arith.constant 31 : i32
      %broadcast_in_dim3A_197 = vector.broadcast %broadcast_in_dim3A_196 : i32 to vector<16xi32>
      %gather3A_198 = tpu.vector_load_idx %arg5[%iota3A, %broadcast_in_dim3A_197] : memref<16x256xf32, #tpu.memory_space<vmem>>[vector<16xi32>, vector<16xi32>], vector<16xf32>,
      %min3A_199 = arith.minimumf %max3A_195, %gather3A_198 : vector<16xf32>
      %max3A_200 = arith.maximumf %max3A_194, %min3A_199 : vector<16xf32>
      %max3A_201 = arith.maximumf %max3A_195, %gather3A_198 : vector<16xf32>
      %add3A_202 = arith.addf %max3A_201, %max3A_200 : vector<16xf32>
      %broadcast_in_dim3A_203 = arith.constant 32 : i32
      %broadcast_in_dim3A_204 = vector.broadcast %broadcast_in_dim3A_203 : i32 to vector<16xi32>
      %gather3A_205 = tpu.vector_load_idx %arg5[%iota3A, %broadcast_in_dim3A_204] : memref<16x256xf32, #tpu.memory_space<vmem>>[vector<16xi32>, vector<16xi32>], vector<16xf32>,
      %broadcast_in_dim3A_206 = arith.constant 33 : i32
      %broadcast_in_dim3A_207 = vector.broadcast %broadcast_in_dim3A_206 : i32 to vector<16xi32>
      %gather3A_208 = tpu.vector_load_idx %arg5[%iota3A, %broadcast_in_dim3A_207] : memref<16x256xf32, #tpu.memory_space<vmem>>[vector<16xi32>, vector<16xi32>], vector<16xf32>,
      %min3A_209 = arith.minimumf %gather3A_205, %gather3A_208 : vector<16xf32>
      %max3A_210 = arith.maximumf %gather3A_205, %gather3A_208 : vector<16xf32>
      %broadcast_in_dim3A_211 = arith.constant 34 : i32
      %broadcast_in_dim3A_212 = vector.broadcast %broadcast_in_dim3A_211 : i32 to vector<16xi32>
      %gather3A_213 = tpu.vector_load_idx %arg5[%iota3A, %broadcast_in_dim3A_212] : memref<16x256xf32, #tpu.memory_space<vmem>>[vector<16xi32>, vector<16xi32>], vector<16xf32>,
      %min3A_214 = arith.minimumf %max3A_210, %gather3A_213 : vector<16xf32>
      %max3A_215 = arith.maximumf %min3A_209, %min3A_214 : vector<16xf32>
      %max3A_216 = arith.maximumf %max3A_210, %gather3A_213 : vector<16xf32>
      %broadcast_in_dim3A_217 = arith.constant 35 : i32
      %broadcast_in_dim3A_218 = vector.broadcast %broadcast_in_dim3A_217 : i32 to vector<16xi32>
      %gather3A_219 = tpu.vector_load_idx %arg5[%iota3A, %broadcast_in_dim3A_218] : memref<16x256xf32, #tpu.memory_space<vmem>>[vector<16xi32>, vector<16xi32>], vector<16xf32>,
      %min3A_220 = arith.minimumf %max3A_216, %gather3A_219 : vector<16xf32>
      %max3A_221 = arith.maximumf %max3A_215, %min3A_220 : vector<16xf32>
      %max3A_222 = arith.maximumf %max3A_216, %gather3A_219 : vector<16xf32>
      %broadcast_in_dim3A_223 = arith.constant 36 : i32
      %broadcast_in_dim3A_224 = vector.broadcast %broadcast_in_dim3A_223 : i32 to vector<16xi32>
      %gather3A_225 = tpu.vector_load_idx %arg5[%iota3A, %broadcast_in_dim3A_224] : memref<16x256xf32, #tpu.memory_space<vmem>>[vector<16xi32>, vector<16xi32>], vector<16xf32>,
      %min3A_226 = arith.minimumf %max3A_222, %gather3A_225 : vector<16xf32>
      %max3A_227 = arith.maximumf %max3A_221, %min3A_226 : vector<16xf32>
      %max3A_228 = arith.maximumf %max3A_222, %gather3A_225 : vector<16xf32>
      %broadcast_in_dim3A_229 = arith.constant 37 : i32
      %broadcast_in_dim3A_230 = vector.broadcast %broadcast_in_dim3A_229 : i32 to vector<16xi32>
      %gather3A_231 = tpu.vector_load_idx %arg5[%iota3A, %broadcast_in_dim3A_230] : memref<16x256xf32, #tpu.memory_space<vmem>>[vector<16xi32>, vector<16xi32>], vector<16xf32>,
      %min3A_232 = arith.minimumf %max3A_228, %gather3A_231 : vector<16xf32>
      %max3A_233 = arith.maximumf %max3A_227, %min3A_232 : vector<16xf32>
      %max3A_234 = arith.maximumf %max3A_228, %gather3A_231 : vector<16xf32>
      %broadcast_in_dim3A_235 = arith.constant 38 : i32
      %broadcast_in_dim3A_236 = vector.broadcast %broadcast_in_dim3A_235 : i32 to vector<16xi32>
      %gather3A_237 = tpu.vector_load_idx %arg5[%iota3A, %broadcast_in_dim3A_236] : memref<16x256xf32, #tpu.memory_space<vmem>>[vector<16xi32>, vector<16xi32>], vector<16xf32>,
      %min3A_238 = arith.minimumf %max3A_234, %gather3A_237 : vector<16xf32>
      %max3A_239 = arith.maximumf %max3A_233, %min3A_238 : vector<16xf32>
      %max3A_240 = arith.maximumf %max3A_234, %gather3A_237 : vector<16xf32>
      %broadcast_in_dim3A_241 = arith.constant 39 : i32
      %broadcast_in_dim3A_242 = vector.broadcast %broadcast_in_dim3A_241 : i32 to vector<16xi32>
      %gather3A_243 = tpu.vector_load_idx %arg5[%iota3A, %broadcast_in_dim3A_242] : memref<16x256xf32, #tpu.memory_space<vmem>>[vector<16xi32>, vector<16xi32>], vector<16xf32>,
      %min3A_244 = arith.minimumf %max3A_240, %gather3A_243 : vector<16xf32>
      %max3A_245 = arith.maximumf %max3A_239, %min3A_244 : vector<16xf32>
      %max3A_246 = arith.maximumf %max3A_240, %gather3A_243 : vector<16xf32>
      %broadcast_in_dim3A_247 = arith.constant 40 : i32
      %broadcast_in_dim3A_248 = vector.broadcast %broadcast_in_dim3A_247 : i32 to vector<16xi32>
      %gather3A_249 = tpu.vector_load_idx %arg5[%iota3A, %broadcast_in_dim3A_248] : memref<16x256xf32, #tpu.memory_space<vmem>>[vector<16xi32>, vector<16xi32>], vector<16xf32>,
      %min3A_250 = arith.minimumf %max3A_246, %gather3A_249 : vector<16xf32>
      %max3A_251 = arith.maximumf %max3A_245, %min3A_250 : vector<16xf32>
      %max3A_252 = arith.maximumf %max3A_246, %gather3A_249 : vector<16xf32>
      %broadcast_in_dim3A_253 = arith.constant 41 : i32
      %broadcast_in_dim3A_254 = vector.broadcast %broadcast_in_dim3A_253 : i32 to vector<16xi32>
      %gather3A_255 = tpu.vector_load_idx %arg5[%iota3A, %broadcast_in_dim3A_254] : memref<16x256xf32, #tpu.memory_space<vmem>>[vector<16xi32>, vector<16xi32>], vector<16xf32>,
      %min3A_256 = arith.minimumf %max3A_252, %gather3A_255 : vector<16xf32>
      %max3A_257 = arith.maximumf %max3A_251, %min3A_256 : vector<16xf32>
      %max3A_258 = arith.maximumf %max3A_252, %gather3A_255 : vector<16xf32>
      %broadcast_in_dim3A_259 = arith.constant 42 : i32
      %broadcast_in_dim3A_260 = vector.broadcast %broadcast_in_dim3A_259 : i32 to vector<16xi32>
      %gather3A_261 = tpu.vector_load_idx %arg5[%iota3A, %broadcast_in_dim3A_260] : memref<16x256xf32, #tpu.memory_space<vmem>>[vector<16xi32>, vector<16xi32>], vector<16xf32>,
      %min3A_262 = arith.minimumf %max3A_258, %gather3A_261 : vector<16xf32>
      %max3A_263 = arith.maximumf %max3A_257, %min3A_262 : vector<16xf32>
      %max3A_264 = arith.maximumf %max3A_258, %gather3A_261 : vector<16xf32>
      %broadcast_in_dim3A_265 = arith.constant 43 : i32
      %broadcast_in_dim3A_266 = vector.broadcast %broadcast_in_dim3A_265 : i32 to vector<16xi32>
      %gather3A_267 = tpu.vector_load_idx %arg5[%iota3A, %broadcast_in_dim3A_266] : memref<16x256xf32, #tpu.memory_space<vmem>>[vector<16xi32>, vector<16xi32>], vector<16xf32>,
      %min3A_268 = arith.minimumf %max3A_264, %gather3A_267 : vector<16xf32>
      %max3A_269 = arith.maximumf %max3A_263, %min3A_268 : vector<16xf32>
      %max3A_270 = arith.maximumf %max3A_264, %gather3A_267 : vector<16xf32>
      %broadcast_in_dim3A_271 = arith.constant 44 : i32
      %broadcast_in_dim3A_272 = vector.broadcast %broadcast_in_dim3A_271 : i32 to vector<16xi32>
      %gather3A_273 = tpu.vector_load_idx %arg5[%iota3A, %broadcast_in_dim3A_272] : memref<16x256xf32, #tpu.memory_space<vmem>>[vector<16xi32>, vector<16xi32>], vector<16xf32>,
      %min3A_274 = arith.minimumf %max3A_270, %gather3A_273 : vector<16xf32>
      %max3A_275 = arith.maximumf %max3A_269, %min3A_274 : vector<16xf32>
      %max3A_276 = arith.maximumf %max3A_270, %gather3A_273 : vector<16xf32>
      %broadcast_in_dim3A_277 = arith.constant 45 : i32
      %broadcast_in_dim3A_278 = vector.broadcast %broadcast_in_dim3A_277 : i32 to vector<16xi32>
      %gather3A_279 = tpu.vector_load_idx %arg5[%iota3A, %broadcast_in_dim3A_278] : memref<16x256xf32, #tpu.memory_space<vmem>>[vector<16xi32>, vector<16xi32>], vector<16xf32>,
      %min3A_280 = arith.minimumf %max3A_276, %gather3A_279 : vector<16xf32>
      %max3A_281 = arith.maximumf %max3A_275, %min3A_280 : vector<16xf32>
      %max3A_282 = arith.maximumf %max3A_276, %gather3A_279 : vector<16xf32>
      %broadcast_in_dim3A_283 = arith.constant 46 : i32
      %broadcast_in_dim3A_284 = vector.broadcast %broadcast_in_dim3A_283 : i32 to vector<16xi32>
      %gather3A_285 = tpu.vector_load_idx %arg5[%iota3A, %broadcast_in_dim3A_284] : memref<16x256xf32, #tpu.memory_space<vmem>>[vector<16xi32>, vector<16xi32>], vector<16xf32>,
      %min3A_286 = arith.minimumf %max3A_282, %gather3A_285 : vector<16xf32>
      %max3A_287 = arith.maximumf %max3A_281, %min3A_286 : vector<16xf32>
      %max3A_288 = arith.maximumf %max3A_282, %gather3A_285 : vector<16xf32>
      %broadcast_in_dim3A_289 = arith.constant 47 : i32
      %broadcast_in_dim3A_290 = vector.broadcast %broadcast_in_dim3A_289 : i32 to vector<16xi32>
      %gather3A_291 = tpu.vector_load_idx %arg5[%iota3A, %broadcast_in_dim3A_290] : memref<16x256xf32, #tpu.memory_space<vmem>>[vector<16xi32>, vector<16xi32>], vector<16xf32>,
      %min3A_292 = arith.minimumf %max3A_288, %gather3A_291 : vector<16xf32>
      %max3A_293 = arith.maximumf %max3A_287, %min3A_292 : vector<16xf32>
      %max3A_294 = arith.maximumf %max3A_288, %gather3A_291 : vector<16xf32>
      %broadcast_in_dim3A_295 = arith.constant 48 : i32
      %broadcast_in_dim3A_296 = vector.broadcast %broadcast_in_dim3A_295 : i32 to vector<16xi32>
      %gather3A_297 = tpu.vector_load_idx %arg5[%iota3A, %broadcast_in_dim3A_296] : memref<16x256xf32, #tpu.memory_space<vmem>>[vector<16xi32>, vector<16xi32>], vector<16xf32>,
      %min3A_298 = arith.minimumf %max3A_294, %gather3A_297 : vector<16xf32>
      %max3A_299 = arith.maximumf %max3A_293, %min3A_298 : vector<16xf32>
      %max3A_300 = arith.maximumf %max3A_294, %gather3A_297 : vector<16xf32>
      %broadcast_in_dim3A_301 = arith.constant 49 : i32
      %broadcast_in_dim3A_302 = vector.broadcast %broadcast_in_dim3A_301 : i32 to vector<16xi32>
      %gather3A_303 = tpu.vector_load_idx %arg5[%iota3A, %broadcast_in_dim3A_302] : memref<16x256xf32, #tpu.memory_space<vmem>>[vector<16xi32>, vector<16xi32>], vector<16xf32>,
      %min3A_304 = arith.minimumf %max3A_300, %gather3A_303 : vector<16xf32>
      %max3A_305 = arith.maximumf %max3A_299, %min3A_304 : vector<16xf32>
      %max3A_306 = arith.maximumf %max3A_300, %gather3A_303 : vector<16xf32>
      %broadcast_in_dim3A_307 = arith.constant 50 : i32
      %broadcast_in_dim3A_308 = vector.broadcast %broadcast_in_dim3A_307 : i32 to vector<16xi32>
      %gather3A_309 = tpu.vector_load_idx %arg5[%iota3A, %broadcast_in_dim3A_308] : memref<16x256xf32, #tpu.memory_space<vmem>>[vector<16xi32>, vector<16xi32>], vector<16xf32>,
      %min3A_310 = arith.minimumf %max3A_306, %gather3A_309 : vector<16xf32>
      %max3A_311 = arith.maximumf %max3A_305, %min3A_310 : vector<16xf32>
      %max3A_312 = arith.maximumf %max3A_306, %gather3A_309 : vector<16xf32>
      %broadcast_in_dim3A_313 = arith.constant 51 : i32
      %broadcast_in_dim3A_314 = vector.broadcast %broadcast_in_dim3A_313 : i32 to vector<16xi32>
      %gather3A_315 = tpu.vector_load_idx %arg5[%iota3A, %broadcast_in_dim3A_314] : memref<16x256xf32, #tpu.memory_space<vmem>>[vector<16xi32>, vector<16xi32>], vector<16xf32>,
      %min3A_316 = arith.minimumf %max3A_312, %gather3A_315 : vector<16xf32>
      %max3A_317 = arith.maximumf %max3A_311, %min3A_316 : vector<16xf32>
      %max3A_318 = arith.maximumf %max3A_312, %gather3A_315 : vector<16xf32>
      %broadcast_in_dim3A_319 = arith.constant 52 : i32
      %broadcast_in_dim3A_320 = vector.broadcast %broadcast_in_dim3A_319 : i32 to vector<16xi32>
      %gather3A_321 = tpu.vector_load_idx %arg5[%iota3A, %broadcast_in_dim3A_320] : memref<16x256xf32, #tpu.memory_space<vmem>>[vector<16xi32>, vector<16xi32>], vector<16xf32>,
      %min3A_322 = arith.minimumf %max3A_318, %gather3A_321 : vector<16xf32>
      %max3A_323 = arith.maximumf %max3A_317, %min3A_322 : vector<16xf32>
      %max3A_324 = arith.maximumf %max3A_318, %gather3A_321 : vector<16xf32>
      %broadcast_in_dim3A_325 = arith.constant 53 : i32
      %broadcast_in_dim3A_326 = vector.broadcast %broadcast_in_dim3A_325 : i32 to vector<16xi32>
      %gather3A_327 = tpu.vector_load_idx %arg5[%iota3A, %broadcast_in_dim3A_326] : memref<16x256xf32, #tpu.memory_space<vmem>>[vector<16xi32>, vector<16xi32>], vector<16xf32>,
      %min3A_328 = arith.minimumf %max3A_324, %gather3A_327 : vector<16xf32>
      %max3A_329 = arith.maximumf %max3A_323, %min3A_328 : vector<16xf32>
      %max3A_330 = arith.maximumf %max3A_324, %gather3A_327 : vector<16xf32>
      %broadcast_in_dim3A_331 = arith.constant 54 : i32
      %broadcast_in_dim3A_332 = vector.broadcast %broadcast_in_dim3A_331 : i32 to vector<16xi32>
      %gather3A_333 = tpu.vector_load_idx %arg5[%iota3A, %broadcast_in_dim3A_332] : memref<16x256xf32, #tpu.memory_space<vmem>>[vector<16xi32>, vector<16xi32>], vector<16xf32>,
      %min3A_334 = arith.minimumf %max3A_330, %gather3A_333 : vector<16xf32>
      %max3A_335 = arith.maximumf %max3A_329, %min3A_334 : vector<16xf32>
      %max3A_336 = arith.maximumf %max3A_330, %gather3A_333 : vector<16xf32>
      %broadcast_in_dim3A_337 = arith.constant 55 : i32
      %broadcast_in_dim3A_338 = vector.broadcast %broadcast_in_dim3A_337 : i32 to vector<16xi32>
      %gather3A_339 = tpu.vector_load_idx %arg5[%iota3A, %broadcast_in_dim3A_338] : memref<16x256xf32, #tpu.memory_space<vmem>>[vector<16xi32>, vector<16xi32>], vector<16xf32>,
      %min3A_340 = arith.minimumf %max3A_336, %gather3A_339 : vector<16xf32>
      %max3A_341 = arith.maximumf %max3A_335, %min3A_340 : vector<16xf32>
      %max3A_342 = arith.maximumf %max3A_336, %gather3A_339 : vector<16xf32>
      %broadcast_in_dim3A_343 = arith.constant 56 : i32
      %broadcast_in_dim3A_344 = vector.broadcast %broadcast_in_dim3A_343 : i32 to vector<16xi32>
      %gather3A_345 = tpu.vector_load_idx %arg5[%iota3A, %broadcast_in_dim3A_344] : memref<16x256xf32, #tpu.memory_space<vmem>>[vector<16xi32>, vector<16xi32>], vector<16xf32>,
      %min3A_346 = arith.minimumf %max3A_342, %gather3A_345 : vector<16xf32>
      %max3A_347 = arith.maximumf %max3A_341, %min3A_346 : vector<16xf32>
      %max3A_348 = arith.maximumf %max3A_342, %gather3A_345 : vector<16xf32>
      %broadcast_in_dim3A_349 = arith.constant 57 : i32
      %broadcast_in_dim3A_350 = vector.broadcast %broadcast_in_dim3A_349 : i32 to vector<16xi32>
      %gather3A_351 = tpu.vector_load_idx %arg5[%iota3A, %broadcast_in_dim3A_350] : memref<16x256xf32, #tpu.memory_space<vmem>>[vector<16xi32>, vector<16xi32>], vector<16xf32>,
      %min3A_352 = arith.minimumf %max3A_348, %gather3A_351 : vector<16xf32>
      %max3A_353 = arith.maximumf %max3A_347, %min3A_352 : vector<16xf32>
      %max3A_354 = arith.maximumf %max3A_348, %gather3A_351 : vector<16xf32>
      %broadcast_in_dim3A_355 = arith.constant 58 : i32
      %broadcast_in_dim3A_356 = vector.broadcast %broadcast_in_dim3A_355 : i32 to vector<16xi32>
      %gather3A_357 = tpu.vector_load_idx %arg5[%iota3A, %broadcast_in_dim3A_356] : memref<16x256xf32, #tpu.memory_space<vmem>>[vector<16xi32>, vector<16xi32>], vector<16xf32>,
      %min3A_358 = arith.minimumf %max3A_354, %gather3A_357 : vector<16xf32>
      %max3A_359 = arith.maximumf %max3A_353, %min3A_358 : vector<16xf32>
      %max3A_360 = arith.maximumf %max3A_354, %gather3A_357 : vector<16xf32>
      %broadcast_in_dim3A_361 = arith.constant 59 : i32
      %broadcast_in_dim3A_362 = vector.broadcast %broadcast_in_dim3A_361 : i32 to vector<16xi32>
      %gather3A_363 = tpu.vector_load_idx %arg5[%iota3A, %broadcast_in_dim3A_362] : memref<16x256xf32, #tpu.memory_space<vmem>>[vector<16xi32>, vector<16xi32>], vector<16xf32>,
      %min3A_364 = arith.minimumf %max3A_360, %gather3A_363 : vector<16xf32>
      %max3A_365 = arith.maximumf %max3A_359, %min3A_364 : vector<16xf32>
      %max3A_366 = arith.maximumf %max3A_360, %gather3A_363 : vector<16xf32>
      %broadcast_in_dim3A_367 = arith.constant 60 : i32
      %broadcast_in_dim3A_368 = vector.broadcast %broadcast_in_dim3A_367 : i32 to vector<16xi32>
      %gather3A_369 = tpu.vector_load_idx %arg5[%iota3A, %broadcast_in_dim3A_368] : memref<16x256xf32, #tpu.memory_space<vmem>>[vector<16xi32>, vector<16xi32>], vector<16xf32>,
      %min3A_370 = arith.minimumf %max3A_366, %gather3A_369 : vector<16xf32>
      %max3A_371 = arith.maximumf %max3A_365, %min3A_370 : vector<16xf32>
      %max3A_372 = arith.maximumf %max3A_366, %gather3A_369 : vector<16xf32>
      %broadcast_in_dim3A_373 = arith.constant 61 : i32
      %broadcast_in_dim3A_374 = vector.broadcast %broadcast_in_dim3A_373 : i32 to vector<16xi32>
      %gather3A_375 = tpu.vector_load_idx %arg5[%iota3A, %broadcast_in_dim3A_374] : memref<16x256xf32, #tpu.memory_space<vmem>>[vector<16xi32>, vector<16xi32>], vector<16xf32>,
      %min3A_376 = arith.minimumf %max3A_372, %gather3A_375 : vector<16xf32>
      %max3A_377 = arith.maximumf %max3A_371, %min3A_376 : vector<16xf32>
      %max3A_378 = arith.maximumf %max3A_372, %gather3A_375 : vector<16xf32>
      %broadcast_in_dim3A_379 = arith.constant 62 : i32
      %broadcast_in_dim3A_380 = vector.broadcast %broadcast_in_dim3A_379 : i32 to vector<16xi32>
      %gather3A_381 = tpu.vector_load_idx %arg5[%iota3A, %broadcast_in_dim3A_380] : memref<16x256xf32, #tpu.memory_space<vmem>>[vector<16xi32>, vector<16xi32>], vector<16xf32>,
      %min3A_382 = arith.minimumf %max3A_378, %gather3A_381 : vector<16xf32>
      %max3A_383 = arith.maximumf %max3A_377, %min3A_382 : vector<16xf32>
      %max3A_384 = arith.maximumf %max3A_378, %gather3A_381 : vector<16xf32>
      %broadcast_in_dim3A_385 = arith.constant 63 : i32
      %broadcast_in_dim3A_386 = vector.broadcast %broadcast_in_dim3A_385 : i32 to vector<16xi32>
      %gather3A_387 = tpu.vector_load_idx %arg5[%iota3A, %broadcast_in_dim3A_386] : memref<16x256xf32, #tpu.memory_space<vmem>>[vector<16xi32>, vector<16xi32>], vector<16xf32>,
      %min3A_388 = arith.minimumf %max3A_384, %gather3A_387 : vector<16xf32>
      %max3A_389 = arith.maximumf %max3A_383, %min3A_388 : vector<16xf32>
      %max3A_390 = arith.maximumf %max3A_384, %gather3A_387 : vector<16xf32>
      %add3A_391 = arith.addf %max3A_390, %max3A_389 : vector<16xf32>
      %broadcast_in_dim3A_392 = arith.constant 64 : i32
      %broadcast_in_dim3A_393 = vector.broadcast %broadcast_in_dim3A_392 : i32 to vector<16xi32>
      %gather3A_394 = tpu.vector_load_idx %arg5[%iota3A, %broadcast_in_dim3A_393] : memref<16x256xf32, #tpu.memory_space<vmem>>[vector<16xi32>, vector<16xi32>], vector<16xf32>,
      %broadcast_in_dim3A_395 = arith.constant 65 : i32
      %broadcast_in_dim3A_396 = vector.broadcast %broadcast_in_dim3A_395 : i32 to vector<16xi32>
      %gather3A_397 = tpu.vector_load_idx %arg5[%iota3A, %broadcast_in_dim3A_396] : memref<16x256xf32, #tpu.memory_space<vmem>>[vector<16xi32>, vector<16xi32>], vector<16xf32>,
      %min3A_398 = arith.minimumf %gather3A_394, %gather3A_397 : vector<16xf32>
      %max3A_399 = arith.maximumf %gather3A_394, %gather3A_397 : vector<16xf32>
      %broadcast_in_dim3A_400 = arith.constant 66 : i32
      %broadcast_in_dim3A_401 = vector.broadcast %broadcast_in_dim3A_400 : i32 to vector<16xi32>
      %gather3A_402 = tpu.vector_load_idx %arg5[%iota3A, %broadcast_in_dim3A_401] : memref<16x256xf32, #tpu.memory_space<vmem>>[vector<16xi32>, vector<16xi32>], vector<16xf32>,
      %min3A_403 = arith.minimumf %max3A_399, %gather3A_402 : vector<16xf32>
      %max3A_404 = arith.maximumf %min3A_398, %min3A_403 : vector<16xf32>
      %max3A_405 = arith.maximumf %max3A_399, %gather3A_402 : vector<16xf32>
      %broadcast_in_dim3A_406 = arith.constant 67 : i32
      %broadcast_in_dim3A_407 = vector.broadcast %broadcast_in_dim3A_406 : i32 to vector<16xi32>
      %gather3A_408 = tpu.vector_load_idx %arg5[%iota3A, %broadcast_in_dim3A_407] : memref<16x256xf32, #tpu.memory_space<vmem>>[vector<16xi32>, vector<16xi32>], vector<16xf32>,
      %min3A_409 = arith.minimumf %max3A_405, %gather3A_408 : vector<16xf32>
      %max3A_410 = arith.maximumf %max3A_404, %min3A_409 : vector<16xf32>
      %max3A_411 = arith.maximumf %max3A_405, %gather3A_408 : vector<16xf32>
      %broadcast_in_dim3A_412 = arith.constant 68 : i32
      %broadcast_in_dim3A_413 = vector.broadcast %broadcast_in_dim3A_412 : i32 to vector<16xi32>
      %gather3A_414 = tpu.vector_load_idx %arg5[%iota3A, %broadcast_in_dim3A_413] : memref<16x256xf32, #tpu.memory_space<vmem>>[vector<16xi32>, vector<16xi32>], vector<16xf32>,
      %min3A_415 = arith.minimumf %max3A_411, %gather3A_414 : vector<16xf32>
      %max3A_416 = arith.maximumf %max3A_410, %min3A_415 : vector<16xf32>
      %max3A_417 = arith.maximumf %max3A_411, %gather3A_414 : vector<16xf32>
      %broadcast_in_dim3A_418 = arith.constant 69 : i32
      %broadcast_in_dim3A_419 = vector.broadcast %broadcast_in_dim3A_418 : i32 to vector<16xi32>
      %gather3A_420 = tpu.vector_load_idx %arg5[%iota3A, %broadcast_in_dim3A_419] : memref<16x256xf32, #tpu.memory_space<vmem>>[vector<16xi32>, vector<16xi32>], vector<16xf32>,
      %min3A_421 = arith.minimumf %max3A_417, %gather3A_420 : vector<16xf32>
      %max3A_422 = arith.maximumf %max3A_416, %min3A_421 : vector<16xf32>
      %max3A_423 = arith.maximumf %max3A_417, %gather3A_420 : vector<16xf32>
      %broadcast_in_dim3A_424 = arith.constant 70 : i32
      %broadcast_in_dim3A_425 = vector.broadcast %broadcast_in_dim3A_424 : i32 to vector<16xi32>
      %gather3A_426 = tpu.vector_load_idx %arg5[%iota3A, %broadcast_in_dim3A_425] : memref<16x256xf32, #tpu.memory_space<vmem>>[vector<16xi32>, vector<16xi32>], vector<16xf32>,
      %min3A_427 = arith.minimumf %max3A_423, %gather3A_426 : vector<16xf32>
      %max3A_428 = arith.maximumf %max3A_422, %min3A_427 : vector<16xf32>
      %max3A_429 = arith.maximumf %max3A_423, %gather3A_426 : vector<16xf32>
      %broadcast_in_dim3A_430 = arith.constant 71 : i32
      %broadcast_in_dim3A_431 = vector.broadcast %broadcast_in_dim3A_430 : i32 to vector<16xi32>
      %gather3A_432 = tpu.vector_load_idx %arg5[%iota3A, %broadcast_in_dim3A_431] : memref<16x256xf32, #tpu.memory_space<vmem>>[vector<16xi32>, vector<16xi32>], vector<16xf32>,
      %min3A_433 = arith.minimumf %max3A_429, %gather3A_432 : vector<16xf32>
      %max3A_434 = arith.maximumf %max3A_428, %min3A_433 : vector<16xf32>
      %max3A_435 = arith.maximumf %max3A_429, %gather3A_432 : vector<16xf32>
      %broadcast_in_dim3A_436 = arith.constant 72 : i32
      %broadcast_in_dim3A_437 = vector.broadcast %broadcast_in_dim3A_436 : i32 to vector<16xi32>
      %gather3A_438 = tpu.vector_load_idx %arg5[%iota3A, %broadcast_in_dim3A_437] : memref<16x256xf32, #tpu.memory_space<vmem>>[vector<16xi32>, vector<16xi32>], vector<16xf32>,
      %min3A_439 = arith.minimumf %max3A_435, %gather3A_438 : vector<16xf32>
      %max3A_440 = arith.maximumf %max3A_434, %min3A_439 : vector<16xf32>
      %max3A_441 = arith.maximumf %max3A_435, %gather3A_438 : vector<16xf32>
      %broadcast_in_dim3A_442 = arith.constant 73 : i32
      %broadcast_in_dim3A_443 = vector.broadcast %broadcast_in_dim3A_442 : i32 to vector<16xi32>
      %gather3A_444 = tpu.vector_load_idx %arg5[%iota3A, %broadcast_in_dim3A_443] : memref<16x256xf32, #tpu.memory_space<vmem>>[vector<16xi32>, vector<16xi32>], vector<16xf32>,
      %min3A_445 = arith.minimumf %max3A_441, %gather3A_444 : vector<16xf32>
      %max3A_446 = arith.maximumf %max3A_440, %min3A_445 : vector<16xf32>
      %max3A_447 = arith.maximumf %max3A_441, %gather3A_444 : vector<16xf32>
      %broadcast_in_dim3A_448 = arith.constant 74 : i32
      %broadcast_in_dim3A_449 = vector.broadcast %broadcast_in_dim3A_448 : i32 to vector<16xi32>
      %gather3A_450 = tpu.vector_load_idx %arg5[%iota3A, %broadcast_in_dim3A_449] : memref<16x256xf32, #tpu.memory_space<vmem>>[vector<16xi32>, vector<16xi32>], vector<16xf32>,
      %min3A_451 = arith.minimumf %max3A_447, %gather3A_450 : vector<16xf32>
      %max3A_452 = arith.maximumf %max3A_446, %min3A_451 : vector<16xf32>
      %max3A_453 = arith.maximumf %max3A_447, %gather3A_450 : vector<16xf32>
      %broadcast_in_dim3A_454 = arith.constant 75 : i32
      %broadcast_in_dim3A_455 = vector.broadcast %broadcast_in_dim3A_454 : i32 to vector<16xi32>
      %gather3A_456 = tpu.vector_load_idx %arg5[%iota3A, %broadcast_in_dim3A_455] : memref<16x256xf32, #tpu.memory_space<vmem>>[vector<16xi32>, vector<16xi32>], vector<16xf32>,
      %min3A_457 = arith.minimumf %max3A_453, %gather3A_456 : vector<16xf32>
      %max3A_458 = arith.maximumf %max3A_452, %min3A_457 : vector<16xf32>
      %max3A_459 = arith.maximumf %max3A_453, %gather3A_456 : vector<16xf32>
      %broadcast_in_dim3A_460 = arith.constant 76 : i32
      %broadcast_in_dim3A_461 = vector.broadcast %broadcast_in_dim3A_460 : i32 to vector<16xi32>
      %gather3A_462 = tpu.vector_load_idx %arg5[%iota3A, %broadcast_in_dim3A_461] : memref<16x256xf32, #tpu.memory_space<vmem>>[vector<16xi32>, vector<16xi32>], vector<16xf32>,
      %min3A_463 = arith.minimumf %max3A_459, %gather3A_462 : vector<16xf32>
      %max3A_464 = arith.maximumf %max3A_458, %min3A_463 : vector<16xf32>
      %max3A_465 = arith.maximumf %max3A_459, %gather3A_462 : vector<16xf32>
      %broadcast_in_dim3A_466 = arith.constant 77 : i32
      %broadcast_in_dim3A_467 = vector.broadcast %broadcast_in_dim3A_466 : i32 to vector<16xi32>
      %gather3A_468 = tpu.vector_load_idx %arg5[%iota3A, %broadcast_in_dim3A_467] : memref<16x256xf32, #tpu.memory_space<vmem>>[vector<16xi32>, vector<16xi32>], vector<16xf32>,
      %min3A_469 = arith.minimumf %max3A_465, %gather3A_468 : vector<16xf32>
      %max3A_470 = arith.maximumf %max3A_464, %min3A_469 : vector<16xf32>
      %max3A_471 = arith.maximumf %max3A_465, %gather3A_468 : vector<16xf32>
      %broadcast_in_dim3A_472 = arith.constant 78 : i32
      %broadcast_in_dim3A_473 = vector.broadcast %broadcast_in_dim3A_472 : i32 to vector<16xi32>
      %gather3A_474 = tpu.vector_load_idx %arg5[%iota3A, %broadcast_in_dim3A_473] : memref<16x256xf32, #tpu.memory_space<vmem>>[vector<16xi32>, vector<16xi32>], vector<16xf32>,
      %min3A_475 = arith.minimumf %max3A_471, %gather3A_474 : vector<16xf32>
      %max3A_476 = arith.maximumf %max3A_470, %min3A_475 : vector<16xf32>
      %max3A_477 = arith.maximumf %max3A_471, %gather3A_474 : vector<16xf32>
      %broadcast_in_dim3A_478 = arith.constant 79 : i32
      %broadcast_in_dim3A_479 = vector.broadcast %broadcast_in_dim3A_478 : i32 to vector<16xi32>
      %gather3A_480 = tpu.vector_load_idx %arg5[%iota3A, %broadcast_in_dim3A_479] : memref<16x256xf32, #tpu.memory_space<vmem>>[vector<16xi32>, vector<16xi32>], vector<16xf32>,
      %min3A_481 = arith.minimumf %max3A_477, %gather3A_480 : vector<16xf32>
      %max3A_482 = arith.maximumf %max3A_476, %min3A_481 : vector<16xf32>
      %max3A_483 = arith.maximumf %max3A_477, %gather3A_480 : vector<16xf32>
      %broadcast_in_dim3A_484 = arith.constant 80 : i32
      %broadcast_in_dim3A_485 = vector.broadcast %broadcast_in_dim3A_484 : i32 to vector<16xi32>
      %gather3A_486 = tpu.vector_load_idx %arg5[%iota3A, %broadcast_in_dim3A_485] : memref<16x256xf32, #tpu.memory_space<vmem>>[vector<16xi32>, vector<16xi32>], vector<16xf32>,
      %min3A_487 = arith.minimumf %max3A_483, %gather3A_486 : vector<16xf32>
      %max3A_488 = arith.maximumf %max3A_482, %min3A_487 : vector<16xf32>
      %max3A_489 = arith.maximumf %max3A_483, %gather3A_486 : vector<16xf32>
      %broadcast_in_dim3A_490 = arith.constant 81 : i32
      %broadcast_in_dim3A_491 = vector.broadcast %broadcast_in_dim3A_490 : i32 to vector<16xi32>
      %gather3A_492 = tpu.vector_load_idx %arg5[%iota3A, %broadcast_in_dim3A_491] : memref<16x256xf32, #tpu.memory_space<vmem>>[vector<16xi32>, vector<16xi32>], vector<16xf32>,
      %min3A_493 = arith.minimumf %max3A_489, %gather3A_492 : vector<16xf32>
      %max3A_494 = arith.maximumf %max3A_488, %min3A_493 : vector<16xf32>
      %max3A_495 = arith.maximumf %max3A_489, %gather3A_492 : vector<16xf32>
      %broadcast_in_dim3A_496 = arith.constant 82 : i32
      %broadcast_in_dim3A_497 = vector.broadcast %broadcast_in_dim3A_496 : i32 to vector<16xi32>
      %gather3A_498 = tpu.vector_load_idx %arg5[%iota3A, %broadcast_in_dim3A_497] : memref<16x256xf32, #tpu.memory_space<vmem>>[vector<16xi32>, vector<16xi32>], vector<16xf32>,
      %min3A_499 = arith.minimumf %max3A_495, %gather3A_498 : vector<16xf32>
      %max3A_500 = arith.maximumf %max3A_494, %min3A_499 : vector<16xf32>
      %max3A_501 = arith.maximumf %max3A_495, %gather3A_498 : vector<16xf32>
      %broadcast_in_dim3A_502 = arith.constant 83 : i32
      %broadcast_in_dim3A_503 = vector.broadcast %broadcast_in_dim3A_502 : i32 to vector<16xi32>
      %gather3A_504 = tpu.vector_load_idx %arg5[%iota3A, %broadcast_in_dim3A_503] : memref<16x256xf32, #tpu.memory_space<vmem>>[vector<16xi32>, vector<16xi32>], vector<16xf32>,
      %min3A_505 = arith.minimumf %max3A_501, %gather3A_504 : vector<16xf32>
      %max3A_506 = arith.maximumf %max3A_500, %min3A_505 : vector<16xf32>
      %max3A_507 = arith.maximumf %max3A_501, %gather3A_504 : vector<16xf32>
      %broadcast_in_dim3A_508 = arith.constant 84 : i32
      %broadcast_in_dim3A_509 = vector.broadcast %broadcast_in_dim3A_508 : i32 to vector<16xi32>
      %gather3A_510 = tpu.vector_load_idx %arg5[%iota3A, %broadcast_in_dim3A_509] : memref<16x256xf32, #tpu.memory_space<vmem>>[vector<16xi32>, vector<16xi32>], vector<16xf32>,
      %min3A_511 = arith.minimumf %max3A_507, %gather3A_510 : vector<16xf32>
      %max3A_512 = arith.maximumf %max3A_506, %min3A_511 : vector<16xf32>
      %max3A_513 = arith.maximumf %max3A_507, %gather3A_510 : vector<16xf32>
      %broadcast_in_dim3A_514 = arith.constant 85 : i32
      %broadcast_in_dim3A_515 = vector.broadcast %broadcast_in_dim3A_514 : i32 to vector<16xi32>
      %gather3A_516 = tpu.vector_load_idx %arg5[%iota3A, %broadcast_in_dim3A_515] : memref<16x256xf32, #tpu.memory_space<vmem>>[vector<16xi32>, vector<16xi32>], vector<16xf32>,
      %min3A_517 = arith.minimumf %max3A_513, %gather3A_516 : vector<16xf32>
      %max3A_518 = arith.maximumf %max3A_512, %min3A_517 : vector<16xf32>
      %max3A_519 = arith.maximumf %max3A_513, %gather3A_516 : vector<16xf32>
      %broadcast_in_dim3A_520 = arith.constant 86 : i32
      %broadcast_in_dim3A_521 = vector.broadcast %broadcast_in_dim3A_520 : i32 to vector<16xi32>
      %gather3A_522 = tpu.vector_load_idx %arg5[%iota3A, %broadcast_in_dim3A_521] : memref<16x256xf32, #tpu.memory_space<vmem>>[vector<16xi32>, vector<16xi32>], vector<16xf32>,
      %min3A_523 = arith.minimumf %max3A_519, %gather3A_522 : vector<16xf32>
      %max3A_524 = arith.maximumf %max3A_518, %min3A_523 : vector<16xf32>
      %max3A_525 = arith.maximumf %max3A_519, %gather3A_522 : vector<16xf32>
      %broadcast_in_dim3A_526 = arith.constant 87 : i32
      %broadcast_in_dim3A_527 = vector.broadcast %broadcast_in_dim3A_526 : i32 to vector<16xi32>
      %gather3A_528 = tpu.vector_load_idx %arg5[%iota3A, %broadcast_in_dim3A_527] : memref<16x256xf32, #tpu.memory_space<vmem>>[vector<16xi32>, vector<16xi32>], vector<16xf32>,
      %min3A_529 = arith.minimumf %max3A_525, %gather3A_528 : vector<16xf32>
      %max3A_530 = arith.maximumf %max3A_524, %min3A_529 : vector<16xf32>
      %max3A_531 = arith.maximumf %max3A_525, %gather3A_528 : vector<16xf32>
      %broadcast_in_dim3A_532 = arith.constant 88 : i32
      %broadcast_in_dim3A_533 = vector.broadcast %broadcast_in_dim3A_532 : i32 to vector<16xi32>
      %gather3A_534 = tpu.vector_load_idx %arg5[%iota3A, %broadcast_in_dim3A_533] : memref<16x256xf32, #tpu.memory_space<vmem>>[vector<16xi32>, vector<16xi32>], vector<16xf32>,
      %min3A_535 = arith.minimumf %max3A_531, %gather3A_534 : vector<16xf32>
      %max3A_536 = arith.maximumf %max3A_530, %min3A_535 : vector<16xf32>
      %max3A_537 = arith.maximumf %max3A_531, %gather3A_534 : vector<16xf32>
      %broadcast_in_dim3A_538 = arith.constant 89 : i32
      %broadcast_in_dim3A_539 = vector.broadcast %broadcast_in_dim3A_538 : i32 to vector<16xi32>
      %gather3A_540 = tpu.vector_load_idx %arg5[%iota3A, %broadcast_in_dim3A_539] : memref<16x256xf32, #tpu.memory_space<vmem>>[vector<16xi32>, vector<16xi32>], vector<16xf32>,
      %min3A_541 = arith.minimumf %max3A_537, %gather3A_540 : vector<16xf32>
      %max3A_542 = arith.maximumf %max3A_536, %min3A_541 : vector<16xf32>
      %max3A_543 = arith.maximumf %max3A_537, %gather3A_540 : vector<16xf32>
      %broadcast_in_dim3A_544 = arith.constant 90 : i32
      %broadcast_in_dim3A_545 = vector.broadcast %broadcast_in_dim3A_544 : i32 to vector<16xi32>
      %gather3A_546 = tpu.vector_load_idx %arg5[%iota3A, %broadcast_in_dim3A_545] : memref<16x256xf32, #tpu.memory_space<vmem>>[vector<16xi32>, vector<16xi32>], vector<16xf32>,
      %min3A_547 = arith.minimumf %max3A_543, %gather3A_546 : vector<16xf32>
      %max3A_548 = arith.maximumf %max3A_542, %min3A_547 : vector<16xf32>
      %max3A_549 = arith.maximumf %max3A_543, %gather3A_546 : vector<16xf32>
      %broadcast_in_dim3A_550 = arith.constant 91 : i32
      %broadcast_in_dim3A_551 = vector.broadcast %broadcast_in_dim3A_550 : i32 to vector<16xi32>
      %gather3A_552 = tpu.vector_load_idx %arg5[%iota3A, %broadcast_in_dim3A_551] : memref<16x256xf32, #tpu.memory_space<vmem>>[vector<16xi32>, vector<16xi32>], vector<16xf32>,
      %min3A_553 = arith.minimumf %max3A_549, %gather3A_552 : vector<16xf32>
      %max3A_554 = arith.maximumf %max3A_548, %min3A_553 : vector<16xf32>
      %max3A_555 = arith.maximumf %max3A_549, %gather3A_552 : vector<16xf32>
      %broadcast_in_dim3A_556 = arith.constant 92 : i32
      %broadcast_in_dim3A_557 = vector.broadcast %broadcast_in_dim3A_556 : i32 to vector<16xi32>
      %gather3A_558 = tpu.vector_load_idx %arg5[%iota3A, %broadcast_in_dim3A_557] : memref<16x256xf32, #tpu.memory_space<vmem>>[vector<16xi32>, vector<16xi32>], vector<16xf32>,
      %min3A_559 = arith.minimumf %max3A_555, %gather3A_558 : vector<16xf32>
      %max3A_560 = arith.maximumf %max3A_554, %min3A_559 : vector<16xf32>
      %max3A_561 = arith.maximumf %max3A_555, %gather3A_558 : vector<16xf32>
      %broadcast_in_dim3A_562 = arith.constant 93 : i32
      %broadcast_in_dim3A_563 = vector.broadcast %broadcast_in_dim3A_562 : i32 to vector<16xi32>
      %gather3A_564 = tpu.vector_load_idx %arg5[%iota3A, %broadcast_in_dim3A_563] : memref<16x256xf32, #tpu.memory_space<vmem>>[vector<16xi32>, vector<16xi32>], vector<16xf32>,
      %min3A_565 = arith.minimumf %max3A_561, %gather3A_564 : vector<16xf32>
      %max3A_566 = arith.maximumf %max3A_560, %min3A_565 : vector<16xf32>
      %max3A_567 = arith.maximumf %max3A_561, %gather3A_564 : vector<16xf32>
      %broadcast_in_dim3A_568 = arith.constant 94 : i32
      %broadcast_in_dim3A_569 = vector.broadcast %broadcast_in_dim3A_568 : i32 to vector<16xi32>
      %gather3A_570 = tpu.vector_load_idx %arg5[%iota3A, %broadcast_in_dim3A_569] : memref<16x256xf32, #tpu.memory_space<vmem>>[vector<16xi32>, vector<16xi32>], vector<16xf32>,
      %min3A_571 = arith.minimumf %max3A_567, %gather3A_570 : vector<16xf32>
      %max3A_572 = arith.maximumf %max3A_566, %min3A_571 : vector<16xf32>
      %max3A_573 = arith.maximumf %max3A_567, %gather3A_570 : vector<16xf32>
      %broadcast_in_dim3A_574 = arith.constant 95 : i32
      %broadcast_in_dim3A_575 = vector.broadcast %broadcast_in_dim3A_574 : i32 to vector<16xi32>
      %gather3A_576 = tpu.vector_load_idx %arg5[%iota3A, %broadcast_in_dim3A_575] : memref<16x256xf32, #tpu.memory_space<vmem>>[vector<16xi32>, vector<16xi32>], vector<16xf32>,
      %min3A_577 = arith.minimumf %max3A_573, %gather3A_576 : vector<16xf32>
      %max3A_578 = arith.maximumf %max3A_572, %min3A_577 : vector<16xf32>
      %max3A_579 = arith.maximumf %max3A_573, %gather3A_576 : vector<16xf32>
      %add3A_580 = arith.addf %max3A_579, %max3A_578 : vector<16xf32>
      %broadcast_in_dim3A_581 = arith.constant 96 : i32
      %broadcast_in_dim3A_582 = vector.broadcast %broadcast_in_dim3A_581 : i32 to vector<16xi32>
      %gather3A_583 = tpu.vector_load_idx %arg5[%iota3A, %broadcast_in_dim3A_582] : memref<16x256xf32, #tpu.memory_space<vmem>>[vector<16xi32>, vector<16xi32>], vector<16xf32>,
      %broadcast_in_dim3A_584 = arith.constant 97 : i32
      %broadcast_in_dim3A_585 = vector.broadcast %broadcast_in_dim3A_584 : i32 to vector<16xi32>
      %gather3A_586 = tpu.vector_load_idx %arg5[%iota3A, %broadcast_in_dim3A_585] : memref<16x256xf32, #tpu.memory_space<vmem>>[vector<16xi32>, vector<16xi32>], vector<16xf32>,
      %min3A_587 = arith.minimumf %gather3A_583, %gather3A_586 : vector<16xf32>
      %max3A_588 = arith.maximumf %gather3A_583, %gather3A_586 : vector<16xf32>
      %broadcast_in_dim3A_589 = arith.constant 98 : i32
      %broadcast_in_dim3A_590 = vector.broadcast %broadcast_in_dim3A_589 : i32 to vector<16xi32>
      %gather3A_591 = tpu.vector_load_idx %arg5[%iota3A, %broadcast_in_dim3A_590] : memref<16x256xf32, #tpu.memory_space<vmem>>[vector<16xi32>, vector<16xi32>], vector<16xf32>,
      %min3A_592 = arith.minimumf %max3A_588, %gather3A_591 : vector<16xf32>
      %max3A_593 = arith.maximumf %min3A_587, %min3A_592 : vector<16xf32>
      %max3A_594 = arith.maximumf %max3A_588, %gather3A_591 : vector<16xf32>
      %broadcast_in_dim3A_595 = arith.constant 99 : i32
      %broadcast_in_dim3A_596 = vector.broadcast %broadcast_in_dim3A_595 : i32 to vector<16xi32>
      %gather3A_597 = tpu.vector_load_idx %arg5[%iota3A, %broadcast_in_dim3A_596] : memref<16x256xf32, #tpu.memory_space<vmem>>[vector<16xi32>, vector<16xi32>], vector<16xf32>,
      %min3A_598 = arith.minimumf %max3A_594, %gather3A_597 : vector<16xf32>
      %max3A_599 = arith.maximumf %max3A_593, %min3A_598 : vector<16xf32>
      %max3A_600 = arith.maximumf %max3A_594, %gather3A_597 : vector<16xf32>
      %broadcast_in_dim3A_601 = arith.constant 100 : i32
      %broadcast_in_dim3A_602 = vector.broadcast %broadcast_in_dim3A_601 : i32 to vector<16xi32>
      %gather3A_603 = tpu.vector_load_idx %arg5[%iota3A, %broadcast_in_dim3A_602] : memref<16x256xf32, #tpu.memory_space<vmem>>[vector<16xi32>, vector<16xi32>], vector<16xf32>,
      %min3A_604 = arith.minimumf %max3A_600, %gather3A_603 : vector<16xf32>
      %max3A_605 = arith.maximumf %max3A_599, %min3A_604 : vector<16xf32>
      %max3A_606 = arith.maximumf %max3A_600, %gather3A_603 : vector<16xf32>
      %broadcast_in_dim3A_607 = arith.constant 101 : i32
      %broadcast_in_dim3A_608 = vector.broadcast %broadcast_in_dim3A_607 : i32 to vector<16xi32>
      %gather3A_609 = tpu.vector_load_idx %arg5[%iota3A, %broadcast_in_dim3A_608] : memref<16x256xf32, #tpu.memory_space<vmem>>[vector<16xi32>, vector<16xi32>], vector<16xf32>,
      %min3A_610 = arith.minimumf %max3A_606, %gather3A_609 : vector<16xf32>
      %max3A_611 = arith.maximumf %max3A_605, %min3A_610 : vector<16xf32>
      %max3A_612 = arith.maximumf %max3A_606, %gather3A_609 : vector<16xf32>
      %broadcast_in_dim3A_613 = arith.constant 102 : i32
      %broadcast_in_dim3A_614 = vector.broadcast %broadcast_in_dim3A_613 : i32 to vector<16xi32>
      %gather3A_615 = tpu.vector_load_idx %arg5[%iota3A, %broadcast_in_dim3A_614] : memref<16x256xf32, #tpu.memory_space<vmem>>[vector<16xi32>, vector<16xi32>], vector<16xf32>,
      %min3A_616 = arith.minimumf %max3A_612, %gather3A_615 : vector<16xf32>
      %max3A_617 = arith.maximumf %max3A_611, %min3A_616 : vector<16xf32>
      %max3A_618 = arith.maximumf %max3A_612, %gather3A_615 : vector<16xf32>
      %broadcast_in_dim3A_619 = arith.constant 103 : i32
      %broadcast_in_dim3A_620 = vector.broadcast %broadcast_in_dim3A_619 : i32 to vector<16xi32>
      %gather3A_621 = tpu.vector_load_idx %arg5[%iota3A, %broadcast_in_dim3A_620] : memref<16x256xf32, #tpu.memory_space<vmem>>[vector<16xi32>, vector<16xi32>], vector<16xf32>,
      %min3A_622 = arith.minimumf %max3A_618, %gather3A_621 : vector<16xf32>
      %max3A_623 = arith.maximumf %max3A_617, %min3A_622 : vector<16xf32>
      %max3A_624 = arith.maximumf %max3A_618, %gather3A_621 : vector<16xf32>
      %broadcast_in_dim3A_625 = arith.constant 104 : i32
      %broadcast_in_dim3A_626 = vector.broadcast %broadcast_in_dim3A_625 : i32 to vector<16xi32>
      %gather3A_627 = tpu.vector_load_idx %arg5[%iota3A, %broadcast_in_dim3A_626] : memref<16x256xf32, #tpu.memory_space<vmem>>[vector<16xi32>, vector<16xi32>], vector<16xf32>,
      %min3A_628 = arith.minimumf %max3A_624, %gather3A_627 : vector<16xf32>
      %max3A_629 = arith.maximumf %max3A_623, %min3A_628 : vector<16xf32>
      %max3A_630 = arith.maximumf %max3A_624, %gather3A_627 : vector<16xf32>
      %broadcast_in_dim3A_631 = arith.constant 105 : i32
      %broadcast_in_dim3A_632 = vector.broadcast %broadcast_in_dim3A_631 : i32 to vector<16xi32>
      %gather3A_633 = tpu.vector_load_idx %arg5[%iota3A, %broadcast_in_dim3A_632] : memref<16x256xf32, #tpu.memory_space<vmem>>[vector<16xi32>, vector<16xi32>], vector<16xf32>,
      %min3A_634 = arith.minimumf %max3A_630, %gather3A_633 : vector<16xf32>
      %max3A_635 = arith.maximumf %max3A_629, %min3A_634 : vector<16xf32>
      %max3A_636 = arith.maximumf %max3A_630, %gather3A_633 : vector<16xf32>
      %broadcast_in_dim3A_637 = arith.constant 106 : i32
      %broadcast_in_dim3A_638 = vector.broadcast %broadcast_in_dim3A_637 : i32 to vector<16xi32>
      %gather3A_639 = tpu.vector_load_idx %arg5[%iota3A, %broadcast_in_dim3A_638] : memref<16x256xf32, #tpu.memory_space<vmem>>[vector<16xi32>, vector<16xi32>], vector<16xf32>,
      %min3A_640 = arith.minimumf %max3A_636, %gather3A_639 : vector<16xf32>
      %max3A_641 = arith.maximumf %max3A_635, %min3A_640 : vector<16xf32>
      %max3A_642 = arith.maximumf %max3A_636, %gather3A_639 : vector<16xf32>
      %broadcast_in_dim3A_643 = arith.constant 107 : i32
      %broadcast_in_dim3A_644 = vector.broadcast %broadcast_in_dim3A_643 : i32 to vector<16xi32>
      %gather3A_645 = tpu.vector_load_idx %arg5[%iota3A, %broadcast_in_dim3A_644] : memref<16x256xf32, #tpu.memory_space<vmem>>[vector<16xi32>, vector<16xi32>], vector<16xf32>,
      %min3A_646 = arith.minimumf %max3A_642, %gather3A_645 : vector<16xf32>
      %max3A_647 = arith.maximumf %max3A_641, %min3A_646 : vector<16xf32>
      %max3A_648 = arith.maximumf %max3A_642, %gather3A_645 : vector<16xf32>
      %broadcast_in_dim3A_649 = arith.constant 108 : i32
      %broadcast_in_dim3A_650 = vector.broadcast %broadcast_in_dim3A_649 : i32 to vector<16xi32>
      %gather3A_651 = tpu.vector_load_idx %arg5[%iota3A, %broadcast_in_dim3A_650] : memref<16x256xf32, #tpu.memory_space<vmem>>[vector<16xi32>, vector<16xi32>], vector<16xf32>,
      %min3A_652 = arith.minimumf %max3A_648, %gather3A_651 : vector<16xf32>
      %max3A_653 = arith.maximumf %max3A_647, %min3A_652 : vector<16xf32>
      %max3A_654 = arith.maximumf %max3A_648, %gather3A_651 : vector<16xf32>
      %broadcast_in_dim3A_655 = arith.constant 109 : i32
      %broadcast_in_dim3A_656 = vector.broadcast %broadcast_in_dim3A_655 : i32 to vector<16xi32>
      %gather3A_657 = tpu.vector_load_idx %arg5[%iota3A, %broadcast_in_dim3A_656] : memref<16x256xf32, #tpu.memory_space<vmem>>[vector<16xi32>, vector<16xi32>], vector<16xf32>,
      %min3A_658 = arith.minimumf %max3A_654, %gather3A_657 : vector<16xf32>
      %max3A_659 = arith.maximumf %max3A_653, %min3A_658 : vector<16xf32>
      %max3A_660 = arith.maximumf %max3A_654, %gather3A_657 : vector<16xf32>
      %broadcast_in_dim3A_661 = arith.constant 110 : i32
      %broadcast_in_dim3A_662 = vector.broadcast %broadcast_in_dim3A_661 : i32 to vector<16xi32>
      %gather3A_663 = tpu.vector_load_idx %arg5[%iota3A, %broadcast_in_dim3A_662] : memref<16x256xf32, #tpu.memory_space<vmem>>[vector<16xi32>, vector<16xi32>], vector<16xf32>,
      %min3A_664 = arith.minimumf %max3A_660, %gather3A_663 : vector<16xf32>
      %max3A_665 = arith.maximumf %max3A_659, %min3A_664 : vector<16xf32>
      %max3A_666 = arith.maximumf %max3A_660, %gather3A_663 : vector<16xf32>
      %broadcast_in_dim3A_667 = arith.constant 111 : i32
      %broadcast_in_dim3A_668 = vector.broadcast %broadcast_in_dim3A_667 : i32 to vector<16xi32>
      %gather3A_669 = tpu.vector_load_idx %arg5[%iota3A, %broadcast_in_dim3A_668] : memref<16x256xf32, #tpu.memory_space<vmem>>[vector<16xi32>, vector<16xi32>], vector<16xf32>,
      %min3A_670 = arith.minimumf %max3A_666, %gather3A_669 : vector<16xf32>
      %max3A_671 = arith.maximumf %max3A_665, %min3A_670 : vector<16xf32>
      %max3A_672 = arith.maximumf %max3A_666, %gather3A_669 : vector<16xf32>
      %broadcast_in_dim3A_673 = arith.constant 112 : i32
      %broadcast_in_dim3A_674 = vector.broadcast %broadcast_in_dim3A_673 : i32 to vector<16xi32>
      %gather3A_675 = tpu.vector_load_idx %arg5[%iota3A, %broadcast_in_dim3A_674] : memref<16x256xf32, #tpu.memory_space<vmem>>[vector<16xi32>, vector<16xi32>], vector<16xf32>,
      %min3A_676 = arith.minimumf %max3A_672, %gather3A_675 : vector<16xf32>
      %max3A_677 = arith.maximumf %max3A_671, %min3A_676 : vector<16xf32>
      %max3A_678 = arith.maximumf %max3A_672, %gather3A_675 : vector<16xf32>
      %broadcast_in_dim3A_679 = arith.constant 113 : i32
      %broadcast_in_dim3A_680 = vector.broadcast %broadcast_in_dim3A_679 : i32 to vector<16xi32>
      %gather3A_681 = tpu.vector_load_idx %arg5[%iota3A, %broadcast_in_dim3A_680] : memref<16x256xf32, #tpu.memory_space<vmem>>[vector<16xi32>, vector<16xi32>], vector<16xf32>,
      %min3A_682 = arith.minimumf %max3A_678, %gather3A_681 : vector<16xf32>
      %max3A_683 = arith.maximumf %max3A_677, %min3A_682 : vector<16xf32>
      %max3A_684 = arith.maximumf %max3A_678, %gather3A_681 : vector<16xf32>
      %broadcast_in_dim3A_685 = arith.constant 114 : i32
      %broadcast_in_dim3A_686 = vector.broadcast %broadcast_in_dim3A_685 : i32 to vector<16xi32>
      %gather3A_687 = tpu.vector_load_idx %arg5[%iota3A, %broadcast_in_dim3A_686] : memref<16x256xf32, #tpu.memory_space<vmem>>[vector<16xi32>, vector<16xi32>], vector<16xf32>,
      %min3A_688 = arith.minimumf %max3A_684, %gather3A_687 : vector<16xf32>
      %max3A_689 = arith.maximumf %max3A_683, %min3A_688 : vector<16xf32>
      %max3A_690 = arith.maximumf %max3A_684, %gather3A_687 : vector<16xf32>
      %broadcast_in_dim3A_691 = arith.constant 115 : i32
      %broadcast_in_dim3A_692 = vector.broadcast %broadcast_in_dim3A_691 : i32 to vector<16xi32>
      %gather3A_693 = tpu.vector_load_idx %arg5[%iota3A, %broadcast_in_dim3A_692] : memref<16x256xf32, #tpu.memory_space<vmem>>[vector<16xi32>, vector<16xi32>], vector<16xf32>,
      %min3A_694 = arith.minimumf %max3A_690, %gather3A_693 : vector<16xf32>
      %max3A_695 = arith.maximumf %max3A_689, %min3A_694 : vector<16xf32>
      %max3A_696 = arith.maximumf %max3A_690, %gather3A_693 : vector<16xf32>
      %broadcast_in_dim3A_697 = arith.constant 116 : i32
      %broadcast_in_dim3A_698 = vector.broadcast %broadcast_in_dim3A_697 : i32 to vector<16xi32>
      %gather3A_699 = tpu.vector_load_idx %arg5[%iota3A, %broadcast_in_dim3A_698] : memref<16x256xf32, #tpu.memory_space<vmem>>[vector<16xi32>, vector<16xi32>], vector<16xf32>,
      %min3A_700 = arith.minimumf %max3A_696, %gather3A_699 : vector<16xf32>
      %max3A_701 = arith.maximumf %max3A_695, %min3A_700 : vector<16xf32>
      %max3A_702 = arith.maximumf %max3A_696, %gather3A_699 : vector<16xf32>
      %broadcast_in_dim3A_703 = arith.constant 117 : i32
      %broadcast_in_dim3A_704 = vector.broadcast %broadcast_in_dim3A_703 : i32 to vector<16xi32>
      %gather3A_705 = tpu.vector_load_idx %arg5[%iota3A, %broadcast_in_dim3A_704] : memref<16x256xf32, #tpu.memory_space<vmem>>[vector<16xi32>, vector<16xi32>], vector<16xf32>,
      %min3A_706 = arith.minimumf %max3A_702, %gather3A_705 : vector<16xf32>
      %max3A_707 = arith.maximumf %max3A_701, %min3A_706 : vector<16xf32>
      %max3A_708 = arith.maximumf %max3A_702, %gather3A_705 : vector<16xf32>
      %broadcast_in_dim3A_709 = arith.constant 118 : i32
      %broadcast_in_dim3A_710 = vector.broadcast %broadcast_in_dim3A_709 : i32 to vector<16xi32>
      %gather3A_711 = tpu.vector_load_idx %arg5[%iota3A, %broadcast_in_dim3A_710] : memref<16x256xf32, #tpu.memory_space<vmem>>[vector<16xi32>, vector<16xi32>], vector<16xf32>,
      %min3A_712 = arith.minimumf %max3A_708, %gather3A_711 : vector<16xf32>
      %max3A_713 = arith.maximumf %max3A_707, %min3A_712 : vector<16xf32>
      %max3A_714 = arith.maximumf %max3A_708, %gather3A_711 : vector<16xf32>
      %broadcast_in_dim3A_715 = arith.constant 119 : i32
      %broadcast_in_dim3A_716 = vector.broadcast %broadcast_in_dim3A_715 : i32 to vector<16xi32>
      %gather3A_717 = tpu.vector_load_idx %arg5[%iota3A, %broadcast_in_dim3A_716] : memref<16x256xf32, #tpu.memory_space<vmem>>[vector<16xi32>, vector<16xi32>], vector<16xf32>,
      %min3A_718 = arith.minimumf %max3A_714, %gather3A_717 : vector<16xf32>
      %max3A_719 = arith.maximumf %max3A_713, %min3A_718 : vector<16xf32>
      %max3A_720 = arith.maximumf %max3A_714, %gather3A_717 : vector<16xf32>
      %broadcast_in_dim3A_721 = arith.constant 120 : i32
      %broadcast_in_dim3A_722 = vector.broadcast %broadcast_in_dim3A_721 : i32 to vector<16xi32>
      %gather3A_723 = tpu.vector_load_idx %arg5[%iota3A, %broadcast_in_dim3A_722] : memref<16x256xf32, #tpu.memory_space<vmem>>[vector<16xi32>, vector<16xi32>], vector<16xf32>,
      %min3A_724 = arith.minimumf %max3A_720, %gather3A_723 : vector<16xf32>
      %max3A_725 = arith.maximumf %max3A_719, %min3A_724 : vector<16xf32>
      %max3A_726 = arith.maximumf %max3A_720, %gather3A_723 : vector<16xf32>
      %broadcast_in_dim3A_727 = arith.constant 121 : i32
      %broadcast_in_dim3A_728 = vector.broadcast %broadcast_in_dim3A_727 : i32 to vector<16xi32>
      %gather3A_729 = tpu.vector_load_idx %arg5[%iota3A, %broadcast_in_dim3A_728] : memref<16x256xf32, #tpu.memory_space<vmem>>[vector<16xi32>, vector<16xi32>], vector<16xf32>,
      %min3A_730 = arith.minimumf %max3A_726, %gather3A_729 : vector<16xf32>
      %max3A_731 = arith.maximumf %max3A_725, %min3A_730 : vector<16xf32>
      %max3A_732 = arith.maximumf %max3A_726, %gather3A_729 : vector<16xf32>
      %broadcast_in_dim3A_733 = arith.constant 122 : i32
      %broadcast_in_dim3A_734 = vector.broadcast %broadcast_in_dim3A_733 : i32 to vector<16xi32>
      %gather3A_735 = tpu.vector_load_idx %arg5[%iota3A, %broadcast_in_dim3A_734] : memref<16x256xf32, #tpu.memory_space<vmem>>[vector<16xi32>, vector<16xi32>], vector<16xf32>,
      %min3A_736 = arith.minimumf %max3A_732, %gather3A_735 : vector<16xf32>
      %max3A_737 = arith.maximumf %max3A_731, %min3A_736 : vector<16xf32>
      %max3A_738 = arith.maximumf %max3A_732, %gather3A_735 : vector<16xf32>
      %broadcast_in_dim3A_739 = arith.constant 123 : i32
      %broadcast_in_dim3A_740 = vector.broadcast %broadcast_in_dim3A_739 : i32 to vector<16xi32>
      %gather3A_741 = tpu.vector_load_idx %arg5[%iota3A, %broadcast_in_dim3A_740] : memref<16x256xf32, #tpu.memory_space<vmem>>[vector<16xi32>, vector<16xi32>], vector<16xf32>,
      %min3A_742 = arith.minimumf %max3A_738, %gather3A_741 : vector<16xf32>
      %max3A_743 = arith.maximumf %max3A_737, %min3A_742 : vector<16xf32>
      %max3A_744 = arith.maximumf %max3A_738, %gather3A_741 : vector<16xf32>
      %broadcast_in_dim3A_745 = arith.constant 124 : i32
      %broadcast_in_dim3A_746 = vector.broadcast %broadcast_in_dim3A_745 : i32 to vector<16xi32>
      %gather3A_747 = tpu.vector_load_idx %arg5[%iota3A, %broadcast_in_dim3A_746] : memref<16x256xf32, #tpu.memory_space<vmem>>[vector<16xi32>, vector<16xi32>], vector<16xf32>,
      %min3A_748 = arith.minimumf %max3A_744, %gather3A_747 : vector<16xf32>
      %max3A_749 = arith.maximumf %max3A_743, %min3A_748 : vector<16xf32>
      %max3A_750 = arith.maximumf %max3A_744, %gather3A_747 : vector<16xf32>
      %broadcast_in_dim3A_751 = arith.constant 125 : i32
      %broadcast_in_dim3A_752 = vector.broadcast %broadcast_in_dim3A_751 : i32 to vector<16xi32>
      %gather3A_753 = tpu.vector_load_idx %arg5[%iota3A, %broadcast_in_dim3A_752] : memref<16x256xf32, #tpu.memory_space<vmem>>[vector<16xi32>, vector<16xi32>], vector<16xf32>,
      %min3A_754 = arith.minimumf %max3A_750, %gather3A_753 : vector<16xf32>
      %max3A_755 = arith.maximumf %max3A_749, %min3A_754 : vector<16xf32>
      %max3A_756 = arith.maximumf %max3A_750, %gather3A_753 : vector<16xf32>
      %broadcast_in_dim3A_757 = arith.constant 126 : i32
      %broadcast_in_dim3A_758 = vector.broadcast %broadcast_in_dim3A_757 : i32 to vector<16xi32>
      %gather3A_759 = tpu.vector_load_idx %arg5[%iota3A, %broadcast_in_dim3A_758] : memref<16x256xf32, #tpu.memory_space<vmem>>[vector<16xi32>, vector<16xi32>], vector<16xf32>,
      %min3A_760 = arith.minimumf %max3A_756, %gather3A_759 : vector<16xf32>
      %max3A_761 = arith.maximumf %max3A_755, %min3A_760 : vector<16xf32>
      %max3A_762 = arith.maximumf %max3A_756, %gather3A_759 : vector<16xf32>
      %broadcast_in_dim3A_763 = arith.constant 127 : i32
      %broadcast_in_dim3A_764 = vector.broadcast %broadcast_in_dim3A_763 : i32 to vector<16xi32>
      %gather3A_765 = tpu.vector_load_idx %arg5[%iota3A, %broadcast_in_dim3A_764] : memref<16x256xf32, #tpu.memory_space<vmem>>[vector<16xi32>, vector<16xi32>], vector<16xf32>,
      %min3A_766 = arith.minimumf %max3A_762, %gather3A_765 : vector<16xf32>
      %max3A_767 = arith.maximumf %max3A_761, %min3A_766 : vector<16xf32>
      %max3A_768 = arith.maximumf %max3A_762, %gather3A_765 : vector<16xf32>
      %add3A_769 = arith.addf %max3A_768, %max3A_767 : vector<16xf32>
      %broadcast_in_dim3A_770 = arith.constant 128 : i32
      %broadcast_in_dim3A_771 = vector.broadcast %broadcast_in_dim3A_770 : i32 to vector<16xi32>
      %gather3A_772 = tpu.vector_load_idx %arg5[%iota3A, %broadcast_in_dim3A_771] : memref<16x256xf32, #tpu.memory_space<vmem>>[vector<16xi32>, vector<16xi32>], vector<16xf32>,
      %broadcast_in_dim3A_773 = arith.constant 129 : i32
      %broadcast_in_dim3A_774 = vector.broadcast %broadcast_in_dim3A_773 : i32 to vector<16xi32>
      %gather3A_775 = tpu.vector_load_idx %arg5[%iota3A, %broadcast_in_dim3A_774] : memref<16x256xf32, #tpu.memory_space<vmem>>[vector<16xi32>, vector<16xi32>], vector<16xf32>,
      %min3A_776 = arith.minimumf %gather3A_772, %gather3A_775 : vector<16xf32>
      %max3A_777 = arith.maximumf %gather3A_772, %gather3A_775 : vector<16xf32>
      %broadcast_in_dim3A_778 = arith.constant 130 : i32
      %broadcast_in_dim3A_779 = vector.broadcast %broadcast_in_dim3A_778 : i32 to vector<16xi32>
      %gather3A_780 = tpu.vector_load_idx %arg5[%iota3A, %broadcast_in_dim3A_779] : memref<16x256xf32, #tpu.memory_space<vmem>>[vector<16xi32>, vector<16xi32>], vector<16xf32>,
      %min3A_781 = arith.minimumf %max3A_777, %gather3A_780 : vector<16xf32>
      %max3A_782 = arith.maximumf %min3A_776, %min3A_781 : vector<16xf32>
      %max3A_783 = arith.maximumf %max3A_777, %gather3A_780 : vector<16xf32>
      %broadcast_in_dim3A_784 = arith.constant 131 : i32
      %broadcast_in_dim3A_785 = vector.broadcast %broadcast_in_dim3A_784 : i32 to vector<16xi32>
      %gather3A_786 = tpu.vector_load_idx %arg5[%iota3A, %broadcast_in_dim3A_785] : memref<16x256xf32, #tpu.memory_space<vmem>>[vector<16xi32>, vector<16xi32>], vector<16xf32>,
      %min3A_787 = arith.minimumf %max3A_783, %gather3A_786 : vector<16xf32>
      %max3A_788 = arith.maximumf %max3A_782, %min3A_787 : vector<16xf32>
      %max3A_789 = arith.maximumf %max3A_783, %gather3A_786 : vector<16xf32>
      %broadcast_in_dim3A_790 = arith.constant 132 : i32
      %broadcast_in_dim3A_791 = vector.broadcast %broadcast_in_dim3A_790 : i32 to vector<16xi32>
      %gather3A_792 = tpu.vector_load_idx %arg5[%iota3A, %broadcast_in_dim3A_791] : memref<16x256xf32, #tpu.memory_space<vmem>>[vector<16xi32>, vector<16xi32>], vector<16xf32>,
      %min3A_793 = arith.minimumf %max3A_789, %gather3A_792 : vector<16xf32>
      %max3A_794 = arith.maximumf %max3A_788, %min3A_793 : vector<16xf32>
      %max3A_795 = arith.maximumf %max3A_789, %gather3A_792 : vector<16xf32>
      %broadcast_in_dim3A_796 = arith.constant 133 : i32
      %broadcast_in_dim3A_797 = vector.broadcast %broadcast_in_dim3A_796 : i32 to vector<16xi32>
      %gather3A_798 = tpu.vector_load_idx %arg5[%iota3A, %broadcast_in_dim3A_797] : memref<16x256xf32, #tpu.memory_space<vmem>>[vector<16xi32>, vector<16xi32>], vector<16xf32>,
      %min3A_799 = arith.minimumf %max3A_795, %gather3A_798 : vector<16xf32>
      %max3A_800 = arith.maximumf %max3A_794, %min3A_799 : vector<16xf32>
      %max3A_801 = arith.maximumf %max3A_795, %gather3A_798 : vector<16xf32>
      %broadcast_in_dim3A_802 = arith.constant 134 : i32
      %broadcast_in_dim3A_803 = vector.broadcast %broadcast_in_dim3A_802 : i32 to vector<16xi32>
      %gather3A_804 = tpu.vector_load_idx %arg5[%iota3A, %broadcast_in_dim3A_803] : memref<16x256xf32, #tpu.memory_space<vmem>>[vector<16xi32>, vector<16xi32>], vector<16xf32>,
      %min3A_805 = arith.minimumf %max3A_801, %gather3A_804 : vector<16xf32>
      %max3A_806 = arith.maximumf %max3A_800, %min3A_805 : vector<16xf32>
      %max3A_807 = arith.maximumf %max3A_801, %gather3A_804 : vector<16xf32>
      %broadcast_in_dim3A_808 = arith.constant 135 : i32
      %broadcast_in_dim3A_809 = vector.broadcast %broadcast_in_dim3A_808 : i32 to vector<16xi32>
      %gather3A_810 = tpu.vector_load_idx %arg5[%iota3A, %broadcast_in_dim3A_809] : memref<16x256xf32, #tpu.memory_space<vmem>>[vector<16xi32>, vector<16xi32>], vector<16xf32>,
      %min3A_811 = arith.minimumf %max3A_807, %gather3A_810 : vector<16xf32>
      %max3A_812 = arith.maximumf %max3A_806, %min3A_811 : vector<16xf32>
      %max3A_813 = arith.maximumf %max3A_807, %gather3A_810 : vector<16xf32>
      %broadcast_in_dim3A_814 = arith.constant 136 : i32
      %broadcast_in_dim3A_815 = vector.broadcast %broadcast_in_dim3A_814 : i32 to vector<16xi32>
      %gather3A_816 = tpu.vector_load_idx %arg5[%iota3A, %broadcast_in_dim3A_815] : memref<16x256xf32, #tpu.memory_space<vmem>>[vector<16xi32>, vector<16xi32>], vector<16xf32>,
      %min3A_817 = arith.minimumf %max3A_813, %gather3A_816 : vector<16xf32>
      %max3A_818 = arith.maximumf %max3A_812, %min3A_817 : vector<16xf32>
      %max3A_819 = arith.maximumf %max3A_813, %gather3A_816 : vector<16xf32>
      %broadcast_in_dim3A_820 = arith.constant 137 : i32
      %broadcast_in_dim3A_821 = vector.broadcast %broadcast_in_dim3A_820 : i32 to vector<16xi32>
      %gather3A_822 = tpu.vector_load_idx %arg5[%iota3A, %broadcast_in_dim3A_821] : memref<16x256xf32, #tpu.memory_space<vmem>>[vector<16xi32>, vector<16xi32>], vector<16xf32>,
      %min3A_823 = arith.minimumf %max3A_819, %gather3A_822 : vector<16xf32>
      %max3A_824 = arith.maximumf %max3A_818, %min3A_823 : vector<16xf32>
      %max3A_825 = arith.maximumf %max3A_819, %gather3A_822 : vector<16xf32>
      %broadcast_in_dim3A_826 = arith.constant 138 : i32
      %broadcast_in_dim3A_827 = vector.broadcast %broadcast_in_dim3A_826 : i32 to vector<16xi32>
      %gather3A_828 = tpu.vector_load_idx %arg5[%iota3A, %broadcast_in_dim3A_827] : memref<16x256xf32, #tpu.memory_space<vmem>>[vector<16xi32>, vector<16xi32>], vector<16xf32>,
      %min3A_829 = arith.minimumf %max3A_825, %gather3A_828 : vector<16xf32>
      %max3A_830 = arith.maximumf %max3A_824, %min3A_829 : vector<16xf32>
      %max3A_831 = arith.maximumf %max3A_825, %gather3A_828 : vector<16xf32>
      %broadcast_in_dim3A_832 = arith.constant 139 : i32
      %broadcast_in_dim3A_833 = vector.broadcast %broadcast_in_dim3A_832 : i32 to vector<16xi32>
      %gather3A_834 = tpu.vector_load_idx %arg5[%iota3A, %broadcast_in_dim3A_833] : memref<16x256xf32, #tpu.memory_space<vmem>>[vector<16xi32>, vector<16xi32>], vector<16xf32>,
      %min3A_835 = arith.minimumf %max3A_831, %gather3A_834 : vector<16xf32>
      %max3A_836 = arith.maximumf %max3A_830, %min3A_835 : vector<16xf32>
      %max3A_837 = arith.maximumf %max3A_831, %gather3A_834 : vector<16xf32>
      %broadcast_in_dim3A_838 = arith.constant 140 : i32
      %broadcast_in_dim3A_839 = vector.broadcast %broadcast_in_dim3A_838 : i32 to vector<16xi32>
      %gather3A_840 = tpu.vector_load_idx %arg5[%iota3A, %broadcast_in_dim3A_839] : memref<16x256xf32, #tpu.memory_space<vmem>>[vector<16xi32>, vector<16xi32>], vector<16xf32>,
      %min3A_841 = arith.minimumf %max3A_837, %gather3A_840 : vector<16xf32>
      %max3A_842 = arith.maximumf %max3A_836, %min3A_841 : vector<16xf32>
      %max3A_843 = arith.maximumf %max3A_837, %gather3A_840 : vector<16xf32>
      %broadcast_in_dim3A_844 = arith.constant 141 : i32
      %broadcast_in_dim3A_845 = vector.broadcast %broadcast_in_dim3A_844 : i32 to vector<16xi32>
      %gather3A_846 = tpu.vector_load_idx %arg5[%iota3A, %broadcast_in_dim3A_845] : memref<16x256xf32, #tpu.memory_space<vmem>>[vector<16xi32>, vector<16xi32>], vector<16xf32>,
      %min3A_847 = arith.minimumf %max3A_843, %gather3A_846 : vector<16xf32>
      %max3A_848 = arith.maximumf %max3A_842, %min3A_847 : vector<16xf32>
      %max3A_849 = arith.maximumf %max3A_843, %gather3A_846 : vector<16xf32>
      %broadcast_in_dim3A_850 = arith.constant 142 : i32
      %broadcast_in_dim3A_851 = vector.broadcast %broadcast_in_dim3A_850 : i32 to vector<16xi32>
      %gather3A_852 = tpu.vector_load_idx %arg5[%iota3A, %broadcast_in_dim3A_851] : memref<16x256xf32, #tpu.memory_space<vmem>>[vector<16xi32>, vector<16xi32>], vector<16xf32>,
      %min3A_853 = arith.minimumf %max3A_849, %gather3A_852 : vector<16xf32>
      %max3A_854 = arith.maximumf %max3A_848, %min3A_853 : vector<16xf32>
      %max3A_855 = arith.maximumf %max3A_849, %gather3A_852 : vector<16xf32>
      %broadcast_in_dim3A_856 = arith.constant 143 : i32
      %broadcast_in_dim3A_857 = vector.broadcast %broadcast_in_dim3A_856 : i32 to vector<16xi32>
      %gather3A_858 = tpu.vector_load_idx %arg5[%iota3A, %broadcast_in_dim3A_857] : memref<16x256xf32, #tpu.memory_space<vmem>>[vector<16xi32>, vector<16xi32>], vector<16xf32>,
      %min3A_859 = arith.minimumf %max3A_855, %gather3A_858 : vector<16xf32>
      %max3A_860 = arith.maximumf %max3A_854, %min3A_859 : vector<16xf32>
      %max3A_861 = arith.maximumf %max3A_855, %gather3A_858 : vector<16xf32>
      %broadcast_in_dim3A_862 = arith.constant 144 : i32
      %broadcast_in_dim3A_863 = vector.broadcast %broadcast_in_dim3A_862 : i32 to vector<16xi32>
      %gather3A_864 = tpu.vector_load_idx %arg5[%iota3A, %broadcast_in_dim3A_863] : memref<16x256xf32, #tpu.memory_space<vmem>>[vector<16xi32>, vector<16xi32>], vector<16xf32>,
      %min3A_865 = arith.minimumf %max3A_861, %gather3A_864 : vector<16xf32>
      %max3A_866 = arith.maximumf %max3A_860, %min3A_865 : vector<16xf32>
      %max3A_867 = arith.maximumf %max3A_861, %gather3A_864 : vector<16xf32>
      %broadcast_in_dim3A_868 = arith.constant 145 : i32
      %broadcast_in_dim3A_869 = vector.broadcast %broadcast_in_dim3A_868 : i32 to vector<16xi32>
      %gather3A_870 = tpu.vector_load_idx %arg5[%iota3A, %broadcast_in_dim3A_869] : memref<16x256xf32, #tpu.memory_space<vmem>>[vector<16xi32>, vector<16xi32>], vector<16xf32>,
      %min3A_871 = arith.minimumf %max3A_867, %gather3A_870 : vector<16xf32>
      %max3A_872 = arith.maximumf %max3A_866, %min3A_871 : vector<16xf32>
      %max3A_873 = arith.maximumf %max3A_867, %gather3A_870 : vector<16xf32>
      %broadcast_in_dim3A_874 = arith.constant 146 : i32
      %broadcast_in_dim3A_875 = vector.broadcast %broadcast_in_dim3A_874 : i32 to vector<16xi32>
      %gather3A_876 = tpu.vector_load_idx %arg5[%iota3A, %broadcast_in_dim3A_875] : memref<16x256xf32, #tpu.memory_space<vmem>>[vector<16xi32>, vector<16xi32>], vector<16xf32>,
      %min3A_877 = arith.minimumf %max3A_873, %gather3A_876 : vector<16xf32>
      %max3A_878 = arith.maximumf %max3A_872, %min3A_877 : vector<16xf32>
      %max3A_879 = arith.maximumf %max3A_873, %gather3A_876 : vector<16xf32>
      %broadcast_in_dim3A_880 = arith.constant 147 : i32
      %broadcast_in_dim3A_881 = vector.broadcast %broadcast_in_dim3A_880 : i32 to vector<16xi32>
      %gather3A_882 = tpu.vector_load_idx %arg5[%iota3A, %broadcast_in_dim3A_881] : memref<16x256xf32, #tpu.memory_space<vmem>>[vector<16xi32>, vector<16xi32>], vector<16xf32>,
      %min3A_883 = arith.minimumf %max3A_879, %gather3A_882 : vector<16xf32>
      %max3A_884 = arith.maximumf %max3A_878, %min3A_883 : vector<16xf32>
      %max3A_885 = arith.maximumf %max3A_879, %gather3A_882 : vector<16xf32>
      %broadcast_in_dim3A_886 = arith.constant 148 : i32
      %broadcast_in_dim3A_887 = vector.broadcast %broadcast_in_dim3A_886 : i32 to vector<16xi32>
      %gather3A_888 = tpu.vector_load_idx %arg5[%iota3A, %broadcast_in_dim3A_887] : memref<16x256xf32, #tpu.memory_space<vmem>>[vector<16xi32>, vector<16xi32>], vector<16xf32>,
      %min3A_889 = arith.minimumf %max3A_885, %gather3A_888 : vector<16xf32>
      %max3A_890 = arith.maximumf %max3A_884, %min3A_889 : vector<16xf32>
      %max3A_891 = arith.maximumf %max3A_885, %gather3A_888 : vector<16xf32>
      %broadcast_in_dim3A_892 = arith.constant 149 : i32
      %broadcast_in_dim3A_893 = vector.broadcast %broadcast_in_dim3A_892 : i32 to vector<16xi32>
      %gather3A_894 = tpu.vector_load_idx %arg5[%iota3A, %broadcast_in_dim3A_893] : memref<16x256xf32, #tpu.memory_space<vmem>>[vector<16xi32>, vector<16xi32>], vector<16xf32>,
      %min3A_895 = arith.minimumf %max3A_891, %gather3A_894 : vector<16xf32>
      %max3A_896 = arith.maximumf %max3A_890, %min3A_895 : vector<16xf32>
      %max3A_897 = arith.maximumf %max3A_891, %gather3A_894 : vector<16xf32>
      %broadcast_in_dim3A_898 = arith.constant 150 : i32
      %broadcast_in_dim3A_899 = vector.broadcast %broadcast_in_dim3A_898 : i32 to vector<16xi32>
      %gather3A_900 = tpu.vector_load_idx %arg5[%iota3A, %broadcast_in_dim3A_899] : memref<16x256xf32, #tpu.memory_space<vmem>>[vector<16xi32>, vector<16xi32>], vector<16xf32>,
      %min3A_901 = arith.minimumf %max3A_897, %gather3A_900 : vector<16xf32>
      %max3A_902 = arith.maximumf %max3A_896, %min3A_901 : vector<16xf32>
      %max3A_903 = arith.maximumf %max3A_897, %gather3A_900 : vector<16xf32>
      %broadcast_in_dim3A_904 = arith.constant 151 : i32
      %broadcast_in_dim3A_905 = vector.broadcast %broadcast_in_dim3A_904 : i32 to vector<16xi32>
      %gather3A_906 = tpu.vector_load_idx %arg5[%iota3A, %broadcast_in_dim3A_905] : memref<16x256xf32, #tpu.memory_space<vmem>>[vector<16xi32>, vector<16xi32>], vector<16xf32>,
      %min3A_907 = arith.minimumf %max3A_903, %gather3A_906 : vector<16xf32>
      %max3A_908 = arith.maximumf %max3A_902, %min3A_907 : vector<16xf32>
      %max3A_909 = arith.maximumf %max3A_903, %gather3A_906 : vector<16xf32>
      %broadcast_in_dim3A_910 = arith.constant 152 : i32
      %broadcast_in_dim3A_911 = vector.broadcast %broadcast_in_dim3A_910 : i32 to vector<16xi32>
      %gather3A_912 = tpu.vector_load_idx %arg5[%iota3A, %broadcast_in_dim3A_911] : memref<16x256xf32, #tpu.memory_space<vmem>>[vector<16xi32>, vector<16xi32>], vector<16xf32>,
      %min3A_913 = arith.minimumf %max3A_909, %gather3A_912 : vector<16xf32>
      %max3A_914 = arith.maximumf %max3A_908, %min3A_913 : vector<16xf32>
      %max3A_915 = arith.maximumf %max3A_909, %gather3A_912 : vector<16xf32>
      %broadcast_in_dim3A_916 = arith.constant 153 : i32
      %broadcast_in_dim3A_917 = vector.broadcast %broadcast_in_dim3A_916 : i32 to vector<16xi32>
      %gather3A_918 = tpu.vector_load_idx %arg5[%iota3A, %broadcast_in_dim3A_917] : memref<16x256xf32, #tpu.memory_space<vmem>>[vector<16xi32>, vector<16xi32>], vector<16xf32>,
      %min3A_919 = arith.minimumf %max3A_915, %gather3A_918 : vector<16xf32>
      %max3A_920 = arith.maximumf %max3A_914, %min3A_919 : vector<16xf32>
      %max3A_921 = arith.maximumf %max3A_915, %gather3A_918 : vector<16xf32>
      %broadcast_in_dim3A_922 = arith.constant 154 : i32
      %broadcast_in_dim3A_923 = vector.broadcast %broadcast_in_dim3A_922 : i32 to vector<16xi32>
      %gather3A_924 = tpu.vector_load_idx %arg5[%iota3A, %broadcast_in_dim3A_923] : memref<16x256xf32, #tpu.memory_space<vmem>>[vector<16xi32>, vector<16xi32>], vector<16xf32>,
      %min3A_925 = arith.minimumf %max3A_921, %gather3A_924 : vector<16xf32>
      %max3A_926 = arith.maximumf %max3A_920, %min3A_925 : vector<16xf32>
      %max3A_927 = arith.maximumf %max3A_921, %gather3A_924 : vector<16xf32>
      %broadcast_in_dim3A_928 = arith.constant 155 : i32
      %broadcast_in_dim3A_929 = vector.broadcast %broadcast_in_dim3A_928 : i32 to vector<16xi32>
      %gather3A_930 = tpu.vector_load_idx %arg5[%iota3A, %broadcast_in_dim3A_929] : memref<16x256xf32, #tpu.memory_space<vmem>>[vector<16xi32>, vector<16xi32>], vector<16xf32>,
      %min3A_931 = arith.minimumf %max3A_927, %gather3A_930 : vector<16xf32>
      %max3A_932 = arith.maximumf %max3A_926, %min3A_931 : vector<16xf32>
      %max3A_933 = arith.maximumf %max3A_927, %gather3A_930 : vector<16xf32>
      %broadcast_in_dim3A_934 = arith.constant 156 : i32
      %broadcast_in_dim3A_935 = vector.broadcast %broadcast_in_dim3A_934 : i32 to vector<16xi32>
      %gather3A_936 = tpu.vector_load_idx %arg5[%iota3A, %broadcast_in_dim3A_935] : memref<16x256xf32, #tpu.memory_space<vmem>>[vector<16xi32>, vector<16xi32>], vector<16xf32>,
      %min3A_937 = arith.minimumf %max3A_933, %gather3A_936 : vector<16xf32>
      %max3A_938 = arith.maximumf %max3A_932, %min3A_937 : vector<16xf32>
      %max3A_939 = arith.maximumf %max3A_933, %gather3A_936 : vector<16xf32>
      %broadcast_in_dim3A_940 = arith.constant 157 : i32
      %broadcast_in_dim3A_941 = vector.broadcast %broadcast_in_dim3A_940 : i32 to vector<16xi32>
      %gather3A_942 = tpu.vector_load_idx %arg5[%iota3A, %broadcast_in_dim3A_941] : memref<16x256xf32, #tpu.memory_space<vmem>>[vector<16xi32>, vector<16xi32>], vector<16xf32>,
      %min3A_943 = arith.minimumf %max3A_939, %gather3A_942 : vector<16xf32>
      %max3A_944 = arith.maximumf %max3A_938, %min3A_943 : vector<16xf32>
      %max3A_945 = arith.maximumf %max3A_939, %gather3A_942 : vector<16xf32>
      %broadcast_in_dim3A_946 = arith.constant 158 : i32
      %broadcast_in_dim3A_947 = vector.broadcast %broadcast_in_dim3A_946 : i32 to vector<16xi32>
      %gather3A_948 = tpu.vector_load_idx %arg5[%iota3A, %broadcast_in_dim3A_947] : memref<16x256xf32, #tpu.memory_space<vmem>>[vector<16xi32>, vector<16xi32>], vector<16xf32>,
      %min3A_949 = arith.minimumf %max3A_945, %gather3A_948 : vector<16xf32>
      %max3A_950 = arith.maximumf %max3A_944, %min3A_949 : vector<16xf32>
      %max3A_951 = arith.maximumf %max3A_945, %gather3A_948 : vector<16xf32>
      %broadcast_in_dim3A_952 = arith.constant 159 : i32
      %broadcast_in_dim3A_953 = vector.broadcast %broadcast_in_dim3A_952 : i32 to vector<16xi32>
      %gather3A_954 = tpu.vector_load_idx %arg5[%iota3A, %broadcast_in_dim3A_953] : memref<16x256xf32, #tpu.memory_space<vmem>>[vector<16xi32>, vector<16xi32>], vector<16xf32>,
      %min3A_955 = arith.minimumf %max3A_951, %gather3A_954 : vector<16xf32>
      %max3A_956 = arith.maximumf %max3A_950, %min3A_955 : vector<16xf32>
      %max3A_957 = arith.maximumf %max3A_951, %gather3A_954 : vector<16xf32>
      %add3A_958 = arith.addf %max3A_957, %max3A_956 : vector<16xf32>
      %broadcast_in_dim3A_959 = arith.constant 160 : i32
      %broadcast_in_dim3A_960 = vector.broadcast %broadcast_in_dim3A_959 : i32 to vector<16xi32>
      %gather3A_961 = tpu.vector_load_idx %arg5[%iota3A, %broadcast_in_dim3A_960] : memref<16x256xf32, #tpu.memory_space<vmem>>[vector<16xi32>, vector<16xi32>], vector<16xf32>,
      %broadcast_in_dim3A_962 = arith.constant 161 : i32
      %broadcast_in_dim3A_963 = vector.broadcast %broadcast_in_dim3A_962 : i32 to vector<16xi32>
      %gather3A_964 = tpu.vector_load_idx %arg5[%iota3A, %broadcast_in_dim3A_963] : memref<16x256xf32, #tpu.memory_space<vmem>>[vector<16xi32>, vector<16xi32>], vector<16xf32>,
      %min3A_965 = arith.minimumf %gather3A_961, %gather3A_964 : vector<16xf32>
      %max3A_966 = arith.maximumf %gather3A_961, %gather3A_964 : vector<16xf32>
      %broadcast_in_dim3A_967 = arith.constant 162 : i32
      %broadcast_in_dim3A_968 = vector.broadcast %broadcast_in_dim3A_967 : i32 to vector<16xi32>
      %gather3A_969 = tpu.vector_load_idx %arg5[%iota3A, %broadcast_in_dim3A_968] : memref<16x256xf32, #tpu.memory_space<vmem>>[vector<16xi32>, vector<16xi32>], vector<16xf32>,
      %min3A_970 = arith.minimumf %max3A_966, %gather3A_969 : vector<16xf32>
      %max3A_971 = arith.maximumf %min3A_965, %min3A_970 : vector<16xf32>
      %max3A_972 = arith.maximumf %max3A_966, %gather3A_969 : vector<16xf32>
      %broadcast_in_dim3A_973 = arith.constant 163 : i32
      %broadcast_in_dim3A_974 = vector.broadcast %broadcast_in_dim3A_973 : i32 to vector<16xi32>
      %gather3A_975 = tpu.vector_load_idx %arg5[%iota3A, %broadcast_in_dim3A_974] : memref<16x256xf32, #tpu.memory_space<vmem>>[vector<16xi32>, vector<16xi32>], vector<16xf32>,
      %min3A_976 = arith.minimumf %max3A_972, %gather3A_975 : vector<16xf32>
      %max3A_977 = arith.maximumf %max3A_971, %min3A_976 : vector<16xf32>
      %max3A_978 = arith.maximumf %max3A_972, %gather3A_975 : vector<16xf32>
      %broadcast_in_dim3A_979 = arith.constant 164 : i32
      %broadcast_in_dim3A_980 = vector.broadcast %broadcast_in_dim3A_979 : i32 to vector<16xi32>
      %gather3A_981 = tpu.vector_load_idx %arg5[%iota3A, %broadcast_in_dim3A_980] : memref<16x256xf32, #tpu.memory_space<vmem>>[vector<16xi32>, vector<16xi32>], vector<16xf32>,
      %min3A_982 = arith.minimumf %max3A_978, %gather3A_981 : vector<16xf32>
      %max3A_983 = arith.maximumf %max3A_977, %min3A_982 : vector<16xf32>
      %max3A_984 = arith.maximumf %max3A_978, %gather3A_981 : vector<16xf32>
      %broadcast_in_dim3A_985 = arith.constant 165 : i32
      %broadcast_in_dim3A_986 = vector.broadcast %broadcast_in_dim3A_985 : i32 to vector<16xi32>
      %gather3A_987 = tpu.vector_load_idx %arg5[%iota3A, %broadcast_in_dim3A_986] : memref<16x256xf32, #tpu.memory_space<vmem>>[vector<16xi32>, vector<16xi32>], vector<16xf32>,
      %min3A_988 = arith.minimumf %max3A_984, %gather3A_987 : vector<16xf32>
      %max3A_989 = arith.maximumf %max3A_983, %min3A_988 : vector<16xf32>
      %max3A_990 = arith.maximumf %max3A_984, %gather3A_987 : vector<16xf32>
      %broadcast_in_dim3A_991 = arith.constant 166 : i32
      %broadcast_in_dim3A_992 = vector.broadcast %broadcast_in_dim3A_991 : i32 to vector<16xi32>
      %gather3A_993 = tpu.vector_load_idx %arg5[%iota3A, %broadcast_in_dim3A_992] : memref<16x256xf32, #tpu.memory_space<vmem>>[vector<16xi32>, vector<16xi32>], vector<16xf32>,
      %min3A_994 = arith.minimumf %max3A_990, %gather3A_993 : vector<16xf32>
      %max3A_995 = arith.maximumf %max3A_989, %min3A_994 : vector<16xf32>
      %max3A_996 = arith.maximumf %max3A_990, %gather3A_993 : vector<16xf32>
      %broadcast_in_dim3A_997 = arith.constant 167 : i32
      %broadcast_in_dim3A_998 = vector.broadcast %broadcast_in_dim3A_997 : i32 to vector<16xi32>
      %gather3A_999 = tpu.vector_load_idx %arg5[%iota3A, %broadcast_in_dim3A_998] : memref<16x256xf32, #tpu.memory_space<vmem>>[vector<16xi32>, vector<16xi32>], vector<16xf32>,
      %min3A_1000 = arith.minimumf %max3A_996, %gather3A_999 : vector<16xf32>
      %max3A_1001 = arith.maximumf %max3A_995, %min3A_1000 : vector<16xf32>
      %max3A_1002 = arith.maximumf %max3A_996, %gather3A_999 : vector<16xf32>
      %broadcast_in_dim3A_1003 = arith.constant 168 : i32
      %broadcast_in_dim3A_1004 = vector.broadcast %broadcast_in_dim3A_1003 : i32 to vector<16xi32>
      %gather3A_1005 = tpu.vector_load_idx %arg5[%iota3A, %broadcast_in_dim3A_1004] : memref<16x256xf32, #tpu.memory_space<vmem>>[vector<16xi32>, vector<16xi32>], vector<16xf32>,
      %min3A_1006 = arith.minimumf %max3A_1002, %gather3A_1005 : vector<16xf32>
      %max3A_1007 = arith.maximumf %max3A_1001, %min3A_1006 : vector<16xf32>
      %max3A_1008 = arith.maximumf %max3A_1002, %gather3A_1005 : vector<16xf32>
      %broadcast_in_dim3A_1009 = arith.constant 169 : i32
      %broadcast_in_dim3A_1010 = vector.broadcast %broadcast_in_dim3A_1009 : i32 to vector<16xi32>
      %gather3A_1011 = tpu.vector_load_idx %arg5[%iota3A, %broadcast_in_dim3A_1010] : memref<16x256xf32, #tpu.memory_space<vmem>>[vector<16xi32>, vector<16xi32>], vector<16xf32>,
      %min3A_1012 = arith.minimumf %max3A_1008, %gather3A_1011 : vector<16xf32>
      %max3A_1013 = arith.maximumf %max3A_1007, %min3A_1012 : vector<16xf32>
      %max3A_1014 = arith.maximumf %max3A_1008, %gather3A_1011 : vector<16xf32>
      %broadcast_in_dim3A_1015 = arith.constant 170 : i32
      %broadcast_in_dim3A_1016 = vector.broadcast %broadcast_in_dim3A_1015 : i32 to vector<16xi32>
      %gather3A_1017 = tpu.vector_load_idx %arg5[%iota3A, %broadcast_in_dim3A_1016] : memref<16x256xf32, #tpu.memory_space<vmem>>[vector<16xi32>, vector<16xi32>], vector<16xf32>,
      %min3A_1018 = arith.minimumf %max3A_1014, %gather3A_1017 : vector<16xf32>
      %max3A_1019 = arith.maximumf %max3A_1013, %min3A_1018 : vector<16xf32>
      %max3A_1020 = arith.maximumf %max3A_1014, %gather3A_1017 : vector<16xf32>
      %broadcast_in_dim3A_1021 = arith.constant 171 : i32
      %broadcast_in_dim3A_1022 = vector.broadcast %broadcast_in_dim3A_1021 : i32 to vector<16xi32>
      %gather3A_1023 = tpu.vector_load_idx %arg5[%iota3A, %broadcast_in_dim3A_1022] : memref<16x256xf32, #tpu.memory_space<vmem>>[vector<16xi32>, vector<16xi32>], vector<16xf32>,
      %min3A_1024 = arith.minimumf %max3A_1020, %gather3A_1023 : vector<16xf32>
      %max3A_1025 = arith.maximumf %max3A_1019, %min3A_1024 : vector<16xf32>
      %max3A_1026 = arith.maximumf %max3A_1020, %gather3A_1023 : vector<16xf32>
      %broadcast_in_dim3A_1027 = arith.constant 172 : i32
      %broadcast_in_dim3A_1028 = vector.broadcast %broadcast_in_dim3A_1027 : i32 to vector<16xi32>
      %gather3A_1029 = tpu.vector_load_idx %arg5[%iota3A, %broadcast_in_dim3A_1028] : memref<16x256xf32, #tpu.memory_space<vmem>>[vector<16xi32>, vector<16xi32>], vector<16xf32>,
      %min3A_1030 = arith.minimumf %max3A_1026, %gather3A_1029 : vector<16xf32>
      %max3A_1031 = arith.maximumf %max3A_1025, %min3A_1030 : vector<16xf32>
      %max3A_1032 = arith.maximumf %max3A_1026, %gather3A_1029 : vector<16xf32>
      %broadcast_in_dim3A_1033 = arith.constant 173 : i32
      %broadcast_in_dim3A_1034 = vector.broadcast %broadcast_in_dim3A_1033 : i32 to vector<16xi32>
      %gather3A_1035 = tpu.vector_load_idx %arg5[%iota3A, %broadcast_in_dim3A_1034] : memref<16x256xf32, #tpu.memory_space<vmem>>[vector<16xi32>, vector<16xi32>], vector<16xf32>,
      %min3A_1036 = arith.minimumf %max3A_1032, %gather3A_1035 : vector<16xf32>
      %max3A_1037 = arith.maximumf %max3A_1031, %min3A_1036 : vector<16xf32>
      %max3A_1038 = arith.maximumf %max3A_1032, %gather3A_1035 : vector<16xf32>
      %broadcast_in_dim3A_1039 = arith.constant 174 : i32
      %broadcast_in_dim3A_1040 = vector.broadcast %broadcast_in_dim3A_1039 : i32 to vector<16xi32>
      %gather3A_1041 = tpu.vector_load_idx %arg5[%iota3A, %broadcast_in_dim3A_1040] : memref<16x256xf32, #tpu.memory_space<vmem>>[vector<16xi32>, vector<16xi32>], vector<16xf32>,
      %min3A_1042 = arith.minimumf %max3A_1038, %gather3A_1041 : vector<16xf32>
      %max3A_1043 = arith.maximumf %max3A_1037, %min3A_1042 : vector<16xf32>
      %max3A_1044 = arith.maximumf %max3A_1038, %gather3A_1041 : vector<16xf32>
      %broadcast_in_dim3A_1045 = arith.constant 175 : i32
      %broadcast_in_dim3A_1046 = vector.broadcast %broadcast_in_dim3A_1045 : i32 to vector<16xi32>
      %gather3A_1047 = tpu.vector_load_idx %arg5[%iota3A, %broadcast_in_dim3A_1046] : memref<16x256xf32, #tpu.memory_space<vmem>>[vector<16xi32>, vector<16xi32>], vector<16xf32>,
      %min3A_1048 = arith.minimumf %max3A_1044, %gather3A_1047 : vector<16xf32>
      %max3A_1049 = arith.maximumf %max3A_1043, %min3A_1048 : vector<16xf32>
      %max3A_1050 = arith.maximumf %max3A_1044, %gather3A_1047 : vector<16xf32>
      %broadcast_in_dim3A_1051 = arith.constant 176 : i32
      %broadcast_in_dim3A_1052 = vector.broadcast %broadcast_in_dim3A_1051 : i32 to vector<16xi32>
      %gather3A_1053 = tpu.vector_load_idx %arg5[%iota3A, %broadcast_in_dim3A_1052] : memref<16x256xf32, #tpu.memory_space<vmem>>[vector<16xi32>, vector<16xi32>], vector<16xf32>,
      %min3A_1054 = arith.minimumf %max3A_1050, %gather3A_1053 : vector<16xf32>
      %max3A_1055 = arith.maximumf %max3A_1049, %min3A_1054 : vector<16xf32>
      %max3A_1056 = arith.maximumf %max3A_1050, %gather3A_1053 : vector<16xf32>
      %broadcast_in_dim3A_1057 = arith.constant 177 : i32
      %broadcast_in_dim3A_1058 = vector.broadcast %broadcast_in_dim3A_1057 : i32 to vector<16xi32>
      %gather3A_1059 = tpu.vector_load_idx %arg5[%iota3A, %broadcast_in_dim3A_1058] : memref<16x256xf32, #tpu.memory_space<vmem>>[vector<16xi32>, vector<16xi32>], vector<16xf32>,
      %min3A_1060 = arith.minimumf %max3A_1056, %gather3A_1059 : vector<16xf32>
      %max3A_1061 = arith.maximumf %max3A_1055, %min3A_1060 : vector<16xf32>
      %max3A_1062 = arith.maximumf %max3A_1056, %gather3A_1059 : vector<16xf32>
      %broadcast_in_dim3A_1063 = arith.constant 178 : i32
      %broadcast_in_dim3A_1064 = vector.broadcast %broadcast_in_dim3A_1063 : i32 to vector<16xi32>
      %gather3A_1065 = tpu.vector_load_idx %arg5[%iota3A, %broadcast_in_dim3A_1064] : memref<16x256xf32, #tpu.memory_space<vmem>>[vector<16xi32>, vector<16xi32>], vector<16xf32>,
      %min3A_1066 = arith.minimumf %max3A_1062, %gather3A_1065 : vector<16xf32>
      %max3A_1067 = arith.maximumf %max3A_1061, %min3A_1066 : vector<16xf32>
      %max3A_1068 = arith.maximumf %max3A_1062, %gather3A_1065 : vector<16xf32>
      %broadcast_in_dim3A_1069 = arith.constant 179 : i32
      %broadcast_in_dim3A_1070 = vector.broadcast %broadcast_in_dim3A_1069 : i32 to vector<16xi32>
      %gather3A_1071 = tpu.vector_load_idx %arg5[%iota3A, %broadcast_in_dim3A_1070] : memref<16x256xf32, #tpu.memory_space<vmem>>[vector<16xi32>, vector<16xi32>], vector<16xf32>,
      %min3A_1072 = arith.minimumf %max3A_1068, %gather3A_1071 : vector<16xf32>
      %max3A_1073 = arith.maximumf %max3A_1067, %min3A_1072 : vector<16xf32>
      %max3A_1074 = arith.maximumf %max3A_1068, %gather3A_1071 : vector<16xf32>
      %broadcast_in_dim3A_1075 = arith.constant 180 : i32
      %broadcast_in_dim3A_1076 = vector.broadcast %broadcast_in_dim3A_1075 : i32 to vector<16xi32>
      %gather3A_1077 = tpu.vector_load_idx %arg5[%iota3A, %broadcast_in_dim3A_1076] : memref<16x256xf32, #tpu.memory_space<vmem>>[vector<16xi32>, vector<16xi32>], vector<16xf32>,
      %min3A_1078 = arith.minimumf %max3A_1074, %gather3A_1077 : vector<16xf32>
      %max3A_1079 = arith.maximumf %max3A_1073, %min3A_1078 : vector<16xf32>
      %max3A_1080 = arith.maximumf %max3A_1074, %gather3A_1077 : vector<16xf32>
      %broadcast_in_dim3A_1081 = arith.constant 181 : i32
      %broadcast_in_dim3A_1082 = vector.broadcast %broadcast_in_dim3A_1081 : i32 to vector<16xi32>
      %gather3A_1083 = tpu.vector_load_idx %arg5[%iota3A, %broadcast_in_dim3A_1082] : memref<16x256xf32, #tpu.memory_space<vmem>>[vector<16xi32>, vector<16xi32>], vector<16xf32>,
      %min3A_1084 = arith.minimumf %max3A_1080, %gather3A_1083 : vector<16xf32>
      %max3A_1085 = arith.maximumf %max3A_1079, %min3A_1084 : vector<16xf32>
      %max3A_1086 = arith.maximumf %max3A_1080, %gather3A_1083 : vector<16xf32>
      %broadcast_in_dim3A_1087 = arith.constant 182 : i32
      %broadcast_in_dim3A_1088 = vector.broadcast %broadcast_in_dim3A_1087 : i32 to vector<16xi32>
      %gather3A_1089 = tpu.vector_load_idx %arg5[%iota3A, %broadcast_in_dim3A_1088] : memref<16x256xf32, #tpu.memory_space<vmem>>[vector<16xi32>, vector<16xi32>], vector<16xf32>,
      %min3A_1090 = arith.minimumf %max3A_1086, %gather3A_1089 : vector<16xf32>
      %max3A_1091 = arith.maximumf %max3A_1085, %min3A_1090 : vector<16xf32>
      %max3A_1092 = arith.maximumf %max3A_1086, %gather3A_1089 : vector<16xf32>
      %broadcast_in_dim3A_1093 = arith.constant 183 : i32
      %broadcast_in_dim3A_1094 = vector.broadcast %broadcast_in_dim3A_1093 : i32 to vector<16xi32>
      %gather3A_1095 = tpu.vector_load_idx %arg5[%iota3A, %broadcast_in_dim3A_1094] : memref<16x256xf32, #tpu.memory_space<vmem>>[vector<16xi32>, vector<16xi32>], vector<16xf32>,
      %min3A_1096 = arith.minimumf %max3A_1092, %gather3A_1095 : vector<16xf32>
      %max3A_1097 = arith.maximumf %max3A_1091, %min3A_1096 : vector<16xf32>
      %max3A_1098 = arith.maximumf %max3A_1092, %gather3A_1095 : vector<16xf32>
      %broadcast_in_dim3A_1099 = arith.constant 184 : i32
      %broadcast_in_dim3A_1100 = vector.broadcast %broadcast_in_dim3A_1099 : i32 to vector<16xi32>
      %gather3A_1101 = tpu.vector_load_idx %arg5[%iota3A, %broadcast_in_dim3A_1100] : memref<16x256xf32, #tpu.memory_space<vmem>>[vector<16xi32>, vector<16xi32>], vector<16xf32>,
      %min3A_1102 = arith.minimumf %max3A_1098, %gather3A_1101 : vector<16xf32>
      %max3A_1103 = arith.maximumf %max3A_1097, %min3A_1102 : vector<16xf32>
      %max3A_1104 = arith.maximumf %max3A_1098, %gather3A_1101 : vector<16xf32>
      %broadcast_in_dim3A_1105 = arith.constant 185 : i32
      %broadcast_in_dim3A_1106 = vector.broadcast %broadcast_in_dim3A_1105 : i32 to vector<16xi32>
      %gather3A_1107 = tpu.vector_load_idx %arg5[%iota3A, %broadcast_in_dim3A_1106] : memref<16x256xf32, #tpu.memory_space<vmem>>[vector<16xi32>, vector<16xi32>], vector<16xf32>,
      %min3A_1108 = arith.minimumf %max3A_1104, %gather3A_1107 : vector<16xf32>
      %max3A_1109 = arith.maximumf %max3A_1103, %min3A_1108 : vector<16xf32>
      %max3A_1110 = arith.maximumf %max3A_1104, %gather3A_1107 : vector<16xf32>
      %broadcast_in_dim3A_1111 = arith.constant 186 : i32
      %broadcast_in_dim3A_1112 = vector.broadcast %broadcast_in_dim3A_1111 : i32 to vector<16xi32>
      %gather3A_1113 = tpu.vector_load_idx %arg5[%iota3A, %broadcast_in_dim3A_1112] : memref<16x256xf32, #tpu.memory_space<vmem>>[vector<16xi32>, vector<16xi32>], vector<16xf32>,
      %min3A_1114 = arith.minimumf %max3A_1110, %gather3A_1113 : vector<16xf32>
      %max3A_1115 = arith.maximumf %max3A_1109, %min3A_1114 : vector<16xf32>
      %max3A_1116 = arith.maximumf %max3A_1110, %gather3A_1113 : vector<16xf32>
      %broadcast_in_dim3A_1117 = arith.constant 187 : i32
      %broadcast_in_dim3A_1118 = vector.broadcast %broadcast_in_dim3A_1117 : i32 to vector<16xi32>
      %gather3A_1119 = tpu.vector_load_idx %arg5[%iota3A, %broadcast_in_dim3A_1118] : memref<16x256xf32, #tpu.memory_space<vmem>>[vector<16xi32>, vector<16xi32>], vector<16xf32>,
      %min3A_1120 = arith.minimumf %max3A_1116, %gather3A_1119 : vector<16xf32>
      %max3A_1121 = arith.maximumf %max3A_1115, %min3A_1120 : vector<16xf32>
      %max3A_1122 = arith.maximumf %max3A_1116, %gather3A_1119 : vector<16xf32>
      %broadcast_in_dim3A_1123 = arith.constant 188 : i32
      %broadcast_in_dim3A_1124 = vector.broadcast %broadcast_in_dim3A_1123 : i32 to vector<16xi32>
      %gather3A_1125 = tpu.vector_load_idx %arg5[%iota3A, %broadcast_in_dim3A_1124] : memref<16x256xf32, #tpu.memory_space<vmem>>[vector<16xi32>, vector<16xi32>], vector<16xf32>,
      %min3A_1126 = arith.minimumf %max3A_1122, %gather3A_1125 : vector<16xf32>
      %max3A_1127 = arith.maximumf %max3A_1121, %min3A_1126 : vector<16xf32>
      %max3A_1128 = arith.maximumf %max3A_1122, %gather3A_1125 : vector<16xf32>
      %broadcast_in_dim3A_1129 = arith.constant 189 : i32
      %broadcast_in_dim3A_1130 = vector.broadcast %broadcast_in_dim3A_1129 : i32 to vector<16xi32>
      %gather3A_1131 = tpu.vector_load_idx %arg5[%iota3A, %broadcast_in_dim3A_1130] : memref<16x256xf32, #tpu.memory_space<vmem>>[vector<16xi32>, vector<16xi32>], vector<16xf32>,
      %min3A_1132 = arith.minimumf %max3A_1128, %gather3A_1131 : vector<16xf32>
      %max3A_1133 = arith.maximumf %max3A_1127, %min3A_1132 : vector<16xf32>
      %max3A_1134 = arith.maximumf %max3A_1128, %gather3A_1131 : vector<16xf32>
      %broadcast_in_dim3A_1135 = arith.constant 190 : i32
      %broadcast_in_dim3A_1136 = vector.broadcast %broadcast_in_dim3A_1135 : i32 to vector<16xi32>
      %gather3A_1137 = tpu.vector_load_idx %arg5[%iota3A, %broadcast_in_dim3A_1136] : memref<16x256xf32, #tpu.memory_space<vmem>>[vector<16xi32>, vector<16xi32>], vector<16xf32>,
      %min3A_1138 = arith.minimumf %max3A_1134, %gather3A_1137 : vector<16xf32>
      %max3A_1139 = arith.maximumf %max3A_1133, %min3A_1138 : vector<16xf32>
      %max3A_1140 = arith.maximumf %max3A_1134, %gather3A_1137 : vector<16xf32>
      %broadcast_in_dim3A_1141 = arith.constant 191 : i32
      %broadcast_in_dim3A_1142 = vector.broadcast %broadcast_in_dim3A_1141 : i32 to vector<16xi32>
      %gather3A_1143 = tpu.vector_load_idx %arg5[%iota3A, %broadcast_in_dim3A_1142] : memref<16x256xf32, #tpu.memory_space<vmem>>[vector<16xi32>, vector<16xi32>], vector<16xf32>,
      %min3A_1144 = arith.minimumf %max3A_1140, %gather3A_1143 : vector<16xf32>
      %max3A_1145 = arith.maximumf %max3A_1139, %min3A_1144 : vector<16xf32>
      %max3A_1146 = arith.maximumf %max3A_1140, %gather3A_1143 : vector<16xf32>
      %add3A_1147 = arith.addf %max3A_1146, %max3A_1145 : vector<16xf32>
      %broadcast_in_dim3A_1148 = arith.constant 192 : i32
      %broadcast_in_dim3A_1149 = vector.broadcast %broadcast_in_dim3A_1148 : i32 to vector<16xi32>
      %gather3A_1150 = tpu.vector_load_idx %arg5[%iota3A, %broadcast_in_dim3A_1149] : memref<16x256xf32, #tpu.memory_space<vmem>>[vector<16xi32>, vector<16xi32>], vector<16xf32>,
      %broadcast_in_dim3A_1151 = arith.constant 193 : i32
      %broadcast_in_dim3A_1152 = vector.broadcast %broadcast_in_dim3A_1151 : i32 to vector<16xi32>
      %gather3A_1153 = tpu.vector_load_idx %arg5[%iota3A, %broadcast_in_dim3A_1152] : memref<16x256xf32, #tpu.memory_space<vmem>>[vector<16xi32>, vector<16xi32>], vector<16xf32>,
      %min3A_1154 = arith.minimumf %gather3A_1150, %gather3A_1153 : vector<16xf32>
      %max3A_1155 = arith.maximumf %gather3A_1150, %gather3A_1153 : vector<16xf32>
      %broadcast_in_dim3A_1156 = arith.constant 194 : i32
      %broadcast_in_dim3A_1157 = vector.broadcast %broadcast_in_dim3A_1156 : i32 to vector<16xi32>
      %gather3A_1158 = tpu.vector_load_idx %arg5[%iota3A, %broadcast_in_dim3A_1157] : memref<16x256xf32, #tpu.memory_space<vmem>>[vector<16xi32>, vector<16xi32>], vector<16xf32>,
      %min3A_1159 = arith.minimumf %max3A_1155, %gather3A_1158 : vector<16xf32>
      %max3A_1160 = arith.maximumf %min3A_1154, %min3A_1159 : vector<16xf32>
      %max3A_1161 = arith.maximumf %max3A_1155, %gather3A_1158 : vector<16xf32>
      %broadcast_in_dim3A_1162 = arith.constant 195 : i32
      %broadcast_in_dim3A_1163 = vector.broadcast %broadcast_in_dim3A_1162 : i32 to vector<16xi32>
      %gather3A_1164 = tpu.vector_load_idx %arg5[%iota3A, %broadcast_in_dim3A_1163] : memref<16x256xf32, #tpu.memory_space<vmem>>[vector<16xi32>, vector<16xi32>], vector<16xf32>,
      %min3A_1165 = arith.minimumf %max3A_1161, %gather3A_1164 : vector<16xf32>
      %max3A_1166 = arith.maximumf %max3A_1160, %min3A_1165 : vector<16xf32>
      %max3A_1167 = arith.maximumf %max3A_1161, %gather3A_1164 : vector<16xf32>
      %broadcast_in_dim3A_1168 = arith.constant 196 : i32
      %broadcast_in_dim3A_1169 = vector.broadcast %broadcast_in_dim3A_1168 : i32 to vector<16xi32>
      %gather3A_1170 = tpu.vector_load_idx %arg5[%iota3A, %broadcast_in_dim3A_1169] : memref<16x256xf32, #tpu.memory_space<vmem>>[vector<16xi32>, vector<16xi32>], vector<16xf32>,
      %min3A_1171 = arith.minimumf %max3A_1167, %gather3A_1170 : vector<16xf32>
      %max3A_1172 = arith.maximumf %max3A_1166, %min3A_1171 : vector<16xf32>
      %max3A_1173 = arith.maximumf %max3A_1167, %gather3A_1170 : vector<16xf32>
      %broadcast_in_dim3A_1174 = arith.constant 197 : i32
      %broadcast_in_dim3A_1175 = vector.broadcast %broadcast_in_dim3A_1174 : i32 to vector<16xi32>
      %gather3A_1176 = tpu.vector_load_idx %arg5[%iota3A, %broadcast_in_dim3A_1175] : memref<16x256xf32, #tpu.memory_space<vmem>>[vector<16xi32>, vector<16xi32>], vector<16xf32>,
      %min3A_1177 = arith.minimumf %max3A_1173, %gather3A_1176 : vector<16xf32>
      %max3A_1178 = arith.maximumf %max3A_1172, %min3A_1177 : vector<16xf32>
      %max3A_1179 = arith.maximumf %max3A_1173, %gather3A_1176 : vector<16xf32>
      %broadcast_in_dim3A_1180 = arith.constant 198 : i32
      %broadcast_in_dim3A_1181 = vector.broadcast %broadcast_in_dim3A_1180 : i32 to vector<16xi32>
      %gather3A_1182 = tpu.vector_load_idx %arg5[%iota3A, %broadcast_in_dim3A_1181] : memref<16x256xf32, #tpu.memory_space<vmem>>[vector<16xi32>, vector<16xi32>], vector<16xf32>,
      %min3A_1183 = arith.minimumf %max3A_1179, %gather3A_1182 : vector<16xf32>
      %max3A_1184 = arith.maximumf %max3A_1178, %min3A_1183 : vector<16xf32>
      %max3A_1185 = arith.maximumf %max3A_1179, %gather3A_1182 : vector<16xf32>
      %broadcast_in_dim3A_1186 = arith.constant 199 : i32
      %broadcast_in_dim3A_1187 = vector.broadcast %broadcast_in_dim3A_1186 : i32 to vector<16xi32>
      %gather3A_1188 = tpu.vector_load_idx %arg5[%iota3A, %broadcast_in_dim3A_1187] : memref<16x256xf32, #tpu.memory_space<vmem>>[vector<16xi32>, vector<16xi32>], vector<16xf32>,
      %min3A_1189 = arith.minimumf %max3A_1185, %gather3A_1188 : vector<16xf32>
      %max3A_1190 = arith.maximumf %max3A_1184, %min3A_1189 : vector<16xf32>
      %max3A_1191 = arith.maximumf %max3A_1185, %gather3A_1188 : vector<16xf32>
      %broadcast_in_dim3A_1192 = arith.constant 200 : i32
      %broadcast_in_dim3A_1193 = vector.broadcast %broadcast_in_dim3A_1192 : i32 to vector<16xi32>
      %gather3A_1194 = tpu.vector_load_idx %arg5[%iota3A, %broadcast_in_dim3A_1193] : memref<16x256xf32, #tpu.memory_space<vmem>>[vector<16xi32>, vector<16xi32>], vector<16xf32>,
      %min3A_1195 = arith.minimumf %max3A_1191, %gather3A_1194 : vector<16xf32>
      %max3A_1196 = arith.maximumf %max3A_1190, %min3A_1195 : vector<16xf32>
      %max3A_1197 = arith.maximumf %max3A_1191, %gather3A_1194 : vector<16xf32>
      %broadcast_in_dim3A_1198 = arith.constant 201 : i32
      %broadcast_in_dim3A_1199 = vector.broadcast %broadcast_in_dim3A_1198 : i32 to vector<16xi32>
      %gather3A_1200 = tpu.vector_load_idx %arg5[%iota3A, %broadcast_in_dim3A_1199] : memref<16x256xf32, #tpu.memory_space<vmem>>[vector<16xi32>, vector<16xi32>], vector<16xf32>,
      %min3A_1201 = arith.minimumf %max3A_1197, %gather3A_1200 : vector<16xf32>
      %max3A_1202 = arith.maximumf %max3A_1196, %min3A_1201 : vector<16xf32>
      %max3A_1203 = arith.maximumf %max3A_1197, %gather3A_1200 : vector<16xf32>
      %broadcast_in_dim3A_1204 = arith.constant 202 : i32
      %broadcast_in_dim3A_1205 = vector.broadcast %broadcast_in_dim3A_1204 : i32 to vector<16xi32>
      %gather3A_1206 = tpu.vector_load_idx %arg5[%iota3A, %broadcast_in_dim3A_1205] : memref<16x256xf32, #tpu.memory_space<vmem>>[vector<16xi32>, vector<16xi32>], vector<16xf32>,
      %min3A_1207 = arith.minimumf %max3A_1203, %gather3A_1206 : vector<16xf32>
      %max3A_1208 = arith.maximumf %max3A_1202, %min3A_1207 : vector<16xf32>
      %max3A_1209 = arith.maximumf %max3A_1203, %gather3A_1206 : vector<16xf32>
      %broadcast_in_dim3A_1210 = arith.constant 203 : i32
      %broadcast_in_dim3A_1211 = vector.broadcast %broadcast_in_dim3A_1210 : i32 to vector<16xi32>
      %gather3A_1212 = tpu.vector_load_idx %arg5[%iota3A, %broadcast_in_dim3A_1211] : memref<16x256xf32, #tpu.memory_space<vmem>>[vector<16xi32>, vector<16xi32>], vector<16xf32>,
      %min3A_1213 = arith.minimumf %max3A_1209, %gather3A_1212 : vector<16xf32>
      %max3A_1214 = arith.maximumf %max3A_1208, %min3A_1213 : vector<16xf32>
      %max3A_1215 = arith.maximumf %max3A_1209, %gather3A_1212 : vector<16xf32>
      %broadcast_in_dim3A_1216 = arith.constant 204 : i32
      %broadcast_in_dim3A_1217 = vector.broadcast %broadcast_in_dim3A_1216 : i32 to vector<16xi32>
      %gather3A_1218 = tpu.vector_load_idx %arg5[%iota3A, %broadcast_in_dim3A_1217] : memref<16x256xf32, #tpu.memory_space<vmem>>[vector<16xi32>, vector<16xi32>], vector<16xf32>,
      %min3A_1219 = arith.minimumf %max3A_1215, %gather3A_1218 : vector<16xf32>
      %max3A_1220 = arith.maximumf %max3A_1214, %min3A_1219 : vector<16xf32>
      %max3A_1221 = arith.maximumf %max3A_1215, %gather3A_1218 : vector<16xf32>
      %broadcast_in_dim3A_1222 = arith.constant 205 : i32
      %broadcast_in_dim3A_1223 = vector.broadcast %broadcast_in_dim3A_1222 : i32 to vector<16xi32>
      %gather3A_1224 = tpu.vector_load_idx %arg5[%iota3A, %broadcast_in_dim3A_1223] : memref<16x256xf32, #tpu.memory_space<vmem>>[vector<16xi32>, vector<16xi32>], vector<16xf32>,
      %min3A_1225 = arith.minimumf %max3A_1221, %gather3A_1224 : vector<16xf32>
      %max3A_1226 = arith.maximumf %max3A_1220, %min3A_1225 : vector<16xf32>
      %max3A_1227 = arith.maximumf %max3A_1221, %gather3A_1224 : vector<16xf32>
      %broadcast_in_dim3A_1228 = arith.constant 206 : i32
      %broadcast_in_dim3A_1229 = vector.broadcast %broadcast_in_dim3A_1228 : i32 to vector<16xi32>
      %gather3A_1230 = tpu.vector_load_idx %arg5[%iota3A, %broadcast_in_dim3A_1229] : memref<16x256xf32, #tpu.memory_space<vmem>>[vector<16xi32>, vector<16xi32>], vector<16xf32>,
      %min3A_1231 = arith.minimumf %max3A_1227, %gather3A_1230 : vector<16xf32>
      %max3A_1232 = arith.maximumf %max3A_1226, %min3A_1231 : vector<16xf32>
      %max3A_1233 = arith.maximumf %max3A_1227, %gather3A_1230 : vector<16xf32>
      %broadcast_in_dim3A_1234 = arith.constant 207 : i32
      %broadcast_in_dim3A_1235 = vector.broadcast %broadcast_in_dim3A_1234 : i32 to vector<16xi32>
      %gather3A_1236 = tpu.vector_load_idx %arg5[%iota3A, %broadcast_in_dim3A_1235] : memref<16x256xf32, #tpu.memory_space<vmem>>[vector<16xi32>, vector<16xi32>], vector<16xf32>,
      %min3A_1237 = arith.minimumf %max3A_1233, %gather3A_1236 : vector<16xf32>
      %max3A_1238 = arith.maximumf %max3A_1232, %min3A_1237 : vector<16xf32>
      %max3A_1239 = arith.maximumf %max3A_1233, %gather3A_1236 : vector<16xf32>
      %broadcast_in_dim3A_1240 = arith.constant 208 : i32
      %broadcast_in_dim3A_1241 = vector.broadcast %broadcast_in_dim3A_1240 : i32 to vector<16xi32>
      %gather3A_1242 = tpu.vector_load_idx %arg5[%iota3A, %broadcast_in_dim3A_1241] : memref<16x256xf32, #tpu.memory_space<vmem>>[vector<16xi32>, vector<16xi32>], vector<16xf32>,
      %min3A_1243 = arith.minimumf %max3A_1239, %gather3A_1242 : vector<16xf32>
      %max3A_1244 = arith.maximumf %max3A_1238, %min3A_1243 : vector<16xf32>
      %max3A_1245 = arith.maximumf %max3A_1239, %gather3A_1242 : vector<16xf32>
      %broadcast_in_dim3A_1246 = arith.constant 209 : i32
      %broadcast_in_dim3A_1247 = vector.broadcast %broadcast_in_dim3A_1246 : i32 to vector<16xi32>
      %gather3A_1248 = tpu.vector_load_idx %arg5[%iota3A, %broadcast_in_dim3A_1247] : memref<16x256xf32, #tpu.memory_space<vmem>>[vector<16xi32>, vector<16xi32>], vector<16xf32>,
      %min3A_1249 = arith.minimumf %max3A_1245, %gather3A_1248 : vector<16xf32>
      %max3A_1250 = arith.maximumf %max3A_1244, %min3A_1249 : vector<16xf32>
      %max3A_1251 = arith.maximumf %max3A_1245, %gather3A_1248 : vector<16xf32>
      %broadcast_in_dim3A_1252 = arith.constant 210 : i32
      %broadcast_in_dim3A_1253 = vector.broadcast %broadcast_in_dim3A_1252 : i32 to vector<16xi32>
      %gather3A_1254 = tpu.vector_load_idx %arg5[%iota3A, %broadcast_in_dim3A_1253] : memref<16x256xf32, #tpu.memory_space<vmem>>[vector<16xi32>, vector<16xi32>], vector<16xf32>,
      %min3A_1255 = arith.minimumf %max3A_1251, %gather3A_1254 : vector<16xf32>
      %max3A_1256 = arith.maximumf %max3A_1250, %min3A_1255 : vector<16xf32>
      %max3A_1257 = arith.maximumf %max3A_1251, %gather3A_1254 : vector<16xf32>
      %broadcast_in_dim3A_1258 = arith.constant 211 : i32
      %broadcast_in_dim3A_1259 = vector.broadcast %broadcast_in_dim3A_1258 : i32 to vector<16xi32>
      %gather3A_1260 = tpu.vector_load_idx %arg5[%iota3A, %broadcast_in_dim3A_1259] : memref<16x256xf32, #tpu.memory_space<vmem>>[vector<16xi32>, vector<16xi32>], vector<16xf32>,
      %min3A_1261 = arith.minimumf %max3A_1257, %gather3A_1260 : vector<16xf32>
      %max3A_1262 = arith.maximumf %max3A_1256, %min3A_1261 : vector<16xf32>
      %max3A_1263 = arith.maximumf %max3A_1257, %gather3A_1260 : vector<16xf32>
      %broadcast_in_dim3A_1264 = arith.constant 212 : i32
      %broadcast_in_dim3A_1265 = vector.broadcast %broadcast_in_dim3A_1264 : i32 to vector<16xi32>
      %gather3A_1266 = tpu.vector_load_idx %arg5[%iota3A, %broadcast_in_dim3A_1265] : memref<16x256xf32, #tpu.memory_space<vmem>>[vector<16xi32>, vector<16xi32>], vector<16xf32>,
      %min3A_1267 = arith.minimumf %max3A_1263, %gather3A_1266 : vector<16xf32>
      %max3A_1268 = arith.maximumf %max3A_1262, %min3A_1267 : vector<16xf32>
      %max3A_1269 = arith.maximumf %max3A_1263, %gather3A_1266 : vector<16xf32>
      %broadcast_in_dim3A_1270 = arith.constant 213 : i32
      %broadcast_in_dim3A_1271 = vector.broadcast %broadcast_in_dim3A_1270 : i32 to vector<16xi32>
      %gather3A_1272 = tpu.vector_load_idx %arg5[%iota3A, %broadcast_in_dim3A_1271] : memref<16x256xf32, #tpu.memory_space<vmem>>[vector<16xi32>, vector<16xi32>], vector<16xf32>,
      %min3A_1273 = arith.minimumf %max3A_1269, %gather3A_1272 : vector<16xf32>
      %max3A_1274 = arith.maximumf %max3A_1268, %min3A_1273 : vector<16xf32>
      %max3A_1275 = arith.maximumf %max3A_1269, %gather3A_1272 : vector<16xf32>
      %broadcast_in_dim3A_1276 = arith.constant 214 : i32
      %broadcast_in_dim3A_1277 = vector.broadcast %broadcast_in_dim3A_1276 : i32 to vector<16xi32>
      %gather3A_1278 = tpu.vector_load_idx %arg5[%iota3A, %broadcast_in_dim3A_1277] : memref<16x256xf32, #tpu.memory_space<vmem>>[vector<16xi32>, vector<16xi32>], vector<16xf32>,
      %min3A_1279 = arith.minimumf %max3A_1275, %gather3A_1278 : vector<16xf32>
      %max3A_1280 = arith.maximumf %max3A_1274, %min3A_1279 : vector<16xf32>
      %max3A_1281 = arith.maximumf %max3A_1275, %gather3A_1278 : vector<16xf32>
      %broadcast_in_dim3A_1282 = arith.constant 215 : i32
      %broadcast_in_dim3A_1283 = vector.broadcast %broadcast_in_dim3A_1282 : i32 to vector<16xi32>
      %gather3A_1284 = tpu.vector_load_idx %arg5[%iota3A, %broadcast_in_dim3A_1283] : memref<16x256xf32, #tpu.memory_space<vmem>>[vector<16xi32>, vector<16xi32>], vector<16xf32>,
      %min3A_1285 = arith.minimumf %max3A_1281, %gather3A_1284 : vector<16xf32>
      %max3A_1286 = arith.maximumf %max3A_1280, %min3A_1285 : vector<16xf32>
      %max3A_1287 = arith.maximumf %max3A_1281, %gather3A_1284 : vector<16xf32>
      %broadcast_in_dim3A_1288 = arith.constant 216 : i32
      %broadcast_in_dim3A_1289 = vector.broadcast %broadcast_in_dim3A_1288 : i32 to vector<16xi32>
      %gather3A_1290 = tpu.vector_load_idx %arg5[%iota3A, %broadcast_in_dim3A_1289] : memref<16x256xf32, #tpu.memory_space<vmem>>[vector<16xi32>, vector<16xi32>], vector<16xf32>,
      %min3A_1291 = arith.minimumf %max3A_1287, %gather3A_1290 : vector<16xf32>
      %max3A_1292 = arith.maximumf %max3A_1286, %min3A_1291 : vector<16xf32>
      %max3A_1293 = arith.maximumf %max3A_1287, %gather3A_1290 : vector<16xf32>
      %broadcast_in_dim3A_1294 = arith.constant 217 : i32
      %broadcast_in_dim3A_1295 = vector.broadcast %broadcast_in_dim3A_1294 : i32 to vector<16xi32>
      %gather3A_1296 = tpu.vector_load_idx %arg5[%iota3A, %broadcast_in_dim3A_1295] : memref<16x256xf32, #tpu.memory_space<vmem>>[vector<16xi32>, vector<16xi32>], vector<16xf32>,
      %min3A_1297 = arith.minimumf %max3A_1293, %gather3A_1296 : vector<16xf32>
      %max3A_1298 = arith.maximumf %max3A_1292, %min3A_1297 : vector<16xf32>
      %max3A_1299 = arith.maximumf %max3A_1293, %gather3A_1296 : vector<16xf32>
      %broadcast_in_dim3A_1300 = arith.constant 218 : i32
      %broadcast_in_dim3A_1301 = vector.broadcast %broadcast_in_dim3A_1300 : i32 to vector<16xi32>
      %gather3A_1302 = tpu.vector_load_idx %arg5[%iota3A, %broadcast_in_dim3A_1301] : memref<16x256xf32, #tpu.memory_space<vmem>>[vector<16xi32>, vector<16xi32>], vector<16xf32>,
      %min3A_1303 = arith.minimumf %max3A_1299, %gather3A_1302 : vector<16xf32>
      %max3A_1304 = arith.maximumf %max3A_1298, %min3A_1303 : vector<16xf32>
      %max3A_1305 = arith.maximumf %max3A_1299, %gather3A_1302 : vector<16xf32>
      %broadcast_in_dim3A_1306 = arith.constant 219 : i32
      %broadcast_in_dim3A_1307 = vector.broadcast %broadcast_in_dim3A_1306 : i32 to vector<16xi32>
      %gather3A_1308 = tpu.vector_load_idx %arg5[%iota3A, %broadcast_in_dim3A_1307] : memref<16x256xf32, #tpu.memory_space<vmem>>[vector<16xi32>, vector<16xi32>], vector<16xf32>,
      %min3A_1309 = arith.minimumf %max3A_1305, %gather3A_1308 : vector<16xf32>
      %max3A_1310 = arith.maximumf %max3A_1304, %min3A_1309 : vector<16xf32>
      %max3A_1311 = arith.maximumf %max3A_1305, %gather3A_1308 : vector<16xf32>
      %broadcast_in_dim3A_1312 = arith.constant 220 : i32
      %broadcast_in_dim3A_1313 = vector.broadcast %broadcast_in_dim3A_1312 : i32 to vector<16xi32>
      %gather3A_1314 = tpu.vector_load_idx %arg5[%iota3A, %broadcast_in_dim3A_1313] : memref<16x256xf32, #tpu.memory_space<vmem>>[vector<16xi32>, vector<16xi32>], vector<16xf32>,
      %min3A_1315 = arith.minimumf %max3A_1311, %gather3A_1314 : vector<16xf32>
      %max3A_1316 = arith.maximumf %max3A_1310, %min3A_1315 : vector<16xf32>
      %max3A_1317 = arith.maximumf %max3A_1311, %gather3A_1314 : vector<16xf32>
      %broadcast_in_dim3A_1318 = arith.constant 221 : i32
      %broadcast_in_dim3A_1319 = vector.broadcast %broadcast_in_dim3A_1318 : i32 to vector<16xi32>
      %gather3A_1320 = tpu.vector_load_idx %arg5[%iota3A, %broadcast_in_dim3A_1319] : memref<16x256xf32, #tpu.memory_space<vmem>>[vector<16xi32>, vector<16xi32>], vector<16xf32>,
      %min3A_1321 = arith.minimumf %max3A_1317, %gather3A_1320 : vector<16xf32>
      %max3A_1322 = arith.maximumf %max3A_1316, %min3A_1321 : vector<16xf32>
      %max3A_1323 = arith.maximumf %max3A_1317, %gather3A_1320 : vector<16xf32>
      %broadcast_in_dim3A_1324 = arith.constant 222 : i32
      %broadcast_in_dim3A_1325 = vector.broadcast %broadcast_in_dim3A_1324 : i32 to vector<16xi32>
      %gather3A_1326 = tpu.vector_load_idx %arg5[%iota3A, %broadcast_in_dim3A_1325] : memref<16x256xf32, #tpu.memory_space<vmem>>[vector<16xi32>, vector<16xi32>], vector<16xf32>,
      %min3A_1327 = arith.minimumf %max3A_1323, %gather3A_1326 : vector<16xf32>
      %max3A_1328 = arith.maximumf %max3A_1322, %min3A_1327 : vector<16xf32>
      %max3A_1329 = arith.maximumf %max3A_1323, %gather3A_1326 : vector<16xf32>
      %broadcast_in_dim3A_1330 = arith.constant 223 : i32
      %broadcast_in_dim3A_1331 = vector.broadcast %broadcast_in_dim3A_1330 : i32 to vector<16xi32>
      %gather3A_1332 = tpu.vector_load_idx %arg5[%iota3A, %broadcast_in_dim3A_1331] : memref<16x256xf32, #tpu.memory_space<vmem>>[vector<16xi32>, vector<16xi32>], vector<16xf32>,
      %min3A_1333 = arith.minimumf %max3A_1329, %gather3A_1332 : vector<16xf32>
      %max3A_1334 = arith.maximumf %max3A_1328, %min3A_1333 : vector<16xf32>
      %max3A_1335 = arith.maximumf %max3A_1329, %gather3A_1332 : vector<16xf32>
      %add3A_1336 = arith.addf %max3A_1335, %max3A_1334 : vector<16xf32>
      %broadcast_in_dim3A_1337 = arith.constant 224 : i32
      %broadcast_in_dim3A_1338 = vector.broadcast %broadcast_in_dim3A_1337 : i32 to vector<16xi32>
      %gather3A_1339 = tpu.vector_load_idx %arg5[%iota3A, %broadcast_in_dim3A_1338] : memref<16x256xf32, #tpu.memory_space<vmem>>[vector<16xi32>, vector<16xi32>], vector<16xf32>,
      %broadcast_in_dim3A_1340 = arith.constant 225 : i32
      %broadcast_in_dim3A_1341 = vector.broadcast %broadcast_in_dim3A_1340 : i32 to vector<16xi32>
      %gather3A_1342 = tpu.vector_load_idx %arg5[%iota3A, %broadcast_in_dim3A_1341] : memref<16x256xf32, #tpu.memory_space<vmem>>[vector<16xi32>, vector<16xi32>], vector<16xf32>,
      %min3A_1343 = arith.minimumf %gather3A_1339, %gather3A_1342 : vector<16xf32>
      %max3A_1344 = arith.maximumf %gather3A_1339, %gather3A_1342 : vector<16xf32>
      %broadcast_in_dim3A_1345 = arith.constant 226 : i32
      %broadcast_in_dim3A_1346 = vector.broadcast %broadcast_in_dim3A_1345 : i32 to vector<16xi32>
      %gather3A_1347 = tpu.vector_load_idx %arg5[%iota3A, %broadcast_in_dim3A_1346] : memref<16x256xf32, #tpu.memory_space<vmem>>[vector<16xi32>, vector<16xi32>], vector<16xf32>,
      %min3A_1348 = arith.minimumf %max3A_1344, %gather3A_1347 : vector<16xf32>
      %max3A_1349 = arith.maximumf %min3A_1343, %min3A_1348 : vector<16xf32>
      %max3A_1350 = arith.maximumf %max3A_1344, %gather3A_1347 : vector<16xf32>
      %broadcast_in_dim3A_1351 = arith.constant 227 : i32
      %broadcast_in_dim3A_1352 = vector.broadcast %broadcast_in_dim3A_1351 : i32 to vector<16xi32>
      %gather3A_1353 = tpu.vector_load_idx %arg5[%iota3A, %broadcast_in_dim3A_1352] : memref<16x256xf32, #tpu.memory_space<vmem>>[vector<16xi32>, vector<16xi32>], vector<16xf32>,
      %min3A_1354 = arith.minimumf %max3A_1350, %gather3A_1353 : vector<16xf32>
      %max3A_1355 = arith.maximumf %max3A_1349, %min3A_1354 : vector<16xf32>
      %max3A_1356 = arith.maximumf %max3A_1350, %gather3A_1353 : vector<16xf32>
      %broadcast_in_dim3A_1357 = arith.constant 228 : i32
      %broadcast_in_dim3A_1358 = vector.broadcast %broadcast_in_dim3A_1357 : i32 to vector<16xi32>
      %gather3A_1359 = tpu.vector_load_idx %arg5[%iota3A, %broadcast_in_dim3A_1358] : memref<16x256xf32, #tpu.memory_space<vmem>>[vector<16xi32>, vector<16xi32>], vector<16xf32>,
      %min3A_1360 = arith.minimumf %max3A_1356, %gather3A_1359 : vector<16xf32>
      %max3A_1361 = arith.maximumf %max3A_1355, %min3A_1360 : vector<16xf32>
      %max3A_1362 = arith.maximumf %max3A_1356, %gather3A_1359 : vector<16xf32>
      %broadcast_in_dim3A_1363 = arith.constant 229 : i32
      %broadcast_in_dim3A_1364 = vector.broadcast %broadcast_in_dim3A_1363 : i32 to vector<16xi32>
      %gather3A_1365 = tpu.vector_load_idx %arg5[%iota3A, %broadcast_in_dim3A_1364] : memref<16x256xf32, #tpu.memory_space<vmem>>[vector<16xi32>, vector<16xi32>], vector<16xf32>,
      %min3A_1366 = arith.minimumf %max3A_1362, %gather3A_1365 : vector<16xf32>
      %max3A_1367 = arith.maximumf %max3A_1361, %min3A_1366 : vector<16xf32>
      %max3A_1368 = arith.maximumf %max3A_1362, %gather3A_1365 : vector<16xf32>
      %broadcast_in_dim3A_1369 = arith.constant 230 : i32
      %broadcast_in_dim3A_1370 = vector.broadcast %broadcast_in_dim3A_1369 : i32 to vector<16xi32>
      %gather3A_1371 = tpu.vector_load_idx %arg5[%iota3A, %broadcast_in_dim3A_1370] : memref<16x256xf32, #tpu.memory_space<vmem>>[vector<16xi32>, vector<16xi32>], vector<16xf32>,
      %min3A_1372 = arith.minimumf %max3A_1368, %gather3A_1371 : vector<16xf32>
      %max3A_1373 = arith.maximumf %max3A_1367, %min3A_1372 : vector<16xf32>
      %max3A_1374 = arith.maximumf %max3A_1368, %gather3A_1371 : vector<16xf32>
      %broadcast_in_dim3A_1375 = arith.constant 231 : i32
      %broadcast_in_dim3A_1376 = vector.broadcast %broadcast_in_dim3A_1375 : i32 to vector<16xi32>
      %gather3A_1377 = tpu.vector_load_idx %arg5[%iota3A, %broadcast_in_dim3A_1376] : memref<16x256xf32, #tpu.memory_space<vmem>>[vector<16xi32>, vector<16xi32>], vector<16xf32>,
      %min3A_1378 = arith.minimumf %max3A_1374, %gather3A_1377 : vector<16xf32>
      %max3A_1379 = arith.maximumf %max3A_1373, %min3A_1378 : vector<16xf32>
      %max3A_1380 = arith.maximumf %max3A_1374, %gather3A_1377 : vector<16xf32>
      %broadcast_in_dim3A_1381 = arith.constant 232 : i32
      %broadcast_in_dim3A_1382 = vector.broadcast %broadcast_in_dim3A_1381 : i32 to vector<16xi32>
      %gather3A_1383 = tpu.vector_load_idx %arg5[%iota3A, %broadcast_in_dim3A_1382] : memref<16x256xf32, #tpu.memory_space<vmem>>[vector<16xi32>, vector<16xi32>], vector<16xf32>,
      %min3A_1384 = arith.minimumf %max3A_1380, %gather3A_1383 : vector<16xf32>
      %max3A_1385 = arith.maximumf %max3A_1379, %min3A_1384 : vector<16xf32>
      %max3A_1386 = arith.maximumf %max3A_1380, %gather3A_1383 : vector<16xf32>
      %broadcast_in_dim3A_1387 = arith.constant 233 : i32
      %broadcast_in_dim3A_1388 = vector.broadcast %broadcast_in_dim3A_1387 : i32 to vector<16xi32>
      %gather3A_1389 = tpu.vector_load_idx %arg5[%iota3A, %broadcast_in_dim3A_1388] : memref<16x256xf32, #tpu.memory_space<vmem>>[vector<16xi32>, vector<16xi32>], vector<16xf32>,
      %min3A_1390 = arith.minimumf %max3A_1386, %gather3A_1389 : vector<16xf32>
      %max3A_1391 = arith.maximumf %max3A_1385, %min3A_1390 : vector<16xf32>
      %max3A_1392 = arith.maximumf %max3A_1386, %gather3A_1389 : vector<16xf32>
      %broadcast_in_dim3A_1393 = arith.constant 234 : i32
      %broadcast_in_dim3A_1394 = vector.broadcast %broadcast_in_dim3A_1393 : i32 to vector<16xi32>
      %gather3A_1395 = tpu.vector_load_idx %arg5[%iota3A, %broadcast_in_dim3A_1394] : memref<16x256xf32, #tpu.memory_space<vmem>>[vector<16xi32>, vector<16xi32>], vector<16xf32>,
      %min3A_1396 = arith.minimumf %max3A_1392, %gather3A_1395 : vector<16xf32>
      %max3A_1397 = arith.maximumf %max3A_1391, %min3A_1396 : vector<16xf32>
      %max3A_1398 = arith.maximumf %max3A_1392, %gather3A_1395 : vector<16xf32>
      %broadcast_in_dim3A_1399 = arith.constant 235 : i32
      %broadcast_in_dim3A_1400 = vector.broadcast %broadcast_in_dim3A_1399 : i32 to vector<16xi32>
      %gather3A_1401 = tpu.vector_load_idx %arg5[%iota3A, %broadcast_in_dim3A_1400] : memref<16x256xf32, #tpu.memory_space<vmem>>[vector<16xi32>, vector<16xi32>], vector<16xf32>,
      %min3A_1402 = arith.minimumf %max3A_1398, %gather3A_1401 : vector<16xf32>
      %max3A_1403 = arith.maximumf %max3A_1397, %min3A_1402 : vector<16xf32>
      %max3A_1404 = arith.maximumf %max3A_1398, %gather3A_1401 : vector<16xf32>
      %broadcast_in_dim3A_1405 = arith.constant 236 : i32
      %broadcast_in_dim3A_1406 = vector.broadcast %broadcast_in_dim3A_1405 : i32 to vector<16xi32>
      %gather3A_1407 = tpu.vector_load_idx %arg5[%iota3A, %broadcast_in_dim3A_1406] : memref<16x256xf32, #tpu.memory_space<vmem>>[vector<16xi32>, vector<16xi32>], vector<16xf32>,
      %min3A_1408 = arith.minimumf %max3A_1404, %gather3A_1407 : vector<16xf32>
      %max3A_1409 = arith.maximumf %max3A_1403, %min3A_1408 : vector<16xf32>
      %max3A_1410 = arith.maximumf %max3A_1404, %gather3A_1407 : vector<16xf32>
      %broadcast_in_dim3A_1411 = arith.constant 237 : i32
      %broadcast_in_dim3A_1412 = vector.broadcast %broadcast_in_dim3A_1411 : i32 to vector<16xi32>
      %gather3A_1413 = tpu.vector_load_idx %arg5[%iota3A, %broadcast_in_dim3A_1412] : memref<16x256xf32, #tpu.memory_space<vmem>>[vector<16xi32>, vector<16xi32>], vector<16xf32>,
      %min3A_1414 = arith.minimumf %max3A_1410, %gather3A_1413 : vector<16xf32>
      %max3A_1415 = arith.maximumf %max3A_1409, %min3A_1414 : vector<16xf32>
      %max3A_1416 = arith.maximumf %max3A_1410, %gather3A_1413 : vector<16xf32>
      %broadcast_in_dim3A_1417 = arith.constant 238 : i32
      %broadcast_in_dim3A_1418 = vector.broadcast %broadcast_in_dim3A_1417 : i32 to vector<16xi32>
      %gather3A_1419 = tpu.vector_load_idx %arg5[%iota3A, %broadcast_in_dim3A_1418] : memref<16x256xf32, #tpu.memory_space<vmem>>[vector<16xi32>, vector<16xi32>], vector<16xf32>,
      %min3A_1420 = arith.minimumf %max3A_1416, %gather3A_1419 : vector<16xf32>
      %max3A_1421 = arith.maximumf %max3A_1415, %min3A_1420 : vector<16xf32>
      %max3A_1422 = arith.maximumf %max3A_1416, %gather3A_1419 : vector<16xf32>
      %broadcast_in_dim3A_1423 = arith.constant 239 : i32
      %broadcast_in_dim3A_1424 = vector.broadcast %broadcast_in_dim3A_1423 : i32 to vector<16xi32>
      %gather3A_1425 = tpu.vector_load_idx %arg5[%iota3A, %broadcast_in_dim3A_1424] : memref<16x256xf32, #tpu.memory_space<vmem>>[vector<16xi32>, vector<16xi32>], vector<16xf32>,
      %min3A_1426 = arith.minimumf %max3A_1422, %gather3A_1425 : vector<16xf32>
      %max3A_1427 = arith.maximumf %max3A_1421, %min3A_1426 : vector<16xf32>
      %max3A_1428 = arith.maximumf %max3A_1422, %gather3A_1425 : vector<16xf32>
      %broadcast_in_dim3A_1429 = arith.constant 240 : i32
      %broadcast_in_dim3A_1430 = vector.broadcast %broadcast_in_dim3A_1429 : i32 to vector<16xi32>
      %gather3A_1431 = tpu.vector_load_idx %arg5[%iota3A, %broadcast_in_dim3A_1430] : memref<16x256xf32, #tpu.memory_space<vmem>>[vector<16xi32>, vector<16xi32>], vector<16xf32>,
      %min3A_1432 = arith.minimumf %max3A_1428, %gather3A_1431 : vector<16xf32>
      %max3A_1433 = arith.maximumf %max3A_1427, %min3A_1432 : vector<16xf32>
      %max3A_1434 = arith.maximumf %max3A_1428, %gather3A_1431 : vector<16xf32>
      %broadcast_in_dim3A_1435 = arith.constant 241 : i32
      %broadcast_in_dim3A_1436 = vector.broadcast %broadcast_in_dim3A_1435 : i32 to vector<16xi32>
      %gather3A_1437 = tpu.vector_load_idx %arg5[%iota3A, %broadcast_in_dim3A_1436] : memref<16x256xf32, #tpu.memory_space<vmem>>[vector<16xi32>, vector<16xi32>], vector<16xf32>,
      %min3A_1438 = arith.minimumf %max3A_1434, %gather3A_1437 : vector<16xf32>
      %max3A_1439 = arith.maximumf %max3A_1433, %min3A_1438 : vector<16xf32>
      %max3A_1440 = arith.maximumf %max3A_1434, %gather3A_1437 : vector<16xf32>
      %broadcast_in_dim3A_1441 = arith.constant 242 : i32
      %broadcast_in_dim3A_1442 = vector.broadcast %broadcast_in_dim3A_1441 : i32 to vector<16xi32>
      %gather3A_1443 = tpu.vector_load_idx %arg5[%iota3A, %broadcast_in_dim3A_1442] : memref<16x256xf32, #tpu.memory_space<vmem>>[vector<16xi32>, vector<16xi32>], vector<16xf32>,
      %min3A_1444 = arith.minimumf %max3A_1440, %gather3A_1443 : vector<16xf32>
      %max3A_1445 = arith.maximumf %max3A_1439, %min3A_1444 : vector<16xf32>
      %max3A_1446 = arith.maximumf %max3A_1440, %gather3A_1443 : vector<16xf32>
      %broadcast_in_dim3A_1447 = arith.constant 243 : i32
      %broadcast_in_dim3A_1448 = vector.broadcast %broadcast_in_dim3A_1447 : i32 to vector<16xi32>
      %gather3A_1449 = tpu.vector_load_idx %arg5[%iota3A, %broadcast_in_dim3A_1448] : memref<16x256xf32, #tpu.memory_space<vmem>>[vector<16xi32>, vector<16xi32>], vector<16xf32>,
      %min3A_1450 = arith.minimumf %max3A_1446, %gather3A_1449 : vector<16xf32>
      %max3A_1451 = arith.maximumf %max3A_1445, %min3A_1450 : vector<16xf32>
      %max3A_1452 = arith.maximumf %max3A_1446, %gather3A_1449 : vector<16xf32>
      %broadcast_in_dim3A_1453 = arith.constant 244 : i32
      %broadcast_in_dim3A_1454 = vector.broadcast %broadcast_in_dim3A_1453 : i32 to vector<16xi32>
      %gather3A_1455 = tpu.vector_load_idx %arg5[%iota3A, %broadcast_in_dim3A_1454] : memref<16x256xf32, #tpu.memory_space<vmem>>[vector<16xi32>, vector<16xi32>], vector<16xf32>,
      %min3A_1456 = arith.minimumf %max3A_1452, %gather3A_1455 : vector<16xf32>
      %max3A_1457 = arith.maximumf %max3A_1451, %min3A_1456 : vector<16xf32>
      %max3A_1458 = arith.maximumf %max3A_1452, %gather3A_1455 : vector<16xf32>
      %broadcast_in_dim3A_1459 = arith.constant 245 : i32
      %broadcast_in_dim3A_1460 = vector.broadcast %broadcast_in_dim3A_1459 : i32 to vector<16xi32>
      %gather3A_1461 = tpu.vector_load_idx %arg5[%iota3A, %broadcast_in_dim3A_1460] : memref<16x256xf32, #tpu.memory_space<vmem>>[vector<16xi32>, vector<16xi32>], vector<16xf32>,
      %min3A_1462 = arith.minimumf %max3A_1458, %gather3A_1461 : vector<16xf32>
      %max3A_1463 = arith.maximumf %max3A_1457, %min3A_1462 : vector<16xf32>
      %max3A_1464 = arith.maximumf %max3A_1458, %gather3A_1461 : vector<16xf32>
      %broadcast_in_dim3A_1465 = arith.constant 246 : i32
      %broadcast_in_dim3A_1466 = vector.broadcast %broadcast_in_dim3A_1465 : i32 to vector<16xi32>
      %gather3A_1467 = tpu.vector_load_idx %arg5[%iota3A, %broadcast_in_dim3A_1466] : memref<16x256xf32, #tpu.memory_space<vmem>>[vector<16xi32>, vector<16xi32>], vector<16xf32>,
      %min3A_1468 = arith.minimumf %max3A_1464, %gather3A_1467 : vector<16xf32>
      %max3A_1469 = arith.maximumf %max3A_1463, %min3A_1468 : vector<16xf32>
      %max3A_1470 = arith.maximumf %max3A_1464, %gather3A_1467 : vector<16xf32>
      %broadcast_in_dim3A_1471 = arith.constant 247 : i32
      %broadcast_in_dim3A_1472 = vector.broadcast %broadcast_in_dim3A_1471 : i32 to vector<16xi32>
      %gather3A_1473 = tpu.vector_load_idx %arg5[%iota3A, %broadcast_in_dim3A_1472] : memref<16x256xf32, #tpu.memory_space<vmem>>[vector<16xi32>, vector<16xi32>], vector<16xf32>,
      %min3A_1474 = arith.minimumf %max3A_1470, %gather3A_1473 : vector<16xf32>
      %max3A_1475 = arith.maximumf %max3A_1469, %min3A_1474 : vector<16xf32>
      %max3A_1476 = arith.maximumf %max3A_1470, %gather3A_1473 : vector<16xf32>
      %broadcast_in_dim3A_1477 = arith.constant 248 : i32
      %broadcast_in_dim3A_1478 = vector.broadcast %broadcast_in_dim3A_1477 : i32 to vector<16xi32>
      %gather3A_1479 = tpu.vector_load_idx %arg5[%iota3A, %broadcast_in_dim3A_1478] : memref<16x256xf32, #tpu.memory_space<vmem>>[vector<16xi32>, vector<16xi32>], vector<16xf32>,
      %min3A_1480 = arith.minimumf %max3A_1476, %gather3A_1479 : vector<16xf32>
      %max3A_1481 = arith.maximumf %max3A_1475, %min3A_1480 : vector<16xf32>
      %max3A_1482 = arith.maximumf %max3A_1476, %gather3A_1479 : vector<16xf32>
      %broadcast_in_dim3A_1483 = arith.constant 249 : i32
      %broadcast_in_dim3A_1484 = vector.broadcast %broadcast_in_dim3A_1483 : i32 to vector<16xi32>
      %gather3A_1485 = tpu.vector_load_idx %arg5[%iota3A, %broadcast_in_dim3A_1484] : memref<16x256xf32, #tpu.memory_space<vmem>>[vector<16xi32>, vector<16xi32>], vector<16xf32>,
      %min3A_1486 = arith.minimumf %max3A_1482, %gather3A_1485 : vector<16xf32>
      %max3A_1487 = arith.maximumf %max3A_1481, %min3A_1486 : vector<16xf32>
      %max3A_1488 = arith.maximumf %max3A_1482, %gather3A_1485 : vector<16xf32>
      %broadcast_in_dim3A_1489 = arith.constant 250 : i32
      %broadcast_in_dim3A_1490 = vector.broadcast %broadcast_in_dim3A_1489 : i32 to vector<16xi32>
      %gather3A_1491 = tpu.vector_load_idx %arg5[%iota3A, %broadcast_in_dim3A_1490] : memref<16x256xf32, #tpu.memory_space<vmem>>[vector<16xi32>, vector<16xi32>], vector<16xf32>,
      %min3A_1492 = arith.minimumf %max3A_1488, %gather3A_1491 : vector<16xf32>
      %max3A_1493 = arith.maximumf %max3A_1487, %min3A_1492 : vector<16xf32>
      %max3A_1494 = arith.maximumf %max3A_1488, %gather3A_1491 : vector<16xf32>
      %broadcast_in_dim3A_1495 = arith.constant 251 : i32
      %broadcast_in_dim3A_1496 = vector.broadcast %broadcast_in_dim3A_1495 : i32 to vector<16xi32>
      %gather3A_1497 = tpu.vector_load_idx %arg5[%iota3A, %broadcast_in_dim3A_1496] : memref<16x256xf32, #tpu.memory_space<vmem>>[vector<16xi32>, vector<16xi32>], vector<16xf32>,
      %min3A_1498 = arith.minimumf %max3A_1494, %gather3A_1497 : vector<16xf32>
      %max3A_1499 = arith.maximumf %max3A_1493, %min3A_1498 : vector<16xf32>
      %max3A_1500 = arith.maximumf %max3A_1494, %gather3A_1497 : vector<16xf32>
      %broadcast_in_dim3A_1501 = arith.constant 252 : i32
      %broadcast_in_dim3A_1502 = vector.broadcast %broadcast_in_dim3A_1501 : i32 to vector<16xi32>
      %gather3A_1503 = tpu.vector_load_idx %arg5[%iota3A, %broadcast_in_dim3A_1502] : memref<16x256xf32, #tpu.memory_space<vmem>>[vector<16xi32>, vector<16xi32>], vector<16xf32>,
      %min3A_1504 = arith.minimumf %max3A_1500, %gather3A_1503 : vector<16xf32>
      %max3A_1505 = arith.maximumf %max3A_1499, %min3A_1504 : vector<16xf32>
      %max3A_1506 = arith.maximumf %max3A_1500, %gather3A_1503 : vector<16xf32>
      %broadcast_in_dim3A_1507 = arith.constant 253 : i32
      %broadcast_in_dim3A_1508 = vector.broadcast %broadcast_in_dim3A_1507 : i32 to vector<16xi32>
      %gather3A_1509 = tpu.vector_load_idx %arg5[%iota3A, %broadcast_in_dim3A_1508] : memref<16x256xf32, #tpu.memory_space<vmem>>[vector<16xi32>, vector<16xi32>], vector<16xf32>,
      %min3A_1510 = arith.minimumf %max3A_1506, %gather3A_1509 : vector<16xf32>
      %max3A_1511 = arith.maximumf %max3A_1505, %min3A_1510 : vector<16xf32>
      %max3A_1512 = arith.maximumf %max3A_1506, %gather3A_1509 : vector<16xf32>
      %broadcast_in_dim3A_1513 = arith.constant 254 : i32
      %broadcast_in_dim3A_1514 = vector.broadcast %broadcast_in_dim3A_1513 : i32 to vector<16xi32>
      %gather3A_1515 = tpu.vector_load_idx %arg5[%iota3A, %broadcast_in_dim3A_1514] : memref<16x256xf32, #tpu.memory_space<vmem>>[vector<16xi32>, vector<16xi32>], vector<16xf32>,
      %min3A_1516 = arith.minimumf %max3A_1512, %gather3A_1515 : vector<16xf32>
      %max3A_1517 = arith.maximumf %max3A_1511, %min3A_1516 : vector<16xf32>
      %max3A_1518 = arith.maximumf %max3A_1512, %gather3A_1515 : vector<16xf32>
      %broadcast_in_dim3A_1519 = arith.constant 255 : i32
      %broadcast_in_dim3A_1520 = vector.broadcast %broadcast_in_dim3A_1519 : i32 to vector<16xi32>
      %gather3A_1521 = tpu.vector_load_idx %arg5[%iota3A, %broadcast_in_dim3A_1520] : memref<16x256xf32, #tpu.memory_space<vmem>>[vector<16xi32>, vector<16xi32>], vector<16xf32>,
      %min3A_1522 = arith.minimumf %max3A_1518, %gather3A_1521 : vector<16xf32>
      %max3A_1523 = arith.maximumf %max3A_1517, %min3A_1522 : vector<16xf32>
      %max3A_1524 = arith.maximumf %max3A_1518, %gather3A_1521 : vector<16xf32>
      %add3A_1525 = arith.addf %max3A_1524, %max3A_1523 : vector<16xf32>
      %broadcast_in_dim3A_1526 = arith.constant 0 : i32
      %broadcast_in_dim3A_1527 = vector.broadcast %broadcast_in_dim3A_1526 : i32 to vector<16xi32>
      %broadcast_in_dim3A_1528 = arith.constant 0 : i32
      %broadcast_in_dim3A_1529 = vector.broadcast %broadcast_in_dim3A_1528 : i32 to vector<16xi32>
      %broadcast_in_dim3A_1530 = arith.constant 0 : i32
      %broadcast_in_dim3A_1531 = vector.broadcast %broadcast_in_dim3A_1530 : i32 to vector<16xi32>
      %broadcast_in_dim3A_1532 = arith.constant 0 : i32
      %broadcast_in_dim3A_1533 = vector.broadcast %broadcast_in_dim3A_1532 : i32 to vector<16xi32>
      %broadcast_in_dim3A_1534 = arith.constant 0 : i32
      %broadcast_in_dim3A_1535 = vector.broadcast %broadcast_in_dim3A_1534 : i32 to vector<16xi32>
      %broadcast_in_dim3A_1536 = arith.constant 0 : i32
      %broadcast_in_dim3A_1537 = vector.broadcast %broadcast_in_dim3A_1536 : i32 to vector<16xi32>
      %broadcast_in_dim3A_1538 = arith.constant 0 : i32
      %broadcast_in_dim3A_1539 = vector.broadcast %broadcast_in_dim3A_1538 : i32 to vector<16xi32>
      %broadcast_in_dim3A_1540 = arith.constant 0 : i32
      %broadcast_in_dim3A_1541 = vector.broadcast %broadcast_in_dim3A_1540 : i32 to vector<16xi32>
      %broadcast_in_dim3A_1542 = arith.constant 1 : i32
      %broadcast_in_dim3A_1543 = vector.broadcast %broadcast_in_dim3A_1542 : i32 to vector<16xi32>
      %gt3A = arith.cmpf ogt, %add3A_202, %add3A_391 : vector<16xf32>
      %convert_element_type3A = arith.extui %gt3A : vector<16xi1> to vector<16xi32>
      %eq3A = arith.cmpf oeq, %add3A_202, %add3A_391 : vector<16xf32>
      %convert_element_type3A_1544 = arith.extui %eq3A : vector<16xi1> to vector<16xi32>
      %add3A_1545 = arith.addi %convert_element_type3A, %convert_element_type3A_1544 : vector<16xi32>
      %add3A_1546 = arith.addi %broadcast_in_dim3A_1529, %add3A_1545 : vector<16xi32>
      %sub3A = arith.subi %broadcast_in_dim3A_1543, %add3A_1545 : vector<16xi32>
      %add3A_1547 = arith.addi %broadcast_in_dim3A_1527, %sub3A : vector<16xi32>
      %gt3A_1548 = arith.cmpf ogt, %add3A_202, %add3A_580 : vector<16xf32>
      %convert_element_type3A_1549 = arith.extui %gt3A_1548 : vector<16xi1> to vector<16xi32>
      %eq3A_1550 = arith.cmpf oeq, %add3A_202, %add3A_580 : vector<16xf32>
      %convert_element_type3A_1551 = arith.extui %eq3A_1550 : vector<16xi1> to vector<16xi32>
      %add3A_1552 = arith.addi %convert_element_type3A_1549, %convert_element_type3A_1551 : vector<16xi32>
      %add3A_1553 = arith.addi %broadcast_in_dim3A_1531, %add3A_1552 : vector<16xi32>
      %sub3A_1554 = arith.subi %broadcast_in_dim3A_1543, %add3A_1552 : vector<16xi32>
      %add3A_1555 = arith.addi %add3A_1547, %sub3A_1554 : vector<16xi32>
      %gt3A_1556 = arith.cmpf ogt, %add3A_391, %add3A_580 : vector<16xf32>
      %convert_element_type3A_1557 = arith.extui %gt3A_1556 : vector<16xi1> to vector<16xi32>
      %eq3A_1558 = arith.cmpf oeq, %add3A_391, %add3A_580 : vector<16xf32>
      %convert_element_type3A_1559 = arith.extui %eq3A_1558 : vector<16xi1> to vector<16xi32>
      %add3A_1560 = arith.addi %convert_element_type3A_1557, %convert_element_type3A_1559 : vector<16xi32>
      %add3A_1561 = arith.addi %add3A_1553, %add3A_1560 : vector<16xi32>
      %sub3A_1562 = arith.subi %broadcast_in_dim3A_1543, %add3A_1560 : vector<16xi32>
      %add3A_1563 = arith.addi %add3A_1546, %sub3A_1562 : vector<16xi32>
      %gt3A_1564 = arith.cmpf ogt, %add3A_202, %add3A_769 : vector<16xf32>
      %convert_element_type3A_1565 = arith.extui %gt3A_1564 : vector<16xi1> to vector<16xi32>
      %eq3A_1566 = arith.cmpf oeq, %add3A_202, %add3A_769 : vector<16xf32>
      %convert_element_type3A_1567 = arith.extui %eq3A_1566 : vector<16xi1> to vector<16xi32>
      %add3A_1568 = arith.addi %convert_element_type3A_1565, %convert_element_type3A_1567 : vector<16xi32>
      %add3A_1569 = arith.addi %broadcast_in_dim3A_1533, %add3A_1568 : vector<16xi32>
      %sub3A_1570 = arith.subi %broadcast_in_dim3A_1543, %add3A_1568 : vector<16xi32>
      %add3A_1571 = arith.addi %add3A_1555, %sub3A_1570 : vector<16xi32>
      %gt3A_1572 = arith.cmpf ogt, %add3A_391, %add3A_769 : vector<16xf32>
      %convert_element_type3A_1573 = arith.extui %gt3A_1572 : vector<16xi1> to vector<16xi32>
      %eq3A_1574 = arith.cmpf oeq, %add3A_391, %add3A_769 : vector<16xf32>
      %convert_element_type3A_1575 = arith.extui %eq3A_1574 : vector<16xi1> to vector<16xi32>
      %add3A_1576 = arith.addi %convert_element_type3A_1573, %convert_element_type3A_1575 : vector<16xi32>
      %add3A_1577 = arith.addi %add3A_1569, %add3A_1576 : vector<16xi32>
      %sub3A_1578 = arith.subi %broadcast_in_dim3A_1543, %add3A_1576 : vector<16xi32>
      %add3A_1579 = arith.addi %add3A_1563, %sub3A_1578 : vector<16xi32>
      %gt3A_1580 = arith.cmpf ogt, %add3A_580, %add3A_769 : vector<16xf32>
      %convert_element_type3A_1581 = arith.extui %gt3A_1580 : vector<16xi1> to vector<16xi32>
      %eq3A_1582 = arith.cmpf oeq, %add3A_580, %add3A_769 : vector<16xf32>
      %convert_element_type3A_1583 = arith.extui %eq3A_1582 : vector<16xi1> to vector<16xi32>
      %add3A_1584 = arith.addi %convert_element_type3A_1581, %convert_element_type3A_1583 : vector<16xi32>
      %add3A_1585 = arith.addi %add3A_1577, %add3A_1584 : vector<16xi32>
      %sub3A_1586 = arith.subi %broadcast_in_dim3A_1543, %add3A_1584 : vector<16xi32>
      %add3A_1587 = arith.addi %add3A_1561, %sub3A_1586 : vector<16xi32>
      %gt3A_1588 = arith.cmpf ogt, %add3A_202, %add3A_958 : vector<16xf32>
      %convert_element_type3A_1589 = arith.extui %gt3A_1588 : vector<16xi1> to vector<16xi32>
      %eq3A_1590 = arith.cmpf oeq, %add3A_202, %add3A_958 : vector<16xf32>
      %convert_element_type3A_1591 = arith.extui %eq3A_1590 : vector<16xi1> to vector<16xi32>
      %add3A_1592 = arith.addi %convert_element_type3A_1589, %convert_element_type3A_1591 : vector<16xi32>
      %add3A_1593 = arith.addi %broadcast_in_dim3A_1535, %add3A_1592 : vector<16xi32>
      %sub3A_1594 = arith.subi %broadcast_in_dim3A_1543, %add3A_1592 : vector<16xi32>
      %add3A_1595 = arith.addi %add3A_1571, %sub3A_1594 : vector<16xi32>
      %gt3A_1596 = arith.cmpf ogt, %add3A_391, %add3A_958 : vector<16xf32>
      %convert_element_type3A_1597 = arith.extui %gt3A_1596 : vector<16xi1> to vector<16xi32>
      %eq3A_1598 = arith.cmpf oeq, %add3A_391, %add3A_958 : vector<16xf32>
      %convert_element_type3A_1599 = arith.extui %eq3A_1598 : vector<16xi1> to vector<16xi32>
      %add3A_1600 = arith.addi %convert_element_type3A_1597, %convert_element_type3A_1599 : vector<16xi32>
      %add3A_1601 = arith.addi %add3A_1593, %add3A_1600 : vector<16xi32>
      %sub3A_1602 = arith.subi %broadcast_in_dim3A_1543, %add3A_1600 : vector<16xi32>
      %add3A_1603 = arith.addi %add3A_1579, %sub3A_1602 : vector<16xi32>
      %gt3A_1604 = arith.cmpf ogt, %add3A_580, %add3A_958 : vector<16xf32>
      %convert_element_type3A_1605 = arith.extui %gt3A_1604 : vector<16xi1> to vector<16xi32>
      %eq3A_1606 = arith.cmpf oeq, %add3A_580, %add3A_958 : vector<16xf32>
      %convert_element_type3A_1607 = arith.extui %eq3A_1606 : vector<16xi1> to vector<16xi32>
      %add3A_1608 = arith.addi %convert_element_type3A_1605, %convert_element_type3A_1607 : vector<16xi32>
      %add3A_1609 = arith.addi %add3A_1601, %add3A_1608 : vector<16xi32>
      %sub3A_1610 = arith.subi %broadcast_in_dim3A_1543, %add3A_1608 : vector<16xi32>
      %add3A_1611 = arith.addi %add3A_1587, %sub3A_1610 : vector<16xi32>
      %gt3A_1612 = arith.cmpf ogt, %add3A_769, %add3A_958 : vector<16xf32>
      %convert_element_type3A_1613 = arith.extui %gt3A_1612 : vector<16xi1> to vector<16xi32>
      %eq3A_1614 = arith.cmpf oeq, %add3A_769, %add3A_958 : vector<16xf32>
      %convert_element_type3A_1615 = arith.extui %eq3A_1614 : vector<16xi1> to vector<16xi32>
      %add3A_1616 = arith.addi %convert_element_type3A_1613, %convert_element_type3A_1615 : vector<16xi32>
      %add3A_1617 = arith.addi %add3A_1609, %add3A_1616 : vector<16xi32>
      %sub3A_1618 = arith.subi %broadcast_in_dim3A_1543, %add3A_1616 : vector<16xi32>
      %add3A_1619 = arith.addi %add3A_1585, %sub3A_1618 : vector<16xi32>
      %gt3A_1620 = arith.cmpf ogt, %add3A_202, %add3A_1147 : vector<16xf32>
      %convert_element_type3A_1621 = arith.extui %gt3A_1620 : vector<16xi1> to vector<16xi32>
      %eq3A_1622 = arith.cmpf oeq, %add3A_202, %add3A_1147 : vector<16xf32>
      %convert_element_type3A_1623 = arith.extui %eq3A_1622 : vector<16xi1> to vector<16xi32>
      %add3A_1624 = arith.addi %convert_element_type3A_1621, %convert_element_type3A_1623 : vector<16xi32>
      %add3A_1625 = arith.addi %broadcast_in_dim3A_1537, %add3A_1624 : vector<16xi32>
      %sub3A_1626 = arith.subi %broadcast_in_dim3A_1543, %add3A_1624 : vector<16xi32>
      %add3A_1627 = arith.addi %add3A_1595, %sub3A_1626 : vector<16xi32>
      %gt3A_1628 = arith.cmpf ogt, %add3A_391, %add3A_1147 : vector<16xf32>
      %convert_element_type3A_1629 = arith.extui %gt3A_1628 : vector<16xi1> to vector<16xi32>
      %eq3A_1630 = arith.cmpf oeq, %add3A_391, %add3A_1147 : vector<16xf32>
      %convert_element_type3A_1631 = arith.extui %eq3A_1630 : vector<16xi1> to vector<16xi32>
      %add3A_1632 = arith.addi %convert_element_type3A_1629, %convert_element_type3A_1631 : vector<16xi32>
      %add3A_1633 = arith.addi %add3A_1625, %add3A_1632 : vector<16xi32>
      %sub3A_1634 = arith.subi %broadcast_in_dim3A_1543, %add3A_1632 : vector<16xi32>
      %add3A_1635 = arith.addi %add3A_1603, %sub3A_1634 : vector<16xi32>
      %gt3A_1636 = arith.cmpf ogt, %add3A_580, %add3A_1147 : vector<16xf32>
      %convert_element_type3A_1637 = arith.extui %gt3A_1636 : vector<16xi1> to vector<16xi32>
      %eq3A_1638 = arith.cmpf oeq, %add3A_580, %add3A_1147 : vector<16xf32>
      %convert_element_type3A_1639 = arith.extui %eq3A_1638 : vector<16xi1> to vector<16xi32>
      %add3A_1640 = arith.addi %convert_element_type3A_1637, %convert_element_type3A_1639 : vector<16xi32>
      %add3A_1641 = arith.addi %add3A_1633, %add3A_1640 : vector<16xi32>
      %sub3A_1642 = arith.subi %broadcast_in_dim3A_1543, %add3A_1640 : vector<16xi32>
      %add3A_1643 = arith.addi %add3A_1611, %sub3A_1642 : vector<16xi32>
      %gt3A_1644 = arith.cmpf ogt, %add3A_769, %add3A_1147 : vector<16xf32>
      %convert_element_type3A_1645 = arith.extui %gt3A_1644 : vector<16xi1> to vector<16xi32>
      %eq3A_1646 = arith.cmpf oeq, %add3A_769, %add3A_1147 : vector<16xf32>
      %convert_element_type3A_1647 = arith.extui %eq3A_1646 : vector<16xi1> to vector<16xi32>
      %add3A_1648 = arith.addi %convert_element_type3A_1645, %convert_element_type3A_1647 : vector<16xi32>
      %add3A_1649 = arith.addi %add3A_1641, %add3A_1648 : vector<16xi32>
      %sub3A_1650 = arith.subi %broadcast_in_dim3A_1543, %add3A_1648 : vector<16xi32>
      %add3A_1651 = arith.addi %add3A_1619, %sub3A_1650 : vector<16xi32>
      %gt3A_1652 = arith.cmpf ogt, %add3A_958, %add3A_1147 : vector<16xf32>
      %convert_element_type3A_1653 = arith.extui %gt3A_1652 : vector<16xi1> to vector<16xi32>
      %eq3A_1654 = arith.cmpf oeq, %add3A_958, %add3A_1147 : vector<16xf32>
      %convert_element_type3A_1655 = arith.extui %eq3A_1654 : vector<16xi1> to vector<16xi32>
      %add3A_1656 = arith.addi %convert_element_type3A_1653, %convert_element_type3A_1655 : vector<16xi32>
      %add3A_1657 = arith.addi %add3A_1649, %add3A_1656 : vector<16xi32>
      %sub3A_1658 = arith.subi %broadcast_in_dim3A_1543, %add3A_1656 : vector<16xi32>
      %add3A_1659 = arith.addi %add3A_1617, %sub3A_1658 : vector<16xi32>
      %gt3A_1660 = arith.cmpf ogt, %add3A_202, %add3A_1336 : vector<16xf32>
      %convert_element_type3A_1661 = arith.extui %gt3A_1660 : vector<16xi1> to vector<16xi32>
      %eq3A_1662 = arith.cmpf oeq, %add3A_202, %add3A_1336 : vector<16xf32>
      %convert_element_type3A_1663 = arith.extui %eq3A_1662 : vector<16xi1> to vector<16xi32>
      %add3A_1664 = arith.addi %convert_element_type3A_1661, %convert_element_type3A_1663 : vector<16xi32>
      %add3A_1665 = arith.addi %broadcast_in_dim3A_1539, %add3A_1664 : vector<16xi32>
      %sub3A_1666 = arith.subi %broadcast_in_dim3A_1543, %add3A_1664 : vector<16xi32>
      %add3A_1667 = arith.addi %add3A_1627, %sub3A_1666 : vector<16xi32>
      %gt3A_1668 = arith.cmpf ogt, %add3A_391, %add3A_1336 : vector<16xf32>
      %convert_element_type3A_1669 = arith.extui %gt3A_1668 : vector<16xi1> to vector<16xi32>
      %eq3A_1670 = arith.cmpf oeq, %add3A_391, %add3A_1336 : vector<16xf32>
      %convert_element_type3A_1671 = arith.extui %eq3A_1670 : vector<16xi1> to vector<16xi32>
      %add3A_1672 = arith.addi %convert_element_type3A_1669, %convert_element_type3A_1671 : vector<16xi32>
      %add3A_1673 = arith.addi %add3A_1665, %add3A_1672 : vector<16xi32>
      %sub3A_1674 = arith.subi %broadcast_in_dim3A_1543, %add3A_1672 : vector<16xi32>
      %add3A_1675 = arith.addi %add3A_1635, %sub3A_1674 : vector<16xi32>
      %gt3A_1676 = arith.cmpf ogt, %add3A_580, %add3A_1336 : vector<16xf32>
      %convert_element_type3A_1677 = arith.extui %gt3A_1676 : vector<16xi1> to vector<16xi32>
      %eq3A_1678 = arith.cmpf oeq, %add3A_580, %add3A_1336 : vector<16xf32>
      %convert_element_type3A_1679 = arith.extui %eq3A_1678 : vector<16xi1> to vector<16xi32>
      %add3A_1680 = arith.addi %convert_element_type3A_1677, %convert_element_type3A_1679 : vector<16xi32>
      %add3A_1681 = arith.addi %add3A_1673, %add3A_1680 : vector<16xi32>
      %sub3A_1682 = arith.subi %broadcast_in_dim3A_1543, %add3A_1680 : vector<16xi32>
      %add3A_1683 = arith.addi %add3A_1643, %sub3A_1682 : vector<16xi32>
      %gt3A_1684 = arith.cmpf ogt, %add3A_769, %add3A_1336 : vector<16xf32>
      %convert_element_type3A_1685 = arith.extui %gt3A_1684 : vector<16xi1> to vector<16xi32>
      %eq3A_1686 = arith.cmpf oeq, %add3A_769, %add3A_1336 : vector<16xf32>
      %convert_element_type3A_1687 = arith.extui %eq3A_1686 : vector<16xi1> to vector<16xi32>
      %add3A_1688 = arith.addi %convert_element_type3A_1685, %convert_element_type3A_1687 : vector<16xi32>
      %add3A_1689 = arith.addi %add3A_1681, %add3A_1688 : vector<16xi32>
      %sub3A_1690 = arith.subi %broadcast_in_dim3A_1543, %add3A_1688 : vector<16xi32>
      %add3A_1691 = arith.addi %add3A_1651, %sub3A_1690 : vector<16xi32>
      %gt3A_1692 = arith.cmpf ogt, %add3A_958, %add3A_1336 : vector<16xf32>
      %convert_element_type3A_1693 = arith.extui %gt3A_1692 : vector<16xi1> to vector<16xi32>
      %eq3A_1694 = arith.cmpf oeq, %add3A_958, %add3A_1336 : vector<16xf32>
      %convert_element_type3A_1695 = arith.extui %eq3A_1694 : vector<16xi1> to vector<16xi32>
      %add3A_1696 = arith.addi %convert_element_type3A_1693, %convert_element_type3A_1695 : vector<16xi32>
      %add3A_1697 = arith.addi %add3A_1689, %add3A_1696 : vector<16xi32>
      %sub3A_1698 = arith.subi %broadcast_in_dim3A_1543, %add3A_1696 : vector<16xi32>
      %add3A_1699 = arith.addi %add3A_1659, %sub3A_1698 : vector<16xi32>
      %gt3A_1700 = arith.cmpf ogt, %add3A_1147, %add3A_1336 : vector<16xf32>
      %convert_element_type3A_1701 = arith.extui %gt3A_1700 : vector<16xi1> to vector<16xi32>
      %eq3A_1702 = arith.cmpf oeq, %add3A_1147, %add3A_1336 : vector<16xf32>
      %convert_element_type3A_1703 = arith.extui %eq3A_1702 : vector<16xi1> to vector<16xi32>
      %add3A_1704 = arith.addi %convert_element_type3A_1701, %convert_element_type3A_1703 : vector<16xi32>
      %add3A_1705 = arith.addi %add3A_1697, %add3A_1704 : vector<16xi32>
      %sub3A_1706 = arith.subi %broadcast_in_dim3A_1543, %add3A_1704 : vector<16xi32>
      %add3A_1707 = arith.addi %add3A_1657, %sub3A_1706 : vector<16xi32>
      %gt3A_1708 = arith.cmpf ogt, %add3A_202, %add3A_1525 : vector<16xf32>
      %convert_element_type3A_1709 = arith.extui %gt3A_1708 : vector<16xi1> to vector<16xi32>
      %eq3A_1710 = arith.cmpf oeq, %add3A_202, %add3A_1525 : vector<16xf32>
      %convert_element_type3A_1711 = arith.extui %eq3A_1710 : vector<16xi1> to vector<16xi32>
      %add3A_1712 = arith.addi %convert_element_type3A_1709, %convert_element_type3A_1711 : vector<16xi32>
      %add3A_1713 = arith.addi %broadcast_in_dim3A_1541, %add3A_1712 : vector<16xi32>
      %sub3A_1714 = arith.subi %broadcast_in_dim3A_1543, %add3A_1712 : vector<16xi32>
      %add3A_1715 = arith.addi %add3A_1667, %sub3A_1714 : vector<16xi32>
      %gt3A_1716 = arith.cmpf ogt, %add3A_391, %add3A_1525 : vector<16xf32>
      %convert_element_type3A_1717 = arith.extui %gt3A_1716 : vector<16xi1> to vector<16xi32>
      %eq3A_1718 = arith.cmpf oeq, %add3A_391, %add3A_1525 : vector<16xf32>
      %convert_element_type3A_1719 = arith.extui %eq3A_1718 : vector<16xi1> to vector<16xi32>
      %add3A_1720 = arith.addi %convert_element_type3A_1717, %convert_element_type3A_1719 : vector<16xi32>
      %add3A_1721 = arith.addi %add3A_1713, %add3A_1720 : vector<16xi32>
      %sub3A_1722 = arith.subi %broadcast_in_dim3A_1543, %add3A_1720 : vector<16xi32>
      %add3A_1723 = arith.addi %add3A_1675, %sub3A_1722 : vector<16xi32>
      %gt3A_1724 = arith.cmpf ogt, %add3A_580, %add3A_1525 : vector<16xf32>
      %convert_element_type3A_1725 = arith.extui %gt3A_1724 : vector<16xi1> to vector<16xi32>
      %eq3A_1726 = arith.cmpf oeq, %add3A_580, %add3A_1525 : vector<16xf32>
      %convert_element_type3A_1727 = arith.extui %eq3A_1726 : vector<16xi1> to vector<16xi32>
      %add3A_1728 = arith.addi %convert_element_type3A_1725, %convert_element_type3A_1727 : vector<16xi32>
      %add3A_1729 = arith.addi %add3A_1721, %add3A_1728 : vector<16xi32>
      %sub3A_1730 = arith.subi %broadcast_in_dim3A_1543, %add3A_1728 : vector<16xi32>
      %add3A_1731 = arith.addi %add3A_1683, %sub3A_1730 : vector<16xi32>
      %gt3A_1732 = arith.cmpf ogt, %add3A_769, %add3A_1525 : vector<16xf32>
      %convert_element_type3A_1733 = arith.extui %gt3A_1732 : vector<16xi1> to vector<16xi32>
      %eq3A_1734 = arith.cmpf oeq, %add3A_769, %add3A_1525 : vector<16xf32>
      %convert_element_type3A_1735 = arith.extui %eq3A_1734 : vector<16xi1> to vector<16xi32>
      %add3A_1736 = arith.addi %convert_element_type3A_1733, %convert_element_type3A_1735 : vector<16xi32>
      %add3A_1737 = arith.addi %add3A_1729, %add3A_1736 : vector<16xi32>
      %sub3A_1738 = arith.subi %broadcast_in_dim3A_1543, %add3A_1736 : vector<16xi32>
      %add3A_1739 = arith.addi %add3A_1691, %sub3A_1738 : vector<16xi32>
      %gt3A_1740 = arith.cmpf ogt, %add3A_958, %add3A_1525 : vector<16xf32>
      %convert_element_type3A_1741 = arith.extui %gt3A_1740 : vector<16xi1> to vector<16xi32>
      %eq3A_1742 = arith.cmpf oeq, %add3A_958, %add3A_1525 : vector<16xf32>
      %convert_element_type3A_1743 = arith.extui %eq3A_1742 : vector<16xi1> to vector<16xi32>
      %add3A_1744 = arith.addi %convert_element_type3A_1741, %convert_element_type3A_1743 : vector<16xi32>
      %add3A_1745 = arith.addi %add3A_1737, %add3A_1744 : vector<16xi32>
      %sub3A_1746 = arith.subi %broadcast_in_dim3A_1543, %add3A_1744 : vector<16xi32>
      %add3A_1747 = arith.addi %add3A_1699, %sub3A_1746 : vector<16xi32>
      %gt3A_1748 = arith.cmpf ogt, %add3A_1147, %add3A_1525 : vector<16xf32>
      %convert_element_type3A_1749 = arith.extui %gt3A_1748 : vector<16xi1> to vector<16xi32>
      %eq3A_1750 = arith.cmpf oeq, %add3A_1147, %add3A_1525 : vector<16xf32>
      %convert_element_type3A_1751 = arith.extui %eq3A_1750 : vector<16xi1> to vector<16xi32>
      %add3A_1752 = arith.addi %convert_element_type3A_1749, %convert_element_type3A_1751 : vector<16xi32>
      %add3A_1753 = arith.addi %add3A_1745, %add3A_1752 : vector<16xi32>
      %sub3A_1754 = arith.subi %broadcast_in_dim3A_1543, %add3A_1752 : vector<16xi32>
      %add3A_1755 = arith.addi %add3A_1707, %sub3A_1754 : vector<16xi32>
      %gt3A_1756 = arith.cmpf ogt, %add3A_1336, %add3A_1525 : vector<16xf32>
      %convert_element_type3A_1757 = arith.extui %gt3A_1756 : vector<16xi1> to vector<16xi32>
      %eq3A_1758 = arith.cmpf oeq, %add3A_1336, %add3A_1525 : vector<16xf32>
      %convert_element_type3A_1759 = arith.extui %eq3A_1758 : vector<16xi1> to vector<16xi32>
      %add3A_1760 = arith.addi %convert_element_type3A_1757, %convert_element_type3A_1759 : vector<16xi32>
      %add3A_1761 = arith.addi %add3A_1753, %add3A_1760 : vector<16xi32>
      %sub3A_1762 = arith.subi %broadcast_in_dim3A_1543, %add3A_1760 : vector<16xi32>
      %add3A_1763 = arith.addi %add3A_1705, %sub3A_1762 : vector<16xi32>
      %lt3A = arith.constant 4 : i32
      %lt3A_1764 = vector.broadcast %lt3A : i32 to vector<16xi32>
      %lt3A_1765 = arith.cmpi slt, %add3A_1715, %lt3A_1764 : vector<16xi32>
      %not3A = arith.constant dense<true> : vector<16xi1>
      %not3A_1766 = arith.xori %lt3A_1765, %not3A : vector<16xi1>
      %broadcast_in_dim3A_1767 = arith.constant 0 : i32
      %broadcast_in_dim3A_1768 = vector.broadcast %broadcast_in_dim3A_1767 : i32 to vector<16xi32>
      %select_n3A = arith.select %lt3A_1765, %broadcast_in_dim3A_5, %broadcast_in_dim3A_7 : vector<16xi1>, vector<16xf32>
      tpu.vector_store_idx %arg6[%iota3A, %broadcast_in_dim3A_1768], %select_n3A : memref<16x8xf32, #tpu.memory_space<vmem>>[vector<16xi32>, vector<16xi32>], vector<16xf32>,
      %broadcast_in_dim3A_1769 = arith.constant 0 : i32
      %broadcast_in_dim3A_1770 = vector.broadcast %broadcast_in_dim3A_1769 : i32 to vector<16xi32>
      tpu.vector_store_idx %arg5[%iota3A, %broadcast_in_dim3A_1770], %broadcast_in_dim3A_3 masked %not3A_1766 : memref<16x256xf32, #tpu.memory_space<vmem>>[vector<16xi32>, vector<16xi32>], vector<16xf32>, vector<16xi1>
      %broadcast_in_dim3A_1771 = arith.constant 1 : i32
      %broadcast_in_dim3A_1772 = vector.broadcast %broadcast_in_dim3A_1771 : i32 to vector<16xi32>
      tpu.vector_store_idx %arg5[%iota3A, %broadcast_in_dim3A_1772], %broadcast_in_dim3A_3 masked %not3A_1766 : memref<16x256xf32, #tpu.memory_space<vmem>>[vector<16xi32>, vector<16xi32>], vector<16xf32>, vector<16xi1>
      %broadcast_in_dim3A_1773 = arith.constant 2 : i32
      %broadcast_in_dim3A_1774 = vector.broadcast %broadcast_in_dim3A_1773 : i32 to vector<16xi32>
      tpu.vector_store_idx %arg5[%iota3A, %broadcast_in_dim3A_1774], %broadcast_in_dim3A_3 masked %not3A_1766 : memref<16x256xf32, #tpu.memory_space<vmem>>[vector<16xi32>, vector<16xi32>], vector<16xf32>, vector<16xi1>
      %broadcast_in_dim3A_1775 = arith.constant 3 : i32
      %broadcast_in_dim3A_1776 = vector.broadcast %broadcast_in_dim3A_1775 : i32 to vector<16xi32>
      tpu.vector_store_idx %arg5[%iota3A, %broadcast_in_dim3A_1776], %broadcast_in_dim3A_3 masked %not3A_1766 : memref<16x256xf32, #tpu.memory_space<vmem>>[vector<16xi32>, vector<16xi32>], vector<16xf32>, vector<16xi1>
      %broadcast_in_dim3A_1777 = arith.constant 4 : i32
      %broadcast_in_dim3A_1778 = vector.broadcast %broadcast_in_dim3A_1777 : i32 to vector<16xi32>
      tpu.vector_store_idx %arg5[%iota3A, %broadcast_in_dim3A_1778], %broadcast_in_dim3A_3 masked %not3A_1766 : memref<16x256xf32, #tpu.memory_space<vmem>>[vector<16xi32>, vector<16xi32>], vector<16xf32>, vector<16xi1>
      %broadcast_in_dim3A_1779 = arith.constant 5 : i32
      %broadcast_in_dim3A_1780 = vector.broadcast %broadcast_in_dim3A_1779 : i32 to vector<16xi32>
      tpu.vector_store_idx %arg5[%iota3A, %broadcast_in_dim3A_1780], %broadcast_in_dim3A_3 masked %not3A_1766 : memref<16x256xf32, #tpu.memory_space<vmem>>[vector<16xi32>, vector<16xi32>], vector<16xf32>, vector<16xi1>
      %broadcast_in_dim3A_1781 = arith.constant 6 : i32
      %broadcast_in_dim3A_1782 = vector.broadcast %broadcast_in_dim3A_1781 : i32 to vector<16xi32>
      tpu.vector_store_idx %arg5[%iota3A, %broadcast_in_dim3A_1782], %broadcast_in_dim3A_3 masked %not3A_1766 : memref<16x256xf32, #tpu.memory_space<vmem>>[vector<16xi32>, vector<16xi32>], vector<16xf32>, vector<16xi1>
      %broadcast_in_dim3A_1783 = arith.constant 7 : i32
      %broadcast_in_dim3A_1784 = vector.broadcast %broadcast_in_dim3A_1783 : i32 to vector<16xi32>
      tpu.vector_store_idx %arg5[%iota3A, %broadcast_in_dim3A_1784], %broadcast_in_dim3A_3 masked %not3A_1766 : memref<16x256xf32, #tpu.memory_space<vmem>>[vector<16xi32>, vector<16xi32>], vector<16xf32>, vector<16xi1>
      %broadcast_in_dim3A_1785 = arith.constant 8 : i32
      %broadcast_in_dim3A_1786 = vector.broadcast %broadcast_in_dim3A_1785 : i32 to vector<16xi32>
      tpu.vector_store_idx %arg5[%iota3A, %broadcast_in_dim3A_1786], %broadcast_in_dim3A_3 masked %not3A_1766 : memref<16x256xf32, #tpu.memory_space<vmem>>[vector<16xi32>, vector<16xi32>], vector<16xf32>, vector<16xi1>
      %broadcast_in_dim3A_1787 = arith.constant 9 : i32
      %broadcast_in_dim3A_1788 = vector.broadcast %broadcast_in_dim3A_1787 : i32 to vector<16xi32>
      tpu.vector_store_idx %arg5[%iota3A, %broadcast_in_dim3A_1788], %broadcast_in_dim3A_3 masked %not3A_1766 : memref<16x256xf32, #tpu.memory_space<vmem>>[vector<16xi32>, vector<16xi32>], vector<16xf32>, vector<16xi1>
      %broadcast_in_dim3A_1789 = arith.constant 10 : i32
      %broadcast_in_dim3A_1790 = vector.broadcast %broadcast_in_dim3A_1789 : i32 to vector<16xi32>
      tpu.vector_store_idx %arg5[%iota3A, %broadcast_in_dim3A_1790], %broadcast_in_dim3A_3 masked %not3A_1766 : memref<16x256xf32, #tpu.memory_space<vmem>>[vector<16xi32>, vector<16xi32>], vector<16xf32>, vector<16xi1>
      %broadcast_in_dim3A_1791 = arith.constant 11 : i32
      %broadcast_in_dim3A_1792 = vector.broadcast %broadcast_in_dim3A_1791 : i32 to vector<16xi32>
      tpu.vector_store_idx %arg5[%iota3A, %broadcast_in_dim3A_1792], %broadcast_in_dim3A_3 masked %not3A_1766 : memref<16x256xf32, #tpu.memory_space<vmem>>[vector<16xi32>, vector<16xi32>], vector<16xf32>, vector<16xi1>
      %broadcast_in_dim3A_1793 = arith.constant 12 : i32
      %broadcast_in_dim3A_1794 = vector.broadcast %broadcast_in_dim3A_1793 : i32 to vector<16xi32>
      tpu.vector_store_idx %arg5[%iota3A, %broadcast_in_dim3A_1794], %broadcast_in_dim3A_3 masked %not3A_1766 : memref<16x256xf32, #tpu.memory_space<vmem>>[vector<16xi32>, vector<16xi32>], vector<16xf32>, vector<16xi1>
      %broadcast_in_dim3A_1795 = arith.constant 13 : i32
      %broadcast_in_dim3A_1796 = vector.broadcast %broadcast_in_dim3A_1795 : i32 to vector<16xi32>
      tpu.vector_store_idx %arg5[%iota3A, %broadcast_in_dim3A_1796], %broadcast_in_dim3A_3 masked %not3A_1766 : memref<16x256xf32, #tpu.memory_space<vmem>>[vector<16xi32>, vector<16xi32>], vector<16xf32>, vector<16xi1>
      %broadcast_in_dim3A_1797 = arith.constant 14 : i32
      %broadcast_in_dim3A_1798 = vector.broadcast %broadcast_in_dim3A_1797 : i32 to vector<16xi32>
      tpu.vector_store_idx %arg5[%iota3A, %broadcast_in_dim3A_1798], %broadcast_in_dim3A_3 masked %not3A_1766 : memref<16x256xf32, #tpu.memory_space<vmem>>[vector<16xi32>, vector<16xi32>], vector<16xf32>, vector<16xi1>
      %broadcast_in_dim3A_1799 = arith.constant 15 : i32
      %broadcast_in_dim3A_1800 = vector.broadcast %broadcast_in_dim3A_1799 : i32 to vector<16xi32>
      tpu.vector_store_idx %arg5[%iota3A, %broadcast_in_dim3A_1800], %broadcast_in_dim3A_3 masked %not3A_1766 : memref<16x256xf32, #tpu.memory_space<vmem>>[vector<16xi32>, vector<16xi32>], vector<16xf32>, vector<16xi1>
      %broadcast_in_dim3A_1801 = arith.constant 16 : i32
      %broadcast_in_dim3A_1802 = vector.broadcast %broadcast_in_dim3A_1801 : i32 to vector<16xi32>
      tpu.vector_store_idx %arg5[%iota3A, %broadcast_in_dim3A_1802], %broadcast_in_dim3A_3 masked %not3A_1766 : memref<16x256xf32, #tpu.memory_space<vmem>>[vector<16xi32>, vector<16xi32>], vector<16xf32>, vector<16xi1>
      %broadcast_in_dim3A_1803 = arith.constant 17 : i32
      %broadcast_in_dim3A_1804 = vector.broadcast %broadcast_in_dim3A_1803 : i32 to vector<16xi32>
      tpu.vector_store_idx %arg5[%iota3A, %broadcast_in_dim3A_1804], %broadcast_in_dim3A_3 masked %not3A_1766 : memref<16x256xf32, #tpu.memory_space<vmem>>[vector<16xi32>, vector<16xi32>], vector<16xf32>, vector<16xi1>
      %broadcast_in_dim3A_1805 = arith.constant 18 : i32
      %broadcast_in_dim3A_1806 = vector.broadcast %broadcast_in_dim3A_1805 : i32 to vector<16xi32>
      tpu.vector_store_idx %arg5[%iota3A, %broadcast_in_dim3A_1806], %broadcast_in_dim3A_3 masked %not3A_1766 : memref<16x256xf32, #tpu.memory_space<vmem>>[vector<16xi32>, vector<16xi32>], vector<16xf32>, vector<16xi1>
      %broadcast_in_dim3A_1807 = arith.constant 19 : i32
      %broadcast_in_dim3A_1808 = vector.broadcast %broadcast_in_dim3A_1807 : i32 to vector<16xi32>
      tpu.vector_store_idx %arg5[%iota3A, %broadcast_in_dim3A_1808], %broadcast_in_dim3A_3 masked %not3A_1766 : memref<16x256xf32, #tpu.memory_space<vmem>>[vector<16xi32>, vector<16xi32>], vector<16xf32>, vector<16xi1>
      %broadcast_in_dim3A_1809 = arith.constant 20 : i32
      %broadcast_in_dim3A_1810 = vector.broadcast %broadcast_in_dim3A_1809 : i32 to vector<16xi32>
      tpu.vector_store_idx %arg5[%iota3A, %broadcast_in_dim3A_1810], %broadcast_in_dim3A_3 masked %not3A_1766 : memref<16x256xf32, #tpu.memory_space<vmem>>[vector<16xi32>, vector<16xi32>], vector<16xf32>, vector<16xi1>
      %broadcast_in_dim3A_1811 = arith.constant 21 : i32
      %broadcast_in_dim3A_1812 = vector.broadcast %broadcast_in_dim3A_1811 : i32 to vector<16xi32>
      tpu.vector_store_idx %arg5[%iota3A, %broadcast_in_dim3A_1812], %broadcast_in_dim3A_3 masked %not3A_1766 : memref<16x256xf32, #tpu.memory_space<vmem>>[vector<16xi32>, vector<16xi32>], vector<16xf32>, vector<16xi1>
      %broadcast_in_dim3A_1813 = arith.constant 22 : i32
      %broadcast_in_dim3A_1814 = vector.broadcast %broadcast_in_dim3A_1813 : i32 to vector<16xi32>
      tpu.vector_store_idx %arg5[%iota3A, %broadcast_in_dim3A_1814], %broadcast_in_dim3A_3 masked %not3A_1766 : memref<16x256xf32, #tpu.memory_space<vmem>>[vector<16xi32>, vector<16xi32>], vector<16xf32>, vector<16xi1>
      %broadcast_in_dim3A_1815 = arith.constant 23 : i32
      %broadcast_in_dim3A_1816 = vector.broadcast %broadcast_in_dim3A_1815 : i32 to vector<16xi32>
      tpu.vector_store_idx %arg5[%iota3A, %broadcast_in_dim3A_1816], %broadcast_in_dim3A_3 masked %not3A_1766 : memref<16x256xf32, #tpu.memory_space<vmem>>[vector<16xi32>, vector<16xi32>], vector<16xf32>, vector<16xi1>
      %broadcast_in_dim3A_1817 = arith.constant 24 : i32
      %broadcast_in_dim3A_1818 = vector.broadcast %broadcast_in_dim3A_1817 : i32 to vector<16xi32>
      tpu.vector_store_idx %arg5[%iota3A, %broadcast_in_dim3A_1818], %broadcast_in_dim3A_3 masked %not3A_1766 : memref<16x256xf32, #tpu.memory_space<vmem>>[vector<16xi32>, vector<16xi32>], vector<16xf32>, vector<16xi1>
      %broadcast_in_dim3A_1819 = arith.constant 25 : i32
      %broadcast_in_dim3A_1820 = vector.broadcast %broadcast_in_dim3A_1819 : i32 to vector<16xi32>
      tpu.vector_store_idx %arg5[%iota3A, %broadcast_in_dim3A_1820], %broadcast_in_dim3A_3 masked %not3A_1766 : memref<16x256xf32, #tpu.memory_space<vmem>>[vector<16xi32>, vector<16xi32>], vector<16xf32>, vector<16xi1>
      %broadcast_in_dim3A_1821 = arith.constant 26 : i32
      %broadcast_in_dim3A_1822 = vector.broadcast %broadcast_in_dim3A_1821 : i32 to vector<16xi32>
      tpu.vector_store_idx %arg5[%iota3A, %broadcast_in_dim3A_1822], %broadcast_in_dim3A_3 masked %not3A_1766 : memref<16x256xf32, #tpu.memory_space<vmem>>[vector<16xi32>, vector<16xi32>], vector<16xf32>, vector<16xi1>
      %broadcast_in_dim3A_1823 = arith.constant 27 : i32
      %broadcast_in_dim3A_1824 = vector.broadcast %broadcast_in_dim3A_1823 : i32 to vector<16xi32>
      tpu.vector_store_idx %arg5[%iota3A, %broadcast_in_dim3A_1824], %broadcast_in_dim3A_3 masked %not3A_1766 : memref<16x256xf32, #tpu.memory_space<vmem>>[vector<16xi32>, vector<16xi32>], vector<16xf32>, vector<16xi1>
      %broadcast_in_dim3A_1825 = arith.constant 28 : i32
      %broadcast_in_dim3A_1826 = vector.broadcast %broadcast_in_dim3A_1825 : i32 to vector<16xi32>
      tpu.vector_store_idx %arg5[%iota3A, %broadcast_in_dim3A_1826], %broadcast_in_dim3A_3 masked %not3A_1766 : memref<16x256xf32, #tpu.memory_space<vmem>>[vector<16xi32>, vector<16xi32>], vector<16xf32>, vector<16xi1>
      %broadcast_in_dim3A_1827 = arith.constant 29 : i32
      %broadcast_in_dim3A_1828 = vector.broadcast %broadcast_in_dim3A_1827 : i32 to vector<16xi32>
      tpu.vector_store_idx %arg5[%iota3A, %broadcast_in_dim3A_1828], %broadcast_in_dim3A_3 masked %not3A_1766 : memref<16x256xf32, #tpu.memory_space<vmem>>[vector<16xi32>, vector<16xi32>], vector<16xf32>, vector<16xi1>
      %broadcast_in_dim3A_1829 = arith.constant 30 : i32
      %broadcast_in_dim3A_1830 = vector.broadcast %broadcast_in_dim3A_1829 : i32 to vector<16xi32>
      tpu.vector_store_idx %arg5[%iota3A, %broadcast_in_dim3A_1830], %broadcast_in_dim3A_3 masked %not3A_1766 : memref<16x256xf32, #tpu.memory_space<vmem>>[vector<16xi32>, vector<16xi32>], vector<16xf32>, vector<16xi1>
      %broadcast_in_dim3A_1831 = arith.constant 31 : i32
      %broadcast_in_dim3A_1832 = vector.broadcast %broadcast_in_dim3A_1831 : i32 to vector<16xi32>
      tpu.vector_store_idx %arg5[%iota3A, %broadcast_in_dim3A_1832], %broadcast_in_dim3A_3 masked %not3A_1766 : memref<16x256xf32, #tpu.memory_space<vmem>>[vector<16xi32>, vector<16xi32>], vector<16xf32>, vector<16xi1>
      %lt3A_1833 = arith.constant 4 : i32
      %lt3A_1834 = vector.broadcast %lt3A_1833 : i32 to vector<16xi32>
      %lt3A_1835 = arith.cmpi slt, %add3A_1723, %lt3A_1834 : vector<16xi32>
      %not3A_1836 = arith.constant dense<true> : vector<16xi1>
      %not3A_1837 = arith.xori %lt3A_1835, %not3A_1836 : vector<16xi1>
      %broadcast_in_dim3A_1838 = arith.constant 1 : i32
      %broadcast_in_dim3A_1839 = vector.broadcast %broadcast_in_dim3A_1838 : i32 to vector<16xi32>
      %select_n3A_1840 = arith.select %lt3A_1835, %broadcast_in_dim3A_5, %broadcast_in_dim3A_7 : vector<16xi1>, vector<16xf32>
      tpu.vector_store_idx %arg6[%iota3A, %broadcast_in_dim3A_1839], %select_n3A_1840 : memref<16x8xf32, #tpu.memory_space<vmem>>[vector<16xi32>, vector<16xi32>], vector<16xf32>,
      %broadcast_in_dim3A_1841 = arith.constant 32 : i32
      %broadcast_in_dim3A_1842 = vector.broadcast %broadcast_in_dim3A_1841 : i32 to vector<16xi32>
      tpu.vector_store_idx %arg5[%iota3A, %broadcast_in_dim3A_1842], %broadcast_in_dim3A_3 masked %not3A_1837 : memref<16x256xf32, #tpu.memory_space<vmem>>[vector<16xi32>, vector<16xi32>], vector<16xf32>, vector<16xi1>
      %broadcast_in_dim3A_1843 = arith.constant 33 : i32
      %broadcast_in_dim3A_1844 = vector.broadcast %broadcast_in_dim3A_1843 : i32 to vector<16xi32>
      tpu.vector_store_idx %arg5[%iota3A, %broadcast_in_dim3A_1844], %broadcast_in_dim3A_3 masked %not3A_1837 : memref<16x256xf32, #tpu.memory_space<vmem>>[vector<16xi32>, vector<16xi32>], vector<16xf32>, vector<16xi1>
      %broadcast_in_dim3A_1845 = arith.constant 34 : i32
      %broadcast_in_dim3A_1846 = vector.broadcast %broadcast_in_dim3A_1845 : i32 to vector<16xi32>
      tpu.vector_store_idx %arg5[%iota3A, %broadcast_in_dim3A_1846], %broadcast_in_dim3A_3 masked %not3A_1837 : memref<16x256xf32, #tpu.memory_space<vmem>>[vector<16xi32>, vector<16xi32>], vector<16xf32>, vector<16xi1>
      %broadcast_in_dim3A_1847 = arith.constant 35 : i32
      %broadcast_in_dim3A_1848 = vector.broadcast %broadcast_in_dim3A_1847 : i32 to vector<16xi32>
      tpu.vector_store_idx %arg5[%iota3A, %broadcast_in_dim3A_1848], %broadcast_in_dim3A_3 masked %not3A_1837 : memref<16x256xf32, #tpu.memory_space<vmem>>[vector<16xi32>, vector<16xi32>], vector<16xf32>, vector<16xi1>
      %broadcast_in_dim3A_1849 = arith.constant 36 : i32
      %broadcast_in_dim3A_1850 = vector.broadcast %broadcast_in_dim3A_1849 : i32 to vector<16xi32>
      tpu.vector_store_idx %arg5[%iota3A, %broadcast_in_dim3A_1850], %broadcast_in_dim3A_3 masked %not3A_1837 : memref<16x256xf32, #tpu.memory_space<vmem>>[vector<16xi32>, vector<16xi32>], vector<16xf32>, vector<16xi1>
      %broadcast_in_dim3A_1851 = arith.constant 37 : i32
      %broadcast_in_dim3A_1852 = vector.broadcast %broadcast_in_dim3A_1851 : i32 to vector<16xi32>
      tpu.vector_store_idx %arg5[%iota3A, %broadcast_in_dim3A_1852], %broadcast_in_dim3A_3 masked %not3A_1837 : memref<16x256xf32, #tpu.memory_space<vmem>>[vector<16xi32>, vector<16xi32>], vector<16xf32>, vector<16xi1>
      %broadcast_in_dim3A_1853 = arith.constant 38 : i32
      %broadcast_in_dim3A_1854 = vector.broadcast %broadcast_in_dim3A_1853 : i32 to vector<16xi32>
      tpu.vector_store_idx %arg5[%iota3A, %broadcast_in_dim3A_1854], %broadcast_in_dim3A_3 masked %not3A_1837 : memref<16x256xf32, #tpu.memory_space<vmem>>[vector<16xi32>, vector<16xi32>], vector<16xf32>, vector<16xi1>
      %broadcast_in_dim3A_1855 = arith.constant 39 : i32
      %broadcast_in_dim3A_1856 = vector.broadcast %broadcast_in_dim3A_1855 : i32 to vector<16xi32>
      tpu.vector_store_idx %arg5[%iota3A, %broadcast_in_dim3A_1856], %broadcast_in_dim3A_3 masked %not3A_1837 : memref<16x256xf32, #tpu.memory_space<vmem>>[vector<16xi32>, vector<16xi32>], vector<16xf32>, vector<16xi1>
      %broadcast_in_dim3A_1857 = arith.constant 40 : i32
      %broadcast_in_dim3A_1858 = vector.broadcast %broadcast_in_dim3A_1857 : i32 to vector<16xi32>
      tpu.vector_store_idx %arg5[%iota3A, %broadcast_in_dim3A_1858], %broadcast_in_dim3A_3 masked %not3A_1837 : memref<16x256xf32, #tpu.memory_space<vmem>>[vector<16xi32>, vector<16xi32>], vector<16xf32>, vector<16xi1>
      %broadcast_in_dim3A_1859 = arith.constant 41 : i32
      %broadcast_in_dim3A_1860 = vector.broadcast %broadcast_in_dim3A_1859 : i32 to vector<16xi32>
      tpu.vector_store_idx %arg5[%iota3A, %broadcast_in_dim3A_1860], %broadcast_in_dim3A_3 masked %not3A_1837 : memref<16x256xf32, #tpu.memory_space<vmem>>[vector<16xi32>, vector<16xi32>], vector<16xf32>, vector<16xi1>
      %broadcast_in_dim3A_1861 = arith.constant 42 : i32
      %broadcast_in_dim3A_1862 = vector.broadcast %broadcast_in_dim3A_1861 : i32 to vector<16xi32>
      tpu.vector_store_idx %arg5[%iota3A, %broadcast_in_dim3A_1862], %broadcast_in_dim3A_3 masked %not3A_1837 : memref<16x256xf32, #tpu.memory_space<vmem>>[vector<16xi32>, vector<16xi32>], vector<16xf32>, vector<16xi1>
      %broadcast_in_dim3A_1863 = arith.constant 43 : i32
      %broadcast_in_dim3A_1864 = vector.broadcast %broadcast_in_dim3A_1863 : i32 to vector<16xi32>
      tpu.vector_store_idx %arg5[%iota3A, %broadcast_in_dim3A_1864], %broadcast_in_dim3A_3 masked %not3A_1837 : memref<16x256xf32, #tpu.memory_space<vmem>>[vector<16xi32>, vector<16xi32>], vector<16xf32>, vector<16xi1>
      %broadcast_in_dim3A_1865 = arith.constant 44 : i32
      %broadcast_in_dim3A_1866 = vector.broadcast %broadcast_in_dim3A_1865 : i32 to vector<16xi32>
      tpu.vector_store_idx %arg5[%iota3A, %broadcast_in_dim3A_1866], %broadcast_in_dim3A_3 masked %not3A_1837 : memref<16x256xf32, #tpu.memory_space<vmem>>[vector<16xi32>, vector<16xi32>], vector<16xf32>, vector<16xi1>
      %broadcast_in_dim3A_1867 = arith.constant 45 : i32
      %broadcast_in_dim3A_1868 = vector.broadcast %broadcast_in_dim3A_1867 : i32 to vector<16xi32>
      tpu.vector_store_idx %arg5[%iota3A, %broadcast_in_dim3A_1868], %broadcast_in_dim3A_3 masked %not3A_1837 : memref<16x256xf32, #tpu.memory_space<vmem>>[vector<16xi32>, vector<16xi32>], vector<16xf32>, vector<16xi1>
      %broadcast_in_dim3A_1869 = arith.constant 46 : i32
      %broadcast_in_dim3A_1870 = vector.broadcast %broadcast_in_dim3A_1869 : i32 to vector<16xi32>
      tpu.vector_store_idx %arg5[%iota3A, %broadcast_in_dim3A_1870], %broadcast_in_dim3A_3 masked %not3A_1837 : memref<16x256xf32, #tpu.memory_space<vmem>>[vector<16xi32>, vector<16xi32>], vector<16xf32>, vector<16xi1>
      %broadcast_in_dim3A_1871 = arith.constant 47 : i32
      %broadcast_in_dim3A_1872 = vector.broadcast %broadcast_in_dim3A_1871 : i32 to vector<16xi32>
      tpu.vector_store_idx %arg5[%iota3A, %broadcast_in_dim3A_1872], %broadcast_in_dim3A_3 masked %not3A_1837 : memref<16x256xf32, #tpu.memory_space<vmem>>[vector<16xi32>, vector<16xi32>], vector<16xf32>, vector<16xi1>
      %broadcast_in_dim3A_1873 = arith.constant 48 : i32
      %broadcast_in_dim3A_1874 = vector.broadcast %broadcast_in_dim3A_1873 : i32 to vector<16xi32>
      tpu.vector_store_idx %arg5[%iota3A, %broadcast_in_dim3A_1874], %broadcast_in_dim3A_3 masked %not3A_1837 : memref<16x256xf32, #tpu.memory_space<vmem>>[vector<16xi32>, vector<16xi32>], vector<16xf32>, vector<16xi1>
      %broadcast_in_dim3A_1875 = arith.constant 49 : i32
      %broadcast_in_dim3A_1876 = vector.broadcast %broadcast_in_dim3A_1875 : i32 to vector<16xi32>
      tpu.vector_store_idx %arg5[%iota3A, %broadcast_in_dim3A_1876], %broadcast_in_dim3A_3 masked %not3A_1837 : memref<16x256xf32, #tpu.memory_space<vmem>>[vector<16xi32>, vector<16xi32>], vector<16xf32>, vector<16xi1>
      %broadcast_in_dim3A_1877 = arith.constant 50 : i32
      %broadcast_in_dim3A_1878 = vector.broadcast %broadcast_in_dim3A_1877 : i32 to vector<16xi32>
      tpu.vector_store_idx %arg5[%iota3A, %broadcast_in_dim3A_1878], %broadcast_in_dim3A_3 masked %not3A_1837 : memref<16x256xf32, #tpu.memory_space<vmem>>[vector<16xi32>, vector<16xi32>], vector<16xf32>, vector<16xi1>
      %broadcast_in_dim3A_1879 = arith.constant 51 : i32
      %broadcast_in_dim3A_1880 = vector.broadcast %broadcast_in_dim3A_1879 : i32 to vector<16xi32>
      tpu.vector_store_idx %arg5[%iota3A, %broadcast_in_dim3A_1880], %broadcast_in_dim3A_3 masked %not3A_1837 : memref<16x256xf32, #tpu.memory_space<vmem>>[vector<16xi32>, vector<16xi32>], vector<16xf32>, vector<16xi1>
      %broadcast_in_dim3A_1881 = arith.constant 52 : i32
      %broadcast_in_dim3A_1882 = vector.broadcast %broadcast_in_dim3A_1881 : i32 to vector<16xi32>
      tpu.vector_store_idx %arg5[%iota3A, %broadcast_in_dim3A_1882], %broadcast_in_dim3A_3 masked %not3A_1837 : memref<16x256xf32, #tpu.memory_space<vmem>>[vector<16xi32>, vector<16xi32>], vector<16xf32>, vector<16xi1>
      %broadcast_in_dim3A_1883 = arith.constant 53 : i32
      %broadcast_in_dim3A_1884 = vector.broadcast %broadcast_in_dim3A_1883 : i32 to vector<16xi32>
      tpu.vector_store_idx %arg5[%iota3A, %broadcast_in_dim3A_1884], %broadcast_in_dim3A_3 masked %not3A_1837 : memref<16x256xf32, #tpu.memory_space<vmem>>[vector<16xi32>, vector<16xi32>], vector<16xf32>, vector<16xi1>
      %broadcast_in_dim3A_1885 = arith.constant 54 : i32
      %broadcast_in_dim3A_1886 = vector.broadcast %broadcast_in_dim3A_1885 : i32 to vector<16xi32>
      tpu.vector_store_idx %arg5[%iota3A, %broadcast_in_dim3A_1886], %broadcast_in_dim3A_3 masked %not3A_1837 : memref<16x256xf32, #tpu.memory_space<vmem>>[vector<16xi32>, vector<16xi32>], vector<16xf32>, vector<16xi1>
      %broadcast_in_dim3A_1887 = arith.constant 55 : i32
      %broadcast_in_dim3A_1888 = vector.broadcast %broadcast_in_dim3A_1887 : i32 to vector<16xi32>
      tpu.vector_store_idx %arg5[%iota3A, %broadcast_in_dim3A_1888], %broadcast_in_dim3A_3 masked %not3A_1837 : memref<16x256xf32, #tpu.memory_space<vmem>>[vector<16xi32>, vector<16xi32>], vector<16xf32>, vector<16xi1>
      %broadcast_in_dim3A_1889 = arith.constant 56 : i32
      %broadcast_in_dim3A_1890 = vector.broadcast %broadcast_in_dim3A_1889 : i32 to vector<16xi32>
      tpu.vector_store_idx %arg5[%iota3A, %broadcast_in_dim3A_1890], %broadcast_in_dim3A_3 masked %not3A_1837 : memref<16x256xf32, #tpu.memory_space<vmem>>[vector<16xi32>, vector<16xi32>], vector<16xf32>, vector<16xi1>
      %broadcast_in_dim3A_1891 = arith.constant 57 : i32
      %broadcast_in_dim3A_1892 = vector.broadcast %broadcast_in_dim3A_1891 : i32 to vector<16xi32>
      tpu.vector_store_idx %arg5[%iota3A, %broadcast_in_dim3A_1892], %broadcast_in_dim3A_3 masked %not3A_1837 : memref<16x256xf32, #tpu.memory_space<vmem>>[vector<16xi32>, vector<16xi32>], vector<16xf32>, vector<16xi1>
      %broadcast_in_dim3A_1893 = arith.constant 58 : i32
      %broadcast_in_dim3A_1894 = vector.broadcast %broadcast_in_dim3A_1893 : i32 to vector<16xi32>
      tpu.vector_store_idx %arg5[%iota3A, %broadcast_in_dim3A_1894], %broadcast_in_dim3A_3 masked %not3A_1837 : memref<16x256xf32, #tpu.memory_space<vmem>>[vector<16xi32>, vector<16xi32>], vector<16xf32>, vector<16xi1>
      %broadcast_in_dim3A_1895 = arith.constant 59 : i32
      %broadcast_in_dim3A_1896 = vector.broadcast %broadcast_in_dim3A_1895 : i32 to vector<16xi32>
      tpu.vector_store_idx %arg5[%iota3A, %broadcast_in_dim3A_1896], %broadcast_in_dim3A_3 masked %not3A_1837 : memref<16x256xf32, #tpu.memory_space<vmem>>[vector<16xi32>, vector<16xi32>], vector<16xf32>, vector<16xi1>
      %broadcast_in_dim3A_1897 = arith.constant 60 : i32
      %broadcast_in_dim3A_1898 = vector.broadcast %broadcast_in_dim3A_1897 : i32 to vector<16xi32>
      tpu.vector_store_idx %arg5[%iota3A, %broadcast_in_dim3A_1898], %broadcast_in_dim3A_3 masked %not3A_1837 : memref<16x256xf32, #tpu.memory_space<vmem>>[vector<16xi32>, vector<16xi32>], vector<16xf32>, vector<16xi1>
      %broadcast_in_dim3A_1899 = arith.constant 61 : i32
      %broadcast_in_dim3A_1900 = vector.broadcast %broadcast_in_dim3A_1899 : i32 to vector<16xi32>
      tpu.vector_store_idx %arg5[%iota3A, %broadcast_in_dim3A_1900], %broadcast_in_dim3A_3 masked %not3A_1837 : memref<16x256xf32, #tpu.memory_space<vmem>>[vector<16xi32>, vector<16xi32>], vector<16xf32>, vector<16xi1>
      %broadcast_in_dim3A_1901 = arith.constant 62 : i32
      %broadcast_in_dim3A_1902 = vector.broadcast %broadcast_in_dim3A_1901 : i32 to vector<16xi32>
      tpu.vector_store_idx %arg5[%iota3A, %broadcast_in_dim3A_1902], %broadcast_in_dim3A_3 masked %not3A_1837 : memref<16x256xf32, #tpu.memory_space<vmem>>[vector<16xi32>, vector<16xi32>], vector<16xf32>, vector<16xi1>
      %broadcast_in_dim3A_1903 = arith.constant 63 : i32
      %broadcast_in_dim3A_1904 = vector.broadcast %broadcast_in_dim3A_1903 : i32 to vector<16xi32>
      tpu.vector_store_idx %arg5[%iota3A, %broadcast_in_dim3A_1904], %broadcast_in_dim3A_3 masked %not3A_1837 : memref<16x256xf32, #tpu.memory_space<vmem>>[vector<16xi32>, vector<16xi32>], vector<16xf32>, vector<16xi1>
      %lt3A_1905 = arith.constant 4 : i32
      %lt3A_1906 = vector.broadcast %lt3A_1905 : i32 to vector<16xi32>
      %lt3A_1907 = arith.cmpi slt, %add3A_1731, %lt3A_1906 : vector<16xi32>
      %not3A_1908 = arith.constant dense<true> : vector<16xi1>
      %not3A_1909 = arith.xori %lt3A_1907, %not3A_1908 : vector<16xi1>
      %broadcast_in_dim3A_1910 = arith.constant 2 : i32
      %broadcast_in_dim3A_1911 = vector.broadcast %broadcast_in_dim3A_1910 : i32 to vector<16xi32>
      %select_n3A_1912 = arith.select %lt3A_1907, %broadcast_in_dim3A_5, %broadcast_in_dim3A_7 : vector<16xi1>, vector<16xf32>
      tpu.vector_store_idx %arg6[%iota3A, %broadcast_in_dim3A_1911], %select_n3A_1912 : memref<16x8xf32, #tpu.memory_space<vmem>>[vector<16xi32>, vector<16xi32>], vector<16xf32>,
      %broadcast_in_dim3A_1913 = arith.constant 64 : i32
      %broadcast_in_dim3A_1914 = vector.broadcast %broadcast_in_dim3A_1913 : i32 to vector<16xi32>
      tpu.vector_store_idx %arg5[%iota3A, %broadcast_in_dim3A_1914], %broadcast_in_dim3A_3 masked %not3A_1909 : memref<16x256xf32, #tpu.memory_space<vmem>>[vector<16xi32>, vector<16xi32>], vector<16xf32>, vector<16xi1>
      %broadcast_in_dim3A_1915 = arith.constant 65 : i32
      %broadcast_in_dim3A_1916 = vector.broadcast %broadcast_in_dim3A_1915 : i32 to vector<16xi32>
      tpu.vector_store_idx %arg5[%iota3A, %broadcast_in_dim3A_1916], %broadcast_in_dim3A_3 masked %not3A_1909 : memref<16x256xf32, #tpu.memory_space<vmem>>[vector<16xi32>, vector<16xi32>], vector<16xf32>, vector<16xi1>
      %broadcast_in_dim3A_1917 = arith.constant 66 : i32
      %broadcast_in_dim3A_1918 = vector.broadcast %broadcast_in_dim3A_1917 : i32 to vector<16xi32>
      tpu.vector_store_idx %arg5[%iota3A, %broadcast_in_dim3A_1918], %broadcast_in_dim3A_3 masked %not3A_1909 : memref<16x256xf32, #tpu.memory_space<vmem>>[vector<16xi32>, vector<16xi32>], vector<16xf32>, vector<16xi1>
      %broadcast_in_dim3A_1919 = arith.constant 67 : i32
      %broadcast_in_dim3A_1920 = vector.broadcast %broadcast_in_dim3A_1919 : i32 to vector<16xi32>
      tpu.vector_store_idx %arg5[%iota3A, %broadcast_in_dim3A_1920], %broadcast_in_dim3A_3 masked %not3A_1909 : memref<16x256xf32, #tpu.memory_space<vmem>>[vector<16xi32>, vector<16xi32>], vector<16xf32>, vector<16xi1>
      %broadcast_in_dim3A_1921 = arith.constant 68 : i32
      %broadcast_in_dim3A_1922 = vector.broadcast %broadcast_in_dim3A_1921 : i32 to vector<16xi32>
      tpu.vector_store_idx %arg5[%iota3A, %broadcast_in_dim3A_1922], %broadcast_in_dim3A_3 masked %not3A_1909 : memref<16x256xf32, #tpu.memory_space<vmem>>[vector<16xi32>, vector<16xi32>], vector<16xf32>, vector<16xi1>
      %broadcast_in_dim3A_1923 = arith.constant 69 : i32
      %broadcast_in_dim3A_1924 = vector.broadcast %broadcast_in_dim3A_1923 : i32 to vector<16xi32>
      tpu.vector_store_idx %arg5[%iota3A, %broadcast_in_dim3A_1924], %broadcast_in_dim3A_3 masked %not3A_1909 : memref<16x256xf32, #tpu.memory_space<vmem>>[vector<16xi32>, vector<16xi32>], vector<16xf32>, vector<16xi1>
      %broadcast_in_dim3A_1925 = arith.constant 70 : i32
      %broadcast_in_dim3A_1926 = vector.broadcast %broadcast_in_dim3A_1925 : i32 to vector<16xi32>
      tpu.vector_store_idx %arg5[%iota3A, %broadcast_in_dim3A_1926], %broadcast_in_dim3A_3 masked %not3A_1909 : memref<16x256xf32, #tpu.memory_space<vmem>>[vector<16xi32>, vector<16xi32>], vector<16xf32>, vector<16xi1>
      %broadcast_in_dim3A_1927 = arith.constant 71 : i32
      %broadcast_in_dim3A_1928 = vector.broadcast %broadcast_in_dim3A_1927 : i32 to vector<16xi32>
      tpu.vector_store_idx %arg5[%iota3A, %broadcast_in_dim3A_1928], %broadcast_in_dim3A_3 masked %not3A_1909 : memref<16x256xf32, #tpu.memory_space<vmem>>[vector<16xi32>, vector<16xi32>], vector<16xf32>, vector<16xi1>
      %broadcast_in_dim3A_1929 = arith.constant 72 : i32
      %broadcast_in_dim3A_1930 = vector.broadcast %broadcast_in_dim3A_1929 : i32 to vector<16xi32>
      tpu.vector_store_idx %arg5[%iota3A, %broadcast_in_dim3A_1930], %broadcast_in_dim3A_3 masked %not3A_1909 : memref<16x256xf32, #tpu.memory_space<vmem>>[vector<16xi32>, vector<16xi32>], vector<16xf32>, vector<16xi1>
      %broadcast_in_dim3A_1931 = arith.constant 73 : i32
      %broadcast_in_dim3A_1932 = vector.broadcast %broadcast_in_dim3A_1931 : i32 to vector<16xi32>
      tpu.vector_store_idx %arg5[%iota3A, %broadcast_in_dim3A_1932], %broadcast_in_dim3A_3 masked %not3A_1909 : memref<16x256xf32, #tpu.memory_space<vmem>>[vector<16xi32>, vector<16xi32>], vector<16xf32>, vector<16xi1>
      %broadcast_in_dim3A_1933 = arith.constant 74 : i32
      %broadcast_in_dim3A_1934 = vector.broadcast %broadcast_in_dim3A_1933 : i32 to vector<16xi32>
      tpu.vector_store_idx %arg5[%iota3A, %broadcast_in_dim3A_1934], %broadcast_in_dim3A_3 masked %not3A_1909 : memref<16x256xf32, #tpu.memory_space<vmem>>[vector<16xi32>, vector<16xi32>], vector<16xf32>, vector<16xi1>
      %broadcast_in_dim3A_1935 = arith.constant 75 : i32
      %broadcast_in_dim3A_1936 = vector.broadcast %broadcast_in_dim3A_1935 : i32 to vector<16xi32>
      tpu.vector_store_idx %arg5[%iota3A, %broadcast_in_dim3A_1936], %broadcast_in_dim3A_3 masked %not3A_1909 : memref<16x256xf32, #tpu.memory_space<vmem>>[vector<16xi32>, vector<16xi32>], vector<16xf32>, vector<16xi1>
      %broadcast_in_dim3A_1937 = arith.constant 76 : i32
      %broadcast_in_dim3A_1938 = vector.broadcast %broadcast_in_dim3A_1937 : i32 to vector<16xi32>
      tpu.vector_store_idx %arg5[%iota3A, %broadcast_in_dim3A_1938], %broadcast_in_dim3A_3 masked %not3A_1909 : memref<16x256xf32, #tpu.memory_space<vmem>>[vector<16xi32>, vector<16xi32>], vector<16xf32>, vector<16xi1>
      %broadcast_in_dim3A_1939 = arith.constant 77 : i32
      %broadcast_in_dim3A_1940 = vector.broadcast %broadcast_in_dim3A_1939 : i32 to vector<16xi32>
      tpu.vector_store_idx %arg5[%iota3A, %broadcast_in_dim3A_1940], %broadcast_in_dim3A_3 masked %not3A_1909 : memref<16x256xf32, #tpu.memory_space<vmem>>[vector<16xi32>, vector<16xi32>], vector<16xf32>, vector<16xi1>
      %broadcast_in_dim3A_1941 = arith.constant 78 : i32
      %broadcast_in_dim3A_1942 = vector.broadcast %broadcast_in_dim3A_1941 : i32 to vector<16xi32>
      tpu.vector_store_idx %arg5[%iota3A, %broadcast_in_dim3A_1942], %broadcast_in_dim3A_3 masked %not3A_1909 : memref<16x256xf32, #tpu.memory_space<vmem>>[vector<16xi32>, vector<16xi32>], vector<16xf32>, vector<16xi1>
      %broadcast_in_dim3A_1943 = arith.constant 79 : i32
      %broadcast_in_dim3A_1944 = vector.broadcast %broadcast_in_dim3A_1943 : i32 to vector<16xi32>
      tpu.vector_store_idx %arg5[%iota3A, %broadcast_in_dim3A_1944], %broadcast_in_dim3A_3 masked %not3A_1909 : memref<16x256xf32, #tpu.memory_space<vmem>>[vector<16xi32>, vector<16xi32>], vector<16xf32>, vector<16xi1>
      %broadcast_in_dim3A_1945 = arith.constant 80 : i32
      %broadcast_in_dim3A_1946 = vector.broadcast %broadcast_in_dim3A_1945 : i32 to vector<16xi32>
      tpu.vector_store_idx %arg5[%iota3A, %broadcast_in_dim3A_1946], %broadcast_in_dim3A_3 masked %not3A_1909 : memref<16x256xf32, #tpu.memory_space<vmem>>[vector<16xi32>, vector<16xi32>], vector<16xf32>, vector<16xi1>
      %broadcast_in_dim3A_1947 = arith.constant 81 : i32
      %broadcast_in_dim3A_1948 = vector.broadcast %broadcast_in_dim3A_1947 : i32 to vector<16xi32>
      tpu.vector_store_idx %arg5[%iota3A, %broadcast_in_dim3A_1948], %broadcast_in_dim3A_3 masked %not3A_1909 : memref<16x256xf32, #tpu.memory_space<vmem>>[vector<16xi32>, vector<16xi32>], vector<16xf32>, vector<16xi1>
      %broadcast_in_dim3A_1949 = arith.constant 82 : i32
      %broadcast_in_dim3A_1950 = vector.broadcast %broadcast_in_dim3A_1949 : i32 to vector<16xi32>
      tpu.vector_store_idx %arg5[%iota3A, %broadcast_in_dim3A_1950], %broadcast_in_dim3A_3 masked %not3A_1909 : memref<16x256xf32, #tpu.memory_space<vmem>>[vector<16xi32>, vector<16xi32>], vector<16xf32>, vector<16xi1>
      %broadcast_in_dim3A_1951 = arith.constant 83 : i32
      %broadcast_in_dim3A_1952 = vector.broadcast %broadcast_in_dim3A_1951 : i32 to vector<16xi32>
      tpu.vector_store_idx %arg5[%iota3A, %broadcast_in_dim3A_1952], %broadcast_in_dim3A_3 masked %not3A_1909 : memref<16x256xf32, #tpu.memory_space<vmem>>[vector<16xi32>, vector<16xi32>], vector<16xf32>, vector<16xi1>
      %broadcast_in_dim3A_1953 = arith.constant 84 : i32
      %broadcast_in_dim3A_1954 = vector.broadcast %broadcast_in_dim3A_1953 : i32 to vector<16xi32>
      tpu.vector_store_idx %arg5[%iota3A, %broadcast_in_dim3A_1954], %broadcast_in_dim3A_3 masked %not3A_1909 : memref<16x256xf32, #tpu.memory_space<vmem>>[vector<16xi32>, vector<16xi32>], vector<16xf32>, vector<16xi1>
      %broadcast_in_dim3A_1955 = arith.constant 85 : i32
      %broadcast_in_dim3A_1956 = vector.broadcast %broadcast_in_dim3A_1955 : i32 to vector<16xi32>
      tpu.vector_store_idx %arg5[%iota3A, %broadcast_in_dim3A_1956], %broadcast_in_dim3A_3 masked %not3A_1909 : memref<16x256xf32, #tpu.memory_space<vmem>>[vector<16xi32>, vector<16xi32>], vector<16xf32>, vector<16xi1>
      %broadcast_in_dim3A_1957 = arith.constant 86 : i32
      %broadcast_in_dim3A_1958 = vector.broadcast %broadcast_in_dim3A_1957 : i32 to vector<16xi32>
      tpu.vector_store_idx %arg5[%iota3A, %broadcast_in_dim3A_1958], %broadcast_in_dim3A_3 masked %not3A_1909 : memref<16x256xf32, #tpu.memory_space<vmem>>[vector<16xi32>, vector<16xi32>], vector<16xf32>, vector<16xi1>
      %broadcast_in_dim3A_1959 = arith.constant 87 : i32
      %broadcast_in_dim3A_1960 = vector.broadcast %broadcast_in_dim3A_1959 : i32 to vector<16xi32>
      tpu.vector_store_idx %arg5[%iota3A, %broadcast_in_dim3A_1960], %broadcast_in_dim3A_3 masked %not3A_1909 : memref<16x256xf32, #tpu.memory_space<vmem>>[vector<16xi32>, vector<16xi32>], vector<16xf32>, vector<16xi1>
      %broadcast_in_dim3A_1961 = arith.constant 88 : i32
      %broadcast_in_dim3A_1962 = vector.broadcast %broadcast_in_dim3A_1961 : i32 to vector<16xi32>
      tpu.vector_store_idx %arg5[%iota3A, %broadcast_in_dim3A_1962], %broadcast_in_dim3A_3 masked %not3A_1909 : memref<16x256xf32, #tpu.memory_space<vmem>>[vector<16xi32>, vector<16xi32>], vector<16xf32>, vector<16xi1>
      %broadcast_in_dim3A_1963 = arith.constant 89 : i32
      %broadcast_in_dim3A_1964 = vector.broadcast %broadcast_in_dim3A_1963 : i32 to vector<16xi32>
      tpu.vector_store_idx %arg5[%iota3A, %broadcast_in_dim3A_1964], %broadcast_in_dim3A_3 masked %not3A_1909 : memref<16x256xf32, #tpu.memory_space<vmem>>[vector<16xi32>, vector<16xi32>], vector<16xf32>, vector<16xi1>
      %broadcast_in_dim3A_1965 = arith.constant 90 : i32
      %broadcast_in_dim3A_1966 = vector.broadcast %broadcast_in_dim3A_1965 : i32 to vector<16xi32>
      tpu.vector_store_idx %arg5[%iota3A, %broadcast_in_dim3A_1966], %broadcast_in_dim3A_3 masked %not3A_1909 : memref<16x256xf32, #tpu.memory_space<vmem>>[vector<16xi32>, vector<16xi32>], vector<16xf32>, vector<16xi1>
      %broadcast_in_dim3A_1967 = arith.constant 91 : i32
      %broadcast_in_dim3A_1968 = vector.broadcast %broadcast_in_dim3A_1967 : i32 to vector<16xi32>
      tpu.vector_store_idx %arg5[%iota3A, %broadcast_in_dim3A_1968], %broadcast_in_dim3A_3 masked %not3A_1909 : memref<16x256xf32, #tpu.memory_space<vmem>>[vector<16xi32>, vector<16xi32>], vector<16xf32>, vector<16xi1>
      %broadcast_in_dim3A_1969 = arith.constant 92 : i32
      %broadcast_in_dim3A_1970 = vector.broadcast %broadcast_in_dim3A_1969 : i32 to vector<16xi32>
      tpu.vector_store_idx %arg5[%iota3A, %broadcast_in_dim3A_1970], %broadcast_in_dim3A_3 masked %not3A_1909 : memref<16x256xf32, #tpu.memory_space<vmem>>[vector<16xi32>, vector<16xi32>], vector<16xf32>, vector<16xi1>
      %broadcast_in_dim3A_1971 = arith.constant 93 : i32
      %broadcast_in_dim3A_1972 = vector.broadcast %broadcast_in_dim3A_1971 : i32 to vector<16xi32>
      tpu.vector_store_idx %arg5[%iota3A, %broadcast_in_dim3A_1972], %broadcast_in_dim3A_3 masked %not3A_1909 : memref<16x256xf32, #tpu.memory_space<vmem>>[vector<16xi32>, vector<16xi32>], vector<16xf32>, vector<16xi1>
      %broadcast_in_dim3A_1973 = arith.constant 94 : i32
      %broadcast_in_dim3A_1974 = vector.broadcast %broadcast_in_dim3A_1973 : i32 to vector<16xi32>
      tpu.vector_store_idx %arg5[%iota3A, %broadcast_in_dim3A_1974], %broadcast_in_dim3A_3 masked %not3A_1909 : memref<16x256xf32, #tpu.memory_space<vmem>>[vector<16xi32>, vector<16xi32>], vector<16xf32>, vector<16xi1>
      %broadcast_in_dim3A_1975 = arith.constant 95 : i32
      %broadcast_in_dim3A_1976 = vector.broadcast %broadcast_in_dim3A_1975 : i32 to vector<16xi32>
      tpu.vector_store_idx %arg5[%iota3A, %broadcast_in_dim3A_1976], %broadcast_in_dim3A_3 masked %not3A_1909 : memref<16x256xf32, #tpu.memory_space<vmem>>[vector<16xi32>, vector<16xi32>], vector<16xf32>, vector<16xi1>
      %lt3A_1977 = arith.constant 4 : i32
      %lt3A_1978 = vector.broadcast %lt3A_1977 : i32 to vector<16xi32>
      %lt3A_1979 = arith.cmpi slt, %add3A_1739, %lt3A_1978 : vector<16xi32>
      %not3A_1980 = arith.constant dense<true> : vector<16xi1>
      %not3A_1981 = arith.xori %lt3A_1979, %not3A_1980 : vector<16xi1>
      %broadcast_in_dim3A_1982 = arith.constant 3 : i32
      %broadcast_in_dim3A_1983 = vector.broadcast %broadcast_in_dim3A_1982 : i32 to vector<16xi32>
      %select_n3A_1984 = arith.select %lt3A_1979, %broadcast_in_dim3A_5, %broadcast_in_dim3A_7 : vector<16xi1>, vector<16xf32>
      tpu.vector_store_idx %arg6[%iota3A, %broadcast_in_dim3A_1983], %select_n3A_1984 : memref<16x8xf32, #tpu.memory_space<vmem>>[vector<16xi32>, vector<16xi32>], vector<16xf32>,
      %broadcast_in_dim3A_1985 = arith.constant 96 : i32
      %broadcast_in_dim3A_1986 = vector.broadcast %broadcast_in_dim3A_1985 : i32 to vector<16xi32>
      tpu.vector_store_idx %arg5[%iota3A, %broadcast_in_dim3A_1986], %broadcast_in_dim3A_3 masked %not3A_1981 : memref<16x256xf32, #tpu.memory_space<vmem>>[vector<16xi32>, vector<16xi32>], vector<16xf32>, vector<16xi1>
      %broadcast_in_dim3A_1987 = arith.constant 97 : i32
      %broadcast_in_dim3A_1988 = vector.broadcast %broadcast_in_dim3A_1987 : i32 to vector<16xi32>
      tpu.vector_store_idx %arg5[%iota3A, %broadcast_in_dim3A_1988], %broadcast_in_dim3A_3 masked %not3A_1981 : memref<16x256xf32, #tpu.memory_space<vmem>>[vector<16xi32>, vector<16xi32>], vector<16xf32>, vector<16xi1>
      %broadcast_in_dim3A_1989 = arith.constant 98 : i32
      %broadcast_in_dim3A_1990 = vector.broadcast %broadcast_in_dim3A_1989 : i32 to vector<16xi32>
      tpu.vector_store_idx %arg5[%iota3A, %broadcast_in_dim3A_1990], %broadcast_in_dim3A_3 masked %not3A_1981 : memref<16x256xf32, #tpu.memory_space<vmem>>[vector<16xi32>, vector<16xi32>], vector<16xf32>, vector<16xi1>
      %broadcast_in_dim3A_1991 = arith.constant 99 : i32
      %broadcast_in_dim3A_1992 = vector.broadcast %broadcast_in_dim3A_1991 : i32 to vector<16xi32>
      tpu.vector_store_idx %arg5[%iota3A, %broadcast_in_dim3A_1992], %broadcast_in_dim3A_3 masked %not3A_1981 : memref<16x256xf32, #tpu.memory_space<vmem>>[vector<16xi32>, vector<16xi32>], vector<16xf32>, vector<16xi1>
      %broadcast_in_dim3A_1993 = arith.constant 100 : i32
      %broadcast_in_dim3A_1994 = vector.broadcast %broadcast_in_dim3A_1993 : i32 to vector<16xi32>
      tpu.vector_store_idx %arg5[%iota3A, %broadcast_in_dim3A_1994], %broadcast_in_dim3A_3 masked %not3A_1981 : memref<16x256xf32, #tpu.memory_space<vmem>>[vector<16xi32>, vector<16xi32>], vector<16xf32>, vector<16xi1>
      %broadcast_in_dim3A_1995 = arith.constant 101 : i32
      %broadcast_in_dim3A_1996 = vector.broadcast %broadcast_in_dim3A_1995 : i32 to vector<16xi32>
      tpu.vector_store_idx %arg5[%iota3A, %broadcast_in_dim3A_1996], %broadcast_in_dim3A_3 masked %not3A_1981 : memref<16x256xf32, #tpu.memory_space<vmem>>[vector<16xi32>, vector<16xi32>], vector<16xf32>, vector<16xi1>
      %broadcast_in_dim3A_1997 = arith.constant 102 : i32
      %broadcast_in_dim3A_1998 = vector.broadcast %broadcast_in_dim3A_1997 : i32 to vector<16xi32>
      tpu.vector_store_idx %arg5[%iota3A, %broadcast_in_dim3A_1998], %broadcast_in_dim3A_3 masked %not3A_1981 : memref<16x256xf32, #tpu.memory_space<vmem>>[vector<16xi32>, vector<16xi32>], vector<16xf32>, vector<16xi1>
      %broadcast_in_dim3A_1999 = arith.constant 103 : i32
      %broadcast_in_dim3A_2000 = vector.broadcast %broadcast_in_dim3A_1999 : i32 to vector<16xi32>
      tpu.vector_store_idx %arg5[%iota3A, %broadcast_in_dim3A_2000], %broadcast_in_dim3A_3 masked %not3A_1981 : memref<16x256xf32, #tpu.memory_space<vmem>>[vector<16xi32>, vector<16xi32>], vector<16xf32>, vector<16xi1>
      %broadcast_in_dim3A_2001 = arith.constant 104 : i32
      %broadcast_in_dim3A_2002 = vector.broadcast %broadcast_in_dim3A_2001 : i32 to vector<16xi32>
      tpu.vector_store_idx %arg5[%iota3A, %broadcast_in_dim3A_2002], %broadcast_in_dim3A_3 masked %not3A_1981 : memref<16x256xf32, #tpu.memory_space<vmem>>[vector<16xi32>, vector<16xi32>], vector<16xf32>, vector<16xi1>
      %broadcast_in_dim3A_2003 = arith.constant 105 : i32
      %broadcast_in_dim3A_2004 = vector.broadcast %broadcast_in_dim3A_2003 : i32 to vector<16xi32>
      tpu.vector_store_idx %arg5[%iota3A, %broadcast_in_dim3A_2004], %broadcast_in_dim3A_3 masked %not3A_1981 : memref<16x256xf32, #tpu.memory_space<vmem>>[vector<16xi32>, vector<16xi32>], vector<16xf32>, vector<16xi1>
      %broadcast_in_dim3A_2005 = arith.constant 106 : i32
      %broadcast_in_dim3A_2006 = vector.broadcast %broadcast_in_dim3A_2005 : i32 to vector<16xi32>
      tpu.vector_store_idx %arg5[%iota3A, %broadcast_in_dim3A_2006], %broadcast_in_dim3A_3 masked %not3A_1981 : memref<16x256xf32, #tpu.memory_space<vmem>>[vector<16xi32>, vector<16xi32>], vector<16xf32>, vector<16xi1>
      %broadcast_in_dim3A_2007 = arith.constant 107 : i32
      %broadcast_in_dim3A_2008 = vector.broadcast %broadcast_in_dim3A_2007 : i32 to vector<16xi32>
      tpu.vector_store_idx %arg5[%iota3A, %broadcast_in_dim3A_2008], %broadcast_in_dim3A_3 masked %not3A_1981 : memref<16x256xf32, #tpu.memory_space<vmem>>[vector<16xi32>, vector<16xi32>], vector<16xf32>, vector<16xi1>
      %broadcast_in_dim3A_2009 = arith.constant 108 : i32
      %broadcast_in_dim3A_2010 = vector.broadcast %broadcast_in_dim3A_2009 : i32 to vector<16xi32>
      tpu.vector_store_idx %arg5[%iota3A, %broadcast_in_dim3A_2010], %broadcast_in_dim3A_3 masked %not3A_1981 : memref<16x256xf32, #tpu.memory_space<vmem>>[vector<16xi32>, vector<16xi32>], vector<16xf32>, vector<16xi1>
      %broadcast_in_dim3A_2011 = arith.constant 109 : i32
      %broadcast_in_dim3A_2012 = vector.broadcast %broadcast_in_dim3A_2011 : i32 to vector<16xi32>
      tpu.vector_store_idx %arg5[%iota3A, %broadcast_in_dim3A_2012], %broadcast_in_dim3A_3 masked %not3A_1981 : memref<16x256xf32, #tpu.memory_space<vmem>>[vector<16xi32>, vector<16xi32>], vector<16xf32>, vector<16xi1>
      %broadcast_in_dim3A_2013 = arith.constant 110 : i32
      %broadcast_in_dim3A_2014 = vector.broadcast %broadcast_in_dim3A_2013 : i32 to vector<16xi32>
      tpu.vector_store_idx %arg5[%iota3A, %broadcast_in_dim3A_2014], %broadcast_in_dim3A_3 masked %not3A_1981 : memref<16x256xf32, #tpu.memory_space<vmem>>[vector<16xi32>, vector<16xi32>], vector<16xf32>, vector<16xi1>
      %broadcast_in_dim3A_2015 = arith.constant 111 : i32
      %broadcast_in_dim3A_2016 = vector.broadcast %broadcast_in_dim3A_2015 : i32 to vector<16xi32>
      tpu.vector_store_idx %arg5[%iota3A, %broadcast_in_dim3A_2016], %broadcast_in_dim3A_3 masked %not3A_1981 : memref<16x256xf32, #tpu.memory_space<vmem>>[vector<16xi32>, vector<16xi32>], vector<16xf32>, vector<16xi1>
      %broadcast_in_dim3A_2017 = arith.constant 112 : i32
      %broadcast_in_dim3A_2018 = vector.broadcast %broadcast_in_dim3A_2017 : i32 to vector<16xi32>
      tpu.vector_store_idx %arg5[%iota3A, %broadcast_in_dim3A_2018], %broadcast_in_dim3A_3 masked %not3A_1981 : memref<16x256xf32, #tpu.memory_space<vmem>>[vector<16xi32>, vector<16xi32>], vector<16xf32>, vector<16xi1>
      %broadcast_in_dim3A_2019 = arith.constant 113 : i32
      %broadcast_in_dim3A_2020 = vector.broadcast %broadcast_in_dim3A_2019 : i32 to vector<16xi32>
      tpu.vector_store_idx %arg5[%iota3A, %broadcast_in_dim3A_2020], %broadcast_in_dim3A_3 masked %not3A_1981 : memref<16x256xf32, #tpu.memory_space<vmem>>[vector<16xi32>, vector<16xi32>], vector<16xf32>, vector<16xi1>
      %broadcast_in_dim3A_2021 = arith.constant 114 : i32
      %broadcast_in_dim3A_2022 = vector.broadcast %broadcast_in_dim3A_2021 : i32 to vector<16xi32>
      tpu.vector_store_idx %arg5[%iota3A, %broadcast_in_dim3A_2022], %broadcast_in_dim3A_3 masked %not3A_1981 : memref<16x256xf32, #tpu.memory_space<vmem>>[vector<16xi32>, vector<16xi32>], vector<16xf32>, vector<16xi1>
      %broadcast_in_dim3A_2023 = arith.constant 115 : i32
      %broadcast_in_dim3A_2024 = vector.broadcast %broadcast_in_dim3A_2023 : i32 to vector<16xi32>
      tpu.vector_store_idx %arg5[%iota3A, %broadcast_in_dim3A_2024], %broadcast_in_dim3A_3 masked %not3A_1981 : memref<16x256xf32, #tpu.memory_space<vmem>>[vector<16xi32>, vector<16xi32>], vector<16xf32>, vector<16xi1>
      %broadcast_in_dim3A_2025 = arith.constant 116 : i32
      %broadcast_in_dim3A_2026 = vector.broadcast %broadcast_in_dim3A_2025 : i32 to vector<16xi32>
      tpu.vector_store_idx %arg5[%iota3A, %broadcast_in_dim3A_2026], %broadcast_in_dim3A_3 masked %not3A_1981 : memref<16x256xf32, #tpu.memory_space<vmem>>[vector<16xi32>, vector<16xi32>], vector<16xf32>, vector<16xi1>
      %broadcast_in_dim3A_2027 = arith.constant 117 : i32
      %broadcast_in_dim3A_2028 = vector.broadcast %broadcast_in_dim3A_2027 : i32 to vector<16xi32>
      tpu.vector_store_idx %arg5[%iota3A, %broadcast_in_dim3A_2028], %broadcast_in_dim3A_3 masked %not3A_1981 : memref<16x256xf32, #tpu.memory_space<vmem>>[vector<16xi32>, vector<16xi32>], vector<16xf32>, vector<16xi1>
      %broadcast_in_dim3A_2029 = arith.constant 118 : i32
      %broadcast_in_dim3A_2030 = vector.broadcast %broadcast_in_dim3A_2029 : i32 to vector<16xi32>
      tpu.vector_store_idx %arg5[%iota3A, %broadcast_in_dim3A_2030], %broadcast_in_dim3A_3 masked %not3A_1981 : memref<16x256xf32, #tpu.memory_space<vmem>>[vector<16xi32>, vector<16xi32>], vector<16xf32>, vector<16xi1>
      %broadcast_in_dim3A_2031 = arith.constant 119 : i32
      %broadcast_in_dim3A_2032 = vector.broadcast %broadcast_in_dim3A_2031 : i32 to vector<16xi32>
      tpu.vector_store_idx %arg5[%iota3A, %broadcast_in_dim3A_2032], %broadcast_in_dim3A_3 masked %not3A_1981 : memref<16x256xf32, #tpu.memory_space<vmem>>[vector<16xi32>, vector<16xi32>], vector<16xf32>, vector<16xi1>
      %broadcast_in_dim3A_2033 = arith.constant 120 : i32
      %broadcast_in_dim3A_2034 = vector.broadcast %broadcast_in_dim3A_2033 : i32 to vector<16xi32>
      tpu.vector_store_idx %arg5[%iota3A, %broadcast_in_dim3A_2034], %broadcast_in_dim3A_3 masked %not3A_1981 : memref<16x256xf32, #tpu.memory_space<vmem>>[vector<16xi32>, vector<16xi32>], vector<16xf32>, vector<16xi1>
      %broadcast_in_dim3A_2035 = arith.constant 121 : i32
      %broadcast_in_dim3A_2036 = vector.broadcast %broadcast_in_dim3A_2035 : i32 to vector<16xi32>
      tpu.vector_store_idx %arg5[%iota3A, %broadcast_in_dim3A_2036], %broadcast_in_dim3A_3 masked %not3A_1981 : memref<16x256xf32, #tpu.memory_space<vmem>>[vector<16xi32>, vector<16xi32>], vector<16xf32>, vector<16xi1>
      %broadcast_in_dim3A_2037 = arith.constant 122 : i32
      %broadcast_in_dim3A_2038 = vector.broadcast %broadcast_in_dim3A_2037 : i32 to vector<16xi32>
      tpu.vector_store_idx %arg5[%iota3A, %broadcast_in_dim3A_2038], %broadcast_in_dim3A_3 masked %not3A_1981 : memref<16x256xf32, #tpu.memory_space<vmem>>[vector<16xi32>, vector<16xi32>], vector<16xf32>, vector<16xi1>
      %broadcast_in_dim3A_2039 = arith.constant 123 : i32
      %broadcast_in_dim3A_2040 = vector.broadcast %broadcast_in_dim3A_2039 : i32 to vector<16xi32>
      tpu.vector_store_idx %arg5[%iota3A, %broadcast_in_dim3A_2040], %broadcast_in_dim3A_3 masked %not3A_1981 : memref<16x256xf32, #tpu.memory_space<vmem>>[vector<16xi32>, vector<16xi32>], vector<16xf32>, vector<16xi1>
      %broadcast_in_dim3A_2041 = arith.constant 124 : i32
      %broadcast_in_dim3A_2042 = vector.broadcast %broadcast_in_dim3A_2041 : i32 to vector<16xi32>
      tpu.vector_store_idx %arg5[%iota3A, %broadcast_in_dim3A_2042], %broadcast_in_dim3A_3 masked %not3A_1981 : memref<16x256xf32, #tpu.memory_space<vmem>>[vector<16xi32>, vector<16xi32>], vector<16xf32>, vector<16xi1>
      %broadcast_in_dim3A_2043 = arith.constant 125 : i32
      %broadcast_in_dim3A_2044 = vector.broadcast %broadcast_in_dim3A_2043 : i32 to vector<16xi32>
      tpu.vector_store_idx %arg5[%iota3A, %broadcast_in_dim3A_2044], %broadcast_in_dim3A_3 masked %not3A_1981 : memref<16x256xf32, #tpu.memory_space<vmem>>[vector<16xi32>, vector<16xi32>], vector<16xf32>, vector<16xi1>
      %broadcast_in_dim3A_2045 = arith.constant 126 : i32
      %broadcast_in_dim3A_2046 = vector.broadcast %broadcast_in_dim3A_2045 : i32 to vector<16xi32>
      tpu.vector_store_idx %arg5[%iota3A, %broadcast_in_dim3A_2046], %broadcast_in_dim3A_3 masked %not3A_1981 : memref<16x256xf32, #tpu.memory_space<vmem>>[vector<16xi32>, vector<16xi32>], vector<16xf32>, vector<16xi1>
      %broadcast_in_dim3A_2047 = arith.constant 127 : i32
      %broadcast_in_dim3A_2048 = vector.broadcast %broadcast_in_dim3A_2047 : i32 to vector<16xi32>
      tpu.vector_store_idx %arg5[%iota3A, %broadcast_in_dim3A_2048], %broadcast_in_dim3A_3 masked %not3A_1981 : memref<16x256xf32, #tpu.memory_space<vmem>>[vector<16xi32>, vector<16xi32>], vector<16xf32>, vector<16xi1>
      %lt3A_2049 = arith.constant 4 : i32
      %lt3A_2050 = vector.broadcast %lt3A_2049 : i32 to vector<16xi32>
      %lt3A_2051 = arith.cmpi slt, %add3A_1747, %lt3A_2050 : vector<16xi32>
      %not3A_2052 = arith.constant dense<true> : vector<16xi1>
      %not3A_2053 = arith.xori %lt3A_2051, %not3A_2052 : vector<16xi1>
      %broadcast_in_dim3A_2054 = arith.constant 4 : i32
      %broadcast_in_dim3A_2055 = vector.broadcast %broadcast_in_dim3A_2054 : i32 to vector<16xi32>
      %select_n3A_2056 = arith.select %lt3A_2051, %broadcast_in_dim3A_5, %broadcast_in_dim3A_7 : vector<16xi1>, vector<16xf32>
      tpu.vector_store_idx %arg6[%iota3A, %broadcast_in_dim3A_2055], %select_n3A_2056 : memref<16x8xf32, #tpu.memory_space<vmem>>[vector<16xi32>, vector<16xi32>], vector<16xf32>,
      %broadcast_in_dim3A_2057 = arith.constant 128 : i32
      %broadcast_in_dim3A_2058 = vector.broadcast %broadcast_in_dim3A_2057 : i32 to vector<16xi32>
      tpu.vector_store_idx %arg5[%iota3A, %broadcast_in_dim3A_2058], %broadcast_in_dim3A_3 masked %not3A_2053 : memref<16x256xf32, #tpu.memory_space<vmem>>[vector<16xi32>, vector<16xi32>], vector<16xf32>, vector<16xi1>
      %broadcast_in_dim3A_2059 = arith.constant 129 : i32
      %broadcast_in_dim3A_2060 = vector.broadcast %broadcast_in_dim3A_2059 : i32 to vector<16xi32>
      tpu.vector_store_idx %arg5[%iota3A, %broadcast_in_dim3A_2060], %broadcast_in_dim3A_3 masked %not3A_2053 : memref<16x256xf32, #tpu.memory_space<vmem>>[vector<16xi32>, vector<16xi32>], vector<16xf32>, vector<16xi1>
      %broadcast_in_dim3A_2061 = arith.constant 130 : i32
      %broadcast_in_dim3A_2062 = vector.broadcast %broadcast_in_dim3A_2061 : i32 to vector<16xi32>
      tpu.vector_store_idx %arg5[%iota3A, %broadcast_in_dim3A_2062], %broadcast_in_dim3A_3 masked %not3A_2053 : memref<16x256xf32, #tpu.memory_space<vmem>>[vector<16xi32>, vector<16xi32>], vector<16xf32>, vector<16xi1>
      %broadcast_in_dim3A_2063 = arith.constant 131 : i32
      %broadcast_in_dim3A_2064 = vector.broadcast %broadcast_in_dim3A_2063 : i32 to vector<16xi32>
      tpu.vector_store_idx %arg5[%iota3A, %broadcast_in_dim3A_2064], %broadcast_in_dim3A_3 masked %not3A_2053 : memref<16x256xf32, #tpu.memory_space<vmem>>[vector<16xi32>, vector<16xi32>], vector<16xf32>, vector<16xi1>
      %broadcast_in_dim3A_2065 = arith.constant 132 : i32
      %broadcast_in_dim3A_2066 = vector.broadcast %broadcast_in_dim3A_2065 : i32 to vector<16xi32>
      tpu.vector_store_idx %arg5[%iota3A, %broadcast_in_dim3A_2066], %broadcast_in_dim3A_3 masked %not3A_2053 : memref<16x256xf32, #tpu.memory_space<vmem>>[vector<16xi32>, vector<16xi32>], vector<16xf32>, vector<16xi1>
      %broadcast_in_dim3A_2067 = arith.constant 133 : i32
      %broadcast_in_dim3A_2068 = vector.broadcast %broadcast_in_dim3A_2067 : i32 to vector<16xi32>
      tpu.vector_store_idx %arg5[%iota3A, %broadcast_in_dim3A_2068], %broadcast_in_dim3A_3 masked %not3A_2053 : memref<16x256xf32, #tpu.memory_space<vmem>>[vector<16xi32>, vector<16xi32>], vector<16xf32>, vector<16xi1>
      %broadcast_in_dim3A_2069 = arith.constant 134 : i32
      %broadcast_in_dim3A_2070 = vector.broadcast %broadcast_in_dim3A_2069 : i32 to vector<16xi32>
      tpu.vector_store_idx %arg5[%iota3A, %broadcast_in_dim3A_2070], %broadcast_in_dim3A_3 masked %not3A_2053 : memref<16x256xf32, #tpu.memory_space<vmem>>[vector<16xi32>, vector<16xi32>], vector<16xf32>, vector<16xi1>
      %broadcast_in_dim3A_2071 = arith.constant 135 : i32
      %broadcast_in_dim3A_2072 = vector.broadcast %broadcast_in_dim3A_2071 : i32 to vector<16xi32>
      tpu.vector_store_idx %arg5[%iota3A, %broadcast_in_dim3A_2072], %broadcast_in_dim3A_3 masked %not3A_2053 : memref<16x256xf32, #tpu.memory_space<vmem>>[vector<16xi32>, vector<16xi32>], vector<16xf32>, vector<16xi1>
      %broadcast_in_dim3A_2073 = arith.constant 136 : i32
      %broadcast_in_dim3A_2074 = vector.broadcast %broadcast_in_dim3A_2073 : i32 to vector<16xi32>
      tpu.vector_store_idx %arg5[%iota3A, %broadcast_in_dim3A_2074], %broadcast_in_dim3A_3 masked %not3A_2053 : memref<16x256xf32, #tpu.memory_space<vmem>>[vector<16xi32>, vector<16xi32>], vector<16xf32>, vector<16xi1>
      %broadcast_in_dim3A_2075 = arith.constant 137 : i32
      %broadcast_in_dim3A_2076 = vector.broadcast %broadcast_in_dim3A_2075 : i32 to vector<16xi32>
      tpu.vector_store_idx %arg5[%iota3A, %broadcast_in_dim3A_2076], %broadcast_in_dim3A_3 masked %not3A_2053 : memref<16x256xf32, #tpu.memory_space<vmem>>[vector<16xi32>, vector<16xi32>], vector<16xf32>, vector<16xi1>
      %broadcast_in_dim3A_2077 = arith.constant 138 : i32
      %broadcast_in_dim3A_2078 = vector.broadcast %broadcast_in_dim3A_2077 : i32 to vector<16xi32>
      tpu.vector_store_idx %arg5[%iota3A, %broadcast_in_dim3A_2078], %broadcast_in_dim3A_3 masked %not3A_2053 : memref<16x256xf32, #tpu.memory_space<vmem>>[vector<16xi32>, vector<16xi32>], vector<16xf32>, vector<16xi1>
      %broadcast_in_dim3A_2079 = arith.constant 139 : i32
      %broadcast_in_dim3A_2080 = vector.broadcast %broadcast_in_dim3A_2079 : i32 to vector<16xi32>
      tpu.vector_store_idx %arg5[%iota3A, %broadcast_in_dim3A_2080], %broadcast_in_dim3A_3 masked %not3A_2053 : memref<16x256xf32, #tpu.memory_space<vmem>>[vector<16xi32>, vector<16xi32>], vector<16xf32>, vector<16xi1>
      %broadcast_in_dim3A_2081 = arith.constant 140 : i32
      %broadcast_in_dim3A_2082 = vector.broadcast %broadcast_in_dim3A_2081 : i32 to vector<16xi32>
      tpu.vector_store_idx %arg5[%iota3A, %broadcast_in_dim3A_2082], %broadcast_in_dim3A_3 masked %not3A_2053 : memref<16x256xf32, #tpu.memory_space<vmem>>[vector<16xi32>, vector<16xi32>], vector<16xf32>, vector<16xi1>
      %broadcast_in_dim3A_2083 = arith.constant 141 : i32
      %broadcast_in_dim3A_2084 = vector.broadcast %broadcast_in_dim3A_2083 : i32 to vector<16xi32>
      tpu.vector_store_idx %arg5[%iota3A, %broadcast_in_dim3A_2084], %broadcast_in_dim3A_3 masked %not3A_2053 : memref<16x256xf32, #tpu.memory_space<vmem>>[vector<16xi32>, vector<16xi32>], vector<16xf32>, vector<16xi1>
      %broadcast_in_dim3A_2085 = arith.constant 142 : i32
      %broadcast_in_dim3A_2086 = vector.broadcast %broadcast_in_dim3A_2085 : i32 to vector<16xi32>
      tpu.vector_store_idx %arg5[%iota3A, %broadcast_in_dim3A_2086], %broadcast_in_dim3A_3 masked %not3A_2053 : memref<16x256xf32, #tpu.memory_space<vmem>>[vector<16xi32>, vector<16xi32>], vector<16xf32>, vector<16xi1>
      %broadcast_in_dim3A_2087 = arith.constant 143 : i32
      %broadcast_in_dim3A_2088 = vector.broadcast %broadcast_in_dim3A_2087 : i32 to vector<16xi32>
      tpu.vector_store_idx %arg5[%iota3A, %broadcast_in_dim3A_2088], %broadcast_in_dim3A_3 masked %not3A_2053 : memref<16x256xf32, #tpu.memory_space<vmem>>[vector<16xi32>, vector<16xi32>], vector<16xf32>, vector<16xi1>
      %broadcast_in_dim3A_2089 = arith.constant 144 : i32
      %broadcast_in_dim3A_2090 = vector.broadcast %broadcast_in_dim3A_2089 : i32 to vector<16xi32>
      tpu.vector_store_idx %arg5[%iota3A, %broadcast_in_dim3A_2090], %broadcast_in_dim3A_3 masked %not3A_2053 : memref<16x256xf32, #tpu.memory_space<vmem>>[vector<16xi32>, vector<16xi32>], vector<16xf32>, vector<16xi1>
      %broadcast_in_dim3A_2091 = arith.constant 145 : i32
      %broadcast_in_dim3A_2092 = vector.broadcast %broadcast_in_dim3A_2091 : i32 to vector<16xi32>
      tpu.vector_store_idx %arg5[%iota3A, %broadcast_in_dim3A_2092], %broadcast_in_dim3A_3 masked %not3A_2053 : memref<16x256xf32, #tpu.memory_space<vmem>>[vector<16xi32>, vector<16xi32>], vector<16xf32>, vector<16xi1>
      %broadcast_in_dim3A_2093 = arith.constant 146 : i32
      %broadcast_in_dim3A_2094 = vector.broadcast %broadcast_in_dim3A_2093 : i32 to vector<16xi32>
      tpu.vector_store_idx %arg5[%iota3A, %broadcast_in_dim3A_2094], %broadcast_in_dim3A_3 masked %not3A_2053 : memref<16x256xf32, #tpu.memory_space<vmem>>[vector<16xi32>, vector<16xi32>], vector<16xf32>, vector<16xi1>
      %broadcast_in_dim3A_2095 = arith.constant 147 : i32
      %broadcast_in_dim3A_2096 = vector.broadcast %broadcast_in_dim3A_2095 : i32 to vector<16xi32>
      tpu.vector_store_idx %arg5[%iota3A, %broadcast_in_dim3A_2096], %broadcast_in_dim3A_3 masked %not3A_2053 : memref<16x256xf32, #tpu.memory_space<vmem>>[vector<16xi32>, vector<16xi32>], vector<16xf32>, vector<16xi1>
      %broadcast_in_dim3A_2097 = arith.constant 148 : i32
      %broadcast_in_dim3A_2098 = vector.broadcast %broadcast_in_dim3A_2097 : i32 to vector<16xi32>
      tpu.vector_store_idx %arg5[%iota3A, %broadcast_in_dim3A_2098], %broadcast_in_dim3A_3 masked %not3A_2053 : memref<16x256xf32, #tpu.memory_space<vmem>>[vector<16xi32>, vector<16xi32>], vector<16xf32>, vector<16xi1>
      %broadcast_in_dim3A_2099 = arith.constant 149 : i32
      %broadcast_in_dim3A_2100 = vector.broadcast %broadcast_in_dim3A_2099 : i32 to vector<16xi32>
      tpu.vector_store_idx %arg5[%iota3A, %broadcast_in_dim3A_2100], %broadcast_in_dim3A_3 masked %not3A_2053 : memref<16x256xf32, #tpu.memory_space<vmem>>[vector<16xi32>, vector<16xi32>], vector<16xf32>, vector<16xi1>
      %broadcast_in_dim3A_2101 = arith.constant 150 : i32
      %broadcast_in_dim3A_2102 = vector.broadcast %broadcast_in_dim3A_2101 : i32 to vector<16xi32>
      tpu.vector_store_idx %arg5[%iota3A, %broadcast_in_dim3A_2102], %broadcast_in_dim3A_3 masked %not3A_2053 : memref<16x256xf32, #tpu.memory_space<vmem>>[vector<16xi32>, vector<16xi32>], vector<16xf32>, vector<16xi1>
      %broadcast_in_dim3A_2103 = arith.constant 151 : i32
      %broadcast_in_dim3A_2104 = vector.broadcast %broadcast_in_dim3A_2103 : i32 to vector<16xi32>
      tpu.vector_store_idx %arg5[%iota3A, %broadcast_in_dim3A_2104], %broadcast_in_dim3A_3 masked %not3A_2053 : memref<16x256xf32, #tpu.memory_space<vmem>>[vector<16xi32>, vector<16xi32>], vector<16xf32>, vector<16xi1>
      %broadcast_in_dim3A_2105 = arith.constant 152 : i32
      %broadcast_in_dim3A_2106 = vector.broadcast %broadcast_in_dim3A_2105 : i32 to vector<16xi32>
      tpu.vector_store_idx %arg5[%iota3A, %broadcast_in_dim3A_2106], %broadcast_in_dim3A_3 masked %not3A_2053 : memref<16x256xf32, #tpu.memory_space<vmem>>[vector<16xi32>, vector<16xi32>], vector<16xf32>, vector<16xi1>
      %broadcast_in_dim3A_2107 = arith.constant 153 : i32
      %broadcast_in_dim3A_2108 = vector.broadcast %broadcast_in_dim3A_2107 : i32 to vector<16xi32>
      tpu.vector_store_idx %arg5[%iota3A, %broadcast_in_dim3A_2108], %broadcast_in_dim3A_3 masked %not3A_2053 : memref<16x256xf32, #tpu.memory_space<vmem>>[vector<16xi32>, vector<16xi32>], vector<16xf32>, vector<16xi1>
      %broadcast_in_dim3A_2109 = arith.constant 154 : i32
      %broadcast_in_dim3A_2110 = vector.broadcast %broadcast_in_dim3A_2109 : i32 to vector<16xi32>
      tpu.vector_store_idx %arg5[%iota3A, %broadcast_in_dim3A_2110], %broadcast_in_dim3A_3 masked %not3A_2053 : memref<16x256xf32, #tpu.memory_space<vmem>>[vector<16xi32>, vector<16xi32>], vector<16xf32>, vector<16xi1>
      %broadcast_in_dim3A_2111 = arith.constant 155 : i32
      %broadcast_in_dim3A_2112 = vector.broadcast %broadcast_in_dim3A_2111 : i32 to vector<16xi32>
      tpu.vector_store_idx %arg5[%iota3A, %broadcast_in_dim3A_2112], %broadcast_in_dim3A_3 masked %not3A_2053 : memref<16x256xf32, #tpu.memory_space<vmem>>[vector<16xi32>, vector<16xi32>], vector<16xf32>, vector<16xi1>
      %broadcast_in_dim3A_2113 = arith.constant 156 : i32
      %broadcast_in_dim3A_2114 = vector.broadcast %broadcast_in_dim3A_2113 : i32 to vector<16xi32>
      tpu.vector_store_idx %arg5[%iota3A, %broadcast_in_dim3A_2114], %broadcast_in_dim3A_3 masked %not3A_2053 : memref<16x256xf32, #tpu.memory_space<vmem>>[vector<16xi32>, vector<16xi32>], vector<16xf32>, vector<16xi1>
      %broadcast_in_dim3A_2115 = arith.constant 157 : i32
      %broadcast_in_dim3A_2116 = vector.broadcast %broadcast_in_dim3A_2115 : i32 to vector<16xi32>
      tpu.vector_store_idx %arg5[%iota3A, %broadcast_in_dim3A_2116], %broadcast_in_dim3A_3 masked %not3A_2053 : memref<16x256xf32, #tpu.memory_space<vmem>>[vector<16xi32>, vector<16xi32>], vector<16xf32>, vector<16xi1>
      %broadcast_in_dim3A_2117 = arith.constant 158 : i32
      %broadcast_in_dim3A_2118 = vector.broadcast %broadcast_in_dim3A_2117 : i32 to vector<16xi32>
      tpu.vector_store_idx %arg5[%iota3A, %broadcast_in_dim3A_2118], %broadcast_in_dim3A_3 masked %not3A_2053 : memref<16x256xf32, #tpu.memory_space<vmem>>[vector<16xi32>, vector<16xi32>], vector<16xf32>, vector<16xi1>
      %broadcast_in_dim3A_2119 = arith.constant 159 : i32
      %broadcast_in_dim3A_2120 = vector.broadcast %broadcast_in_dim3A_2119 : i32 to vector<16xi32>
      tpu.vector_store_idx %arg5[%iota3A, %broadcast_in_dim3A_2120], %broadcast_in_dim3A_3 masked %not3A_2053 : memref<16x256xf32, #tpu.memory_space<vmem>>[vector<16xi32>, vector<16xi32>], vector<16xf32>, vector<16xi1>
      %lt3A_2121 = arith.constant 4 : i32
      %lt3A_2122 = vector.broadcast %lt3A_2121 : i32 to vector<16xi32>
      %lt3A_2123 = arith.cmpi slt, %add3A_1755, %lt3A_2122 : vector<16xi32>
      %not3A_2124 = arith.constant dense<true> : vector<16xi1>
      %not3A_2125 = arith.xori %lt3A_2123, %not3A_2124 : vector<16xi1>
      %broadcast_in_dim3A_2126 = arith.constant 5 : i32
      %broadcast_in_dim3A_2127 = vector.broadcast %broadcast_in_dim3A_2126 : i32 to vector<16xi32>
      %select_n3A_2128 = arith.select %lt3A_2123, %broadcast_in_dim3A_5, %broadcast_in_dim3A_7 : vector<16xi1>, vector<16xf32>
      tpu.vector_store_idx %arg6[%iota3A, %broadcast_in_dim3A_2127], %select_n3A_2128 : memref<16x8xf32, #tpu.memory_space<vmem>>[vector<16xi32>, vector<16xi32>], vector<16xf32>,
      %broadcast_in_dim3A_2129 = arith.constant 160 : i32
      %broadcast_in_dim3A_2130 = vector.broadcast %broadcast_in_dim3A_2129 : i32 to vector<16xi32>
      tpu.vector_store_idx %arg5[%iota3A, %broadcast_in_dim3A_2130], %broadcast_in_dim3A_3 masked %not3A_2125 : memref<16x256xf32, #tpu.memory_space<vmem>>[vector<16xi32>, vector<16xi32>], vector<16xf32>, vector<16xi1>
      %broadcast_in_dim3A_2131 = arith.constant 161 : i32
      %broadcast_in_dim3A_2132 = vector.broadcast %broadcast_in_dim3A_2131 : i32 to vector<16xi32>
      tpu.vector_store_idx %arg5[%iota3A, %broadcast_in_dim3A_2132], %broadcast_in_dim3A_3 masked %not3A_2125 : memref<16x256xf32, #tpu.memory_space<vmem>>[vector<16xi32>, vector<16xi32>], vector<16xf32>, vector<16xi1>
      %broadcast_in_dim3A_2133 = arith.constant 162 : i32
      %broadcast_in_dim3A_2134 = vector.broadcast %broadcast_in_dim3A_2133 : i32 to vector<16xi32>
      tpu.vector_store_idx %arg5[%iota3A, %broadcast_in_dim3A_2134], %broadcast_in_dim3A_3 masked %not3A_2125 : memref<16x256xf32, #tpu.memory_space<vmem>>[vector<16xi32>, vector<16xi32>], vector<16xf32>, vector<16xi1>
      %broadcast_in_dim3A_2135 = arith.constant 163 : i32
      %broadcast_in_dim3A_2136 = vector.broadcast %broadcast_in_dim3A_2135 : i32 to vector<16xi32>
      tpu.vector_store_idx %arg5[%iota3A, %broadcast_in_dim3A_2136], %broadcast_in_dim3A_3 masked %not3A_2125 : memref<16x256xf32, #tpu.memory_space<vmem>>[vector<16xi32>, vector<16xi32>], vector<16xf32>, vector<16xi1>
      %broadcast_in_dim3A_2137 = arith.constant 164 : i32
      %broadcast_in_dim3A_2138 = vector.broadcast %broadcast_in_dim3A_2137 : i32 to vector<16xi32>
      tpu.vector_store_idx %arg5[%iota3A, %broadcast_in_dim3A_2138], %broadcast_in_dim3A_3 masked %not3A_2125 : memref<16x256xf32, #tpu.memory_space<vmem>>[vector<16xi32>, vector<16xi32>], vector<16xf32>, vector<16xi1>
      %broadcast_in_dim3A_2139 = arith.constant 165 : i32
      %broadcast_in_dim3A_2140 = vector.broadcast %broadcast_in_dim3A_2139 : i32 to vector<16xi32>
      tpu.vector_store_idx %arg5[%iota3A, %broadcast_in_dim3A_2140], %broadcast_in_dim3A_3 masked %not3A_2125 : memref<16x256xf32, #tpu.memory_space<vmem>>[vector<16xi32>, vector<16xi32>], vector<16xf32>, vector<16xi1>
      %broadcast_in_dim3A_2141 = arith.constant 166 : i32
      %broadcast_in_dim3A_2142 = vector.broadcast %broadcast_in_dim3A_2141 : i32 to vector<16xi32>
      tpu.vector_store_idx %arg5[%iota3A, %broadcast_in_dim3A_2142], %broadcast_in_dim3A_3 masked %not3A_2125 : memref<16x256xf32, #tpu.memory_space<vmem>>[vector<16xi32>, vector<16xi32>], vector<16xf32>, vector<16xi1>
      %broadcast_in_dim3A_2143 = arith.constant 167 : i32
      %broadcast_in_dim3A_2144 = vector.broadcast %broadcast_in_dim3A_2143 : i32 to vector<16xi32>
      tpu.vector_store_idx %arg5[%iota3A, %broadcast_in_dim3A_2144], %broadcast_in_dim3A_3 masked %not3A_2125 : memref<16x256xf32, #tpu.memory_space<vmem>>[vector<16xi32>, vector<16xi32>], vector<16xf32>, vector<16xi1>
      %broadcast_in_dim3A_2145 = arith.constant 168 : i32
      %broadcast_in_dim3A_2146 = vector.broadcast %broadcast_in_dim3A_2145 : i32 to vector<16xi32>
      tpu.vector_store_idx %arg5[%iota3A, %broadcast_in_dim3A_2146], %broadcast_in_dim3A_3 masked %not3A_2125 : memref<16x256xf32, #tpu.memory_space<vmem>>[vector<16xi32>, vector<16xi32>], vector<16xf32>, vector<16xi1>
      %broadcast_in_dim3A_2147 = arith.constant 169 : i32
      %broadcast_in_dim3A_2148 = vector.broadcast %broadcast_in_dim3A_2147 : i32 to vector<16xi32>
      tpu.vector_store_idx %arg5[%iota3A, %broadcast_in_dim3A_2148], %broadcast_in_dim3A_3 masked %not3A_2125 : memref<16x256xf32, #tpu.memory_space<vmem>>[vector<16xi32>, vector<16xi32>], vector<16xf32>, vector<16xi1>
      %broadcast_in_dim3A_2149 = arith.constant 170 : i32
      %broadcast_in_dim3A_2150 = vector.broadcast %broadcast_in_dim3A_2149 : i32 to vector<16xi32>
      tpu.vector_store_idx %arg5[%iota3A, %broadcast_in_dim3A_2150], %broadcast_in_dim3A_3 masked %not3A_2125 : memref<16x256xf32, #tpu.memory_space<vmem>>[vector<16xi32>, vector<16xi32>], vector<16xf32>, vector<16xi1>
      %broadcast_in_dim3A_2151 = arith.constant 171 : i32
      %broadcast_in_dim3A_2152 = vector.broadcast %broadcast_in_dim3A_2151 : i32 to vector<16xi32>
      tpu.vector_store_idx %arg5[%iota3A, %broadcast_in_dim3A_2152], %broadcast_in_dim3A_3 masked %not3A_2125 : memref<16x256xf32, #tpu.memory_space<vmem>>[vector<16xi32>, vector<16xi32>], vector<16xf32>, vector<16xi1>
      %broadcast_in_dim3A_2153 = arith.constant 172 : i32
      %broadcast_in_dim3A_2154 = vector.broadcast %broadcast_in_dim3A_2153 : i32 to vector<16xi32>
      tpu.vector_store_idx %arg5[%iota3A, %broadcast_in_dim3A_2154], %broadcast_in_dim3A_3 masked %not3A_2125 : memref<16x256xf32, #tpu.memory_space<vmem>>[vector<16xi32>, vector<16xi32>], vector<16xf32>, vector<16xi1>
      %broadcast_in_dim3A_2155 = arith.constant 173 : i32
      %broadcast_in_dim3A_2156 = vector.broadcast %broadcast_in_dim3A_2155 : i32 to vector<16xi32>
      tpu.vector_store_idx %arg5[%iota3A, %broadcast_in_dim3A_2156], %broadcast_in_dim3A_3 masked %not3A_2125 : memref<16x256xf32, #tpu.memory_space<vmem>>[vector<16xi32>, vector<16xi32>], vector<16xf32>, vector<16xi1>
      %broadcast_in_dim3A_2157 = arith.constant 174 : i32
      %broadcast_in_dim3A_2158 = vector.broadcast %broadcast_in_dim3A_2157 : i32 to vector<16xi32>
      tpu.vector_store_idx %arg5[%iota3A, %broadcast_in_dim3A_2158], %broadcast_in_dim3A_3 masked %not3A_2125 : memref<16x256xf32, #tpu.memory_space<vmem>>[vector<16xi32>, vector<16xi32>], vector<16xf32>, vector<16xi1>
      %broadcast_in_dim3A_2159 = arith.constant 175 : i32
      %broadcast_in_dim3A_2160 = vector.broadcast %broadcast_in_dim3A_2159 : i32 to vector<16xi32>
      tpu.vector_store_idx %arg5[%iota3A, %broadcast_in_dim3A_2160], %broadcast_in_dim3A_3 masked %not3A_2125 : memref<16x256xf32, #tpu.memory_space<vmem>>[vector<16xi32>, vector<16xi32>], vector<16xf32>, vector<16xi1>
      %broadcast_in_dim3A_2161 = arith.constant 176 : i32
      %broadcast_in_dim3A_2162 = vector.broadcast %broadcast_in_dim3A_2161 : i32 to vector<16xi32>
      tpu.vector_store_idx %arg5[%iota3A, %broadcast_in_dim3A_2162], %broadcast_in_dim3A_3 masked %not3A_2125 : memref<16x256xf32, #tpu.memory_space<vmem>>[vector<16xi32>, vector<16xi32>], vector<16xf32>, vector<16xi1>
      %broadcast_in_dim3A_2163 = arith.constant 177 : i32
      %broadcast_in_dim3A_2164 = vector.broadcast %broadcast_in_dim3A_2163 : i32 to vector<16xi32>
      tpu.vector_store_idx %arg5[%iota3A, %broadcast_in_dim3A_2164], %broadcast_in_dim3A_3 masked %not3A_2125 : memref<16x256xf32, #tpu.memory_space<vmem>>[vector<16xi32>, vector<16xi32>], vector<16xf32>, vector<16xi1>
      %broadcast_in_dim3A_2165 = arith.constant 178 : i32
      %broadcast_in_dim3A_2166 = vector.broadcast %broadcast_in_dim3A_2165 : i32 to vector<16xi32>
      tpu.vector_store_idx %arg5[%iota3A, %broadcast_in_dim3A_2166], %broadcast_in_dim3A_3 masked %not3A_2125 : memref<16x256xf32, #tpu.memory_space<vmem>>[vector<16xi32>, vector<16xi32>], vector<16xf32>, vector<16xi1>
      %broadcast_in_dim3A_2167 = arith.constant 179 : i32
      %broadcast_in_dim3A_2168 = vector.broadcast %broadcast_in_dim3A_2167 : i32 to vector<16xi32>
      tpu.vector_store_idx %arg5[%iota3A, %broadcast_in_dim3A_2168], %broadcast_in_dim3A_3 masked %not3A_2125 : memref<16x256xf32, #tpu.memory_space<vmem>>[vector<16xi32>, vector<16xi32>], vector<16xf32>, vector<16xi1>
      %broadcast_in_dim3A_2169 = arith.constant 180 : i32
      %broadcast_in_dim3A_2170 = vector.broadcast %broadcast_in_dim3A_2169 : i32 to vector<16xi32>
      tpu.vector_store_idx %arg5[%iota3A, %broadcast_in_dim3A_2170], %broadcast_in_dim3A_3 masked %not3A_2125 : memref<16x256xf32, #tpu.memory_space<vmem>>[vector<16xi32>, vector<16xi32>], vector<16xf32>, vector<16xi1>
      %broadcast_in_dim3A_2171 = arith.constant 181 : i32
      %broadcast_in_dim3A_2172 = vector.broadcast %broadcast_in_dim3A_2171 : i32 to vector<16xi32>
      tpu.vector_store_idx %arg5[%iota3A, %broadcast_in_dim3A_2172], %broadcast_in_dim3A_3 masked %not3A_2125 : memref<16x256xf32, #tpu.memory_space<vmem>>[vector<16xi32>, vector<16xi32>], vector<16xf32>, vector<16xi1>
      %broadcast_in_dim3A_2173 = arith.constant 182 : i32
      %broadcast_in_dim3A_2174 = vector.broadcast %broadcast_in_dim3A_2173 : i32 to vector<16xi32>
      tpu.vector_store_idx %arg5[%iota3A, %broadcast_in_dim3A_2174], %broadcast_in_dim3A_3 masked %not3A_2125 : memref<16x256xf32, #tpu.memory_space<vmem>>[vector<16xi32>, vector<16xi32>], vector<16xf32>, vector<16xi1>
      %broadcast_in_dim3A_2175 = arith.constant 183 : i32
      %broadcast_in_dim3A_2176 = vector.broadcast %broadcast_in_dim3A_2175 : i32 to vector<16xi32>
      tpu.vector_store_idx %arg5[%iota3A, %broadcast_in_dim3A_2176], %broadcast_in_dim3A_3 masked %not3A_2125 : memref<16x256xf32, #tpu.memory_space<vmem>>[vector<16xi32>, vector<16xi32>], vector<16xf32>, vector<16xi1>
      %broadcast_in_dim3A_2177 = arith.constant 184 : i32
      %broadcast_in_dim3A_2178 = vector.broadcast %broadcast_in_dim3A_2177 : i32 to vector<16xi32>
      tpu.vector_store_idx %arg5[%iota3A, %broadcast_in_dim3A_2178], %broadcast_in_dim3A_3 masked %not3A_2125 : memref<16x256xf32, #tpu.memory_space<vmem>>[vector<16xi32>, vector<16xi32>], vector<16xf32>, vector<16xi1>
      %broadcast_in_dim3A_2179 = arith.constant 185 : i32
      %broadcast_in_dim3A_2180 = vector.broadcast %broadcast_in_dim3A_2179 : i32 to vector<16xi32>
      tpu.vector_store_idx %arg5[%iota3A, %broadcast_in_dim3A_2180], %broadcast_in_dim3A_3 masked %not3A_2125 : memref<16x256xf32, #tpu.memory_space<vmem>>[vector<16xi32>, vector<16xi32>], vector<16xf32>, vector<16xi1>
      %broadcast_in_dim3A_2181 = arith.constant 186 : i32
      %broadcast_in_dim3A_2182 = vector.broadcast %broadcast_in_dim3A_2181 : i32 to vector<16xi32>
      tpu.vector_store_idx %arg5[%iota3A, %broadcast_in_dim3A_2182], %broadcast_in_dim3A_3 masked %not3A_2125 : memref<16x256xf32, #tpu.memory_space<vmem>>[vector<16xi32>, vector<16xi32>], vector<16xf32>, vector<16xi1>
      %broadcast_in_dim3A_2183 = arith.constant 187 : i32
      %broadcast_in_dim3A_2184 = vector.broadcast %broadcast_in_dim3A_2183 : i32 to vector<16xi32>
      tpu.vector_store_idx %arg5[%iota3A, %broadcast_in_dim3A_2184], %broadcast_in_dim3A_3 masked %not3A_2125 : memref<16x256xf32, #tpu.memory_space<vmem>>[vector<16xi32>, vector<16xi32>], vector<16xf32>, vector<16xi1>
      %broadcast_in_dim3A_2185 = arith.constant 188 : i32
      %broadcast_in_dim3A_2186 = vector.broadcast %broadcast_in_dim3A_2185 : i32 to vector<16xi32>
      tpu.vector_store_idx %arg5[%iota3A, %broadcast_in_dim3A_2186], %broadcast_in_dim3A_3 masked %not3A_2125 : memref<16x256xf32, #tpu.memory_space<vmem>>[vector<16xi32>, vector<16xi32>], vector<16xf32>, vector<16xi1>
      %broadcast_in_dim3A_2187 = arith.constant 189 : i32
      %broadcast_in_dim3A_2188 = vector.broadcast %broadcast_in_dim3A_2187 : i32 to vector<16xi32>
      tpu.vector_store_idx %arg5[%iota3A, %broadcast_in_dim3A_2188], %broadcast_in_dim3A_3 masked %not3A_2125 : memref<16x256xf32, #tpu.memory_space<vmem>>[vector<16xi32>, vector<16xi32>], vector<16xf32>, vector<16xi1>
      %broadcast_in_dim3A_2189 = arith.constant 190 : i32
      %broadcast_in_dim3A_2190 = vector.broadcast %broadcast_in_dim3A_2189 : i32 to vector<16xi32>
      tpu.vector_store_idx %arg5[%iota3A, %broadcast_in_dim3A_2190], %broadcast_in_dim3A_3 masked %not3A_2125 : memref<16x256xf32, #tpu.memory_space<vmem>>[vector<16xi32>, vector<16xi32>], vector<16xf32>, vector<16xi1>
      %broadcast_in_dim3A_2191 = arith.constant 191 : i32
      %broadcast_in_dim3A_2192 = vector.broadcast %broadcast_in_dim3A_2191 : i32 to vector<16xi32>
      tpu.vector_store_idx %arg5[%iota3A, %broadcast_in_dim3A_2192], %broadcast_in_dim3A_3 masked %not3A_2125 : memref<16x256xf32, #tpu.memory_space<vmem>>[vector<16xi32>, vector<16xi32>], vector<16xf32>, vector<16xi1>
      %lt3A_2193 = arith.constant 4 : i32
      %lt3A_2194 = vector.broadcast %lt3A_2193 : i32 to vector<16xi32>
      %lt3A_2195 = arith.cmpi slt, %add3A_1763, %lt3A_2194 : vector<16xi32>
      %not3A_2196 = arith.constant dense<true> : vector<16xi1>
      %not3A_2197 = arith.xori %lt3A_2195, %not3A_2196 : vector<16xi1>
      %broadcast_in_dim3A_2198 = arith.constant 6 : i32
      %broadcast_in_dim3A_2199 = vector.broadcast %broadcast_in_dim3A_2198 : i32 to vector<16xi32>
      %select_n3A_2200 = arith.select %lt3A_2195, %broadcast_in_dim3A_5, %broadcast_in_dim3A_7 : vector<16xi1>, vector<16xf32>
      tpu.vector_store_idx %arg6[%iota3A, %broadcast_in_dim3A_2199], %select_n3A_2200 : memref<16x8xf32, #tpu.memory_space<vmem>>[vector<16xi32>, vector<16xi32>], vector<16xf32>,
      %broadcast_in_dim3A_2201 = arith.constant 192 : i32
      %broadcast_in_dim3A_2202 = vector.broadcast %broadcast_in_dim3A_2201 : i32 to vector<16xi32>
      tpu.vector_store_idx %arg5[%iota3A, %broadcast_in_dim3A_2202], %broadcast_in_dim3A_3 masked %not3A_2197 : memref<16x256xf32, #tpu.memory_space<vmem>>[vector<16xi32>, vector<16xi32>], vector<16xf32>, vector<16xi1>
      %broadcast_in_dim3A_2203 = arith.constant 193 : i32
      %broadcast_in_dim3A_2204 = vector.broadcast %broadcast_in_dim3A_2203 : i32 to vector<16xi32>
      tpu.vector_store_idx %arg5[%iota3A, %broadcast_in_dim3A_2204], %broadcast_in_dim3A_3 masked %not3A_2197 : memref<16x256xf32, #tpu.memory_space<vmem>>[vector<16xi32>, vector<16xi32>], vector<16xf32>, vector<16xi1>
      %broadcast_in_dim3A_2205 = arith.constant 194 : i32
      %broadcast_in_dim3A_2206 = vector.broadcast %broadcast_in_dim3A_2205 : i32 to vector<16xi32>
      tpu.vector_store_idx %arg5[%iota3A, %broadcast_in_dim3A_2206], %broadcast_in_dim3A_3 masked %not3A_2197 : memref<16x256xf32, #tpu.memory_space<vmem>>[vector<16xi32>, vector<16xi32>], vector<16xf32>, vector<16xi1>
      %broadcast_in_dim3A_2207 = arith.constant 195 : i32
      %broadcast_in_dim3A_2208 = vector.broadcast %broadcast_in_dim3A_2207 : i32 to vector<16xi32>
      tpu.vector_store_idx %arg5[%iota3A, %broadcast_in_dim3A_2208], %broadcast_in_dim3A_3 masked %not3A_2197 : memref<16x256xf32, #tpu.memory_space<vmem>>[vector<16xi32>, vector<16xi32>], vector<16xf32>, vector<16xi1>
      %broadcast_in_dim3A_2209 = arith.constant 196 : i32
      %broadcast_in_dim3A_2210 = vector.broadcast %broadcast_in_dim3A_2209 : i32 to vector<16xi32>
      tpu.vector_store_idx %arg5[%iota3A, %broadcast_in_dim3A_2210], %broadcast_in_dim3A_3 masked %not3A_2197 : memref<16x256xf32, #tpu.memory_space<vmem>>[vector<16xi32>, vector<16xi32>], vector<16xf32>, vector<16xi1>
      %broadcast_in_dim3A_2211 = arith.constant 197 : i32
      %broadcast_in_dim3A_2212 = vector.broadcast %broadcast_in_dim3A_2211 : i32 to vector<16xi32>
      tpu.vector_store_idx %arg5[%iota3A, %broadcast_in_dim3A_2212], %broadcast_in_dim3A_3 masked %not3A_2197 : memref<16x256xf32, #tpu.memory_space<vmem>>[vector<16xi32>, vector<16xi32>], vector<16xf32>, vector<16xi1>
      %broadcast_in_dim3A_2213 = arith.constant 198 : i32
      %broadcast_in_dim3A_2214 = vector.broadcast %broadcast_in_dim3A_2213 : i32 to vector<16xi32>
      tpu.vector_store_idx %arg5[%iota3A, %broadcast_in_dim3A_2214], %broadcast_in_dim3A_3 masked %not3A_2197 : memref<16x256xf32, #tpu.memory_space<vmem>>[vector<16xi32>, vector<16xi32>], vector<16xf32>, vector<16xi1>
      %broadcast_in_dim3A_2215 = arith.constant 199 : i32
      %broadcast_in_dim3A_2216 = vector.broadcast %broadcast_in_dim3A_2215 : i32 to vector<16xi32>
      tpu.vector_store_idx %arg5[%iota3A, %broadcast_in_dim3A_2216], %broadcast_in_dim3A_3 masked %not3A_2197 : memref<16x256xf32, #tpu.memory_space<vmem>>[vector<16xi32>, vector<16xi32>], vector<16xf32>, vector<16xi1>
      %broadcast_in_dim3A_2217 = arith.constant 200 : i32
      %broadcast_in_dim3A_2218 = vector.broadcast %broadcast_in_dim3A_2217 : i32 to vector<16xi32>
      tpu.vector_store_idx %arg5[%iota3A, %broadcast_in_dim3A_2218], %broadcast_in_dim3A_3 masked %not3A_2197 : memref<16x256xf32, #tpu.memory_space<vmem>>[vector<16xi32>, vector<16xi32>], vector<16xf32>, vector<16xi1>
      %broadcast_in_dim3A_2219 = arith.constant 201 : i32
      %broadcast_in_dim3A_2220 = vector.broadcast %broadcast_in_dim3A_2219 : i32 to vector<16xi32>
      tpu.vector_store_idx %arg5[%iota3A, %broadcast_in_dim3A_2220], %broadcast_in_dim3A_3 masked %not3A_2197 : memref<16x256xf32, #tpu.memory_space<vmem>>[vector<16xi32>, vector<16xi32>], vector<16xf32>, vector<16xi1>
      %broadcast_in_dim3A_2221 = arith.constant 202 : i32
      %broadcast_in_dim3A_2222 = vector.broadcast %broadcast_in_dim3A_2221 : i32 to vector<16xi32>
      tpu.vector_store_idx %arg5[%iota3A, %broadcast_in_dim3A_2222], %broadcast_in_dim3A_3 masked %not3A_2197 : memref<16x256xf32, #tpu.memory_space<vmem>>[vector<16xi32>, vector<16xi32>], vector<16xf32>, vector<16xi1>
      %broadcast_in_dim3A_2223 = arith.constant 203 : i32
      %broadcast_in_dim3A_2224 = vector.broadcast %broadcast_in_dim3A_2223 : i32 to vector<16xi32>
      tpu.vector_store_idx %arg5[%iota3A, %broadcast_in_dim3A_2224], %broadcast_in_dim3A_3 masked %not3A_2197 : memref<16x256xf32, #tpu.memory_space<vmem>>[vector<16xi32>, vector<16xi32>], vector<16xf32>, vector<16xi1>
      %broadcast_in_dim3A_2225 = arith.constant 204 : i32
      %broadcast_in_dim3A_2226 = vector.broadcast %broadcast_in_dim3A_2225 : i32 to vector<16xi32>
      tpu.vector_store_idx %arg5[%iota3A, %broadcast_in_dim3A_2226], %broadcast_in_dim3A_3 masked %not3A_2197 : memref<16x256xf32, #tpu.memory_space<vmem>>[vector<16xi32>, vector<16xi32>], vector<16xf32>, vector<16xi1>
      %broadcast_in_dim3A_2227 = arith.constant 205 : i32
      %broadcast_in_dim3A_2228 = vector.broadcast %broadcast_in_dim3A_2227 : i32 to vector<16xi32>
      tpu.vector_store_idx %arg5[%iota3A, %broadcast_in_dim3A_2228], %broadcast_in_dim3A_3 masked %not3A_2197 : memref<16x256xf32, #tpu.memory_space<vmem>>[vector<16xi32>, vector<16xi32>], vector<16xf32>, vector<16xi1>
      %broadcast_in_dim3A_2229 = arith.constant 206 : i32
      %broadcast_in_dim3A_2230 = vector.broadcast %broadcast_in_dim3A_2229 : i32 to vector<16xi32>
      tpu.vector_store_idx %arg5[%iota3A, %broadcast_in_dim3A_2230], %broadcast_in_dim3A_3 masked %not3A_2197 : memref<16x256xf32, #tpu.memory_space<vmem>>[vector<16xi32>, vector<16xi32>], vector<16xf32>, vector<16xi1>
      %broadcast_in_dim3A_2231 = arith.constant 207 : i32
      %broadcast_in_dim3A_2232 = vector.broadcast %broadcast_in_dim3A_2231 : i32 to vector<16xi32>
      tpu.vector_store_idx %arg5[%iota3A, %broadcast_in_dim3A_2232], %broadcast_in_dim3A_3 masked %not3A_2197 : memref<16x256xf32, #tpu.memory_space<vmem>>[vector<16xi32>, vector<16xi32>], vector<16xf32>, vector<16xi1>
      %broadcast_in_dim3A_2233 = arith.constant 208 : i32
      %broadcast_in_dim3A_2234 = vector.broadcast %broadcast_in_dim3A_2233 : i32 to vector<16xi32>
      tpu.vector_store_idx %arg5[%iota3A, %broadcast_in_dim3A_2234], %broadcast_in_dim3A_3 masked %not3A_2197 : memref<16x256xf32, #tpu.memory_space<vmem>>[vector<16xi32>, vector<16xi32>], vector<16xf32>, vector<16xi1>
      %broadcast_in_dim3A_2235 = arith.constant 209 : i32
      %broadcast_in_dim3A_2236 = vector.broadcast %broadcast_in_dim3A_2235 : i32 to vector<16xi32>
      tpu.vector_store_idx %arg5[%iota3A, %broadcast_in_dim3A_2236], %broadcast_in_dim3A_3 masked %not3A_2197 : memref<16x256xf32, #tpu.memory_space<vmem>>[vector<16xi32>, vector<16xi32>], vector<16xf32>, vector<16xi1>
      %broadcast_in_dim3A_2237 = arith.constant 210 : i32
      %broadcast_in_dim3A_2238 = vector.broadcast %broadcast_in_dim3A_2237 : i32 to vector<16xi32>
      tpu.vector_store_idx %arg5[%iota3A, %broadcast_in_dim3A_2238], %broadcast_in_dim3A_3 masked %not3A_2197 : memref<16x256xf32, #tpu.memory_space<vmem>>[vector<16xi32>, vector<16xi32>], vector<16xf32>, vector<16xi1>
      %broadcast_in_dim3A_2239 = arith.constant 211 : i32
      %broadcast_in_dim3A_2240 = vector.broadcast %broadcast_in_dim3A_2239 : i32 to vector<16xi32>
      tpu.vector_store_idx %arg5[%iota3A, %broadcast_in_dim3A_2240], %broadcast_in_dim3A_3 masked %not3A_2197 : memref<16x256xf32, #tpu.memory_space<vmem>>[vector<16xi32>, vector<16xi32>], vector<16xf32>, vector<16xi1>
      %broadcast_in_dim3A_2241 = arith.constant 212 : i32
      %broadcast_in_dim3A_2242 = vector.broadcast %broadcast_in_dim3A_2241 : i32 to vector<16xi32>
      tpu.vector_store_idx %arg5[%iota3A, %broadcast_in_dim3A_2242], %broadcast_in_dim3A_3 masked %not3A_2197 : memref<16x256xf32, #tpu.memory_space<vmem>>[vector<16xi32>, vector<16xi32>], vector<16xf32>, vector<16xi1>
      %broadcast_in_dim3A_2243 = arith.constant 213 : i32
      %broadcast_in_dim3A_2244 = vector.broadcast %broadcast_in_dim3A_2243 : i32 to vector<16xi32>
      tpu.vector_store_idx %arg5[%iota3A, %broadcast_in_dim3A_2244], %broadcast_in_dim3A_3 masked %not3A_2197 : memref<16x256xf32, #tpu.memory_space<vmem>>[vector<16xi32>, vector<16xi32>], vector<16xf32>, vector<16xi1>
      %broadcast_in_dim3A_2245 = arith.constant 214 : i32
      %broadcast_in_dim3A_2246 = vector.broadcast %broadcast_in_dim3A_2245 : i32 to vector<16xi32>
      tpu.vector_store_idx %arg5[%iota3A, %broadcast_in_dim3A_2246], %broadcast_in_dim3A_3 masked %not3A_2197 : memref<16x256xf32, #tpu.memory_space<vmem>>[vector<16xi32>, vector<16xi32>], vector<16xf32>, vector<16xi1>
      %broadcast_in_dim3A_2247 = arith.constant 215 : i32
      %broadcast_in_dim3A_2248 = vector.broadcast %broadcast_in_dim3A_2247 : i32 to vector<16xi32>
      tpu.vector_store_idx %arg5[%iota3A, %broadcast_in_dim3A_2248], %broadcast_in_dim3A_3 masked %not3A_2197 : memref<16x256xf32, #tpu.memory_space<vmem>>[vector<16xi32>, vector<16xi32>], vector<16xf32>, vector<16xi1>
      %broadcast_in_dim3A_2249 = arith.constant 216 : i32
      %broadcast_in_dim3A_2250 = vector.broadcast %broadcast_in_dim3A_2249 : i32 to vector<16xi32>
      tpu.vector_store_idx %arg5[%iota3A, %broadcast_in_dim3A_2250], %broadcast_in_dim3A_3 masked %not3A_2197 : memref<16x256xf32, #tpu.memory_space<vmem>>[vector<16xi32>, vector<16xi32>], vector<16xf32>, vector<16xi1>
      %broadcast_in_dim3A_2251 = arith.constant 217 : i32
      %broadcast_in_dim3A_2252 = vector.broadcast %broadcast_in_dim3A_2251 : i32 to vector<16xi32>
      tpu.vector_store_idx %arg5[%iota3A, %broadcast_in_dim3A_2252], %broadcast_in_dim3A_3 masked %not3A_2197 : memref<16x256xf32, #tpu.memory_space<vmem>>[vector<16xi32>, vector<16xi32>], vector<16xf32>, vector<16xi1>
      %broadcast_in_dim3A_2253 = arith.constant 218 : i32
      %broadcast_in_dim3A_2254 = vector.broadcast %broadcast_in_dim3A_2253 : i32 to vector<16xi32>
      tpu.vector_store_idx %arg5[%iota3A, %broadcast_in_dim3A_2254], %broadcast_in_dim3A_3 masked %not3A_2197 : memref<16x256xf32, #tpu.memory_space<vmem>>[vector<16xi32>, vector<16xi32>], vector<16xf32>, vector<16xi1>
      %broadcast_in_dim3A_2255 = arith.constant 219 : i32
      %broadcast_in_dim3A_2256 = vector.broadcast %broadcast_in_dim3A_2255 : i32 to vector<16xi32>
      tpu.vector_store_idx %arg5[%iota3A, %broadcast_in_dim3A_2256], %broadcast_in_dim3A_3 masked %not3A_2197 : memref<16x256xf32, #tpu.memory_space<vmem>>[vector<16xi32>, vector<16xi32>], vector<16xf32>, vector<16xi1>
      %broadcast_in_dim3A_2257 = arith.constant 220 : i32
      %broadcast_in_dim3A_2258 = vector.broadcast %broadcast_in_dim3A_2257 : i32 to vector<16xi32>
      tpu.vector_store_idx %arg5[%iota3A, %broadcast_in_dim3A_2258], %broadcast_in_dim3A_3 masked %not3A_2197 : memref<16x256xf32, #tpu.memory_space<vmem>>[vector<16xi32>, vector<16xi32>], vector<16xf32>, vector<16xi1>
      %broadcast_in_dim3A_2259 = arith.constant 221 : i32
      %broadcast_in_dim3A_2260 = vector.broadcast %broadcast_in_dim3A_2259 : i32 to vector<16xi32>
      tpu.vector_store_idx %arg5[%iota3A, %broadcast_in_dim3A_2260], %broadcast_in_dim3A_3 masked %not3A_2197 : memref<16x256xf32, #tpu.memory_space<vmem>>[vector<16xi32>, vector<16xi32>], vector<16xf32>, vector<16xi1>
      %broadcast_in_dim3A_2261 = arith.constant 222 : i32
      %broadcast_in_dim3A_2262 = vector.broadcast %broadcast_in_dim3A_2261 : i32 to vector<16xi32>
      tpu.vector_store_idx %arg5[%iota3A, %broadcast_in_dim3A_2262], %broadcast_in_dim3A_3 masked %not3A_2197 : memref<16x256xf32, #tpu.memory_space<vmem>>[vector<16xi32>, vector<16xi32>], vector<16xf32>, vector<16xi1>
      %broadcast_in_dim3A_2263 = arith.constant 223 : i32
      %broadcast_in_dim3A_2264 = vector.broadcast %broadcast_in_dim3A_2263 : i32 to vector<16xi32>
      tpu.vector_store_idx %arg5[%iota3A, %broadcast_in_dim3A_2264], %broadcast_in_dim3A_3 masked %not3A_2197 : memref<16x256xf32, #tpu.memory_space<vmem>>[vector<16xi32>, vector<16xi32>], vector<16xf32>, vector<16xi1>
      %lt3A_2265 = arith.constant 4 : i32
      %lt3A_2266 = vector.broadcast %lt3A_2265 : i32 to vector<16xi32>
      %lt3A_2267 = arith.cmpi slt, %add3A_1761, %lt3A_2266 : vector<16xi32>
      %not3A_2268 = arith.constant dense<true> : vector<16xi1>
      %not3A_2269 = arith.xori %lt3A_2267, %not3A_2268 : vector<16xi1>
      %broadcast_in_dim3A_2270 = arith.constant 7 : i32
      %broadcast_in_dim3A_2271 = vector.broadcast %broadcast_in_dim3A_2270 : i32 to vector<16xi32>
      %select_n3A_2272 = arith.select %lt3A_2267, %broadcast_in_dim3A_5, %broadcast_in_dim3A_7 : vector<16xi1>, vector<16xf32>
      tpu.vector_store_idx %arg6[%iota3A, %broadcast_in_dim3A_2271], %select_n3A_2272 : memref<16x8xf32, #tpu.memory_space<vmem>>[vector<16xi32>, vector<16xi32>], vector<16xf32>,
      %broadcast_in_dim3A_2273 = arith.constant 224 : i32
      %broadcast_in_dim3A_2274 = vector.broadcast %broadcast_in_dim3A_2273 : i32 to vector<16xi32>
      tpu.vector_store_idx %arg5[%iota3A, %broadcast_in_dim3A_2274], %broadcast_in_dim3A_3 masked %not3A_2269 : memref<16x256xf32, #tpu.memory_space<vmem>>[vector<16xi32>, vector<16xi32>], vector<16xf32>, vector<16xi1>
      %broadcast_in_dim3A_2275 = arith.constant 225 : i32
      %broadcast_in_dim3A_2276 = vector.broadcast %broadcast_in_dim3A_2275 : i32 to vector<16xi32>
      tpu.vector_store_idx %arg5[%iota3A, %broadcast_in_dim3A_2276], %broadcast_in_dim3A_3 masked %not3A_2269 : memref<16x256xf32, #tpu.memory_space<vmem>>[vector<16xi32>, vector<16xi32>], vector<16xf32>, vector<16xi1>
      %broadcast_in_dim3A_2277 = arith.constant 226 : i32
      %broadcast_in_dim3A_2278 = vector.broadcast %broadcast_in_dim3A_2277 : i32 to vector<16xi32>
      tpu.vector_store_idx %arg5[%iota3A, %broadcast_in_dim3A_2278], %broadcast_in_dim3A_3 masked %not3A_2269 : memref<16x256xf32, #tpu.memory_space<vmem>>[vector<16xi32>, vector<16xi32>], vector<16xf32>, vector<16xi1>
      %broadcast_in_dim3A_2279 = arith.constant 227 : i32
      %broadcast_in_dim3A_2280 = vector.broadcast %broadcast_in_dim3A_2279 : i32 to vector<16xi32>
      tpu.vector_store_idx %arg5[%iota3A, %broadcast_in_dim3A_2280], %broadcast_in_dim3A_3 masked %not3A_2269 : memref<16x256xf32, #tpu.memory_space<vmem>>[vector<16xi32>, vector<16xi32>], vector<16xf32>, vector<16xi1>
      %broadcast_in_dim3A_2281 = arith.constant 228 : i32
      %broadcast_in_dim3A_2282 = vector.broadcast %broadcast_in_dim3A_2281 : i32 to vector<16xi32>
      tpu.vector_store_idx %arg5[%iota3A, %broadcast_in_dim3A_2282], %broadcast_in_dim3A_3 masked %not3A_2269 : memref<16x256xf32, #tpu.memory_space<vmem>>[vector<16xi32>, vector<16xi32>], vector<16xf32>, vector<16xi1>
      %broadcast_in_dim3A_2283 = arith.constant 229 : i32
      %broadcast_in_dim3A_2284 = vector.broadcast %broadcast_in_dim3A_2283 : i32 to vector<16xi32>
      tpu.vector_store_idx %arg5[%iota3A, %broadcast_in_dim3A_2284], %broadcast_in_dim3A_3 masked %not3A_2269 : memref<16x256xf32, #tpu.memory_space<vmem>>[vector<16xi32>, vector<16xi32>], vector<16xf32>, vector<16xi1>
      %broadcast_in_dim3A_2285 = arith.constant 230 : i32
      %broadcast_in_dim3A_2286 = vector.broadcast %broadcast_in_dim3A_2285 : i32 to vector<16xi32>
      tpu.vector_store_idx %arg5[%iota3A, %broadcast_in_dim3A_2286], %broadcast_in_dim3A_3 masked %not3A_2269 : memref<16x256xf32, #tpu.memory_space<vmem>>[vector<16xi32>, vector<16xi32>], vector<16xf32>, vector<16xi1>
      %broadcast_in_dim3A_2287 = arith.constant 231 : i32
      %broadcast_in_dim3A_2288 = vector.broadcast %broadcast_in_dim3A_2287 : i32 to vector<16xi32>
      tpu.vector_store_idx %arg5[%iota3A, %broadcast_in_dim3A_2288], %broadcast_in_dim3A_3 masked %not3A_2269 : memref<16x256xf32, #tpu.memory_space<vmem>>[vector<16xi32>, vector<16xi32>], vector<16xf32>, vector<16xi1>
      %broadcast_in_dim3A_2289 = arith.constant 232 : i32
      %broadcast_in_dim3A_2290 = vector.broadcast %broadcast_in_dim3A_2289 : i32 to vector<16xi32>
      tpu.vector_store_idx %arg5[%iota3A, %broadcast_in_dim3A_2290], %broadcast_in_dim3A_3 masked %not3A_2269 : memref<16x256xf32, #tpu.memory_space<vmem>>[vector<16xi32>, vector<16xi32>], vector<16xf32>, vector<16xi1>
      %broadcast_in_dim3A_2291 = arith.constant 233 : i32
      %broadcast_in_dim3A_2292 = vector.broadcast %broadcast_in_dim3A_2291 : i32 to vector<16xi32>
      tpu.vector_store_idx %arg5[%iota3A, %broadcast_in_dim3A_2292], %broadcast_in_dim3A_3 masked %not3A_2269 : memref<16x256xf32, #tpu.memory_space<vmem>>[vector<16xi32>, vector<16xi32>], vector<16xf32>, vector<16xi1>
      %broadcast_in_dim3A_2293 = arith.constant 234 : i32
      %broadcast_in_dim3A_2294 = vector.broadcast %broadcast_in_dim3A_2293 : i32 to vector<16xi32>
      tpu.vector_store_idx %arg5[%iota3A, %broadcast_in_dim3A_2294], %broadcast_in_dim3A_3 masked %not3A_2269 : memref<16x256xf32, #tpu.memory_space<vmem>>[vector<16xi32>, vector<16xi32>], vector<16xf32>, vector<16xi1>
      %broadcast_in_dim3A_2295 = arith.constant 235 : i32
      %broadcast_in_dim3A_2296 = vector.broadcast %broadcast_in_dim3A_2295 : i32 to vector<16xi32>
      tpu.vector_store_idx %arg5[%iota3A, %broadcast_in_dim3A_2296], %broadcast_in_dim3A_3 masked %not3A_2269 : memref<16x256xf32, #tpu.memory_space<vmem>>[vector<16xi32>, vector<16xi32>], vector<16xf32>, vector<16xi1>
      %broadcast_in_dim3A_2297 = arith.constant 236 : i32
      %broadcast_in_dim3A_2298 = vector.broadcast %broadcast_in_dim3A_2297 : i32 to vector<16xi32>
      tpu.vector_store_idx %arg5[%iota3A, %broadcast_in_dim3A_2298], %broadcast_in_dim3A_3 masked %not3A_2269 : memref<16x256xf32, #tpu.memory_space<vmem>>[vector<16xi32>, vector<16xi32>], vector<16xf32>, vector<16xi1>
      %broadcast_in_dim3A_2299 = arith.constant 237 : i32
      %broadcast_in_dim3A_2300 = vector.broadcast %broadcast_in_dim3A_2299 : i32 to vector<16xi32>
      tpu.vector_store_idx %arg5[%iota3A, %broadcast_in_dim3A_2300], %broadcast_in_dim3A_3 masked %not3A_2269 : memref<16x256xf32, #tpu.memory_space<vmem>>[vector<16xi32>, vector<16xi32>], vector<16xf32>, vector<16xi1>
      %broadcast_in_dim3A_2301 = arith.constant 238 : i32
      %broadcast_in_dim3A_2302 = vector.broadcast %broadcast_in_dim3A_2301 : i32 to vector<16xi32>
      tpu.vector_store_idx %arg5[%iota3A, %broadcast_in_dim3A_2302], %broadcast_in_dim3A_3 masked %not3A_2269 : memref<16x256xf32, #tpu.memory_space<vmem>>[vector<16xi32>, vector<16xi32>], vector<16xf32>, vector<16xi1>
      %broadcast_in_dim3A_2303 = arith.constant 239 : i32
      %broadcast_in_dim3A_2304 = vector.broadcast %broadcast_in_dim3A_2303 : i32 to vector<16xi32>
      tpu.vector_store_idx %arg5[%iota3A, %broadcast_in_dim3A_2304], %broadcast_in_dim3A_3 masked %not3A_2269 : memref<16x256xf32, #tpu.memory_space<vmem>>[vector<16xi32>, vector<16xi32>], vector<16xf32>, vector<16xi1>
      %broadcast_in_dim3A_2305 = arith.constant 240 : i32
      %broadcast_in_dim3A_2306 = vector.broadcast %broadcast_in_dim3A_2305 : i32 to vector<16xi32>
      tpu.vector_store_idx %arg5[%iota3A, %broadcast_in_dim3A_2306], %broadcast_in_dim3A_3 masked %not3A_2269 : memref<16x256xf32, #tpu.memory_space<vmem>>[vector<16xi32>, vector<16xi32>], vector<16xf32>, vector<16xi1>
      %broadcast_in_dim3A_2307 = arith.constant 241 : i32
      %broadcast_in_dim3A_2308 = vector.broadcast %broadcast_in_dim3A_2307 : i32 to vector<16xi32>
      tpu.vector_store_idx %arg5[%iota3A, %broadcast_in_dim3A_2308], %broadcast_in_dim3A_3 masked %not3A_2269 : memref<16x256xf32, #tpu.memory_space<vmem>>[vector<16xi32>, vector<16xi32>], vector<16xf32>, vector<16xi1>
      %broadcast_in_dim3A_2309 = arith.constant 242 : i32
      %broadcast_in_dim3A_2310 = vector.broadcast %broadcast_in_dim3A_2309 : i32 to vector<16xi32>
      tpu.vector_store_idx %arg5[%iota3A, %broadcast_in_dim3A_2310], %broadcast_in_dim3A_3 masked %not3A_2269 : memref<16x256xf32, #tpu.memory_space<vmem>>[vector<16xi32>, vector<16xi32>], vector<16xf32>, vector<16xi1>
      %broadcast_in_dim3A_2311 = arith.constant 243 : i32
      %broadcast_in_dim3A_2312 = vector.broadcast %broadcast_in_dim3A_2311 : i32 to vector<16xi32>
      tpu.vector_store_idx %arg5[%iota3A, %broadcast_in_dim3A_2312], %broadcast_in_dim3A_3 masked %not3A_2269 : memref<16x256xf32, #tpu.memory_space<vmem>>[vector<16xi32>, vector<16xi32>], vector<16xf32>, vector<16xi1>
      %broadcast_in_dim3A_2313 = arith.constant 244 : i32
      %broadcast_in_dim3A_2314 = vector.broadcast %broadcast_in_dim3A_2313 : i32 to vector<16xi32>
      tpu.vector_store_idx %arg5[%iota3A, %broadcast_in_dim3A_2314], %broadcast_in_dim3A_3 masked %not3A_2269 : memref<16x256xf32, #tpu.memory_space<vmem>>[vector<16xi32>, vector<16xi32>], vector<16xf32>, vector<16xi1>
      %broadcast_in_dim3A_2315 = arith.constant 245 : i32
      %broadcast_in_dim3A_2316 = vector.broadcast %broadcast_in_dim3A_2315 : i32 to vector<16xi32>
      tpu.vector_store_idx %arg5[%iota3A, %broadcast_in_dim3A_2316], %broadcast_in_dim3A_3 masked %not3A_2269 : memref<16x256xf32, #tpu.memory_space<vmem>>[vector<16xi32>, vector<16xi32>], vector<16xf32>, vector<16xi1>
      %broadcast_in_dim3A_2317 = arith.constant 246 : i32
      %broadcast_in_dim3A_2318 = vector.broadcast %broadcast_in_dim3A_2317 : i32 to vector<16xi32>
      tpu.vector_store_idx %arg5[%iota3A, %broadcast_in_dim3A_2318], %broadcast_in_dim3A_3 masked %not3A_2269 : memref<16x256xf32, #tpu.memory_space<vmem>>[vector<16xi32>, vector<16xi32>], vector<16xf32>, vector<16xi1>
      %broadcast_in_dim3A_2319 = arith.constant 247 : i32
      %broadcast_in_dim3A_2320 = vector.broadcast %broadcast_in_dim3A_2319 : i32 to vector<16xi32>
      tpu.vector_store_idx %arg5[%iota3A, %broadcast_in_dim3A_2320], %broadcast_in_dim3A_3 masked %not3A_2269 : memref<16x256xf32, #tpu.memory_space<vmem>>[vector<16xi32>, vector<16xi32>], vector<16xf32>, vector<16xi1>
      %broadcast_in_dim3A_2321 = arith.constant 248 : i32
      %broadcast_in_dim3A_2322 = vector.broadcast %broadcast_in_dim3A_2321 : i32 to vector<16xi32>
      tpu.vector_store_idx %arg5[%iota3A, %broadcast_in_dim3A_2322], %broadcast_in_dim3A_3 masked %not3A_2269 : memref<16x256xf32, #tpu.memory_space<vmem>>[vector<16xi32>, vector<16xi32>], vector<16xf32>, vector<16xi1>
      %broadcast_in_dim3A_2323 = arith.constant 249 : i32
      %broadcast_in_dim3A_2324 = vector.broadcast %broadcast_in_dim3A_2323 : i32 to vector<16xi32>
      tpu.vector_store_idx %arg5[%iota3A, %broadcast_in_dim3A_2324], %broadcast_in_dim3A_3 masked %not3A_2269 : memref<16x256xf32, #tpu.memory_space<vmem>>[vector<16xi32>, vector<16xi32>], vector<16xf32>, vector<16xi1>
      %broadcast_in_dim3A_2325 = arith.constant 250 : i32
      %broadcast_in_dim3A_2326 = vector.broadcast %broadcast_in_dim3A_2325 : i32 to vector<16xi32>
      tpu.vector_store_idx %arg5[%iota3A, %broadcast_in_dim3A_2326], %broadcast_in_dim3A_3 masked %not3A_2269 : memref<16x256xf32, #tpu.memory_space<vmem>>[vector<16xi32>, vector<16xi32>], vector<16xf32>, vector<16xi1>
      %broadcast_in_dim3A_2327 = arith.constant 251 : i32
      %broadcast_in_dim3A_2328 = vector.broadcast %broadcast_in_dim3A_2327 : i32 to vector<16xi32>
      tpu.vector_store_idx %arg5[%iota3A, %broadcast_in_dim3A_2328], %broadcast_in_dim3A_3 masked %not3A_2269 : memref<16x256xf32, #tpu.memory_space<vmem>>[vector<16xi32>, vector<16xi32>], vector<16xf32>, vector<16xi1>
      %broadcast_in_dim3A_2329 = arith.constant 252 : i32
      %broadcast_in_dim3A_2330 = vector.broadcast %broadcast_in_dim3A_2329 : i32 to vector<16xi32>
      tpu.vector_store_idx %arg5[%iota3A, %broadcast_in_dim3A_2330], %broadcast_in_dim3A_3 masked %not3A_2269 : memref<16x256xf32, #tpu.memory_space<vmem>>[vector<16xi32>, vector<16xi32>], vector<16xf32>, vector<16xi1>
      %broadcast_in_dim3A_2331 = arith.constant 253 : i32
      %broadcast_in_dim3A_2332 = vector.broadcast %broadcast_in_dim3A_2331 : i32 to vector<16xi32>
      tpu.vector_store_idx %arg5[%iota3A, %broadcast_in_dim3A_2332], %broadcast_in_dim3A_3 masked %not3A_2269 : memref<16x256xf32, #tpu.memory_space<vmem>>[vector<16xi32>, vector<16xi32>], vector<16xf32>, vector<16xi1>
      %broadcast_in_dim3A_2333 = arith.constant 254 : i32
      %broadcast_in_dim3A_2334 = vector.broadcast %broadcast_in_dim3A_2333 : i32 to vector<16xi32>
      tpu.vector_store_idx %arg5[%iota3A, %broadcast_in_dim3A_2334], %broadcast_in_dim3A_3 masked %not3A_2269 : memref<16x256xf32, #tpu.memory_space<vmem>>[vector<16xi32>, vector<16xi32>], vector<16xf32>, vector<16xi1>
      %broadcast_in_dim3A_2335 = arith.constant 255 : i32
      %broadcast_in_dim3A_2336 = vector.broadcast %broadcast_in_dim3A_2335 : i32 to vector<16xi32>
      tpu.vector_store_idx %arg5[%iota3A, %broadcast_in_dim3A_2336], %broadcast_in_dim3A_3 masked %not3A_2269 : memref<16x256xf32, #tpu.memory_space<vmem>>[vector<16xi32>, vector<16xi32>], vector<16xf32>, vector<16xi1>
      "tpu.region"() ({
        %run_scoped3A = tpu.sem_alloc : memref<!tpu.dma_semaphore, #tpu.memory_space<semaphore_mem>>
        %dma_start3A = arith.constant 0 : i32
        %dma_start3A_2337 = tpu.memref_slice %arg3[%add3A_16, %dma_start3A] : memref<32768x256xf32, #tpu.memory_space<hbm>> -> memref<16x256xf32, #tpu.memory_space<hbm>>
        %dma_start3A_2338 = arith.constant 0 : i32
        %dma_start3A_2339 = tpu.memref_slice %arg3[%add3A_16, %dma_start3A_2338] : memref<32768x256xf32, #tpu.memory_space<hbm>> -> memref<16x256xf32, #tpu.memory_space<hbm>>
        tpu.enqueue_dma source(%arg5 : memref<16x256xf32, #tpu.memory_space<vmem>>) target(%dma_start3A_2339 : memref<16x256xf32, #tpu.memory_space<hbm>>) target_semaphore(%run_scoped3A : memref<!tpu.dma_semaphore, #tpu.memory_space<semaphore_mem>>)
        %dma_wait3A = arith.constant 0 : i32
        %dma_wait3A_2340 = tpu.memref_slice %arg3[%add3A_16, %dma_wait3A] : memref<32768x256xf32, #tpu.memory_space<hbm>> -> memref<16x256xf32, #tpu.memory_space<hbm>>
        %dma_wait3A_2341 = arith.constant 0 : i32
        %dma_wait3A_2342 = tpu.memref_slice %arg3[%add3A_16, %dma_wait3A_2341] : memref<32768x256xf32, #tpu.memory_space<hbm>> -> memref<16x256xf32, #tpu.memory_space<hbm>>
        tpu.wait_dma2 semaphore(%run_scoped3A : memref<!tpu.dma_semaphore, #tpu.memory_space<semaphore_mem>>) src(%arg5 : memref<16x256xf32, #tpu.memory_space<vmem>>) dst(%dma_wait3A_2342 : memref<16x256xf32, #tpu.memory_space<hbm>>)
        tpu.yield
      }) : () -> ()
      "tpu.region"() ({
        %run_scoped3A = tpu.sem_alloc : memref<!tpu.dma_semaphore, #tpu.memory_space<semaphore_mem>>
        %dma_start3A = arith.constant 0 : i32
        %dma_start3A_2337 = tpu.memref_slice %arg4[%add3A_16, %dma_start3A] : memref<32768x8xf32, #tpu.memory_space<hbm>> -> memref<16x8xf32, #tpu.memory_space<hbm>>
        %dma_start3A_2338 = arith.constant 0 : i32
        %dma_start3A_2339 = tpu.memref_slice %arg4[%add3A_16, %dma_start3A_2338] : memref<32768x8xf32, #tpu.memory_space<hbm>> -> memref<16x8xf32, #tpu.memory_space<hbm>>
        tpu.enqueue_dma source(%arg6 : memref<16x8xf32, #tpu.memory_space<vmem>>) target(%dma_start3A_2339 : memref<16x8xf32, #tpu.memory_space<hbm>>) target_semaphore(%run_scoped3A : memref<!tpu.dma_semaphore, #tpu.memory_space<semaphore_mem>>)
        %dma_wait3A = arith.constant 0 : i32
        %dma_wait3A_2340 = tpu.memref_slice %arg4[%add3A_16, %dma_wait3A] : memref<32768x8xf32, #tpu.memory_space<hbm>> -> memref<16x8xf32, #tpu.memory_space<hbm>>
        %dma_wait3A_2341 = arith.constant 0 : i32
        %dma_wait3A_2342 = tpu.memref_slice %arg4[%add3A_16, %dma_wait3A_2341] : memref<32768x8xf32, #tpu.memory_space<hbm>> -> memref<16x8xf32, #tpu.memory_space<hbm>>
        tpu.wait_dma2 semaphore(%run_scoped3A : memref<!tpu.dma_semaphore, #tpu.memory_space<semaphore_mem>>) src(%arg6 : memref<16x8xf32, #tpu.memory_space<vmem>>) dst(%dma_wait3A_2342 : memref<16x8xf32, #tpu.memory_space<hbm>>)
        tpu.yield
      }) : () -> ()
    }
    %scan3A_12 = arith.constant 64 : i32
    return
  }
}

</mosaic_0001>

<sc_bundles>
// kernel: kernel.3.cloned.1.call-start
scs
__scs_entry_jumppad:
0x0: {  	(pc) =	sbr.rel $0x88, $3  }
0x1: {  	(tag) =	ssettag $0x0;
	lr =	simm.s32 $0x1  }
0x2: {  	[smem:$0x3FA0] =	sst lr;
	_ =	strace $0xD0000000  }
0x3: {  	_ = 	snop  }
0x4: {  	_ = 	snop  }
0x5: {  	_ = 	snop  }
0x6: {  	_ = 	snop  }
0x7: {  	_ = 	snop  }
__scs_overlays_trampoline_lowered:
0x8: {  	[smem:$0x3FAF] =	sst s0  }
0x9: {  	[smem:$0x3FB0] =	sst s1  }
0xa: {  	[smem:$0x3FB1] =	sst s2  }
0xb: {  	[smem:$0x3FB2] =	sst s3  }
0xc: {  	[smem:$0x3FB3] =	sst s4  }
0xd: {  	[smem:$0x3FB4] =	sst s5  }
0xe: {  	[smem:$0x3FB5] =	sst s6  }
0xf: {  	[smem:$0x3FB6] =	sst s7  }
0x10: {  	[smem:$0x3FB7] =	sst s8  }
0x11: {  	[smem:$0x3FB8] =	sst s9;
	s0 =	simm.s32 @!p0 $0x0  }
0x12: {  	s1 =	sld [smem:$0x3F9E];
	s0 =	simm.s32 @p0 $0x1  }
0x13: {  	[smem:$0x3FB9] =	sst s0;
	s0 =	simm.s32 @!p1 $0x0  }
0x14: {  	s2 =	sld [smem:$0x3F9D];
	s0 =	simm.s32 @p1 $0x1  }
0x15: {  	[smem:$0x3FBA] =	sst s0;
	s0 =	simm.s32 @!p2 $0x0  }
0x16: {  	s3 =	sld [smem:$0x3FDB];
	s0 =	simm.s32 @p2 $0x1  }
0x17: {  	s4 =	simm.s32 $0x1BF5;
	[smem:$0x3FBC] =	sst s0  }
0x18: {  	s0 =	sld [smem:$0x3F9F];
	_ =	swait.ge [sflag:s4], $0x0  }
0x19: {  	s7 =	sld [smem:$0x3FA0]  }
0x1a: {  	s8 =	sadd.s32 $0xFFFFE003, lr  }
0x1b: {  	s9 =	sadd.s32 $0xFFFFFEF7, lr;
	s5 =	simm.s32 $0xFFFFFFFF;
	p2 =	slt.u32 s8, $0xFFFFF086  }
0x1c: {  	p1 =	slt.u32 s9, $0xF7A;
	s5 =	simm.s32 @!p2 $0x0  }
0x1d: {  	s5 =	simm.s32 @p1 $0x1;
	p0 =	seq.s32 s7, s2  }
0x1e: {  	s7 =	smul.u32 @!p0 $0xF7A, s2;
	p2 =	seq.s32 @!p0 s5, $0x0  }
0x1f: {  	s9 =	smul.u32 $0xF7A, s1;
	s8 =	simm.s32 @!p0 $0x1BF5;
	p2 =	por !p2, p0  }
0x20: {  	[sflag:s8] =	ssyncset.s32 @!p0 $0xFFFFF086;
	s6 =	sadd.s32 @!p0 s3, s7;
	s7 =	simm.s32 @!p0 $0x108  }
0x21: {  	s3 =	sadd.s32 s3, s9;
	s6 =	sadd.s32 @!p0 $0x88, s6;
	s7 =	simm.s32 @p2 $0x1082  }
0x22: {  	[simem:s7], [sflag:s8] =	dma.local @!p0 [hbm:s6], $0xF7A  }
0x23: {  	s9 =	sor.u32 $0xD0000000, s2;
	s6 =	simm.s32 $0x108;
	_ =	swait.ge @!p0 [sflag:s8], $0x0  }
0x24: {  	s3 =	sadd.s32 $0x88, s3;
	s6 =	simm.s32 @!p1 $0x1082;
	[sflag:s4] =	ssyncset.s32 $0xFFFFF086  }
0x25: {  	[simem:s6], [sflag:s4] =	dma.local [hbm:s3], $0xF7A  }
0x26: {  	[smem:$0x3FA0] =	sst s1;
	(tag) =	ssettag s2;
	_ =	strace s9  }
0x27: {  	s1 =	sld [smem:$0x3FB0]  }
0x28: {  	s2 =	sld [smem:$0x3FB1]  }
0x29: {  	s4 =	sld [smem:$0x3FB3]  }
0x2a: {  	p0 =	seq.s32 s5, $0x0;
	s5 =	sld [smem:$0x3FB4]  }
0x2b: {  	s6 =	sld [smem:$0x3FB5]  }
0x2c: {  	s7 =	sld [smem:$0x3FB6]  }
0x2d: {  	s3 =	simm.s32 $0x108;
	s8 =	sld [smem:$0x3FB7]  }
0x2e: {  	s3 =	simm.s32 @!p0 $0x1082;
	s9 =	sld [smem:$0x3FB8]  }
0x2f: {  	lr =	sadd.s32 s0, s3;
	s0 =	sld [smem:$0x3FAF]  }
0x30: {  	s3 =	sld [smem:$0x3FB2]  }
0x31: {  	[smem:$0x3FBB] =	sst s10  }
0x32: {  	s10 =	sld [smem:$0x3FB9];
	_ =	sdelay $0x3  }
0x33: {  	p0 =	seq.s32 s10, $0x1;
	s10 =	sld [smem:$0x3FBB];
	_ =	sdelay $0x3  }
0x34: {  	[smem:$0x3FBB] =	sst s10  }
0x35: {  	s10 =	sld [smem:$0x3FBA];
	_ =	sdelay $0x3  }
0x36: {  	p1 =	seq.s32 s10, $0x1;
	s10 =	sld [smem:$0x3FBB];
	_ =	sdelay $0x3  }
0x37: {  	[smem:$0x3FBB] =	sst s10  }
0x38: {  	s10 =	sld [smem:$0x3FBC]  }
0x39: {  	_ = 	snop;
	(pc) =	sbr.ind lr, $3  }
0x3a: {  	_ = 	snop  }
0x3b: {  	_ = 	snop  }
0x3c: {  	p2 =	seq.s32 s10, $0x1;
	s10 =	sld [smem:$0x3FBB]  }
0x3d: {  	_ =	shalt  }
0x3e: {  	_ =	shalt  }
0x3f: {  	_ =	shalt  }
0x40: {  	_ =	shalt  }
0x41: {  	_ =	shalt  }
0x42: {  	_ =	shalt  }
0x43: {  	_ =	shalt  }
0x44: {  	_ =	shalt  }
0x45: {  	_ =	shalt  }
0x46: {  	_ =	shalt  }
0x47: {  	_ =	shalt  }
0x48: {  	_ =	shalt  }
0x49: {  	_ =	shalt  }
0x4a: {  	_ =	shalt  }
0x4b: {  	_ =	shalt  }
0x4c: {  	_ =	shalt  }
0x4d: {  	_ =	shalt  }
0x4e: {  	_ =	shalt  }
0x4f: {  	_ =	shalt  }
0x50: {  	_ =	shalt  }
0x51: {  	_ =	shalt  }
0x52: {  	_ =	shalt  }
0x53: {  	_ =	shalt  }
0x54: {  	_ =	shalt  }
0x55: {  	_ =	shalt  }
0x56: {  	_ =	shalt  }
0x57: {  	_ =	shalt  }
0x58: {  	_ =	shalt  }
0x59: {  	_ =	shalt  }
0x5a: {  	_ =	shalt  }
0x5b: {  	_ =	shalt  }
0x5c: {  	_ =	shalt  }
0x5d: {  	_ =	shalt  }
0x5e: {  	_ =	shalt  }
0x5f: {  	_ =	shalt  }
0x60: {  	_ =	shalt  }
0x61: {  	_ =	shalt  }
0x62: {  	_ =	shalt  }
0x63: {  	_ =	shalt  }
0x64: {  	_ =	shalt  }
0x65: {  	_ =	shalt  }
0x66: {  	_ =	shalt  }
0x67: {  	_ =	shalt  }
0x68: {  	_ =	shalt  }
0x69: {  	_ =	shalt  }
0x6a: {  	_ =	shalt  }
0x6b: {  	_ =	shalt  }
0x6c: {  	_ =	shalt  }
0x6d: {  	_ =	shalt  }
0x6e: {  	_ =	shalt  }
0x6f: {  	_ =	shalt  }
0x70: {  	_ =	shalt  }
0x71: {  	_ =	shalt  }
0x72: {  	_ =	shalt  }
0x73: {  	_ =	shalt  }
0x74: {  	_ =	shalt  }
0x75: {  	_ =	shalt  }
0x76: {  	_ =	shalt  }
0x77: {  	_ =	shalt  }
0x78: {  	_ =	shalt  }
0x79: {  	_ =	shalt  }
0x7a: {  	_ =	shalt  }
0x7b: {  	_ =	shalt  }
0x7c: {  	_ =	shalt  }
0x7d: {  	_ =	shalt  }
0x7e: {  	_ =	shalt  }
0x7f: {  	_ =	shalt  }
0x80: {  	_ =	shalt  }
0x81: {  	_ =	shalt  }
0x82: {  	_ =	shalt  }
0x83: {  	_ =	shalt  }
0x84: {  	_ =	shalt  }
0x85: {  	_ =	shalt  }
0x86: {  	_ =	shalt  }
0x87: {  	_ =	shalt  }
.Lfunc_end0:
.L_simem_size_0:
called_computation.1_lowered:
.L_overlay_start_0:
0x88: {  	s2 =	sld [smem:$0x3FD9]  }
0x89: {  	s3 =	sld [smem:$0x3FFE];
	_ =	sdelay $0x1  }
0x8a: {  	s1 =	srdreg.scid  }
0x8b: {  	s0 =	sand.u32 $0x1, s1  }
0x8c: {  	s14 =	sshll.u32 s0, $0xA;
	s2 =	sadd.s32 s3, s2  }
0x8d: {  	s2 =	sadd.s32 s2, s14  }
0x8e: {  	[smem:$0x3FC7] =	sst s2  }
0x8f: {  	_ = 	snop  }
0x90: {  	s2 =	sld [smem:$0x3FD0];
	_ =	sdelay $0x2  }
0x91: {  	s15 =	simm.s32 $0xA;
	s4 =	simm.s32 $0x10  }
0x92: {  	[smem:s4], [sflag:s15] =	dma.local [hbm:s2], $0x1  }
0x93: {  	_ =	swait.eq [sflag:s15], $0x1  }
0x94: {  	[sflag:s15] =	ssyncset.done $0x0  }
0x95: {  	s16 =	sld [smem:$0x10];
	[sflag:s15] =	ssyncadd.s32 $0xFFFFFFFF  }
0x96: {  	s17 =	sld [smem:$0x11];
	(tm) =	ssettm $0x1  }
0x97: {  	s18 =	sld [smem:$0x3FFB];
	_ =	sdelay $0x3  }
0x98: {  	_ =	strace s18  }
0x99: {  	s4 =	sld [smem:$0x3FFC];
	_ =	sdelay $0x3  }
0x9a: {  	_ =	strace s4  }
0x9b: {  	s4 =	sld [smem:$0x3FFD];
	_ =	sdelay $0x3  }
0x9c: {  	_ =	strace s4  }
0x9d: {  	_ =	strace $0x8FFFFFFF  }
0x9e: {  	s19 =	sld [smem:$0x3FDB];
	_ =	sdelay $0x1  }
0x9f: {  	s5 =	simm.s32 $_scs_section_size  }
0xa0: {  	s6 =	simm.s32 $_size__tile_overlayer_lowered;
	s7 =	simm.s32 $_tile_overlayer_lowered  }
0xa1: {  	s22 =	simm.s32 $0x1BFF;
	s21 =	sshll.u32 s7, $0x1;
	s4 =	sadd.s32 s5, s19  }
0xa2: {  	s8 =	simm.s32 $0x0;
	s20 =	sshll.u32 s6, $0x1;
	s6 =	sadd.s32 s21, s4  }
0xa3: {  	[timem:s8], [sflag:s22] =	dma.local [hbm:s6], s20  }
0xa4: {  	_ =	swait.ge [sflag:s22], s20  }
0xa5: {  	s5 =	ssub.s32 $0x0, s20;
	[sflag:s22] =	ssyncset.done $0x0  }
0xa6: {  	[sflag:s22] =	ssyncadd.s32 s5;
	_ =	sdelay $0x1  }
0xa7: {  	s23 =	simm.s32 $0x1B8B  }
0xa8: {  	_ =	swait.ge [sflag:s23], $0x1  }
0xa9: {  	[sflag:s23] =	ssyncset.done $0x0  }
0xaa: {  	s25 =	simm.s32 $0x1B8E;
	s24 =	sld [smem:$0x3FFE];
	[sflag:s23] =	ssyncadd.s32 $0xFFFFFFFF  }
0xab: {  	s26 =	simm.s32 $execute0_lowered;
	[smem:$0x3FD2] =	sst s25  }
0xac: {  	s6 =	sshll.u32 s26, $0x1;
	_ =	strace $0x80000049;
	[dreg:$0x1] =	wrdreg $0xFFFFFFFF  }
0xad: {  	s28 =	simm.s32 $_size_execute0_lowered;
	s4 =	sadd.s32 s4, s6;
	[dreg:$0x0] =	wrdreg $0x0  }
0xae: {  	s6 =	sshll.u32 s28, $0x1;
	[dreg:$0x2] =	wrdreg s4  }
0xaf: {  	[dreg:$0x3] =	wrdreg s6  }
0xb0: {  	[dreg:$0x4] =	wrdreg $0xC0  }
0xb1: {  	_ =	task [dreg:s8], $0x5FFFF  }
0xb2: {  	[dreg:$0x1] =	wrdreg $0xFFFFFFFF  }
0xb3: {  	[dreg:$0x0] =	wrdreg $0x60  }
0xb4: {  	[dreg:$0x2] =	wrdreg s16  }
0xb5: {  	[dreg:$0x3] =	wrdreg s24  }
0xb6: {  	[dreg:$0x4] =	wrdreg s17  }
0xb7: {  	[dreg:$0x5] =	wrdreg $0x9  }
0xb8: {  	_ =	task.clear_ibuf [dreg:s8], $0x6FFFF;
	_ =	strace $0x90000049  }
0xb9: {  	s29 =	simm.s32 $0x9;
	_ =	strace $0x8000004B  }
0xba: {  	_ =	swait.ge [sflag:s29], $0x1  }
0xbb: {  	[sflag:s29] =	ssyncadd.s32 $0xFFFFFFFF  }
0xbc: {  	_ =	strace $0x9000004B  }
0xbd: {  	_ =	sfence  }
0xbe: {  	s30 =	sld [smem:$0x0];
	_ =	sdelay $0x2  }
0xbf: {  	s31 =	sshll.u32 s1, $0xD;
	s1 =	sshrl.u32 s1, $0x2  }
0xc0: {  	s3 =	sand.u32 $0x4000, s31;
	s1 =	sadd.s32 s1, s30  }
0xc1: {  	s0 =	sor.u32 s3, s0;
	s1 =	sshll.u32 s1, $0x11  }
0xc2: {  	s0 =	sor.u32 s1, s0  }
0xc3: {  	s0 =	sadd.s32 $0x8F2B, s0  }
0xc4: {  	[sflag:s0] =	ssyncadd.remote.s32 $0x1  }
0xc5: {  	_ =	sfence.sel $0xFFFF  }
0xc6: {  	[dreg:$0x0] =	wrdreg $0xFFFFFFFF;
	(pc) =	sbr.abs _section_cstart, $3  }
0xc7: {  	[dreg:$0x1] =	wrdreg $0xFFFFFFFF  }
0xc8: {  	_ =	task.clear_ibuf [dreg:s8], $0x2FFFF;
	_ =	strace $0x9FFFFFFF  }
0xc9: {  	(tm) =	ssettm $0x7FFFFFFF  }
tec
execute0_lowered:
.L_overlay_start_1:
0x0: {  	(tag) =	ssettag $0x1  }
0x1: {  	v0 =	vlaneseq.u32;
	s4 =	rddreg [dreg:$0x0]  }
0x2: {  	s3 =	rddreg [dreg:$0x1];
	v1 =	vmul.u32 $0x100, v0  }
0x3: {  	s5 =	rddreg [dreg:$0x2];
	s1 =	simm.s32 $0x0  }
0x4: {  	[smem:$0x7FF] =	sst s1;
	v0 =	vor.u32 $0x35, v1  }
0x5: {  	s0 =	rddreg [dreg:$0x3];
	_ =	strace $0x8000004A;
	v46 =	vor.u32 $0x25, v1;
	[tilespmem:$0x1FCB0] =	vst v0  }
0x6: {  	v6 =	vor.u32 $0x26, v1;
	[tilespmem:$0x1FD50] =	vst v46  }
0x7: {  	v14 =	vor.u32 $0x27, v1;
	[tilespmem:$0x1FD60] =	vst v6  }
0x8: {  	v42 =	vor.u32 $0x24, v1;
	[tilespmem:$0x1FD70] =	vst v14  }
0x9: {  	v52 =	vor.u32 $0x23, v1;
	[tilespmem:$0x1FD80] =	vst v42  }
0xa: {  	v54 =	vor.u32 $0x22, v1;
	[tilespmem:$0x1FD90] =	vst v52  }
0xb: {  	v50 =	vor.u32 $0x21, v1;
	[tilespmem:$0x1FDA0] =	vst v54  }
0xc: {  	v49 =	vor.u32 $0x20, v1;
	[tilespmem:$0x1FDB0] =	vst v50  }
0xd: {  	v57 =	vor.u32 $0x2D, v1;
	[tilespmem:$0x1FDC0] =	vst v49  }
0xe: {  	v58 =	vor.u32 $0x2E, v1;
	[tilespmem:$0x1FDD0] =	vst v57  }
0xf: {  	v48 =	vor.u32 $0x1F, v1;
	[tilespmem:$0x1FDE0] =	vst v58  }
0x10: {  	v47 =	vor.u32 $0x1E, v1;
	[tilespmem:$0x1FDF0] =	vst v48  }
0x11: {  	v45 =	vor.u32 $0x1D, v1;
	[tilespmem:$0x1FE00] =	vst v47  }
0x12: {  	v60 =	vor.u32 $0x32, v1;
	[tilespmem:$0x1FE10] =	vst v45  }
0x13: {  	v61 =	vor.u32 $0x33, v1;
	[tilespmem:$0x1FE20] =	vst v60  }
0x14: {  	v63 =	vor.u32 $0x34, v1;
	[tilespmem:$0x1FE30] =	vst v61  }
0x15: {  	v27 =	vor.u32 $0xC, v1;
	[tilespmem:$0x1FE40] =	vst v63  }
0x16: {  	v56 =	vor.u32 $0x1, v1;
	[tilespmem:$0x1FE50] =	vst v27  }
0x17: {  	v31 =	vor.u32 $0x10, v1;
	[tilespmem:$0x1FE60] =	vst v56  }
0x18: {  	v10 =	vor.u32 $0x2, v1;
	[tilespmem:$0x1FE70] =	vst v31  }
0x19: {  	v13 =	vor.u32 $0x3, v1;
	[tilespmem:$0x1FE80] =	vst v10  }
0x1a: {  	v20 =	vor.u32 $0x4, v1;
	[tilespmem:$0x1FE90] =	vst v13  }
0x1b: {  	v11 =	vor.u32 $0x5, v1;
	[tilespmem:$0x1FEA0] =	vst v20  }
0x1c: {  	v22 =	vor.u32 $0x6, v1;
	[tilespmem:$0x1FEB0] =	vst v11  }
0x1d: {  	v23 =	vor.u32 $0x7, v1;
	[tilespmem:$0x1FEC0] =	vst v22  }
0x1e: {  	v51 =	vor.u32 $0x8, v1;
	[tilespmem:$0x1FED0] =	vst v23  }
0x1f: {  	v28 =	vor.u32 $0xD, v1;
	[tilespmem:$0x1FEE0] =	vst v51  }
0x20: {  	v24 =	vor.u32 $0x9, v1;
	[tilespmem:$0x1FEF0] =	vst v28  }
0x21: {  	v26 =	vor.u32 $0xB, v1;
	[tilespmem:$0x1FF00] =	vst v24  }
0x22: {  	v29 =	vor.u32 $0xE, v1;
	[tilespmem:$0x1FF10] =	vst v26  }
0x23: {  	v30 =	vor.u32 $0xF, v1;
	[tilespmem:$0x1FF20] =	vst v29  }
0x24: {  	v35 =	vor.u32 $0x14, v1;
	[tilespmem:$0x1FF30] =	vst v30  }
0x25: {  	v32 =	vor.u32 $0x11, v1;
	[tilespmem:$0x1FF40] =	vst v35  }
0x26: {  	v33 =	vor.u32 $0x12, v1;
	[tilespmem:$0x1FF50] =	vst v32  }
0x27: {  	v34 =	vor.u32 $0x13, v1;
	[tilespmem:$0x1FF60] =	vst v33  }
0x28: {  	v37 =	vor.u32 $0x16, v1;
	[tilespmem:$0x1FF70] =	vst v34  }
0x29: {  	v36 =	vor.u32 $0x15, v1;
	[tilespmem:$0x1FF80] =	vst v37  }
0x2a: {  	v39 =	vor.u32 $0x18, v1;
	[tilespmem:$0x1FF90] =	vst v36  }
0x2b: {  	v38 =	vor.u32 $0x17, v1;
	[tilespmem:$0x1FFA0] =	vst v39  }
0x2c: {  	v40 =	vor.u32 $0x19, v1;
	[tilespmem:$0x1FFB0] =	vst v38  }
0x2d: {  	v41 =	vor.u32 $0x1A, v1;
	[tilespmem:$0x1FFC0] =	vst v40  }
0x2e: {  	v43 =	vor.u32 $0x1B, v1;
	[tilespmem:$0x1FFD0] =	vst v41  }
0x2f: {  	v44 =	vor.u32 $0x1C, v1;
	[tilespmem:$0x1FFE0] =	vst v43  }
0x30: {  	v0 =	vor.u32 $0x36, v1;
	[tilespmem:$0x1FFF0] =	vst v44  }
0x31: {  	[tilespmem:$0x1FCC0] =	vst v0;
	v0 =	vor.u32 $0x37, v1  }
0x32: {  	s2 =	srdreg.scid;
	[tilespmem:$0x1FCD0] =	vst v0;
	v0 =	vor.u32 $0x38, v1  }
0x33: {  	s6 =	sand.u32 $0x1, s2;
	s2 =	stileid.u32;
	[tilespmem:$0x1FCE0] =	vst v0;
	v0 =	vor.u32 $0x39, v1  }
0x34: {  	s7 =	ssub.s32 $0x2, s6;
	s8 =	sshll.u32 s2, $0x10;
	s30 =	sshll.u32 s2, $0xB;
	[tilespmem:$0x1FCF0] =	vst v0;
	v0 =	vor.u32 $0x3A, v1  }
0x35: {  	v53 =	vimm.s32 $0x0;
	v3 =	vimm.f32 $-Inf;
	s31 =	sshll.u32 s6, $0xA;
	s6 =	sshll.u32 s6, $0xF;
	s9 =	sshrl.u32 s7, $0x1;
	[tilespmem:$0x1FD00] =	vst v0;
	v0 =	vor.u32 $0x3B, v1  }
0x36: {  	v25 =	vor.u32 $0xA, v1;
	v62 =	vor.u32 $0x28, v1;
	s10 =	sadd.s32 s8, s3;
	s8 =	sadd.s32 s8, s4;
	s29 =	ssub.s32 s7, s9;
	[tilespmem:$0x1FD10] =	vst v0;
	v0 =	vor.u32 $0x3C, v1  }
0x37: {  	v21 =	vor.u32 $0x29, v1;
	v55 =	vor.u32 $0x2A, v1;
	s10 =	sadd.s32 s6, s10;
	s7 =	sadd.s32 s30, s5;
	s5 =	sadd.s32 s6, s8;
	[tilespmem:$0x1FD20] =	vst v0;
	v0 =	vor.u32 $0x3D, v1  }
0x38: {  	v18 =	vor.u32 $0x2B, v1;
	v19 =	vor.u32 $0x2C, v1;
	s8 =	simm.s32 $0x1000;
	s9 =	simm.s32 $0x0;
	s3 =	smax.u32 s29, $0x1;
	[tilespmem:$0x1FD30] =	vst v0;
	v0 =	vor.u32 $0x3E, v1  }
0x39: {  	v59 =	vor.u32 $0x2F, v1;
	v15 =	vor.u32 $0x30, v1;
	v16 =	vor.u32 $0x31, v1;
	s4 =	sadd.s32 $0xE00, s10;
	s6 =	sadd.s32 s31, s7;
	s7 =	simm.s32 $0x1;
	[tilespmem:$0x1FD40] =	vst v0  }
.LBB2_1:
0x3a: {  	s10 =	smov.u32 s6;
	s11 =	simm.s32 $0x0  }
.LBB2_2:
0x3b: {  	s12 =	sadd.s32 s11, s5  }
0x3c: {  	[tilespmem:s1], [sflag:$0x1] =	stream.linear.gather [hbm4b:s12+s1], $0x1000, $0x38;
	[tilespmem:$0x1080] =	vst v63  }
0x3d: {  	_ =	swait.ge [sflag:s7], $0x1000  }
0x3e: {  	[sflag:s7] =	ssyncset.done $0x0  }
0x3f: {  	[sflag:s7] =	ssyncadd.s32 $0xFFFFF000  }
0x40: {  	v0 =	vld.idx.msk [tilespmem:v1+s1+$0x0], $0xffff  }
0x41: {  	v2 =	vld.idx.msk [tilespmem:v56+s1+$0x0], $0xffff  }
0x42: {  	v4 =	vld.idx.msk [tilespmem:v10+s1+$0x0], $0xffff  }
0x43: {  	v5 =	vld.idx.msk [tilespmem:v13+s1+$0x0], $0xffff  }
0x44: {  	v6 =	vld.idx.msk [tilespmem:v20+s1+$0x0], $0xffff  }
0x45: {  	v7 =	vld.idx.msk [tilespmem:v11+s1+$0x0], $0xffff  }
0x46: {  	v8 =	vld.idx.msk [tilespmem:v22+s1+$0x0], $0xffff  }
0x47: {  	v9 =	vld.idx.msk [tilespmem:v23+s1+$0x0], $0xffff  }
0x48: {  	v11 =	vld.idx.msk [tilespmem:v51+s1+$0x0], $0xffff  }
0x49: {  	v51 =	vld.idx.msk [tilespmem:v27+s1+$0x0], $0xffff;
	v10 =	vmax.f32 v0, v2  }
0x4a: {  	v33 =	vld.idx.msk [tilespmem:v33+s1+$0x0], $0xffff;
	v0 =	vmin.f32 v0, v2;
	v2 =	vmin.f32 v10, v4;
	v4 =	vmax.f32 v10, v4  }
0x4b: {  	v13 =	vld [tilespmem:$0x1FD60];
	v0 =	vmax.f32 v0, v2;
	v2 =	vmin.f32 v4, v5;
	v4 =	vmax.f32 v4, v5  }
0x4c: {  	v10 =	vld.idx.msk [tilespmem:v24+s1+$0x0], $0xffff;
	v0 =	vmax.f32 v0, v2;
	v2 =	vmin.f32 v4, v6;
	v4 =	vmax.f32 v4, v6  }
0x4d: {  	v5 =	vld.idx.msk [tilespmem:v25+s1+$0x0], $0xffff;
	v0 =	vmax.f32 v0, v2;
	v2 =	vmin.f32 v4, v7;
	v4 =	vmax.f32 v4, v7  }
0x4e: {  	v6 =	vld.idx.msk [tilespmem:v26+s1+$0x0], $0xffff;
	v0 =	vmax.f32 v0, v2;
	v2 =	vmin.f32 v4, v8;
	v4 =	vmax.f32 v4, v8  }
0x4f: {  	v34 =	vld.idx.msk [tilespmem:v34+s1+$0x0], $0xffff;
	v0 =	vmax.f32 v0, v2;
	v2 =	vmin.f32 v4, v9;
	v4 =	vmax.f32 v4, v9  }
0x50: {  	v8 =	vld.idx.msk [tilespmem:v28+s1+$0x0], $0xffff;
	v0 =	vmax.f32 v0, v2;
	v2 =	vmin.f32 v4, v11;
	v4 =	vmax.f32 v4, v11  }
0x51: {  	v9 =	vld.idx.msk [tilespmem:v29+s1+$0x0], $0xffff;
	v0 =	vmax.f32 v0, v2;
	v2 =	vmin.f32 v4, v10;
	v4 =	vmax.f32 v4, v10  }
0x52: {  	v11 =	vld.idx.msk [tilespmem:v30+s1+$0x0], $0xffff;
	v0 =	vmax.f32 v0, v2;
	v2 =	vmin.f32 v4, v5;
	v4 =	vmax.f32 v4, v5  }
0x53: {  	v10 =	vld.idx.msk [tilespmem:v31+s1+$0x0], $0xffff;
	v0 =	vmax.f32 v0, v2;
	v2 =	vmin.f32 v4, v6;
	v4 =	vmax.f32 v4, v6  }
0x54: {  	v5 =	vld.idx.msk [tilespmem:v32+s1+$0x0], $0xffff;
	v0 =	vmax.f32 v0, v2;
	v2 =	vmin.f32 v4, v51;
	v4 =	vmax.f32 v4, v51  }
0x55: {  	v13 =	vld.idx.msk [tilespmem:v13+s1+$0x0], $0xffff;
	v0 =	vmax.f32 v0, v2;
	v2 =	vmin.f32 v4, v8;
	v4 =	vmax.f32 v4, v8  }
0x56: {  	v8 =	vld.idx.msk [tilespmem:v35+s1+$0x0], $0xffff;
	v0 =	vmax.f32 v0, v2;
	v2 =	vmin.f32 v4, v9;
	v4 =	vmax.f32 v4, v9  }
0x57: {  	v9 =	vld.idx.msk [tilespmem:v36+s1+$0x0], $0xffff;
	v0 =	vmax.f32 v0, v2;
	v2 =	vmin.f32 v4, v11;
	v4 =	vmax.f32 v4, v11  }
0x58: {  	v11 =	vld.idx.msk [tilespmem:v37+s1+$0x0], $0xffff;
	v0 =	vmax.f32 v0, v2;
	v2 =	vmin.f32 v4, v10;
	v4 =	vmax.f32 v4, v10  }
0x59: {  	v10 =	vld.idx.msk [tilespmem:v38+s1+$0x0], $0xffff;
	v0 =	vmax.f32 v0, v2;
	v2 =	vmin.f32 v4, v5;
	v4 =	vmax.f32 v4, v5  }
0x5a: {  	v5 =	vld.idx.msk [tilespmem:v39+s1+$0x0], $0xffff;
	v0 =	vmax.f32 v0, v2;
	v2 =	vmin.f32 v4, v33;
	v4 =	vmax.f32 v4, v33  }
0x5b: {  	v39 =	vld.idx.msk [tilespmem:v40+s1+$0x0], $0xffff;
	v0 =	vmax.f32 v0, v2;
	v2 =	vmin.f32 v4, v34;
	v4 =	vmax.f32 v4, v34  }
0x5c: {  	v40 =	vld.idx.msk [tilespmem:v41+s1+$0x0], $0xffff;
	v0 =	vmax.f32 v0, v2;
	v2 =	vmin.f32 v4, v8;
	v4 =	vmax.f32 v4, v8  }
0x5d: {  	v41 =	vld.idx.msk [tilespmem:v49+s1+$0x0], $0xffff;
	v0 =	vmax.f32 v0, v2;
	v2 =	vmin.f32 v4, v9;
	v4 =	vmax.f32 v4, v9  }
0x5e: {  	v8 =	vld.idx.msk [tilespmem:v43+s1+$0x0], $0xffff;
	v0 =	vmax.f32 v0, v2;
	v2 =	vmin.f32 v4, v11;
	v4 =	vmax.f32 v4, v11  }
0x5f: {  	v9 =	vld.idx.msk [tilespmem:v44+s1+$0x0], $0xffff;
	v0 =	vmax.f32 v0, v2;
	v2 =	vmin.f32 v4, v10;
	v4 =	vmax.f32 v4, v10  }
0x60: {  	v11 =	vld.idx.msk [tilespmem:v45+s1+$0x0], $0xffff;
	v2 =	vmax.f32 v0, v2;
	v12 =	vmin.f32 v4, v5;
	v4 =	vmax.f32 v4, v5  }
0x61: {  	v10 =	vld.idx.msk [tilespmem:v47+s1+$0x0], $0xffff;
	v2 =	vmax.f32 v2, v12;
	v5 =	vmin.f32 v4, v39;
	v4 =	vmax.f32 v4, v39  }
0x62: {  	v43 =	vld.idx.msk [tilespmem:v50+s1+$0x0], $0xffff;
	v2 =	vmax.f32 v2, v5;
	v5 =	vmin.f32 v4, v40;
	v4 =	vmax.f32 v4, v40  }
0x63: {  	v2 =	vmax.f32 v2, v5;
	v5 =	vmin.f32 v4, v8;
	v4 =	vmax.f32 v4, v8;
	v8 =	vld.idx.msk [tilespmem:v54+s1+$0x0], $0xffff  }
0x64: {  	v2 =	vmax.f32 v2, v5;
	v5 =	vmin.f32 v4, v9;
	v4 =	vmax.f32 v4, v9;
	v9 =	vld.idx.msk [tilespmem:v52+s1+$0x0], $0xffff  }
0x65: {  	v2 =	vmax.f32 v2, v5;
	v5 =	vmin.f32 v4, v11;
	v4 =	vmax.f32 v4, v11;
	v11 =	vld.idx.msk [tilespmem:v42+s1+$0x0], $0xffff  }
0x66: {  	v2 =	vmax.f32 v2, v5;
	v5 =	vmin.f32 v4, v10;
	v4 =	vmax.f32 v4, v10;
	v10 =	vld.idx.msk [tilespmem:v46+s1+$0x0], $0xffff  }
0x67: {  	v0 =	vld.idx.msk [tilespmem:v48+s1+$0x0], $0xffff;
	v12 =	vmax.f32 v41, v43  }
0x68: {  	v44 =	vmin.f32 v12, v8;
	v8 =	vmax.f32 v12, v8;
	v12 =	vld.idx.msk [tilespmem:v14+s1+$0x0], $0xffff  }
0x69: {  	v45 =	vmin.f32 v8, v9;
	v8 =	vmax.f32 v8, v9;
	v9 =	vld.idx.msk [tilespmem:v62+s1+$0x0], $0xffff  }
0x6a: {  	v47 =	vmin.f32 v8, v11;
	v8 =	vmax.f32 v8, v11;
	v11 =	vld.idx.msk [tilespmem:v21+s1+$0x0], $0xffff  }
0x6b: {  	v48 =	vmin.f32 v8, v10;
	v8 =	vmax.f32 v8, v10;
	v10 =	vld.idx.msk [tilespmem:v55+s1+$0x0], $0xffff  }
0x6c: {  	v49 =	vmin.f32 v8, v13;
	v8 =	vmax.f32 v8, v13;
	v13 =	vld.idx.msk [tilespmem:v18+s1+$0x0], $0xffff  }
0x6d: {  	v50 =	vmin.f32 v8, v12;
	v8 =	vmax.f32 v8, v12;
	v12 =	vld.idx.msk [tilespmem:v19+s1+$0x0], $0xffff  }
0x6e: {  	v51 =	vmin.f32 v8, v9;
	v8 =	vmax.f32 v8, v9;
	v9 =	vld.idx.msk [tilespmem:v57+s1+$0x0], $0xffff  }
0x6f: {  	v57 =	vmin.f32 v8, v11;
	v8 =	vmax.f32 v8, v11;
	v11 =	vld.idx.msk [tilespmem:v58+s1+$0x0], $0xffff  }
0x70: {  	v20 =	vmov v62;
	v62 =	vmin.f32 v8, v10;
	v8 =	vmax.f32 v8, v10;
	v10 =	vld.idx.msk [tilespmem:v59+s1+$0x0], $0xffff  }
0x71: {  	v32 =	vmin.f32 v8, v13;
	v8 =	vmax.f32 v8, v13;
	v13 =	vld.idx.msk [tilespmem:v15+s1+$0x0], $0xffff  }
0x72: {  	v33 =	vmin.f32 v8, v12;
	v8 =	vmax.f32 v8, v12;
	v12 =	vld.idx.msk [tilespmem:v16+s1+$0x0], $0xffff  }
0x73: {  	v34 =	vmin.f32 v8, v9;
	v8 =	vmax.f32 v8, v9;
	v9 =	vld.idx.msk [tilespmem:v60+s1+$0x0], $0xffff  }
0x74: {  	v35 =	vmin.f32 v8, v11;
	v8 =	vmax.f32 v8, v11;
	v11 =	vld.idx.msk [tilespmem:v61+s1+$0x0], $0xffff  }
0x75: {  	v36 =	vmin.f32 v8, v10;
	v8 =	vmax.f32 v8, v10;
	v10 =	vld.idx.msk [tilespmem:v63+s1+$0x0], $0xffff  }
0x76: {  	v6 =	vmin.f32 v41, v43;
	v37 =	vmin.f32 v8, v13;
	v8 =	vmax.f32 v8, v13;
	v13 =	vld [tilespmem:$0x1FCB0]  }
0x77: {  	v6 =	vmax.f32 v6, v44;
	v38 =	vmin.f32 v8, v12;
	v8 =	vmax.f32 v8, v12;
	v12 =	vld [tilespmem:$0x1FCC0]  }
0x78: {  	v6 =	vmax.f32 v6, v45;
	v39 =	vmin.f32 v8, v9;
	v8 =	vmax.f32 v8, v9;
	v9 =	vld [tilespmem:$0x1FCD0]  }
0x79: {  	v6 =	vmax.f32 v6, v47;
	v40 =	vmin.f32 v8, v11;
	v8 =	vmax.f32 v8, v11  }
0x7a: {  	v6 =	vmax.f32 v6, v48;
	v41 =	vmin.f32 v8, v10;
	v8 =	vmax.f32 v8, v10;
	v10 =	vld [tilespmem:$0x1FCE0]  }
0x7b: {  	v6 =	vmax.f32 v6, v49  }
0x7c: {  	v6 =	vmax.f32 v6, v50  }
0x7d: {  	v6 =	vmax.f32 v6, v51  }
0x7e: {  	v6 =	vmax.f32 v6, v57;
	v13 =	vld.idx.msk [tilespmem:v13+s1+$0x0], $0xffff  }
0x7f: {  	v6 =	vmax.f32 v6, v62;
	v12 =	vld.idx.msk [tilespmem:v12+s1+$0x0], $0xffff  }
0x80: {  	v6 =	vmax.f32 v6, v32;
	v9 =	vld.idx.msk [tilespmem:v9+s1+$0x0], $0xffff  }
0x81: {  	v6 =	vmax.f32 v6, v33;
	v11 =	vld [tilespmem:$0x1FCF0]  }
0x82: {  	v6 =	vmax.f32 v6, v34;
	v10 =	vld.idx.msk [tilespmem:v10+s1+$0x0], $0xffff  }
0x83: {  	v6 =	vmax.f32 v6, v35;
	v43 =	vmin.f32 v8, v13;
	v8 =	vmax.f32 v8, v13  }
0x84: {  	v6 =	vmax.f32 v6, v36;
	v44 =	vmin.f32 v8, v12;
	v8 =	vmax.f32 v8, v12;
	v12 =	vld [tilespmem:$0x1FD00]  }
0x85: {  	v6 =	vmax.f32 v6, v37;
	v45 =	vmin.f32 v8, v9;
	v47 =	vmax.f32 v8, v9;
	v8 =	vld [tilespmem:$0x1FD10]  }
0x86: {  	v22 =	vor.u32 $0x42, v1;
	v6 =	vmax.f32 v6, v38  }
0x87: {  	v6 =	vmax.f32 v6, v39;
	v9 =	vmin.f32 v47, v10;
	v7 =	vmax.f32 v47, v10;
	v10 =	vld [tilespmem:$0x1FD20]  }
0x88: {  	v49 =	vld [tilespmem:$0x1FD30];
	v6 =	vmax.f32 v6, v40  }
0x89: {  	v6 =	vmax.f32 v6, v41;
	v11 =	vld.idx.msk [tilespmem:v11+s1+$0x0], $0xffff;
	v13 =	vor.u32 $0x40, v1  }
0x8a: {  	v6 =	vmax.f32 v6, v43  }
0x8b: {  	v50 =	vld.idx.msk [tilespmem:v22+s1+$0x0], $0xffff;
	v6 =	vmax.f32 v6, v44  }
0x8c: {  	v14 =	vor.u32 $0x41, v1;
	v6 =	vmax.f32 v6, v45;
	v12 =	vld.idx.msk [tilespmem:v12+s1+$0x0], $0xffff  }
0x8d: {  	v6 =	vmax.f32 v6, v9;
	v8 =	vld.idx.msk [tilespmem:v8+s1+$0x0], $0xffff  }
0x8e: {  	[tilespmem:$0x1F0A0] =	vst v13;
	v9 =	vmin.f32 v7, v11;
	v48 =	vmax.f32 v7, v11;
	v11 =	vld.idx.msk [tilespmem:v13+s1+$0x0], $0xffff;
	v13 =	vor.u32 $0x44, v1  }
0x8f: {  	v23 =	vor.u32 $0x43, v1;
	v2 =	vmax.f32 v2, v5;
	v5 =	vmin.f32 v4, v0;
	v10 =	vld.idx.msk [tilespmem:v10+s1+$0x0], $0xffff  }
0x90: {  	[tilespmem:$0x1F0C0] =	vst v22;
	v0 =	vmax.f32 v4, v0;
	v2 =	vmax.f32 v2, v5;
	v22 =	vor.u32 $0x46, v1;
	v7 =	vld.idx.msk [tilespmem:v49+s1+$0x0], $0xffff  }
0x91: {  	v5 =	vmax.f32 v6, v9;
	v9 =	vmin.f32 v48, v12;
	v6 =	vmax.f32 v48, v12;
	v12 =	vld.idx.msk [tilespmem:v14+s1+$0x0], $0xffff  }
0x92: {  	[tilespmem:$0x1F0B0] =	vst v14;
	v14 =	vor.u32 $0x45, v1;
	v5 =	vmax.f32 v5, v9;
	v9 =	vmin.f32 v6, v8  }
0x93: {  	v61 =	vadd.f32 v2, v0;
	v2 =	vld.idx.msk [tilespmem:v13+s1+$0x0], $0xffff;
	v4 =	vmax.f32 v5, v9;
	v5 =	vmax.f32 v6, v8  }
0x94: {  	[tilespmem:$0x1F0E0] =	vst v13;
	v13 =	vor.u32 $0x48, v1;
	v9 =	vld.idx.msk [tilespmem:v23+s1+$0x0], $0xffff;
	v8 =	vmin.f32 v5, v10;
	v5 =	vmax.f32 v5, v10  }
0x95: {  	[tilespmem:$0x1F0D0] =	vst v23;
	v23 =	vor.u32 $0x47, v1;
	v4 =	vmax.f32 v4, v8;
	v8 =	vmin.f32 v5, v7  }
0x96: {  	v0 =	vmax.f32 v4, v8;
	v4 =	vmin.f32 v11, v12;
	v8 =	vmax.f32 v11, v12;
	v11 =	vld [tilespmem:$0x1FD40]  }
0x97: {  	[tilespmem:$0x1F0F0] =	vst v14;
	v10 =	vld.idx.msk [tilespmem:v14+s1+$0x0], $0xffff;
	v14 =	vor.u32 $0x49, v1  }
0x98: {  	[tilespmem:$0x1F100] =	vst v22;
	v12 =	vmin.f32 v8, v50;
	v6 =	vmax.f32 v8, v50;
	v8 =	vld.idx.msk [tilespmem:v22+s1+$0x0], $0xffff;
	v22 =	vor.u32 $0x4B, v1  }
0x99: {  	v4 =	vmax.f32 v4, v12;
	v51 =	vmin.f32 v6, v9;
	v6 =	vmax.f32 v6, v9  }
0x9a: {  	v57 =	vld.idx.msk [tilespmem:v23+s1+$0x0], $0xffff;
	v4 =	vmax.f32 v4, v51;
	v9 =	vmin.f32 v6, v2  }
0x9b: {  	[tilespmem:$0x1F110] =	vst v23;
	v23 =	vor.u32 $0x3F, v1;
	v2 =	vmax.f32 v6, v2;
	v4 =	vmax.f32 v4, v9;
	v9 =	vld.idx.msk [tilespmem:v13+s1+$0x0], $0xffff  }
0x9c: {  	v24 =	vor.u32 $0x4D, v1;
	v12 =	vor.u32 $0x4A, v1;
	v6 =	vmin.f32 v2, v10;
	v58 =	vld.idx.msk [tilespmem:v14+s1+$0x0], $0xffff  }
0x9d: {  	[tilespmem:$0x1F130] =	vst v14;
	v2 =	vmax.f32 v2, v10;
	v14 =	vor.u32 $0x4C, v1;
	v4 =	vmax.f32 v4, v6;
	v60 =	vld.idx.msk [tilespmem:v22+s1+$0x0], $0xffff  }
0x9e: {  	[tilespmem:$0x1F150] =	vst v22;
	v10 =	vmin.f32 v2, v8;
	v2 =	vmax.f32 v2, v8;
	v22 =	vor.u32 $0x4E, v1;
	v11 =	vld.idx.msk [tilespmem:v11+s1+$0x0], $0xffff  }
0x9f: {  	[tilespmem:$0x1F120] =	vst v13;
	v4 =	vmax.f32 v4, v10;
	v10 =	vmin.f32 v2, v57;
	v2 =	vmax.f32 v2, v57  }
0xa0: {  	[tilespmem:$0x1F090] =	vst v23;
	v4 =	vmax.f32 v4, v10;
	v10 =	vld.idx.msk [tilespmem:v23+s1+$0x0], $0xffff;
	v23 =	vor.u32 $0x4F, v1;
	v13 =	vmin.f32 v2, v9  }
0xa1: {  	[tilespmem:$0x1F140] =	vst v12;
	v12 =	vld.idx.msk [tilespmem:v12+s1+$0x0], $0xffff;
	v4 =	vmax.f32 v4, v13;
	v13 =	vor.u32 $0x50, v1  }
0xa2: {  	[tilespmem:$0x1F170] =	vst v24;
	v62 =	vld.idx.msk [tilespmem:v24+s1+$0x0], $0xffff;
	v24 =	vor.u32 $0x5D, v1;
	v5 =	vmax.f32 v5, v7;
	v2 =	vmax.f32 v2, v9  }
0xa3: {  	[tilespmem:$0x1F160] =	vst v14;
	v9 =	vld.idx.msk [tilespmem:v14+s1+$0x0], $0xffff;
	v14 =	vor.u32 $0x51, v1;
	v8 =	vmin.f32 v5, v11;
	v5 =	vmax.f32 v5, v11  }
0xa4: {  	[tilespmem:$0x1F180] =	vst v22;
	v11 =	vld.idx.msk [tilespmem:v22+s1+$0x0], $0xffff;
	v22 =	vor.u32 $0x52, v1;
	v0 =	vmax.f32 v0, v8;
	v8 =	vmin.f32 v2, v58  }
0xa5: {  	[tilespmem:$0x1F190] =	vst v23;
	v63 =	vld.idx.msk [tilespmem:v23+s1+$0x0], $0xffff;
	v23 =	vor.u32 $0x53, v1;
	v2 =	vmax.f32 v2, v58;
	v4 =	vmax.f32 v4, v8  }
0xa6: {  	[tilespmem:$0x1F1A0] =	vst v13;
	v8 =	vmin.f32 v2, v12;
	v2 =	vmax.f32 v2, v12;
	v12 =	vld.idx.msk [tilespmem:v13+s1+$0x0], $0xffff;
	v13 =	vor.u32 $0x54, v1  }
0xa7: {  	v4 =	vmax.f32 v4, v8;
	v8 =	vmin.f32 v2, v60;
	v2 =	vmax.f32 v2, v60  }
0xa8: {  	v4 =	vmax.f32 v4, v8;
	v8 =	vmin.f32 v2, v9;
	v2 =	vmax.f32 v2, v9  }
0xa9: {  	[tilespmem:$0x1F1B0] =	vst v14;
	v32 =	vld.idx.msk [tilespmem:v14+s1+$0x0], $0xffff;
	v14 =	vor.u32 $0x56, v1;
	v4 =	vmax.f32 v4, v8;
	v8 =	vmin.f32 v2, v62  }
0xaa: {  	v9 =	vmin.f32 v5, v10;
	v2 =	vmax.f32 v2, v62;
	v4 =	vmax.f32 v4, v8  }
0xab: {  	[tilespmem:$0x1F270] =	vst v24;
	v8 =	vmin.f32 v2, v11;
	v2 =	vmax.f32 v2, v11;
	v11 =	vor.u32 $0x55, v1  }
0xac: {  	v0 =	vmax.f32 v0, v9;
	v9 =	vld.idx.msk [tilespmem:v22+s1+$0x0], $0xffff;
	v4 =	vmax.f32 v4, v8;
	v8 =	vmin.f32 v2, v63  }
0xad: {  	v5 =	vmax.f32 v5, v10;
	v33 =	vld.idx.msk [tilespmem:v23+s1+$0x0], $0xffff;
	v2 =	vmax.f32 v2, v63;
	v4 =	vmax.f32 v4, v8  }
0xae: {  	[tilespmem:$0x1F1C0] =	vst v22;
	v8 =	vmin.f32 v2, v12;
	v2 =	vmax.f32 v2, v12;
	v12 =	vor.u32 $0x57, v1  }
0xaf: {  	[tilespmem:$0x1F1D0] =	vst v23;
	v22 =	vor.u32 $0x58, v1;
	v10 =	vld.idx.msk [tilespmem:v13+s1+$0x0], $0xffff;
	v4 =	vmax.f32 v4, v8;
	v8 =	vmin.f32 v2, v32  }
0xb0: {  	[tilespmem:$0x1F1E0] =	vst v13;
	v2 =	vmax.f32 v2, v32;
	v4 =	vmax.f32 v4, v8;
	v34 =	vld.idx.msk [tilespmem:v11+s1+$0x0], $0xffff  }
0xb1: {  	[tilespmem:$0x1F1F0] =	vst v11;
	v8 =	vmin.f32 v2, v9;
	v2 =	vmax.f32 v2, v9;
	v11 =	vor.u32 $0x59, v1  }
0xb2: {  	[tilespmem:$0x1F200] =	vst v14;
	v13 =	vor.u32 $0x5A, v1;
	v9 =	vld.idx.msk [tilespmem:v14+s1+$0x0], $0xffff;
	v4 =	vmax.f32 v4, v8;
	v8 =	vmin.f32 v2, v33  }
0xb3: {  	v23 =	vor.u32 $0x5C, v1;
	[tilespmem:$0x1F220] =	vst v22;
	v2 =	vmax.f32 v2, v33;
	v4 =	vmax.f32 v4, v8;
	v35 =	vld.idx.msk [tilespmem:v12+s1+$0x0], $0xffff  }
0xb4: {  	[tilespmem:$0x1F260] =	vst v23;
	v8 =	vmin.f32 v2, v10;
	v2 =	vmax.f32 v2, v10;
	v10 =	vld.idx.msk [tilespmem:v22+s1+$0x0], $0xffff;
	v22 =	vor.u32 $0x61, v1  }
0xb5: {  	[tilespmem:$0x1F210] =	vst v12;
	v12 =	vor.u32 $0x5B, v1;
	v4 =	vmax.f32 v4, v8;
	v8 =	vmin.f32 v2, v34  }
0xb6: {  	[tilespmem:$0x1F240] =	vst v13;
	v14 =	vor.u32 $0x60, v1;
	v2 =	vmax.f32 v2, v34;
	v4 =	vmax.f32 v4, v8;
	v8 =	vld.idx.msk [tilespmem:v11+s1+$0x0], $0xffff  }
0xb7: {  	[tilespmem:$0x1F230] =	vst v11;
	v6 =	vmin.f32 v2, v9;
	v2 =	vmax.f32 v2, v9;
	v9 =	vld.idx.msk [tilespmem:v13+s1+$0x0], $0xffff;
	v13 =	vor.u32 $0x62, v1  }
0xb8: {  	v37 =	vld.idx.msk [tilespmem:v23+s1+$0x0], $0xffff;
	v23 =	vor.u32 $0x63, v1;
	[tilespmem:$0x1F2B0] =	vst v22;
	v4 =	vmax.f32 v4, v6;
	v36 =	vmin.f32 v2, v35  }
0xb9: {  	[tilespmem:$0x1F250] =	vst v12;
	v2 =	vmax.f32 v2, v35;
	v6 =	vadd.f32 v0, v5;
	v5 =	vld.idx.msk [tilespmem:v22+s1+$0x0], $0xffff;
	v22 =	vor.u32 $0x66, v1  }
0xba: {  	v11 =	vld.idx.msk [tilespmem:v12+s1+$0x0], $0xffff;
	v4 =	vmax.f32 v4, v36;
	v12 =	vmin.f32 v2, v10;
	v2 =	vmax.f32 v2, v10  }
0xbb: {  	[tilespmem:$0x1F2A0] =	vst v14;
	v10 =	vld.idx.msk [tilespmem:v14+s1+$0x0], $0xffff;
	v14 =	vor.u32 $0x64, v1;
	v0 =	vmax.f32 v4, v12;
	v4 =	vmin.f32 v2, v8  }
0xbc: {  	[tilespmem:$0x1F2D0] =	vst v23;
	v2 =	vmax.f32 v2, v8;
	v0 =	vmax.f32 v0, v4;
	v4 =	vld.idx.msk [tilespmem:v13+s1+$0x0], $0xffff  }
0xbd: {  	[tilespmem:$0x1F2C0] =	vst v13;
	v13 =	vor.u32 $0x65, v1;
	v8 =	vmin.f32 v2, v9;
	v2 =	vmax.f32 v2, v9;
	v9 =	vld.idx.msk [tilespmem:v24+s1+$0x0], $0xffff  }
0xbe: {  	v56 =	vmov v25;
	v25 =	vor.u32 $0x5E, v1;
	[tilespmem:$0x1F300] =	vst v22;
	v39 =	vld.idx.msk [tilespmem:v22+s1+$0x0], $0xffff;
	v24 =	vor.u32 $0x6A, v1  }
0xbf: {  	v0 =	vmax.f32 v0, v8;
	v8 =	vmin.f32 v2, v11;
	v2 =	vmax.f32 v2, v11;
	v11 =	vld.idx.msk [tilespmem:v23+s1+$0x0], $0xffff  }
0xc0: {  	[tilespmem:$0x1F2E0] =	vst v14;
	v22 =	vor.u32 $0x69, v1;
	v12 =	vld.idx.msk [tilespmem:v14+s1+$0x0], $0xffff;
	v14 =	vor.u32 $0x67, v1;
	v23 =	vor.u32 $0x68, v1  }
0xc1: {  	v0 =	vmax.f32 v0, v8;
	v8 =	vmin.f32 v2, v37;
	v2 =	vmax.f32 v2, v37  }
0xc2: {  	v0 =	vmax.f32 v0, v8;
	v8 =	vmax.f32 v10, v5;
	v5 =	vmin.f32 v10, v5;
	v10 =	vld.idx.msk [tilespmem:v13+s1+$0x0], $0xffff  }
0xc3: {  	[tilespmem:$0x1F340] =	vst v24;
	v38 =	vmin.f32 v8, v4;
	v4 =	vmax.f32 v8, v4;
	v40 =	vld.idx.msk [tilespmem:v24+s1+$0x0], $0xffff;
	v24 =	vor.u32 $0x72, v1  }
0xc4: {  	[tilespmem:$0x1F2F0] =	vst v13;
	v5 =	vmax.f32 v5, v38;
	v8 =	vmin.f32 v4, v11;
	v4 =	vmax.f32 v4, v11  }
0xc5: {  	v11 =	vmin.f32 v2, v9;
	v13 =	vld.idx.msk [tilespmem:v14+s1+$0x0], $0xffff;
	v5 =	vmax.f32 v5, v8;
	v8 =	vmin.f32 v4, v12  }
0xc6: {  	[tilespmem:$0x1F310] =	vst v14;
	v14 =	vor.u32 $0x6B, v1;
	v4 =	vmax.f32 v4, v12;
	v5 =	vmax.f32 v5, v8;
	v8 =	vld.idx.msk [tilespmem:v23+s1+$0x0], $0xffff  }
0xc7: {  	[tilespmem:$0x1F320] =	vst v23;
	v23 =	vor.u32 $0x6C, v1;
	v12 =	vmin.f32 v4, v10;
	v4 =	vmax.f32 v4, v10  }
0xc8: {  	[tilespmem:$0x1F330] =	vst v22;
	v5 =	vmax.f32 v5, v12;
	v10 =	vmin.f32 v4, v39;
	v12 =	vld.idx.msk [tilespmem:v22+s1+$0x0], $0xffff;
	v22 =	vor.u32 $0x6D, v1  }
0xc9: {  	[tilespmem:$0x1F280] =	vst v25;
	v2 =	vmax.f32 v2, v9;
	v4 =	vmax.f32 v4, v39;
	v5 =	vmax.f32 v5, v10  }
0xca: {  	v9 =	vld.idx.msk [tilespmem:v25+s1+$0x0], $0xffff;
	[tilespmem:$0x1F3C0] =	vst v24;
	v10 =	vmin.f32 v4, v13;
	v4 =	vmax.f32 v4, v13;
	v13 =	vor.u32 $0x6E, v1  }
0xcb: {  	v0 =	vmax.f32 v0, v11;
	v11 =	vld.idx.msk [tilespmem:v14+s1+$0x0], $0xffff;
	v5 =	vmax.f32 v5, v10;
	v10 =	vmin.f32 v4, v8  }
0xcc: {  	[tilespmem:$0x1F350] =	vst v14;
	v14 =	vor.u32 $0x6F, v1;
	v4 =	vmax.f32 v4, v8;
	v8 =	vld.idx.msk [tilespmem:v23+s1+$0x0], $0xffff;
	v5 =	vmax.f32 v5, v10  }
0xcd: {  	[tilespmem:$0x1F370] =	vst v22;
	v10 =	vmin.f32 v4, v12;
	v4 =	vmax.f32 v4, v12;
	v12 =	vld.idx.msk [tilespmem:v22+s1+$0x0], $0xffff;
	v22 =	vor.u32 $0x70, v1  }
0xce: {  	vm0 =	vgt.f32 v61, v6;
	v25 =	vor.u32 $0x5F, v1;
	[tilespmem:$0x1F360] =	vst v23;
	v43 =	vld.idx.msk [tilespmem:v24+s1+$0x0], $0xffff;
	v5 =	vmax.f32 v5, v10  }
0xcf: {  	[tilespmem:$0x1F380] =	vst v13;
	v10 =	vmin.f32 v4, v40;
	v4 =	vmax.f32 v4, v40;
	v41 =	vld.idx.msk [tilespmem:v13+s1+$0x0], $0xffff;
	v13 =	vor.u32 $0x71, v1  }
0xd0: {  	[tilespmem:$0x1F390] =	vst v14;
	v5 =	vmax.f32 v5, v10;
	v10 =	vmin.f32 v4, v11;
	v4 =	vmax.f32 v4, v11  }
0xd1: {  	v5 =	vmax.f32 v5, v10;
	v10 =	vmin.f32 v4, v8;
	v4 =	vmax.f32 v4, v8;
	v8 =	vld.idx.msk [tilespmem:v14+s1+$0x0], $0xffff  }
0xd2: {  	v24 =	vor.u32 $0x76, v1;
	v23 =	vor.u32 $0x75, v1;
	[tilespmem:$0x1F3A0] =	vst v22;
	v14 =	vor.u32 $0x73, v1;
	v11 =	vld.idx.msk [tilespmem:v22+s1+$0x0], $0xffff  }
0xd3: {  	[tilespmem:$0x1F3B0] =	vst v13;
	v5 =	vmax.f32 v5, v10;
	v10 =	vmin.f32 v4, v12;
	v22 =	vor.u32 $0x74, v1  }
0xd4: {  	v4 =	vmax.f32 v4, v12;
	v5 =	vmax.f32 v5, v10;
	v10 =	vmin.f32 v2, v9;
	v13 =	vld.idx.msk [tilespmem:v13+s1+$0x0], $0xffff  }
0xd5: {  	v12 =	vmin.f32 v4, v41;
	v4 =	vmax.f32 v4, v41;
	v0 =	vmax.f32 v0, v10  }
0xd6: {  	[tilespmem:$0x1F290] =	vst v25;
	v5 =	vmax.f32 v5, v12;
	v10 =	vmin.f32 v4, v8;
	v4 =	vmax.f32 v4, v8  }
0xd7: {  	[tilespmem:$0x1F3D0] =	vst v14;
	v5 =	vmax.f32 v5, v10;
	v10 =	vld.idx.msk [tilespmem:v14+s1+$0x0], $0xffff;
	v14 =	vor.u32 $0x77, v1;
	v8 =	vmin.f32 v4, v11  }
0xd8: {  	v2 =	vmax.f32 v2, v9;
	v4 =	vmax.f32 v4, v11;
	v5 =	vmax.f32 v5, v8;
	v8 =	vld.idx.msk [tilespmem:v22+s1+$0x0], $0xffff  }
0xd9: {  	[tilespmem:$0x1F400] =	vst v24;
	v11 =	vmin.f32 v4, v13;
	v4 =	vmax.f32 v4, v13;
	v13 =	vor.u32 $0x78, v1  }
0xda: {  	v44 =	vld.idx.msk [tilespmem:v24+s1+$0x0], $0xffff;
	[tilespmem:$0x1F3E0] =	vst v22;
	v22 =	vor.u32 $0x79, v1;
	v5 =	vmax.f32 v5, v11;
	v9 =	vmin.f32 v4, v43  }
0xdb: {  	[tilespmem:$0x1F3F0] =	vst v23;
	v12 =	vld.idx.msk [tilespmem:v23+s1+$0x0], $0xffff;
	v4 =	vmax.f32 v4, v43;
	v5 =	vmax.f32 v5, v9  }
0xdc: {  	[tilespmem:$0x1F410] =	vst v14;
	v9 =	vmin.f32 v4, v10;
	v4 =	vmax.f32 v4, v10;
	v10 =	vld.idx.msk [tilespmem:v14+s1+$0x0], $0xffff;
	v14 =	vor.u32 $0x7A, v1  }
0xdd: {  	v5 =	vmax.f32 v5, v9;
	v9 =	vmin.f32 v4, v8;
	v4 =	vmax.f32 v4, v8;
	v8 =	vld.idx.msk [tilespmem:v25+s1+$0x0], $0xffff  }
0xde: {  	vm1 =	veq.f32 v61, v6;
	v24 =	vor.u32 $0x7C, v1;
	[tilespmem:$0x1F420] =	vst v13;
	v11 =	vld.idx.msk [tilespmem:v13+s1+$0x0], $0xffff;
	v13 =	vor.u32 $0x7B, v1  }
0xdf: {  	v23 =	vor.u32 $0x83, v1;
	[tilespmem:$0x1F430] =	vst v22;
	v45 =	vld.idx.msk [tilespmem:v22+s1+$0x0], $0xffff;
	v22 =	vor.u32 $0x80, v1;
	v25 =	vor.u32 $0x82, v1  }
0xe0: {  	v5 =	vmax.f32 v5, v9;
	v9 =	vmin.f32 v4, v12;
	v4 =	vmax.f32 v4, v12  }
0xe1: {  	[tilespmem:$0x1F440] =	vst v14;
	v5 =	vmax.f32 v5, v9;
	v9 =	vmin.f32 v4, v44;
	v4 =	vmax.f32 v4, v44  }
0xe2: {  	[tilespmem:$0x1F450] =	vst v13;
	v5 =	vmax.f32 v5, v9;
	v9 =	vmin.f32 v4, v10;
	v12 =	vld.idx.msk [tilespmem:v14+s1+$0x0], $0xffff;
	v14 =	vor.u32 $0x81, v1  }
0xe3: {  	v4 =	vmax.f32 v4, v10;
	v5 =	vmax.f32 v5, v9;
	v9 =	vmin.f32 v2, v8;
	v13 =	vld.idx.msk [tilespmem:v13+s1+$0x0], $0xffff  }
0xe4: {  	[tilespmem:$0x1F4A0] =	vst v22;
	v10 =	vmin.f32 v4, v11;
	v4 =	vmax.f32 v4, v11;
	v47 =	vld.idx.msk [tilespmem:v22+s1+$0x0], $0xffff;
	v22 =	vor.u32 $0x84, v1  }
0xe5: {  	v2 =	vmax.f32 v2, v8;
	v0 =	vmax.f32 v0, v9;
	v5 =	vmax.f32 v5, v10;
	v9 =	vld.idx.msk [tilespmem:v24+s1+$0x0], $0xffff  }
0xe6: {  	[tilespmem:$0x1F460] =	vst v24;
	v10 =	vmin.f32 v4, v45;
	v4 =	vmax.f32 v4, v45;
	v24 =	vor.u32 $0x7D, v1  }
0xe7: {  	[tilespmem:$0x1F4B0] =	vst v14;
	v5 =	vmax.f32 v5, v10;
	v10 =	vmin.f32 v4, v12;
	v11 =	vld.idx.msk [tilespmem:v14+s1+$0x0], $0xffff;
	v14 =	vor.u32 $0x85, v1  }
0xe8: {  	v0 =	vadd.f32 v0, v2;
	v4 =	vmax.f32 v4, v12;
	v5 =	vmax.f32 v5, v10;
	v10 =	vld.idx.msk [tilespmem:v25+s1+$0x0], $0xffff  }
0xe9: {  	[tilespmem:$0x1F4D0] =	vst v23;
	v12 =	vmin.f32 v4, v13;
	v4 =	vmax.f32 v4, v13;
	v13 =	vld.idx.msk [tilespmem:v23+s1+$0x0], $0xffff;
	v23 =	vor.u32 $0x86, v1  }
0xea: {  	[tilespmem:$0x1F4C0] =	vst v25;
	v25 =	vor.u32 $0x7E, v1;
	v5 =	vmax.f32 v5, v12;
	v8 =	vmin.f32 v4, v9  }
0xeb: {  	[tilespmem:$0x1F4E0] =	vst v22;
	vm10 =	vgt.f32 v61, v0;
	v2 =	vmax.f32 v5, v8;
	v5 =	vld.idx.msk [tilespmem:v22+s1+$0x0], $0xffff;
	v22 =	vor.u32 $0x87, v1  }
0xec: {  	[tilespmem:$0x1F4F0] =	vst v14;
	v4 =	vmax.f32 v4, v9;
	v8 =	vmax.f32 v47, v11;
	v9 =	vld.idx.msk [tilespmem:v14+s1+$0x0], $0xffff;
	v14 =	vor.u32 $0x88, v1  }
0xed: {  	v7 =	vmin.f32 v47, v11;
	v11 =	vmin.f32 v8, v10;
	v8 =	vmax.f32 v8, v10;
	v10 =	vld.idx.msk [tilespmem:v24+s1+$0x0], $0xffff  }
0xee: {  	[tilespmem:$0x1F500] =	vst v23;
	v7 =	vmax.f32 v7, v11;
	v11 =	vmin.f32 v8, v13;
	v12 =	vld.idx.msk [tilespmem:v23+s1+$0x0], $0xffff;
	v23 =	vor.u32 $0x89, v1  }
0xef: {  	[tilespmem:$0x1F470] =	vst v24;
	v24 =	vor.u32 $0x8A, v1;
	v8 =	vmax.f32 v8, v13;
	v7 =	vmax.f32 v7, v11  }
0xf0: {  	[tilespmem:$0x1F510] =	vst v22;
	v11 =	vmin.f32 v8, v5;
	v5 =	vmax.f32 v8, v5;
	v8 =	vld.idx.msk [tilespmem:v22+s1+$0x0], $0xffff;
	v22 =	vor.u32 $0x8B, v1  }
0xf1: {  	[tilespmem:$0x1F480] =	vst v25;
	v7 =	vmax.f32 v7, v11;
	v11 =	vmin.f32 v5, v9;
	v13 =	vld.idx.msk [tilespmem:v14+s1+$0x0], $0xffff  }
0xf2: {  	[tilespmem:$0x1F520] =	vst v14;
	v5 =	vmax.f32 v5, v9;
	v14 =	vor.u32 $0x8C, v1;
	v9 =	vmin.f32 v4, v10  }
0xf3: {  	v7 =	vmax.f32 v7, v11;
	v2 =	vmax.f32 v2, v9;
	v9 =	vmin.f32 v5, v12;
	v11 =	vld.idx.msk [tilespmem:v23+s1+$0x0], $0xffff  }
0xf4: {  	[tilespmem:$0x1F530] =	vst v23;
	v5 =	vmax.f32 v5, v12;
	v23 =	vor.u32 $0x8D, v1;
	v7 =	vmax.f32 v7, v9;
	v9 =	vld.idx.msk [tilespmem:v24+s1+$0x0], $0xffff  }
0xf5: {  	[tilespmem:$0x1F550] =	vst v22;
	v12 =	vmin.f32 v5, v8;
	v5 =	vmax.f32 v5, v8;
	v8 =	vld.idx.msk [tilespmem:v22+s1+$0x0], $0xffff;
	v22 =	vor.u32 $0x8E, v1  }
0xf6: {  	v4 =	vmax.f32 v4, v10;
	v10 =	vld.idx.msk [tilespmem:v25+s1+$0x0], $0xffff;
	v7 =	vmax.f32 v7, v12;
	v12 =	vmin.f32 v5, v13  }
0xf7: {  	[tilespmem:$0x1F560] =	vst v14;
	v5 =	vmax.f32 v5, v13;
	v7 =	vmax.f32 v7, v12;
	v12 =	vld.idx.msk [tilespmem:v14+s1+$0x0], $0xffff;
	v14 =	vor.u32 $0x8F, v1  }
0xf8: {  	v25 =	vor.u32 $0x90, v1;
	[tilespmem:$0x1F570] =	vst v23;
	v13 =	vmin.f32 v5, v11;
	v5 =	vmax.f32 v5, v11  }
0xf9: {  	v7 =	vmax.f32 v7, v13;
	v11 =	vmin.f32 v5, v9;
	v5 =	vmax.f32 v5, v9;
	v9 =	vld.idx.msk [tilespmem:v23+s1+$0x0], $0xffff  }
0xfa: {  	[tilespmem:$0x1F580] =	vst v22;
	v23 =	vor.u32 $0x92, v1;
	v7 =	vmax.f32 v7, v11;
	v13 =	vld.idx.msk [tilespmem:v22+s1+$0x0], $0xffff;
	v22 =	vor.u32 $0x91, v1  }
0xfb: {  	[tilespmem:$0x1F540] =	vst v24;
	v11 =	vmin.f32 v5, v8;
	v5 =	vmax.f32 v5, v8;
	v8 =	vmin.f32 v4, v10  }
0xfc: {  	v24 =	vor.u32 $0x93, v1;
	[tilespmem:$0x1F590] =	vst v14;
	v7 =	vmax.f32 v7, v11;
	v2 =	vmax.f32 v2, v8;
	v14 =	vld.idx.msk [tilespmem:v14+s1+$0x0], $0xffff  }
0xfd: {  	[tilespmem:$0x1F5A0] =	vst v25;
	v8 =	vld.idx.msk [tilespmem:v25+s1+$0x0], $0xffff;
	v25 =	vor.u32 $0x94, v1;
	v11 =	vmin.f32 v5, v12;
	v5 =	vmax.f32 v5, v12  }
0xfe: {  	v7 =	vmax.f32 v7, v11;
	v11 =	vmin.f32 v5, v9;
	v5 =	vmax.f32 v5, v9  }
0xff: {  	[tilespmem:$0x1F5B0] =	vst v22;
	v7 =	vmax.f32 v7, v11;
	v9 =	vmin.f32 v5, v13;
	v11 =	vld.idx.msk [tilespmem:v22+s1+$0x0], $0xffff;
	v22 =	vor.u32 $0x95, v1  }
0x100: {  	v4 =	vmax.f32 v4, v10;
	v5 =	vmax.f32 v5, v13;
	v7 =	vmax.f32 v7, v9;
	v9 =	vld.idx.msk [tilespmem:v23+s1+$0x0], $0xffff  }
0x101: {  	v12 =	vld.idx.msk [tilespmem:v24+s1+$0x0], $0xffff;
	v13 =	vor.u32 $0x96, v1;
	v10 =	vmin.f32 v5, v14;
	v5 =	vmax.f32 v5, v14  }
0x102: {  	[tilespmem:$0x1F5D0] =	vst v24;
	v14 =	vor.u32 $0x97, v1;
	v7 =	vmax.f32 v7, v10;
	v10 =	vmin.f32 v5, v8  }
0x103: {  	[tilespmem:$0x1F5C0] =	vst v23;
	v24 =	vor.u32 $0x7F, v1;
	v5 =	vmax.f32 v5, v8;
	v8 =	vld.idx.msk [tilespmem:v25+s1+$0x0], $0xffff;
	v7 =	vmax.f32 v7, v10  }
0x104: {  	[tilespmem:$0x1F5F0] =	vst v22;
	v10 =	vmin.f32 v5, v11;
	v5 =	vmax.f32 v5, v11;
	v11 =	vld.idx.msk [tilespmem:v22+s1+$0x0], $0xffff;
	v22 =	vor.u32 $0x98, v1  }
0x105: {  	[tilespmem:$0x1F5E0] =	vst v25;
	v7 =	vmax.f32 v7, v10;
	v10 =	vmin.f32 v5, v9;
	v5 =	vmax.f32 v5, v9  }
0x106: {  	v26 =	vor.u32 $0xA1, v1;
	[tilespmem:$0x1F490] =	vst v24;
	v7 =	vmax.f32 v7, v10;
	v9 =	vmin.f32 v5, v12;
	v10 =	vld.idx.msk [tilespmem:v13+s1+$0x0], $0xffff  }
0x107: {  	[tilespmem:$0x1F600] =	vst v13;
	v23 =	vor.u32 $0x99, v1;
	v5 =	vmax.f32 v5, v12;
	v7 =	vmax.f32 v7, v9;
	v9 =	vld.idx.msk [tilespmem:v14+s1+$0x0], $0xffff  }
0x108: {  	[tilespmem:$0x1F610] =	vst v14;
	v14 =	vor.u32 $0x9A, v1;
	v12 =	vmin.f32 v5, v8;
	v5 =	vmax.f32 v5, v8;
	v8 =	vld.idx.msk [tilespmem:v24+s1+$0x0], $0xffff  }
0x109: {  	vm11 =	veq.f32 v61, v0;
	[tilespmem:$0x1F630] =	vst v23;
	v25 =	vor.u32 $0x9D, v1;
	v24 =	vor.u32 $0x9B, v1  }
0x10a: {  	v7 =	vmax.f32 v7, v12;
	v12 =	vmin.f32 v5, v11;
	v13 =	vld.idx.msk [tilespmem:v22+s1+$0x0], $0xffff;
	v5 =	vmax.f32 v5, v11  }
0x10b: {  	[tilespmem:$0x1F620] =	vst v22;
	v22 =	vor.u32 $0x9C, v1;
	v7 =	vmax.f32 v7, v12;
	v11 =	vmin.f32 v5, v10  }
0x10c: {  	[tilespmem:$0x1F640] =	vst v14;
	v5 =	vmax.f32 v5, v10;
	v10 =	vld.idx.msk [tilespmem:v23+s1+$0x0], $0xffff;
	v23 =	vor.u32 $0xA0, v1;
	v7 =	vmax.f32 v7, v11  }
0x10d: {  	v11 =	vmin.f32 v5, v9;
	v12 =	vld.idx.msk [tilespmem:v14+s1+$0x0], $0xffff;
	v5 =	vmax.f32 v5, v9;
	v9 =	vmin.f32 v4, v8  }
0x10e: {  	[tilespmem:$0x1F650] =	vst v24;
	v14 =	vld.idx.msk [tilespmem:v24+s1+$0x0], $0xffff;
	v24 =	vor.u32 $0xA2, v1;
	v4 =	vmax.f32 v4, v8;
	v2 =	vmax.f32 v2, v9  }
0x10f: {  	[tilespmem:$0x1F6B0] =	vst v26;
	v7 =	vmax.f32 v7, v11;
	v9 =	vmin.f32 v5, v13;
	v5 =	vmax.f32 v5, v13  }
0x110: {  	[tilespmem:$0x1F660] =	vst v22;
	v11 =	vld.idx.msk [tilespmem:v22+s1+$0x0], $0xffff;
	v22 =	vor.u32 $0xA3, v1;
	v57 =	vadd.f32 v2, v4;
	v7 =	vmax.f32 v7, v9  }
0x111: {  	[tilespmem:$0x1F670] =	vst v25;
	v9 =	vld.idx.msk [tilespmem:v25+s1+$0x0], $0xffff;
	v25 =	vor.u32 $0xA6, v1;
	v13 =	vmin.f32 v5, v10;
	v5 =	vmax.f32 v5, v10  }
0x112: {  	[tilespmem:$0x1F6A0] =	vst v23;
	v10 =	vld.idx.msk [tilespmem:v23+s1+$0x0], $0xffff;
	v23 =	vor.u32 $0xA4, v1;
	vm2 =	vgt.f32 v61, v57;
	vm3 =	veq.f32 v61, v57  }
0x113: {  	v7 =	vmax.f32 v7, v13;
	v8 =	vmin.f32 v5, v12;
	v13 =	vld.idx.msk [tilespmem:v26+s1+$0x0], $0xffff;
	v5 =	vmax.f32 v5, v12  }
0x114: {  	[tilespmem:$0x1F6C0] =	vst v24;
	v26 =	vor.u32 $0x9E, v1;
	v7 =	vmax.f32 v7, v8;
	v8 =	vld.idx.msk [tilespmem:v24+s1+$0x0], $0xffff;
	v24 =	vor.u32 $0xA5, v1  }
0x115: {  	v41 =	vsel vm2, $0x1, v53;
	v12 =	vmin.f32 v5, v14;
	v5 =	vmax.f32 v5, v14  }
0x116: {  	[tilespmem:$0x1F6D0] =	vst v22;
	v2 =	vmax.f32 v7, v12;
	v4 =	vmin.f32 v5, v11;
	v48 =	vld.idx.msk [tilespmem:v22+s1+$0x0], $0xffff;
	v22 =	vor.u32 $0xA7, v1  }
0x117: {  	[tilespmem:$0x1F6E0] =	vst v23;
	v2 =	vmax.f32 v2, v4;
	v4 =	vmax.f32 v5, v11;
	v5 =	vld.idx.msk [tilespmem:v23+s1+$0x0], $0xffff;
	v23 =	vor.u32 $0xA8, v1  }
0x118: {  	v12 =	vmin.f32 v4, v9;
	v4 =	vmax.f32 v4, v9;
	v11 =	vmin.f32 v10, v13  }
0x119: {  	[tilespmem:$0x1F6F0] =	vst v24;
	v10 =	vmax.f32 v10, v13;
	v2 =	vmax.f32 v2, v12;
	v14 =	vld.idx.msk [tilespmem:v24+s1+$0x0], $0xffff;
	v24 =	vor.u32 $0xA9, v1  }
0x11a: {  	[tilespmem:$0x1F700] =	vst v25;
	v13 =	vmin.f32 v10, v8;
	v8 =	vmax.f32 v10, v8;
	v10 =	vld.idx.msk [tilespmem:v25+s1+$0x0], $0xffff;
	v25 =	vor.u32 $0xAA, v1  }
0x11b: {  	v50 =	vld.idx.msk [tilespmem:v26+s1+$0x0], $0xffff;
	v11 =	vmax.f32 v11, v13;
	v12 =	vmin.f32 v8, v48;
	v7 =	vmax.f32 v8, v48  }
0x11c: {  	[tilespmem:$0x1F710] =	vst v22;
	v8 =	vmax.f32 v11, v12;
	v12 =	vld.idx.msk [tilespmem:v22+s1+$0x0], $0xffff;
	v22 =	vor.u32 $0xAB, v1;
	v11 =	vmin.f32 v7, v5  }
0x11d: {  	[tilespmem:$0x1F680] =	vst v26;
	v26 =	vor.u32 $0xBE, v1;
	v5 =	vmax.f32 v7, v5;
	v49 =	vld.idx.msk [tilespmem:v23+s1+$0x0], $0xffff;
	v8 =	vmax.f32 v8, v11  }
0x11e: {  	v11 =	vmin.f32 v5, v14;
	v5 =	vmax.f32 v5, v14;
	v13 =	vld.idx.msk [tilespmem:v24+s1+$0x0], $0xffff;
	v14 =	vor.u32 $0xAC, v1  }
0x11f: {  	[tilespmem:$0x1F720] =	vst v23;
	v23 =	vor.u32 $0xAD, v1;
	v8 =	vmax.f32 v8, v11;
	v9 =	vmin.f32 v5, v10  }
0x120: {  	[tilespmem:$0x1F730] =	vst v24;
	v24 =	vor.u32 $0xB0, v1;
	v5 =	vmax.f32 v5, v10;
	v8 =	vmax.f32 v8, v9;
	v9 =	vld.idx.msk [tilespmem:v25+s1+$0x0], $0xffff  }
0x121: {  	[tilespmem:$0x1F750] =	vst v22;
	v10 =	vmin.f32 v5, v12;
	v5 =	vmax.f32 v5, v12;
	v11 =	vld.idx.msk [tilespmem:v22+s1+$0x0], $0xffff;
	v22 =	vor.u32 $0xAE, v1  }
0x122: {  	v8 =	vmax.f32 v8, v10;
	v10 =	vmin.f32 v5, v49;
	v5 =	vmax.f32 v5, v49  }
0x123: {  	[tilespmem:$0x1F760] =	vst v14;
	v8 =	vmax.f32 v8, v10;
	v10 =	vmin.f32 v5, v13;
	v12 =	vld.idx.msk [tilespmem:v14+s1+$0x0], $0xffff;
	v14 =	vor.u32 $0xAF, v1  }
0x124: {  	[tilespmem:$0x1F740] =	vst v25;
	v25 =	vor.u32 $0x9F, v1;
	v5 =	vmax.f32 v5, v13;
	v8 =	vmax.f32 v8, v10  }
0x125: {  	[tilespmem:$0x1F770] =	vst v23;
	v10 =	vmin.f32 v5, v9;
	v5 =	vmax.f32 v5, v9;
	v9 =	vld.idx.msk [tilespmem:v23+s1+$0x0], $0xffff;
	v23 =	vor.u32 $0xB1, v1  }
0x126: {  	[tilespmem:$0x1F780] =	vst v22;
	v13 =	vld.idx.msk [tilespmem:v22+s1+$0x0], $0xffff;
	v22 =	vor.u32 $0xB2, v1;
	v8 =	vmax.f32 v8, v10;
	v10 =	vmin.f32 v5, v11  }
0x127: {  	[tilespmem:$0x1F7A0] =	vst v24;
	v5 =	vmax.f32 v5, v11;
	v11 =	vmin.f32 v4, v50;
	v4 =	vmax.f32 v4, v50  }
0x128: {  	v2 =	vmax.f32 v2, v11;
	v8 =	vmax.f32 v8, v10;
	v10 =	vmin.f32 v5, v12;
	v11 =	vld.idx.msk [tilespmem:v14+s1+$0x0], $0xffff  }
0x129: {  	[tilespmem:$0x1F790] =	vst v14;
	v5 =	vmax.f32 v5, v12;
	v14 =	vor.u32 $0xB3, v1;
	v8 =	vmax.f32 v8, v10;
	v10 =	vld.idx.msk [tilespmem:v24+s1+$0x0], $0xffff  }
0x12a: {  	[tilespmem:$0x1F690] =	vst v25;
	v24 =	vor.u32 $0xB6, v1;
	v12 =	vmin.f32 v5, v9;
	v5 =	vmax.f32 v5, v9;
	v9 =	vld.idx.msk [tilespmem:v23+s1+$0x0], $0xffff  }
0x12b: {  	[tilespmem:$0x1F7B0] =	vst v23;
	v23 =	vor.u32 $0xB4, v1;
	v51 =	vmax.f32 v8, v12;
	v8 =	vld.idx.msk [tilespmem:v25+s1+$0x0], $0xffff;
	v12 =	vmin.f32 v5, v13  }
0x12c: {  	[tilespmem:$0x1F7C0] =	vst v22;
	v5 =	vmax.f32 v5, v13;
	v7 =	vmax.f32 v51, v12;
	v12 =	vld.idx.msk [tilespmem:v22+s1+$0x0], $0xffff;
	v22 =	vor.u32 $0xB5, v1  }
0x12d: {  	[tilespmem:$0x1F7D0] =	vst v14;
	v25 =	vor.u32 $0xBD, v1;
	v13 =	vmin.f32 v5, v11;
	v5 =	vmax.f32 v5, v11  }
0x12e: {  	v7 =	vmax.f32 v7, v13;
	v11 =	vmin.f32 v5, v10;
	v5 =	vmax.f32 v5, v10;
	v10 =	vld.idx.msk [tilespmem:v14+s1+$0x0], $0xffff  }
0x12f: {  	[tilespmem:$0x1F800] =	vst v24;
	v14 =	vor.u32 $0xB7, v1;
	v7 =	vmax.f32 v7, v11;
	v11 =	vmin.f32 v5, v9  }
0x130: {  	[tilespmem:$0x1F7E0] =	vst v23;
	v13 =	vld.idx.msk [tilespmem:v23+s1+$0x0], $0xffff;
	v5 =	vmax.f32 v5, v9;
	v23 =	vor.u32 $0xB8, v1;
	v9 =	vmin.f32 v4, v8  }
0x131: {  	v7 =	vmax.f32 v7, v11;
	v4 =	vmax.f32 v4, v8;
	v2 =	vmax.f32 v2, v9;
	v11 =	vld.idx.msk [tilespmem:v22+s1+$0x0], $0xffff  }
0x132: {  	[tilespmem:$0x1F7F0] =	vst v22;
	v9 =	vmin.f32 v5, v12;
	v5 =	vmax.f32 v5, v12;
	v22 =	vor.u32 $0xB9, v1  }
0x133: {  	[tilespmem:$0x1F870] =	vst v25;
	v7 =	vmax.f32 v7, v9;
	v9 =	vld.idx.msk [tilespmem:v24+s1+$0x0], $0xffff;
	v24 =	vor.u32 $0xBA, v1;
	v12 =	vmin.f32 v5, v10  }
0x134: {  	v63 =	vadd.f32 v2, v4;
	v5 =	vmax.f32 v5, v10;
	v7 =	vmax.f32 v7, v12;
	v12 =	vld.idx.msk [tilespmem:v14+s1+$0x0], $0xffff  }
0x135: {  	[tilespmem:$0x1F810] =	vst v14;
	v10 =	vmin.f32 v5, v13;
	v14 =	vor.u32 $0xBB, v1;
	v5 =	vmax.f32 v5, v13  }
0x136: {  	[tilespmem:$0x1F820] =	vst v23;
	v7 =	vmax.f32 v7, v10;
	v10 =	vld.idx.msk [tilespmem:v23+s1+$0x0], $0xffff;
	v23 =	vor.u32 $0xBC, v1;
	v13 =	vmin.f32 v5, v11  }
0x137: {  	vm4 =	vgt.f32 v61, v63;
	v5 =	vmax.f32 v5, v11;
	v7 =	vmax.f32 v7, v13;
	v13 =	vld.idx.msk [tilespmem:v22+s1+$0x0], $0xffff  }
0x138: {  	[tilespmem:$0x1F830] =	vst v22;
	v11 =	vmin.f32 v5, v9;
	v22 =	vor.u32 $0xC0, v1;
	v5 =	vmax.f32 v5, v9  }
0x139: {  	[tilespmem:$0x1F840] =	vst v24;
	v9 =	vld.idx.msk [tilespmem:v24+s1+$0x0], $0xffff;
	v24 =	vor.u32 $0xC1, v1;
	v7 =	vmax.f32 v7, v11;
	v11 =	vmin.f32 v5, v12  }
0x13a: {  	[tilespmem:$0x1F850] =	vst v14;
	v5 =	vmax.f32 v5, v12;
	v12 =	vld.idx.msk [tilespmem:v14+s1+$0x0], $0xffff;
	v14 =	vor.u32 $0xC2, v1;
	v7 =	vmax.f32 v7, v11  }
0x13b: {  	[tilespmem:$0x1F860] =	vst v23;
	v8 =	vmin.f32 v5, v10;
	v11 =	vld.idx.msk [tilespmem:v23+s1+$0x0], $0xffff;
	v5 =	vmax.f32 v5, v10;
	v23 =	vor.u32 $0xC3, v1  }
0x13c: {  	[tilespmem:$0x1F8A0] =	vst v22;
	v7 =	vmax.f32 v7, v8;
	v8 =	vld.idx.msk [tilespmem:v25+s1+$0x0], $0xffff;
	v25 =	vor.u32 $0xC6, v1;
	v10 =	vmin.f32 v5, v13  }
0x13d: {  	[tilespmem:$0x1F8B0] =	vst v24;
	v5 =	vmax.f32 v5, v13;
	v13 =	vld.idx.msk [tilespmem:v22+s1+$0x0], $0xffff;
	v22 =	vor.u32 $0xC4, v1;
	v7 =	vmax.f32 v7, v10  }
0x13e: {  	[tilespmem:$0x1F8C0] =	vst v14;
	v10 =	vmin.f32 v5, v9;
	v5 =	vmax.f32 v5, v9;
	v9 =	vld.idx.msk [tilespmem:v24+s1+$0x0], $0xffff;
	v24 =	vor.u32 $0xC5, v1  }
0x13f: {  	v7 =	vmax.f32 v7, v10;
	v10 =	vmin.f32 v5, v12;
	v14 =	vld.idx.msk [tilespmem:v14+s1+$0x0], $0xffff;
	v5 =	vmax.f32 v5, v12  }
0x140: {  	v7 =	vmax.f32 v7, v10;
	v10 =	vmin.f32 v5, v11;
	v5 =	vmax.f32 v5, v11;
	v11 =	vld.idx.msk [tilespmem:v23+s1+$0x0], $0xffff  }
0x141: {  	[tilespmem:$0x1F8D0] =	vst v23;
	v23 =	vor.u32 $0xC7, v1;
	v2 =	vmax.f32 v7, v10;
	v4 =	vmin.f32 v5, v8  }
0x142: {  	vm5 =	veq.f32 v61, v63;
	[tilespmem:$0x1F8E0] =	vst v22;
	v58 =	vld.idx.msk [tilespmem:v22+s1+$0x0], $0xffff;
	v2 =	vmax.f32 v2, v4;
	v22 =	vor.u32 $0xC8, v1  }
0x143: {  	[tilespmem:$0x1F8F0] =	vst v24;
	v4 =	vmax.f32 v13, v9;
	v9 =	vmin.f32 v13, v9;
	v12 =	vld.idx.msk [tilespmem:v24+s1+$0x0], $0xffff;
	v24 =	vor.u32 $0xC9, v1  }
0x144: {  	[tilespmem:$0x1F900] =	vst v25;
	v10 =	vmin.f32 v4, v14;
	v4 =	vmax.f32 v4, v14;
	v14 =	vor.u32 $0xCA, v1  }
0x145: {  	v5 =	vmax.f32 v5, v8;
	v9 =	vmax.f32 v9, v10;
	v10 =	vld.idx.msk [tilespmem:v25+s1+$0x0], $0xffff;
	v13 =	vmin.f32 v4, v11  }
0x146: {  	[tilespmem:$0x1F910] =	vst v23;
	v4 =	vmax.f32 v4, v11;
	v11 =	vld.idx.msk [tilespmem:v23+s1+$0x0], $0xffff;
	v23 =	vor.u32 $0xCC, v1;
	v8 =	vmax.f32 v9, v13  }
0x147: {  	[tilespmem:$0x1F920] =	vst v22;
	v9 =	vmin.f32 v4, v58;
	v4 =	vmax.f32 v4, v58;
	v60 =	vld.idx.msk [tilespmem:v22+s1+$0x0], $0xffff;
	v22 =	vor.u32 $0xCB, v1  }
0x148: {  	v8 =	vmax.f32 v8, v9;
	v9 =	vmin.f32 v4, v12;
	v4 =	vmax.f32 v4, v12;
	v12 =	vld.idx.msk [tilespmem:v24+s1+$0x0], $0xffff  }
0x149: {  	[tilespmem:$0x1F930] =	vst v24;
	v25 =	vor.u32 $0xBF, v1;
	v24 =	vor.u32 $0xCE, v1;
	v8 =	vmax.f32 v8, v9;
	v13 =	vld.idx.msk [tilespmem:v14+s1+$0x0], $0xffff  }
0x14a: {  	[tilespmem:$0x1F940] =	vst v14;
	v14 =	vor.u32 $0xCD, v1;
	v9 =	vmin.f32 v4, v10;
	v4 =	vmax.f32 v4, v10;
	v10 =	vld.idx.msk [tilespmem:v26+s1+$0x0], $0xffff  }
0x14b: {  	[tilespmem:$0x1F960] =	vst v23;
	v8 =	vmax.f32 v8, v9;
	v9 =	vmin.f32 v4, v11;
	v4 =	vmax.f32 v4, v11  }
0x14c: {  	[tilespmem:$0x1F890] =	vst v25;
	v8 =	vmax.f32 v8, v9;
	v9 =	vmin.f32 v4, v60;
	v4 =	vmax.f32 v4, v60  }
0x14d: {  	[tilespmem:$0x1F950] =	vst v22;
	v62 =	vld.idx.msk [tilespmem:v22+s1+$0x0], $0xffff;
	v22 =	vor.u32 $0xCF, v1;
	v8 =	vmax.f32 v8, v9;
	v9 =	vmin.f32 v4, v12  }
0x14e: {  	[tilespmem:$0x1F980] =	vst v24;
	v11 =	vld.idx.msk [tilespmem:v23+s1+$0x0], $0xffff;
	v23 =	vor.u32 $0xD0, v1;
	v4 =	vmax.f32 v4, v12;
	v8 =	vmax.f32 v8, v9  }
0x14f: {  	v9 =	vmin.f32 v4, v13;
	v12 =	vmin.f32 v5, v10;
	v5 =	vmax.f32 v5, v10;
	v10 =	vld.idx.msk [tilespmem:v25+s1+$0x0], $0xffff  }
0x150: {  	v4 =	vmax.f32 v4, v13;
	v8 =	vmax.f32 v8, v9;
	v2 =	vmax.f32 v2, v12;
	v12 =	vld.idx.msk [tilespmem:v14+s1+$0x0], $0xffff  }
0x151: {  	[tilespmem:$0x1F970] =	vst v14;
	v9 =	vld.idx.msk [tilespmem:v24+s1+$0x0], $0xffff;
	v24 =	vor.u32 $0xD4, v1;
	v25 =	vor.u32 $0xE1, v1;
	v14 =	vor.u32 $0xD1, v1  }
0x152: {  	[tilespmem:$0x1F990] =	vst v22;
	v13 =	vmin.f32 v4, v62;
	v4 =	vmax.f32 v4, v62;
	v32 =	vld.idx.msk [tilespmem:v22+s1+$0x0], $0xffff;
	v22 =	vor.u32 $0xD2, v1  }
0x153: {  	v8 =	vmax.f32 v8, v13;
	v13 =	vmin.f32 v4, v11;
	v4 =	vmax.f32 v4, v11  }
0x154: {  	[tilespmem:$0x1F9A0] =	vst v23;
	v11 =	vld.idx.msk [tilespmem:v23+s1+$0x0], $0xffff;
	v23 =	vor.u32 $0xD3, v1;
	v8 =	vmax.f32 v8, v13;
	v33 =	vmin.f32 v5, v10  }
0x155: {  	[tilespmem:$0x1F9B0] =	vst v14;
	v5 =	vmax.f32 v5, v10;
	v13 =	vmin.f32 v4, v12;
	v4 =	vmax.f32 v4, v12  }
0x156: {  	v2 =	vmax.f32 v2, v33;
	v12 =	vmin.f32 v4, v9;
	v4 =	vmax.f32 v4, v9;
	v9 =	vld.idx.msk [tilespmem:v14+s1+$0x0], $0xffff  }
0x157: {  	[tilespmem:$0x1F9C0] =	vst v22;
	v8 =	vmax.f32 v8, v13;
	v13 =	vld.idx.msk [tilespmem:v22+s1+$0x0], $0xffff;
	v14 =	vor.u32 $0xD5, v1;
	v22 =	vor.u32 $0xD6, v1  }
0x158: {  	v8 =	vmax.f32 v8, v12;
	v12 =	vmin.f32 v4, v32;
	v4 =	vmax.f32 v4, v32  }
0x159: {  	[tilespmem:$0x1F9D0] =	vst v23;
	v34 =	vmax.f32 v8, v12;
	v8 =	vmin.f32 v4, v11;
	v12 =	vld.idx.msk [tilespmem:v23+s1+$0x0], $0xffff;
	v23 =	vor.u32 $0xD7, v1  }
0x15a: {  	v62 =	vadd.f32 v2, v5;
	v4 =	vmax.f32 v4, v11;
	v7 =	vmax.f32 v34, v8;
	v8 =	vld.idx.msk [tilespmem:v24+s1+$0x0], $0xffff  }
0x15b: {  	[tilespmem:$0x1F9E0] =	vst v24;
	v24 =	vor.u32 $0xD8, v1;
	v11 =	vmin.f32 v4, v9;
	v4 =	vmax.f32 v4, v9  }
0x15c: {  	[tilespmem:$0x1FA00] =	vst v14;
	v7 =	vmax.f32 v7, v11;
	v9 =	vmin.f32 v4, v13;
	v11 =	vld.idx.msk [tilespmem:v14+s1+$0x0], $0xffff;
	v14 =	vor.u32 $0xD9, v1  }
0x15d: {  	v4 =	vmax.f32 v4, v13;
	v13 =	vor.u32 $0xDA, v1;
	v7 =	vmax.f32 v7, v9;
	v9 =	vld.idx.msk [tilespmem:v22+s1+$0x0], $0xffff  }
0x15e: {  	[tilespmem:$0x1FA10] =	vst v22;
	v10 =	vmin.f32 v4, v12;
	v4 =	vmax.f32 v4, v12;
	v12 =	vld.idx.msk [tilespmem:v23+s1+$0x0], $0xffff;
	v22 =	vor.u32 $0xDB, v1  }
0x15f: {  	[tilespmem:$0x1FA20] =	vst v23;
	v23 =	vor.u32 $0xDC, v1;
	v7 =	vmax.f32 v7, v10;
	v10 =	vmin.f32 v4, v8  }
0x160: {  	[tilespmem:$0x1FA30] =	vst v24;
	v4 =	vmax.f32 v4, v8;
	v8 =	vld.idx.msk [tilespmem:v24+s1+$0x0], $0xffff;
	v24 =	vor.u32 $0xDD, v1;
	v7 =	vmax.f32 v7, v10  }
0x161: {  	[tilespmem:$0x1FA40] =	vst v14;
	v10 =	vmin.f32 v4, v11;
	v4 =	vmax.f32 v4, v11;
	v11 =	vld.idx.msk [tilespmem:v14+s1+$0x0], $0xffff;
	v14 =	vor.u32 $0xE0, v1  }
0x162: {  	v7 =	vmax.f32 v7, v10;
	v10 =	vmin.f32 v4, v9;
	v4 =	vmax.f32 v4, v9;
	v9 =	vld.idx.msk [tilespmem:v13+s1+$0x0], $0xffff  }
0x163: {  	vm12 =	vgt.f32 v61, v62;
	[tilespmem:$0x1FA50] =	vst v13;
	v7 =	vmax.f32 v7, v10;
	v10 =	vmin.f32 v4, v12  }
0x164: {  	[tilespmem:$0x1FA60] =	vst v22;
	v4 =	vmax.f32 v4, v12;
	v12 =	vld.idx.msk [tilespmem:v22+s1+$0x0], $0xffff;
	v22 =	vor.u32 $0xE2, v1;
	v7 =	vmax.f32 v7, v10  }
0x165: {  	[tilespmem:$0x1FA70] =	vst v23;
	v10 =	vmin.f32 v4, v8;
	v4 =	vmax.f32 v4, v8;
	v8 =	vld.idx.msk [tilespmem:v23+s1+$0x0], $0xffff;
	v23 =	vor.u32 $0xE3, v1  }
0x166: {  	v13 =	vld.idx.msk [tilespmem:v24+s1+$0x0], $0xffff;
	v7 =	vmax.f32 v7, v10;
	v10 =	vmin.f32 v4, v11;
	v4 =	vmax.f32 v4, v11  }
0x167: {  	[tilespmem:$0x1FAB0] =	vst v14;
	v7 =	vmax.f32 v7, v10;
	v10 =	vld.idx.msk [tilespmem:v14+s1+$0x0], $0xffff;
	v14 =	vor.u32 $0xE4, v1;
	v11 =	vmin.f32 v4, v9  }
0x168: {  	[tilespmem:$0x1FA80] =	vst v24;
	v24 =	vor.u32 $0xE5, v1;
	v4 =	vmax.f32 v4, v9;
	v9 =	vld.idx.msk [tilespmem:v25+s1+$0x0], $0xffff;
	v2 =	vmax.f32 v7, v11  }
0x169: {  	[tilespmem:$0x1FAD0] =	vst v22;
	v5 =	vmin.f32 v4, v12;
	v35 =	vld.idx.msk [tilespmem:v22+s1+$0x0], $0xffff;
	v4 =	vmax.f32 v4, v12;
	v22 =	vor.u32 $0xE6, v1  }
0x16a: {  	v2 =	vmax.f32 v2, v5;
	v5 =	vmin.f32 v4, v8;
	v4 =	vmax.f32 v4, v8;
	v8 =	vld.idx.msk [tilespmem:v23+s1+$0x0], $0xffff  }
0x16b: {  	[tilespmem:$0x1FAE0] =	vst v23;
	v23 =	vor.u32 $0xE7, v1;
	v2 =	vmax.f32 v2, v5;
	v5 =	vmin.f32 v4, v13  }
0x16c: {  	[tilespmem:$0x1FAC0] =	vst v25;
	vm13 =	veq.f32 v61, v62;
	v25 =	vor.u32 $0xDE, v1;
	v2 =	vmax.f32 v2, v5;
	v11 =	vld.idx.msk [tilespmem:v14+s1+$0x0], $0xffff  }
0x16d: {  	[tilespmem:$0x1FAF0] =	vst v14;
	v12 =	vld.idx.msk [tilespmem:v24+s1+$0x0], $0xffff;
	v5 =	vmax.f32 v10, v9;
	v14 =	vor.u32 $0xE8, v1;
	v9 =	vmin.f32 v10, v9  }
0x16e: {  	[tilespmem:$0x1FB10] =	vst v22;
	v10 =	vmin.f32 v5, v35;
	v5 =	vmax.f32 v5, v35;
	v36 =	vld.idx.msk [tilespmem:v22+s1+$0x0], $0xffff;
	v22 =	vor.u32 $0xE9, v1  }
0x16f: {  	[tilespmem:$0x1FB00] =	vst v24;
	v24 =	vor.u32 $0xEC, v1;
	v9 =	vmax.f32 v9, v10;
	v10 =	vmin.f32 v5, v8  }
0x170: {  	[tilespmem:$0x1FB20] =	vst v23;
	v5 =	vmax.f32 v5, v8;
	v8 =	vld.idx.msk [tilespmem:v23+s1+$0x0], $0xffff;
	v23 =	vor.u32 $0xEA, v1;
	v9 =	vmax.f32 v9, v10  }
0x171: {  	[tilespmem:$0x1FA90] =	vst v25;
	v10 =	vmin.f32 v5, v11;
	v5 =	vmax.f32 v5, v11;
	v11 =	vld.idx.msk [tilespmem:v25+s1+$0x0], $0xffff;
	v25 =	vor.u32 $0xDF, v1  }
0x172: {  	v4 =	vmax.f32 v4, v13;
	[tilespmem:$0x1FB30] =	vst v14;
	v13 =	vld.idx.msk [tilespmem:v14+s1+$0x0], $0xffff;
	v14 =	vor.u32 $0xEB, v1;
	v9 =	vmax.f32 v9, v10  }
0x173: {  	[tilespmem:$0x1FB40] =	vst v22;
	v10 =	vmin.f32 v5, v12;
	v5 =	vmax.f32 v5, v12;
	v37 =	vld.idx.msk [tilespmem:v22+s1+$0x0], $0xffff;
	v22 =	vor.u32 $0xED, v1  }
0x174: {  	[tilespmem:$0x1F880] =	vst v26;
	v9 =	vmax.f32 v9, v10;
	v10 =	vmin.f32 v5, v36;
	v5 =	vmax.f32 v5, v36  }
0x175: {  	v26 =	vor.u32 $0xFC, v1;
	[tilespmem:$0x1FB50] =	vst v23;
	v12 =	vld.idx.msk [tilespmem:v23+s1+$0x0], $0xffff;
	v9 =	vmax.f32 v9, v10;
	v10 =	vmin.f32 v5, v8  }
0x176: {  	v5 =	vmax.f32 v5, v8;
	v8 =	vmin.f32 v4, v11;
	v4 =	vmax.f32 v4, v11;
	v11 =	vld.idx.msk [tilespmem:v25+s1+$0x0], $0xffff  }
0x177: {  	[tilespmem:$0x1FB60] =	vst v14;
	v23 =	vor.u32 $0xEE, v1;
	v2 =	vmax.f32 v2, v8;
	v8 =	vmax.f32 v9, v10;
	v10 =	vld.idx.msk [tilespmem:v14+s1+$0x0], $0xffff  }
0x178: {  	[tilespmem:$0x1FAA0] =	vst v25;
	v25 =	vor.u32 $0xF9, v1;
	v9 =	vmin.f32 v5, v13;
	v5 =	vmax.f32 v5, v13;
	v38 =	vld.idx.msk [tilespmem:v22+s1+$0x0], $0xffff  }
0x179: {  	[tilespmem:$0x1FB80] =	vst v22;
	v14 =	vor.u32 $0xEF, v1;
	v22 =	vor.u32 $0xF0, v1;
	v8 =	vmax.f32 v8, v9;
	v9 =	vld.idx.msk [tilespmem:v24+s1+$0x0], $0xffff  }
0x17a: {  	[tilespmem:$0x1FB70] =	vst v24;
	v13 =	vmin.f32 v5, v37;
	v5 =	vmax.f32 v5, v37;
	v24 =	vor.u32 $0xF2, v1  }
0x17b: {  	v8 =	vmax.f32 v8, v13;
	v13 =	vmin.f32 v5, v12;
	v5 =	vmax.f32 v5, v12  }
0x17c: {  	[tilespmem:$0x1FB90] =	vst v23;
	v12 =	vld.idx.msk [tilespmem:v23+s1+$0x0], $0xffff;
	v23 =	vor.u32 $0xF1, v1;
	v8 =	vmax.f32 v8, v13;
	v39 =	vmin.f32 v4, v11  }
0x17d: {  	[tilespmem:$0x1FBA0] =	vst v14;
	v4 =	vmax.f32 v4, v11;
	v13 =	vmin.f32 v5, v10;
	v5 =	vmax.f32 v5, v10  }
0x17e: {  	v2 =	vmax.f32 v2, v39;
	v10 =	vmin.f32 v5, v9;
	v5 =	vmax.f32 v5, v9;
	v9 =	vld.idx.msk [tilespmem:v14+s1+$0x0], $0xffff  }
0x17f: {  	[tilespmem:$0x1FBB0] =	vst v22;
	v8 =	vmax.f32 v8, v13;
	v13 =	vld.idx.msk [tilespmem:v22+s1+$0x0], $0xffff;
	v14 =	vor.u32 $0xF3, v1;
	v22 =	vor.u32 $0xF4, v1  }
0x180: {  	v60 =	vadd.f32 v2, v4;
	v2 =	vsel vm10, $0x1, v53;
	v4 =	vsel vm11, $0x1, v53  }
0x181: {  	v8 =	vmax.f32 v8, v10;
	v10 =	vmin.f32 v5, v38;
	v5 =	vmax.f32 v5, v38  }
0x182: {  	v2 =	vadd.s32 v4, v2;
	v40 =	vmax.f32 v8, v10;
	v8 =	vmin.f32 v5, v12;
	v10 =	vld.idx.msk [tilespmem:v23+s1+$0x0], $0xffff  }
0x183: {  	[tilespmem:$0x1FBC0] =	vst v23;
	v5 =	vmax.f32 v5, v12;
	v23 =	vor.u32 $0xF5, v1;
	v7 =	vmax.f32 v40, v8  }
0x184: {  	[tilespmem:$0x1FBD0] =	vst v24;
	v8 =	vld.idx.msk [tilespmem:v24+s1+$0x0], $0xffff;
	v24 =	vor.u32 $0xF6, v1;
	v12 =	vmin.f32 v5, v9;
	v5 =	vmax.f32 v5, v9  }
0x185: {  	[tilespmem:$0x1FBE0] =	vst v14;
	v7 =	vmax.f32 v7, v12;
	v9 =	vmin.f32 v5, v13;
	v12 =	vld.idx.msk [tilespmem:v14+s1+$0x0], $0xffff;
	v14 =	vor.u32 $0xF7, v1  }
0x186: {  	[tilespmem:$0x1FBF0] =	vst v22;
	v5 =	vmax.f32 v5, v13;
	v7 =	vmax.f32 v7, v9;
	v9 =	vld.idx.msk [tilespmem:v22+s1+$0x0], $0xffff;
	v22 =	vor.u32 $0xF8, v1  }
0x187: {  	vm14 =	vgt.f32 v61, v60;
	vm15 =	veq.f32 v61, v60;
	[tilespmem:$0x1FC00] =	vst v23;
	v13 =	vmin.f32 v5, v10  }
0x188: {  	[tilespmem:$0x1FC10] =	vst v24;
	v5 =	vmax.f32 v5, v10;
	v7 =	vmax.f32 v7, v13;
	v13 =	vld.idx.msk [tilespmem:v23+s1+$0x0], $0xffff;
	v23 =	vor.u32 $0xFA, v1  }
0x189: {  	[tilespmem:$0x1FC20] =	vst v14;
	v10 =	vmin.f32 v5, v8;
	v5 =	vmax.f32 v5, v8;
	v8 =	vld.idx.msk [tilespmem:v24+s1+$0x0], $0xffff;
	v24 =	vor.u32 $0xFB, v1  }
0x18a: {  	v7 =	vmax.f32 v7, v10;
	v10 =	vmin.f32 v5, v12;
	v5 =	vmax.f32 v5, v12;
	v12 =	vld.idx.msk [tilespmem:v14+s1+$0x0], $0xffff  }
0x18b: {  	[tilespmem:$0x1FC30] =	vst v22;
	v7 =	vmax.f32 v7, v10;
	v10 =	vmin.f32 v5, v9;
	v14 =	vld.idx.msk [tilespmem:v22+s1+$0x0], $0xffff;
	v22 =	vor.u32 $0xFD, v1  }
0x18c: {  	[tilespmem:$0x1FC40] =	vst v25;
	v5 =	vmax.f32 v5, v9;
	v9 =	vld.idx.msk [tilespmem:v25+s1+$0x0], $0xffff;
	v25 =	vor.u32 $0xFE, v1;
	v7 =	vmax.f32 v7, v10  }
0x18d: {  	[tilespmem:$0x1FC50] =	vst v23;
	v10 =	vmin.f32 v5, v13;
	v5 =	vmax.f32 v5, v13;
	v13 =	vld.idx.msk [tilespmem:v23+s1+$0x0], $0xffff;
	v23 =	vor.u32 $0xFF, v1  }
0x18e: {  	v7 =	vmax.f32 v7, v10;
	v10 =	vmin.f32 v5, v8;
	v5 =	vmax.f32 v5, v8;
	v8 =	vld.idx.msk [tilespmem:v24+s1+$0x0], $0xffff  }
0x18f: {  	v7 =	vmax.f32 v7, v10;
	v10 =	vmin.f32 v5, v12;
	v5 =	vmax.f32 v5, v12;
	v12 =	vld.idx.msk [tilespmem:v26+s1+$0x0], $0xffff  }
0x190: {  	v7 =	vmax.f32 v7, v10;
	v10 =	vmin.f32 v5, v14;
	v5 =	vmax.f32 v5, v14;
	v14 =	vld.idx.msk [tilespmem:v22+s1+$0x0], $0xffff  }
0x191: {  	v7 =	vmax.f32 v7, v10;
	v10 =	vmin.f32 v5, v9;
	v5 =	vmax.f32 v5, v9;
	v9 =	vld.idx.msk [tilespmem:v25+s1+$0x0], $0xffff  }
0x192: {  	v7 =	vmax.f32 v7, v10;
	v10 =	vmin.f32 v5, v13;
	v5 =	vmax.f32 v5, v13;
	v13 =	vld.idx.msk [tilespmem:v23+s1+$0x0], $0xffff  }
0x193: {  	v7 =	vmax.f32 v7, v10;
	v10 =	vmin.f32 v5, v8;
	v5 =	vmax.f32 v5, v8  }
0x194: {  	v7 =	vmax.f32 v7, v10;
	v8 =	vmin.f32 v5, v12;
	v5 =	vmax.f32 v5, v12  }
0x195: {  	v7 =	vmax.f32 v7, v8;
	v8 =	vmin.f32 v5, v14;
	v5 =	vmax.f32 v5, v14  }
0x196: {  	v7 =	vmax.f32 v7, v8;
	v8 =	vmin.f32 v5, v9;
	v5 =	vmax.f32 v5, v9  }
0x197: {  	v10 =	vsel vm5, $0x1, v53;
	v7 =	vmax.f32 v7, v8;
	v8 =	vmin.f32 v5, v13  }
0x198: {  	v12 =	vsel vm14, $0x1, v53;
	v5 =	vmax.f32 v5, v13;
	v7 =	vmax.f32 v7, v8  }
0x199: {  	v9 =	vsel vm1, $0x1, v53;
	v8 =	vsel vm0, $0x1, v53;
	v58 =	vadd.f32 v7, v5  }
0x19a: {  	v5 =	vadd.s32 v9, v8;
	v8 =	vsel vm3, $0x1, v53;
	v9 =	vsel vm4, $0x1, v53  }
0x19b: {  	v13 =	vsel vm15, $0x1, v53;
	v4 =	vadd.s32 v8, v41;
	v11 =	vadd.s32 v10, v9  }
0x19c: {  	v43 =	vadd.s32 v5, v2;
	v8 =	vsel vm12, $0x1, v53;
	v10 =	vsel vm13, $0x1, v53  }
0x19d: {  	[tilespmem:$0x1FCA0] =	vst v23;
	v23 =	vadd.s32 v13, v12;
	v14 =	vadd.s32 v10, v8;
	v7 =	vadd.s32 v4, v43  }
0x19e: {  	vm4 =	vgt.f32 v61, v58;
	vm5 =	veq.f32 v61, v58;
	v7 =	vadd.s32 v11, v7  }
0x19f: {  	v8 =	vsel vm4, $0x1, v53;
	v10 =	vsel vm5, $0x1, v53;
	v7 =	vadd.s32 v14, v7  }
0x1a0: {  	v8 =	vadd.s32 v10, v8;
	v7 =	vadd.s32 v23, v7  }
0x1a1: {  	[tilespmem:$0x1F9F0] =	vst v8;
	v7 =	vadd.s32 v8, v7;
	v8 =	vlaneseq.u32  }
0x1a2: {  	v51 =	vld [tilespmem:$0x1FE60];
	v61 =	vmul.u32 $0x8, v8  }
0x1a3: {  	[tilespmem:$0x1FC60] =	vst v24;
	v24 =	vld [tilespmem:$0x1FE80];
	vm1 =	vlt.u32 v7, $0x4  }
0x1a4: {  	[tilespmem:$0x1FC90] =	vst v25;
	v25 =	vld [tilespmem:$0x1FE90]  }
0x1a5: {  	[tilespmem:$0x1FC70] =	vst v26;
	v26 =	vld [tilespmem:$0x1FEA0]  }
0x1a6: {  	v27 =	vld [tilespmem:$0x1FEB0];
	v44 =	vimm.f32 $1.000000000e+00  }
0x1a7: {  	v28 =	vld [tilespmem:$0x1FEC0];
	[tilespmem:$0x1FC80] =	vst v22;
	v7 =	vsel vm1, $0x0, v44  }
0x1a8: {  	v29 =	vld [tilespmem:$0x1FED0];
	[tilespmem:v61+s8+$0x0] =	vst.idx.msk $0xffff, v7  }
0x1a9: {  	v30 =	vld [tilespmem:$0x1FEE0];
	[tilespmem:v1+s1+$0x0] =	vst.idx.msk vm1, v3  }
0x1aa: {  	v31 =	vld [tilespmem:$0x1FF00];
	[tilespmem:v51+s1+$0x0] =	vst.idx.msk vm1, v3  }
0x1ab: {  	[tilespmem:v24+s1+$0x0] =	vst.idx.msk vm1, v3  }
0x1ac: {  	v33 =	vld [tilespmem:$0x1FF10];
	[tilespmem:v25+s1+$0x0] =	vst.idx.msk vm1, v3  }
0x1ad: {  	v34 =	vld [tilespmem:$0x1FE50];
	[tilespmem:v26+s1+$0x0] =	vst.idx.msk vm1, v3  }
0x1ae: {  	v35 =	vld [tilespmem:$0x1FEF0];
	[tilespmem:v27+s1+$0x0] =	vst.idx.msk vm1, v3  }
0x1af: {  	v36 =	vld [tilespmem:$0x1FF20];
	[tilespmem:v28+s1+$0x0] =	vst.idx.msk vm1, v3  }
0x1b0: {  	[tilespmem:v29+s1+$0x0] =	vst.idx.msk vm1, v3  }
0x1b1: {  	[tilespmem:v30+s1+$0x0] =	vst.idx.msk vm1, v3  }
0x1b2: {  	[tilespmem:v31+s1+$0x0] =	vst.idx.msk vm1, v3  }
0x1b3: {  	[tilespmem:v56+s1+$0x0] =	vst.idx.msk vm1, v3  }
0x1b4: {  	[tilespmem:v33+s1+$0x0] =	vst.idx.msk vm1, v3  }
0x1b5: {  	[tilespmem:v34+s1+$0x0] =	vst.idx.msk vm1, v3  }
0x1b6: {  	vm6 =	vgt.f32 v6, v0;
	[tilespmem:v35+s1+$0x0] =	vst.idx.msk vm1, v3  }
0x1b7: {  	vm7 =	veq.f32 v6, v0;
	v45 =	vsel vm6, $0x1, v53;
	vm8 =	vgt.f32 v6, v57;
	[tilespmem:v36+s1+$0x0] =	vst.idx.msk vm1, v3  }
0x1b8: {  	vm9 =	veq.f32 v6, v57;
	v47 =	vsel vm8, $0x1, v53;
	vm11 =	veq.f32 v6, v63;
	v37 =	vld [tilespmem:$0x1FF30]  }
0x1b9: {  	vm10 =	vgt.f32 v6, v63;
	v12 =	vsel vm11, $0x1, v53;
	vm12 =	vgt.f32 v6, v62;
	v38 =	vld [tilespmem:$0x1FE70]  }
0x1ba: {  	vm13 =	veq.f32 v6, v62;
	v10 =	vsel vm10, $0x1, v53;
	v8 =	vsel vm7, $0x1, v53;
	v39 =	vld [tilespmem:$0x1FF50]  }
0x1bb: {  	v32 =	vmovc v56;
	v7 =	vadd.s32 v12, v10;
	v56 =	vadd.s32 v8, v45;
	v8 =	vsel vm9, $0x1, v53;
	v40 =	vld [tilespmem:$0x1FF60]  }
0x1bc: {  	v9 =	vmovc v59;
	v10 =	vsel vm13, $0x1, v53;
	v59 =	vadd.s32 v8, v47;
	v8 =	vsel vm12, $0x1, v53;
	v41 =	vld [tilespmem:$0x1FF70]  }
0x1bd: {  	vm14 =	vgt.f32 v6, v60;
	vm15 =	veq.f32 v6, v60;
	v10 =	vadd.s32 v10, v8;
	v8 =	vld [tilespmem:$0x1FF40]  }
0x1be: {  	v48 =	vsel vm15, $0x1, v53;
	vm6 =	vgt.f32 v6, v58;
	v12 =	vsel vm14, $0x1, v53;
	v43 =	vld [tilespmem:$0x1FF90]  }
0x1bf: {  	vm7 =	veq.f32 v6, v58;
	v13 =	vadd.s32 v48, v12;
	v12 =	vadd.s32 v59, v56;
	v44 =	vld [tilespmem:$0x1FF80]  }
0x1c0: {  	v50 =	vsel vm7, $0x1, v53;
	v49 =	vadd.s32 v7, v12;
	v12 =	vsel vm6, $0x1, v53;
	v45 =	vld [tilespmem:$0x1FFB0];
	[tilespmem:v37+s1+$0x0] =	vst.idx.msk vm1, v3  }
0x1c1: {  	v17 =	vadd.s32 v50, v12;
	v12 =	vld [tilespmem:$0x1FFA0];
	[tilespmem:v38+s1+$0x0] =	vst.idx.msk vm1, v3  }
0x1c2: {  	v47 =	vld [tilespmem:$0x1FFC0];
	[tilespmem:v39+s1+$0x0] =	vst.idx.msk vm1, v3  }
0x1c3: {  	v48 =	vld [tilespmem:$0x1FFD0];
	[tilespmem:v40+s1+$0x0] =	vst.idx.msk vm1, v3  }
0x1c4: {  	v6 =	vadd.s32 v10, v49;
	v49 =	vld [tilespmem:$0x1FFE0];
	[tilespmem:v41+s1+$0x0] =	vst.idx.msk vm1, v3  }
0x1c5: {  	v50 =	vld [tilespmem:$0x1FFF0];
	[tilespmem:v8+s1+$0x0] =	vst.idx.msk vm1, v3  }
0x1c6: {  	v22 =	vmov v20;
	v20 =	vmov v55;
	v55 =	vld [tilespmem:$0x1FE10];
	[tilespmem:v43+s1+$0x0] =	vst.idx.msk vm1, v3  }
0x1c7: {  	[tilespmem:v44+s1+$0x0] =	vst.idx.msk vm1, v3  }
0x1c8: {  	[tilespmem:v45+s1+$0x0] =	vst.idx.msk vm1, v3  }
0x1c9: {  	[tilespmem:v12+s1+$0x0] =	vst.idx.msk vm1, v3  }
0x1ca: {  	[tilespmem:v47+s1+$0x0] =	vst.idx.msk vm1, v3  }
0x1cb: {  	[tilespmem:v48+s1+$0x0] =	vst.idx.msk vm1, v3  }
0x1cc: {  	[tilespmem:v49+s1+$0x0] =	vst.idx.msk vm1, v3  }
0x1cd: {  	[tilespmem:v50+s1+$0x0] =	vst.idx.msk vm1, v3  }
0x1ce: {  	[tilespmem:v55+s1+$0x0] =	vst.idx.msk vm1, v3;
	v55 =	vld [tilespmem:$0x1FE00];
	_ =	sdelay $0x7  }
0x1cf: {  	[tilespmem:v55+s1+$0x0] =	vst.idx.msk vm1, v3;
	v55 =	vld [tilespmem:$0x1FDF0];
	_ =	sdelay $0x1  }
0x1d0: {  	v6 =	vadd.s32 v13, v6  }
0x1d1: {  	v6 =	vadd.s32 v17, v6  }
0x1d2: {  	v5 =	vsub.s32 v5, v6  }
0x1d3: {  	vm0 =	vgt.s32 v5, $0xFFFFFFFD;
	v5 =	vor.u32 $0x1, v61;
	_ =	sdelay $0x2  }
0x1d4: {  	[tilespmem:v55+s1+$0x0] =	vst.idx.msk vm1, v3;
	v55 =	vimm.f32 $1.000000000e+00  }
0x1d5: {  	v6 =	vsel vm0, $0x0, v55  }
0x1d6: {  	[tilespmem:v5+s8+$0x0] =	vst.idx.msk $0xffff, v6;
	v5 =	vld [tilespmem:$0x1FDC0];
	_ =	sdelay $0x7  }
0x1d7: {  	[tilespmem:v5+s1+$0x0] =	vst.idx.msk vm0, v3;
	v5 =	vld [tilespmem:$0x1FDB0];
	_ =	sdelay $0x7  }
0x1d8: {  	[tilespmem:v5+s1+$0x0] =	vst.idx.msk vm0, v3;
	v5 =	vld [tilespmem:$0x1FD60];
	_ =	sdelay $0x3  }
0x1d9: {  	[tilespmem:v54+s1+$0x0] =	vst.idx.msk vm0, v3  }
0x1da: {  	[tilespmem:v52+s1+$0x0] =	vst.idx.msk vm0, v3  }
0x1db: {  	[tilespmem:v42+s1+$0x0] =	vst.idx.msk vm0, v3  }
0x1dc: {  	[tilespmem:v46+s1+$0x0] =	vst.idx.msk vm0, v3  }
0x1dd: {  	[tilespmem:v5+s1+$0x0] =	vst.idx.msk vm0, v3;
	v5 =	vld [tilespmem:$0x1FD70];
	_ =	sdelay $0x7  }
0x1de: {  	[tilespmem:v5+s1+$0x0] =	vst.idx.msk vm0, v3;
	v5 =	vld [tilespmem:$0x1FDD0];
	_ =	sdelay $0x2  }
0x1df: {  	[tilespmem:v22+s1+$0x0] =	vst.idx.msk vm0, v3  }
0x1e0: {  	[tilespmem:v21+s1+$0x0] =	vst.idx.msk vm0, v3  }
0x1e1: {  	[tilespmem:v20+s1+$0x0] =	vst.idx.msk vm0, v3  }
0x1e2: {  	[tilespmem:v18+s1+$0x0] =	vst.idx.msk vm0, v3  }
0x1e3: {  	[tilespmem:v19+s1+$0x0] =	vst.idx.msk vm0, v3  }
0x1e4: {  	[tilespmem:v5+s1+$0x0] =	vst.idx.msk vm0, v3;
	v5 =	vld [tilespmem:$0x1FDE0];
	_ =	sdelay $0x6  }
0x1e5: {  	vm8 =	vgt.f32 v0, v57;
	vm9 =	veq.f32 v0, v57  }
0x1e6: {  	v6 =	vsel vm9, $0x1, v53;
	[tilespmem:v5+s1+$0x0] =	vst.idx.msk vm0, v3;
	v5 =	vsel vm8, $0x1, v53  }
0x1e7: {  	v6 =	vadd.s32 v6, v5;
	v5 =	vld [tilespmem:$0x1FE20];
	_ =	sdelay $0x4  }
0x1e8: {  	[tilespmem:v9+s1+$0x0] =	vst.idx.msk vm0, v3  }
0x1e9: {  	[tilespmem:v15+s1+$0x0] =	vst.idx.msk vm0, v3  }
0x1ea: {  	[tilespmem:v16+s1+$0x0] =	vst.idx.msk vm0, v3  }
0x1eb: {  	[tilespmem:v5+s1+$0x0] =	vst.idx.msk vm0, v3;
	v5 =	vld [tilespmem:$0x1FE30]  }
0x1ec: {  	vm11 =	veq.f32 v0, v63;
	vm15 =	veq.f32 v0, v60;
	v42 =	vmov v8;
	v8 =	vld [tilespmem:$0x1FE40]  }
0x1ed: {  	vm10 =	vgt.f32 v0, v63;
	vm13 =	veq.f32 v0, v62;
	vm14 =	vgt.f32 v0, v60;
	v46 =	vmovc v12;
	v12 =	vld [tilespmem:$0x1FCB0]  }
0x1ee: {  	vm12 =	vgt.f32 v0, v62;
	vm9 =	veq.f32 v0, v58;
	vm8 =	vgt.f32 v0, v58;
	v0 =	vld [tilespmem:$0x1FCC0];
	_ =	sdelay $0x4  }
0x1ef: {  	v55 =	vsel vm10, $0x1, v53;
	v54 =	vsel vm11, $0x1, v53;
	[tilespmem:v5+s1+$0x0] =	vst.idx.msk vm0, v3  }
0x1f0: {  	v55 =	vadd.s32 v54, v55;
	[tilespmem:v8+s1+$0x0] =	vst.idx.msk vm0, v3  }
0x1f1: {  	v54 =	vsel vm13, $0x1, v53;
	v52 =	vsel vm15, $0x1, v53;
	v5 =	vsel vm12, $0x1, v53;
	[tilespmem:v12+s1+$0x0] =	vst.idx.msk vm0, v3  }
0x1f2: {  	v5 =	vadd.s32 v54, v5;
	v54 =	vsel vm14, $0x1, v53;
	[tilespmem:v0+s1+$0x0] =	vst.idx.msk vm0, v3;
	v0 =	vadd.s32 v55, v6  }
0x1f3: {  	v54 =	vadd.s32 v52, v54;
	v52 =	vadd.s32 v5, v0;
	v0 =	vld [tilespmem:$0x1FCD0];
	_ =	sdelay $0x7  }
0x1f4: {  	v8 =	vmov v51;
	v51 =	vsel vm9, $0x1, v53;
	[tilespmem:v0+s1+$0x0] =	vst.idx.msk vm0, v3;
	v0 =	vsel vm8, $0x1, v53  }
0x1f5: {  	v12 =	vadd.s32 v51, v0;
	v0 =	vld [tilespmem:$0x1FCE0];
	_ =	sdelay $0x7  }
0x1f6: {  	[tilespmem:v0+s1+$0x0] =	vst.idx.msk vm0, v3;
	v0 =	vld [tilespmem:$0x1FCF0];
	_ =	sdelay $0x7  }
0x1f7: {  	[tilespmem:v0+s1+$0x0] =	vst.idx.msk vm0, v3;
	v0 =	vld [tilespmem:$0x1FD00];
	_ =	sdelay $0x7  }
0x1f8: {  	[tilespmem:v0+s1+$0x0] =	vst.idx.msk vm0, v3;
	v0 =	vld [tilespmem:$0x1FD10];
	_ =	sdelay $0x7  }
0x1f9: {  	[tilespmem:v0+s1+$0x0] =	vst.idx.msk vm0, v3;
	v0 =	vld [tilespmem:$0x1FD20];
	_ =	sdelay $0x7  }
0x1fa: {  	[tilespmem:v0+s1+$0x0] =	vst.idx.msk vm0, v3;
	v0 =	vld [tilespmem:$0x1FD30];
	_ =	sdelay $0x7  }
0x1fb: {  	[tilespmem:v0+s1+$0x0] =	vst.idx.msk vm0, v3;
	v0 =	vld [tilespmem:$0x1FD40];
	_ =	sdelay $0x7  }
0x1fc: {  	[tilespmem:v0+s1+$0x0] =	vst.idx.msk vm0, v3;
	v0 =	vld [tilespmem:$0x1F090];
	_ =	sdelay $0x4  }
0x1fd: {  	v51 =	vadd.s32 v54, v52  }
0x1fe: {  	v2 =	vadd.s32 v56, v2;
	v51 =	vadd.s32 v12, v51  }
0x1ff: {  	v2 =	vsub.s32 v2, v51  }
0x200: {  	vm1 =	vgt.s32 v2, $0xFFFFFFFE;
	[tilespmem:v0+s1+$0x0] =	vst.idx.msk vm0, v3;
	v0 =	vimm.f32 $1.000000000e+00  }
0x201: {  	v56 =	vsel vm1, $0x0, v0;
	v0 =	vld [tilespmem:$0x1F0A0];
	_ =	sdelay $0x1  }
0x202: {  	v2 =	vor.u32 $0x2, v61;
	_ =	sdelay $0x4  }
0x203: {  	[tilespmem:v2+s8+$0x0] =	vst.idx.msk $0xffff, v56  }
0x204: {  	[tilespmem:v0+s1+$0x0] =	vst.idx.msk vm1, v3;
	v0 =	vld [tilespmem:$0x1F0B0];
	_ =	sdelay $0x7  }
0x205: {  	[tilespmem:v0+s1+$0x0] =	vst.idx.msk vm1, v3;
	v0 =	vld [tilespmem:$0x1F0C0];
	_ =	sdelay $0x7  }
0x206: {  	[tilespmem:v0+s1+$0x0] =	vst.idx.msk vm1, v3;
	v0 =	vld [tilespmem:$0x1F0D0];
	_ =	sdelay $0x7  }
0x207: {  	[tilespmem:v0+s1+$0x0] =	vst.idx.msk vm1, v3;
	v0 =	vld [tilespmem:$0x1F0E0];
	_ =	sdelay $0x7  }
0x208: {  	[tilespmem:v0+s1+$0x0] =	vst.idx.msk vm1, v3;
	v0 =	vld [tilespmem:$0x1F0F0];
	_ =	sdelay $0x7  }
0x209: {  	[tilespmem:v0+s1+$0x0] =	vst.idx.msk vm1, v3;
	v0 =	vld [tilespmem:$0x1F100];
	_ =	sdelay $0x7  }
0x20a: {  	[tilespmem:v0+s1+$0x0] =	vst.idx.msk vm1, v3;
	v0 =	vld [tilespmem:$0x1F110];
	_ =	sdelay $0x7  }
0x20b: {  	[tilespmem:v0+s1+$0x0] =	vst.idx.msk vm1, v3;
	v0 =	vld [tilespmem:$0x1F120];
	_ =	sdelay $0x7  }
0x20c: {  	[tilespmem:v0+s1+$0x0] =	vst.idx.msk vm1, v3;
	v0 =	vld [tilespmem:$0x1F130];
	_ =	sdelay $0x7  }
0x20d: {  	[tilespmem:v0+s1+$0x0] =	vst.idx.msk vm1, v3;
	v0 =	vld [tilespmem:$0x1F140];
	_ =	sdelay $0x7  }
0x20e: {  	[tilespmem:v0+s1+$0x0] =	vst.idx.msk vm1, v3;
	v0 =	vld [tilespmem:$0x1F150];
	_ =	sdelay $0x7  }
0x20f: {  	[tilespmem:v0+s1+$0x0] =	vst.idx.msk vm1, v3;
	v0 =	vld [tilespmem:$0x1F160];
	_ =	sdelay $0x7  }
0x210: {  	[tilespmem:v0+s1+$0x0] =	vst.idx.msk vm1, v3;
	v0 =	vld [tilespmem:$0x1F170];
	_ =	sdelay $0x7  }
0x211: {  	[tilespmem:v0+s1+$0x0] =	vst.idx.msk vm1, v3;
	v0 =	vld [tilespmem:$0x1F180];
	_ =	sdelay $0x7  }
0x212: {  	[tilespmem:v0+s1+$0x0] =	vst.idx.msk vm1, v3;
	v0 =	vld [tilespmem:$0x1F190];
	_ =	sdelay $0x7  }
0x213: {  	[tilespmem:v0+s1+$0x0] =	vst.idx.msk vm1, v3;
	v0 =	vld [tilespmem:$0x1F1A0];
	_ =	sdelay $0x7  }
0x214: {  	[tilespmem:v0+s1+$0x0] =	vst.idx.msk vm1, v3;
	v0 =	vld [tilespmem:$0x1F1B0];
	_ =	sdelay $0x7  }
0x215: {  	[tilespmem:v0+s1+$0x0] =	vst.idx.msk vm1, v3;
	v0 =	vld [tilespmem:$0x1F1C0];
	_ =	sdelay $0x7  }
0x216: {  	[tilespmem:v0+s1+$0x0] =	vst.idx.msk vm1, v3;
	v0 =	vld [tilespmem:$0x1F1D0];
	_ =	sdelay $0x7  }
0x217: {  	[tilespmem:v0+s1+$0x0] =	vst.idx.msk vm1, v3;
	v0 =	vld [tilespmem:$0x1F1E0];
	_ =	sdelay $0x7  }
0x218: {  	[tilespmem:v0+s1+$0x0] =	vst.idx.msk vm1, v3;
	v0 =	vld [tilespmem:$0x1F1F0];
	_ =	sdelay $0x3  }
0x219: {  	vm10 =	vgt.f32 v57, v63  }
0x21a: {  	vm11 =	veq.f32 v57, v63;
	vm13 =	veq.f32 v57, v62;
	vm12 =	vgt.f32 v57, v62  }
0x21b: {  	v52 =	vadd.s32 v59, v4;
	v2 =	vsel vm10, $0x1, v53;
	v56 =	vsel vm11, $0x1, v53  }
0x21c: {  	v4 =	vsel vm13, $0x1, v53;
	v51 =	vadd.s32 v56, v2;
	v2 =	vsel vm12, $0x1, v53  }
0x21d: {  	[tilespmem:v0+s1+$0x0] =	vst.idx.msk vm1, v3;
	v0 =	vadd.s32 v4, v2;
	v2 =	vld [tilespmem:$0x1F200];
	_ =	sdelay $0x7  }
0x21e: {  	[tilespmem:v2+s1+$0x0] =	vst.idx.msk vm1, v3;
	v2 =	vld [tilespmem:$0x1F210];
	_ =	sdelay $0x5  }
0x21f: {  	vm15 =	veq.f32 v57, v60  }
0x220: {  	v59 =	vsel vm15, $0x1, v53  }
0x221: {  	vm14 =	vgt.f32 v57, v60;
	[tilespmem:v2+s1+$0x0] =	vst.idx.msk vm1, v3;
	v2 =	vld [tilespmem:$0x1F220]  }
0x222: {  	v56 =	vsel vm14, $0x1, v53  }
0x223: {  	v4 =	vadd.s32 v59, v56;
	v59 =	vmov v9;
	v9 =	vld [tilespmem:$0x1F230];
	_ =	sdelay $0x4  }
0x224: {  	vm7 =	vgt.f32 v57, v58;
	vm8 =	veq.f32 v57, v58  }
0x225: {  	v57 =	vsel vm8, $0x1, v53;
	v56 =	vsel vm7, $0x1, v53;
	[tilespmem:v2+s1+$0x0] =	vst.idx.msk vm1, v3;
	v2 =	vadd.s32 v51, v0  }
0x226: {  	v57 =	vadd.s32 v57, v56;
	v2 =	vadd.s32 v4, v2  }
0x227: {  	v6 =	vadd.s32 v6, v52;
	[tilespmem:v9+s1+$0x0] =	vst.idx.msk vm1, v3;
	v9 =	vld [tilespmem:$0x1F240];
	v2 =	vadd.s32 v57, v2  }
0x228: {  	vm9 =	vge.u32 v6, v2;
	v2 =	vld [tilespmem:$0x1F250]  }
0x229: {  	v56 =	vld [tilespmem:$0x1F260]  }
0x22a: {  	v52 =	vld [tilespmem:$0x1F270];
	_ =	sdelay $0x4  }
0x22b: {  	[tilespmem:v9+s1+$0x0] =	vst.idx.msk vm1, v3  }
0x22c: {  	[tilespmem:v2+s1+$0x0] =	vst.idx.msk vm1, v3  }
0x22d: {  	[tilespmem:v56+s1+$0x0] =	vst.idx.msk vm1, v3;
	v56 =	vld [tilespmem:$0x1F280]  }
0x22e: {  	[tilespmem:v52+s1+$0x0] =	vst.idx.msk vm1, v3;
	v52 =	vld [tilespmem:$0x1F290];
	_ =	sdelay $0x3  }
0x22f: {  	v2 =	vor.u32 $0x3, v61;
	_ =	sdelay $0x2  }
0x230: {  	[tilespmem:v56+s1+$0x0] =	vst.idx.msk vm1, v3;
	v56 =	vimm.f32 $1.000000000e+00  }
0x231: {  	[tilespmem:v52+s1+$0x0] =	vst.idx.msk vm1, v3;
	v6 =	vsel vm9, $0x0, v56  }
0x232: {  	[tilespmem:v2+s8+$0x0] =	vst.idx.msk $0xffff, v6;
	v2 =	vld [tilespmem:$0x1F2A0];
	_ =	sdelay $0x7  }
0x233: {  	[tilespmem:v2+s1+$0x0] =	vst.idx.msk vm9, v3;
	v2 =	vld [tilespmem:$0x1F2B0];
	_ =	sdelay $0x7  }
0x234: {  	[tilespmem:v2+s1+$0x0] =	vst.idx.msk vm9, v3;
	v2 =	vld [tilespmem:$0x1F2C0];
	_ =	sdelay $0x7  }
0x235: {  	[tilespmem:v2+s1+$0x0] =	vst.idx.msk vm9, v3;
	v2 =	vld [tilespmem:$0x1F2D0];
	_ =	sdelay $0x7  }
0x236: {  	[tilespmem:v2+s1+$0x0] =	vst.idx.msk vm9, v3;
	v2 =	vld [tilespmem:$0x1F2E0];
	_ =	sdelay $0x7  }
0x237: {  	[tilespmem:v2+s1+$0x0] =	vst.idx.msk vm9, v3;
	v2 =	vld [tilespmem:$0x1F2F0];
	_ =	sdelay $0x7  }
0x238: {  	[tilespmem:v2+s1+$0x0] =	vst.idx.msk vm9, v3;
	v2 =	vld [tilespmem:$0x1F300];
	_ =	sdelay $0x7  }
0x239: {  	[tilespmem:v2+s1+$0x0] =	vst.idx.msk vm9, v3;
	v2 =	vld [tilespmem:$0x1F310];
	_ =	sdelay $0x7  }
0x23a: {  	[tilespmem:v2+s1+$0x0] =	vst.idx.msk vm9, v3;
	v2 =	vld [tilespmem:$0x1F320];
	_ =	sdelay $0x7  }
0x23b: {  	[tilespmem:v2+s1+$0x0] =	vst.idx.msk vm9, v3;
	v2 =	vld [tilespmem:$0x1F330];
	_ =	sdelay $0x7  }
0x23c: {  	[tilespmem:v2+s1+$0x0] =	vst.idx.msk vm9, v3;
	v2 =	vld [tilespmem:$0x1F340];
	_ =	sdelay $0x7  }
0x23d: {  	[tilespmem:v2+s1+$0x0] =	vst.idx.msk vm9, v3;
	v2 =	vld [tilespmem:$0x1F350];
	_ =	sdelay $0x7  }
0x23e: {  	[tilespmem:v2+s1+$0x0] =	vst.idx.msk vm9, v3;
	v2 =	vld [tilespmem:$0x1F360];
	_ =	sdelay $0x7  }
0x23f: {  	[tilespmem:v2+s1+$0x0] =	vst.idx.msk vm9, v3;
	v2 =	vld [tilespmem:$0x1F370];
	_ =	sdelay $0x7  }
0x240: {  	[tilespmem:v2+s1+$0x0] =	vst.idx.msk vm9, v3;
	v2 =	vld [tilespmem:$0x1F380];
	_ =	sdelay $0x7  }
0x241: {  	[tilespmem:v2+s1+$0x0] =	vst.idx.msk vm9, v3;
	v2 =	vld [tilespmem:$0x1F390];
	_ =	sdelay $0x7  }
0x242: {  	[tilespmem:v2+s1+$0x0] =	vst.idx.msk vm9, v3;
	v2 =	vld [tilespmem:$0x1F3A0];
	_ =	sdelay $0x7  }
0x243: {  	[tilespmem:v2+s1+$0x0] =	vst.idx.msk vm9, v3;
	v2 =	vld [tilespmem:$0x1F3B0];
	_ =	sdelay $0x7  }
0x244: {  	[tilespmem:v2+s1+$0x0] =	vst.idx.msk vm9, v3;
	v2 =	vld [tilespmem:$0x1F3C0];
	_ =	sdelay $0x7  }
0x245: {  	[tilespmem:v2+s1+$0x0] =	vst.idx.msk vm9, v3;
	v2 =	vld [tilespmem:$0x1F3D0];
	_ =	sdelay $0x7  }
0x246: {  	[tilespmem:v2+s1+$0x0] =	vst.idx.msk vm9, v3;
	v2 =	vld [tilespmem:$0x1F3E0];
	_ =	sdelay $0x7  }
0x247: {  	v52 =	vld [tilespmem:$0x1F3F0];
	[tilespmem:v2+s1+$0x0] =	vst.idx.msk vm9, v3;
	v2 =	vadd.s32 v7, v11  }
0x248: {  	v9 =	vadd.s32 v55, v2;
	v2 =	vld [tilespmem:$0x1F400];
	_ =	sdelay $0x6  }
0x249: {  	[tilespmem:v52+s1+$0x0] =	vst.idx.msk vm9, v3  }
0x24a: {  	[tilespmem:v2+s1+$0x0] =	vst.idx.msk vm9, v3;
	v2 =	vld [tilespmem:$0x1F410];
	_ =	sdelay $0x6  }
0x24b: {  	vm13 =	veq.f32 v63, v60;
	vm12 =	vgt.f32 v63, v60  }
0x24c: {  	v55 =	vsel vm13, $0x1, v53;
	[tilespmem:v2+s1+$0x0] =	vst.idx.msk vm9, v3;
	v2 =	vsel vm12, $0x1, v53  }
0x24d: {  	v7 =	vadd.s32 v55, v2;
	v2 =	vld [tilespmem:$0x1F420];
	_ =	sdelay $0x2  }
0x24e: {  	v11 =	vld [tilespmem:$0x1F430];
	_ =	sdelay $0x2  }
0x24f: {  	vm15 =	veq.f32 v63, v58;
	vm10 =	vgt.f32 v63, v62;
	vm11 =	veq.f32 v63, v62  }
0x250: {  	vm14 =	vgt.f32 v63, v58;
	v56 =	vsel vm10, $0x1, v53;
	v52 =	vsel vm11, $0x1, v53  }
0x251: {  	v6 =	vadd.s32 v52, v56;
	v56 =	vsel vm15, $0x1, v53;
	[tilespmem:v2+s1+$0x0] =	vst.idx.msk vm9, v3;
	v2 =	vsel vm14, $0x1, v53  }
0x252: {  	v2 =	vadd.s32 v56, v2;
	v56 =	vadd.s32 v6, v7;
	_ =	sdelay $0x1  }
0x253: {  	[tilespmem:v11+s1+$0x0] =	vst.idx.msk vm9, v3;
	v11 =	vld [tilespmem:$0x1F440]  }
0x254: {  	v9 =	vadd.s32 v51, v9;
	v51 =	vadd.s32 v2, v56;
	v56 =	vmov v8;
	v8 =	vld [tilespmem:$0x1F450];
	_ =	sdelay $0x6  }
0x255: {  	[tilespmem:v11+s1+$0x0] =	vst.idx.msk vm9, v3  }
0x256: {  	[tilespmem:v8+s1+$0x0] =	vst.idx.msk vm9, v3;
	v8 =	vld [tilespmem:$0x1F460];
	_ =	sdelay $0x7  }
0x257: {  	[tilespmem:v8+s1+$0x0] =	vst.idx.msk vm9, v3;
	v8 =	vld [tilespmem:$0x1F470];
	_ =	sdelay $0x7  }
0x258: {  	[tilespmem:v8+s1+$0x0] =	vst.idx.msk vm9, v3;
	v8 =	vld [tilespmem:$0x1F480];
	_ =	sdelay $0x7  }
0x259: {  	[tilespmem:v8+s1+$0x0] =	vst.idx.msk vm9, v3;
	v8 =	vld [tilespmem:$0x1F490];
	_ =	sdelay $0x7  }
0x25a: {  	vm6 =	vgt.u32 v9, v51;
	[tilespmem:v8+s1+$0x0] =	vst.idx.msk vm9, v3;
	v8 =	vimm.f32 $1.000000000e+00  }
0x25b: {  	v51 =	vsel vm6, $0x0, v8;
	v8 =	vld [tilespmem:$0x1F4A0];
	_ =	sdelay $0x1  }
0x25c: {  	v9 =	vor.u32 $0x4, v61;
	_ =	sdelay $0x4  }
0x25d: {  	[tilespmem:v9+s8+$0x0] =	vst.idx.msk $0xffff, v51  }
0x25e: {  	[tilespmem:v8+s1+$0x0] =	vst.idx.msk vm6, v3;
	v8 =	vld [tilespmem:$0x1F4B0];
	_ =	sdelay $0x7  }
0x25f: {  	[tilespmem:v8+s1+$0x0] =	vst.idx.msk vm6, v3;
	v8 =	vld [tilespmem:$0x1F4C0];
	_ =	sdelay $0x7  }
0x260: {  	[tilespmem:v8+s1+$0x0] =	vst.idx.msk vm6, v3;
	v8 =	vld [tilespmem:$0x1F4D0];
	_ =	sdelay $0x7  }
0x261: {  	[tilespmem:v8+s1+$0x0] =	vst.idx.msk vm6, v3;
	v8 =	vld [tilespmem:$0x1F4E0];
	_ =	sdelay $0x7  }
0x262: {  	[tilespmem:v8+s1+$0x0] =	vst.idx.msk vm6, v3;
	v8 =	vld [tilespmem:$0x1F4F0];
	_ =	sdelay $0x7  }
0x263: {  	[tilespmem:v8+s1+$0x0] =	vst.idx.msk vm6, v3;
	v8 =	vld [tilespmem:$0x1F500];
	_ =	sdelay $0x7  }
0x264: {  	[tilespmem:v8+s1+$0x0] =	vst.idx.msk vm6, v3;
	v8 =	vld [tilespmem:$0x1F510];
	_ =	sdelay $0x7  }
0x265: {  	[tilespmem:v8+s1+$0x0] =	vst.idx.msk vm6, v3;
	v8 =	vld [tilespmem:$0x1F520];
	_ =	sdelay $0x7  }
0x266: {  	[tilespmem:v8+s1+$0x0] =	vst.idx.msk vm6, v3;
	v8 =	vld [tilespmem:$0x1F530];
	_ =	sdelay $0x7  }
0x267: {  	[tilespmem:v8+s1+$0x0] =	vst.idx.msk vm6, v3;
	v8 =	vld [tilespmem:$0x1F540];
	_ =	sdelay $0x7  }
0x268: {  	[tilespmem:v8+s1+$0x0] =	vst.idx.msk vm6, v3;
	v8 =	vld [tilespmem:$0x1F550];
	_ =	sdelay $0x7  }
0x269: {  	[tilespmem:v8+s1+$0x0] =	vst.idx.msk vm6, v3;
	v8 =	vld [tilespmem:$0x1F560];
	_ =	sdelay $0x7  }
0x26a: {  	[tilespmem:v8+s1+$0x0] =	vst.idx.msk vm6, v3;
	v8 =	vld [tilespmem:$0x1F570];
	_ =	sdelay $0x7  }
0x26b: {  	[tilespmem:v8+s1+$0x0] =	vst.idx.msk vm6, v3;
	v8 =	vld [tilespmem:$0x1F580];
	_ =	sdelay $0x7  }
0x26c: {  	[tilespmem:v8+s1+$0x0] =	vst.idx.msk vm6, v3;
	v8 =	vld [tilespmem:$0x1F590];
	_ =	sdelay $0x7  }
0x26d: {  	[tilespmem:v8+s1+$0x0] =	vst.idx.msk vm6, v3;
	v8 =	vld [tilespmem:$0x1F5A0];
	_ =	sdelay $0x7  }
0x26e: {  	[tilespmem:v8+s1+$0x0] =	vst.idx.msk vm6, v3;
	v8 =	vld [tilespmem:$0x1F5B0];
	_ =	sdelay $0x7  }
0x26f: {  	[tilespmem:v8+s1+$0x0] =	vst.idx.msk vm6, v3;
	v8 =	vld [tilespmem:$0x1F5C0];
	_ =	sdelay $0x7  }
0x270: {  	[tilespmem:v8+s1+$0x0] =	vst.idx.msk vm6, v3;
	v8 =	vld [tilespmem:$0x1F5D0];
	_ =	sdelay $0x7  }
0x271: {  	[tilespmem:v8+s1+$0x0] =	vst.idx.msk vm6, v3;
	v8 =	vld [tilespmem:$0x1F5E0];
	_ =	sdelay $0x7  }
0x272: {  	[tilespmem:v8+s1+$0x0] =	vst.idx.msk vm6, v3;
	v8 =	vld [tilespmem:$0x1F5F0];
	_ =	sdelay $0x7  }
0x273: {  	[tilespmem:v8+s1+$0x0] =	vst.idx.msk vm6, v3;
	v8 =	vadd.s32 v10, v14;
	v10 =	vld [tilespmem:$0x1F600]  }
0x274: {  	v5 =	vadd.s32 v5, v8;
	v8 =	vld [tilespmem:$0x1F610]  }
0x275: {  	v0 =	vadd.s32 v0, v5;
	v5 =	vld [tilespmem:$0x1F620];
	_ =	sdelay $0x5  }
0x276: {  	[tilespmem:v10+s1+$0x0] =	vst.idx.msk vm6, v3  }
0x277: {  	[tilespmem:v8+s1+$0x0] =	vst.idx.msk vm6, v3  }
0x278: {  	[tilespmem:v5+s1+$0x0] =	vst.idx.msk vm6, v3;
	v5 =	vld [tilespmem:$0x1F630];
	_ =	sdelay $0x3  }
0x279: {  	vm8 =	veq.f32 v62, v60;
	vm7 =	vgt.f32 v62, v60  }
0x27a: {  	vm10 =	veq.f32 v62, v58;
	v55 =	vsel vm8, $0x1, v53;
	vm9 =	vgt.f32 v62, v58  }
0x27b: {  	v9 =	vsel vm7, $0x1, v53;
	v14 =	vsel vm10, $0x1, v53;
	v8 =	vsel vm9, $0x1, v53  }
0x27c: {  	v9 =	vadd.s32 v55, v9;
	v8 =	vadd.s32 v14, v8  }
0x27d: {  	v0 =	vadd.s32 v6, v0;
	[tilespmem:v5+s1+$0x0] =	vst.idx.msk vm6, v3;
	v5 =	vadd.s32 v8, v9  }
0x27e: {  	v0 =	vsub.s32 v0, v5;
	v5 =	vld [tilespmem:$0x1F640];
	_ =	sdelay $0x7  }
0x27f: {  	[tilespmem:v5+s1+$0x0] =	vst.idx.msk vm6, v3;
	v5 =	vld [tilespmem:$0x1F650];
	_ =	sdelay $0x7  }
0x280: {  	[tilespmem:v5+s1+$0x0] =	vst.idx.msk vm6, v3;
	v5 =	vld [tilespmem:$0x1F660];
	_ =	sdelay $0x7  }
0x281: {  	[tilespmem:v5+s1+$0x0] =	vst.idx.msk vm6, v3;
	v5 =	vld [tilespmem:$0x1F670];
	_ =	sdelay $0x7  }
0x282: {  	[tilespmem:v5+s1+$0x0] =	vst.idx.msk vm6, v3;
	v5 =	vld [tilespmem:$0x1F680];
	_ =	sdelay $0x7  }
0x283: {  	[tilespmem:v5+s1+$0x0] =	vst.idx.msk vm6, v3;
	v5 =	vld [tilespmem:$0x1F690];
	_ =	sdelay $0x4  }
0x284: {  	vm11 =	vgt.s32 v0, $0x1;
	v0 =	vor.u32 $0x5, v61;
	_ =	sdelay $0x2  }
0x285: {  	[tilespmem:v5+s1+$0x0] =	vst.idx.msk vm6, v3;
	v5 =	vimm.f32 $1.000000000e+00  }
0x286: {  	v5 =	vsel vm11, $0x0, v5  }
0x287: {  	[tilespmem:v0+s8+$0x0] =	vst.idx.msk $0xffff, v5;
	v0 =	vld [tilespmem:$0x1F6A0];
	_ =	sdelay $0x7  }
0x288: {  	[tilespmem:v0+s1+$0x0] =	vst.idx.msk vm11, v3;
	v0 =	vld [tilespmem:$0x1F6B0];
	_ =	sdelay $0x7  }
0x289: {  	[tilespmem:v0+s1+$0x0] =	vst.idx.msk vm11, v3;
	v0 =	vld [tilespmem:$0x1F6C0];
	_ =	sdelay $0x7  }
0x28a: {  	[tilespmem:v0+s1+$0x0] =	vst.idx.msk vm11, v3;
	v0 =	vld [tilespmem:$0x1F6D0];
	_ =	sdelay $0x7  }
0x28b: {  	[tilespmem:v0+s1+$0x0] =	vst.idx.msk vm11, v3;
	v0 =	vld [tilespmem:$0x1F6E0];
	_ =	sdelay $0x7  }
0x28c: {  	[tilespmem:v0+s1+$0x0] =	vst.idx.msk vm11, v3;
	v0 =	vld [tilespmem:$0x1F6F0];
	_ =	sdelay $0x7  }
0x28d: {  	[tilespmem:v0+s1+$0x0] =	vst.idx.msk vm11, v3;
	v0 =	vld [tilespmem:$0x1F700];
	_ =	sdelay $0x7  }
0x28e: {  	[tilespmem:v0+s1+$0x0] =	vst.idx.msk vm11, v3;
	v0 =	vld [tilespmem:$0x1F710];
	_ =	sdelay $0x7  }
0x28f: {  	[tilespmem:v0+s1+$0x0] =	vst.idx.msk vm11, v3;
	v0 =	vld [tilespmem:$0x1F720];
	_ =	sdelay $0x7  }
0x290: {  	[tilespmem:v0+s1+$0x0] =	vst.idx.msk vm11, v3;
	v0 =	vld [tilespmem:$0x1F730];
	_ =	sdelay $0x7  }
0x291: {  	[tilespmem:v0+s1+$0x0] =	vst.idx.msk vm11, v3;
	v0 =	vld [tilespmem:$0x1F740];
	_ =	sdelay $0x7  }
0x292: {  	[tilespmem:v0+s1+$0x0] =	vst.idx.msk vm11, v3;
	v0 =	vld [tilespmem:$0x1F750];
	_ =	sdelay $0x7  }
0x293: {  	[tilespmem:v0+s1+$0x0] =	vst.idx.msk vm11, v3;
	v0 =	vld [tilespmem:$0x1F760];
	_ =	sdelay $0x7  }
0x294: {  	[tilespmem:v0+s1+$0x0] =	vst.idx.msk vm11, v3;
	v0 =	vld [tilespmem:$0x1F770];
	_ =	sdelay $0x7  }
0x295: {  	[tilespmem:v0+s1+$0x0] =	vst.idx.msk vm11, v3;
	v0 =	vld [tilespmem:$0x1F780];
	_ =	sdelay $0x7  }
0x296: {  	[tilespmem:v0+s1+$0x0] =	vst.idx.msk vm11, v3;
	v0 =	vld [tilespmem:$0x1F790];
	_ =	sdelay $0x7  }
0x297: {  	[tilespmem:v0+s1+$0x0] =	vst.idx.msk vm11, v3;
	v0 =	vld [tilespmem:$0x1F7A0];
	_ =	sdelay $0x7  }
0x298: {  	[tilespmem:v0+s1+$0x0] =	vst.idx.msk vm11, v3;
	v0 =	vld [tilespmem:$0x1F7B0];
	_ =	sdelay $0x7  }
0x299: {  	[tilespmem:v0+s1+$0x0] =	vst.idx.msk vm11, v3;
	v0 =	vld [tilespmem:$0x1F7C0];
	_ =	sdelay $0x7  }
0x29a: {  	[tilespmem:v0+s1+$0x0] =	vst.idx.msk vm11, v3;
	v0 =	vld [tilespmem:$0x1F7D0];
	_ =	sdelay $0x7  }
0x29b: {  	[tilespmem:v0+s1+$0x0] =	vst.idx.msk vm11, v3;
	v0 =	vld [tilespmem:$0x1F7E0]  }
0x29c: {  	v5 =	vld [tilespmem:$0x1F7F0];
	_ =	sdelay $0x6  }
0x29d: {  	[tilespmem:v0+s1+$0x0] =	vst.idx.msk vm11, v3;
	v0 =	vadd.s32 v13, v23  }
0x29e: {  	[tilespmem:v5+s1+$0x0] =	vst.idx.msk vm11, v3;
	v0 =	vadd.s32 v54, v0;
	v5 =	vld [tilespmem:$0x1F800]  }
0x29f: {  	v0 =	vadd.s32 v4, v0;
	v4 =	vld [tilespmem:$0x1F810];
	_ =	sdelay $0x6  }
0x2a0: {  	[tilespmem:v5+s1+$0x0] =	vst.idx.msk vm11, v3  }
0x2a1: {  	[tilespmem:v4+s1+$0x0] =	vst.idx.msk vm11, v3;
	v4 =	vld [tilespmem:$0x1F820];
	_ =	sdelay $0x6  }
0x2a2: {  	vm13 =	veq.f32 v60, v58;
	vm12 =	vgt.f32 v60, v58  }
0x2a3: {  	v5 =	vsel vm13, $0x1, v53;
	[tilespmem:v4+s1+$0x0] =	vst.idx.msk vm11, v3;
	v4 =	vsel vm12, $0x1, v53  }
0x2a4: {  	v4 =	vadd.s32 v5, v4;
	v5 =	vld [tilespmem:$0x1F830];
	_ =	sdelay $0x7  }
0x2a5: {  	[tilespmem:v5+s1+$0x0] =	vst.idx.msk vm11, v3;
	v5 =	vld [tilespmem:$0x1F840];
	_ =	sdelay $0x7  }
0x2a6: {  	[tilespmem:v5+s1+$0x0] =	vst.idx.msk vm11, v3;
	v5 =	vld [tilespmem:$0x1F850];
	_ =	sdelay $0x7  }
0x2a7: {  	[tilespmem:v5+s1+$0x0] =	vst.idx.msk vm11, v3;
	v5 =	vld [tilespmem:$0x1F860];
	_ =	sdelay $0x7  }
0x2a8: {  	[tilespmem:v5+s1+$0x0] =	vst.idx.msk vm11, v3;
	v5 =	vld [tilespmem:$0x1F870];
	_ =	sdelay $0x7  }
0x2a9: {  	[tilespmem:v5+s1+$0x0] =	vst.idx.msk vm11, v3;
	v5 =	vld [tilespmem:$0x1F880];
	_ =	sdelay $0x7  }
0x2aa: {  	[tilespmem:v5+s1+$0x0] =	vst.idx.msk vm11, v3;
	v5 =	vld [tilespmem:$0x1F890];
	_ =	sdelay $0x1  }
0x2ab: {  	v0 =	vadd.s32 v7, v0  }
0x2ac: {  	v0 =	vadd.s32 v9, v0  }
0x2ad: {  	v0 =	vsub.s32 v0, v4  }
0x2ae: {  	vm14 =	vgt.s32 v0, $0x2;
	v0 =	vor.u32 $0x6, v61;
	_ =	sdelay $0x2  }
0x2af: {  	[tilespmem:v5+s1+$0x0] =	vst.idx.msk vm11, v3;
	v5 =	vimm.f32 $1.000000000e+00  }
0x2b0: {  	v5 =	vsel vm14, $0x0, v5  }
0x2b1: {  	[tilespmem:v0+s8+$0x0] =	vst.idx.msk $0xffff, v5;
	v0 =	vld [tilespmem:$0x1F8A0];
	_ =	sdelay $0x7  }
0x2b2: {  	[tilespmem:v0+s1+$0x0] =	vst.idx.msk vm14, v3;
	v0 =	vld [tilespmem:$0x1F8B0];
	_ =	sdelay $0x7  }
0x2b3: {  	[tilespmem:v0+s1+$0x0] =	vst.idx.msk vm14, v3;
	v0 =	vld [tilespmem:$0x1F8C0];
	_ =	sdelay $0x7  }
0x2b4: {  	[tilespmem:v0+s1+$0x0] =	vst.idx.msk vm14, v3;
	v0 =	vld [tilespmem:$0x1F8D0];
	_ =	sdelay $0x7  }
0x2b5: {  	[tilespmem:v0+s1+$0x0] =	vst.idx.msk vm14, v3;
	v0 =	vld [tilespmem:$0x1F8E0];
	_ =	sdelay $0x7  }
0x2b6: {  	[tilespmem:v0+s1+$0x0] =	vst.idx.msk vm14, v3;
	v0 =	vld [tilespmem:$0x1F8F0];
	_ =	sdelay $0x7  }
0x2b7: {  	[tilespmem:v0+s1+$0x0] =	vst.idx.msk vm14, v3;
	v0 =	vld [tilespmem:$0x1F900];
	_ =	sdelay $0x7  }
0x2b8: {  	[tilespmem:v0+s1+$0x0] =	vst.idx.msk vm14, v3;
	v0 =	vld [tilespmem:$0x1F910];
	_ =	sdelay $0x7  }
0x2b9: {  	[tilespmem:v0+s1+$0x0] =	vst.idx.msk vm14, v3;
	v0 =	vld [tilespmem:$0x1F920];
	_ =	sdelay $0x7  }
0x2ba: {  	[tilespmem:v0+s1+$0x0] =	vst.idx.msk vm14, v3;
	v0 =	vld [tilespmem:$0x1F930];
	_ =	sdelay $0x7  }
0x2bb: {  	[tilespmem:v0+s1+$0x0] =	vst.idx.msk vm14, v3;
	v0 =	vld [tilespmem:$0x1F940];
	_ =	sdelay $0x7  }
0x2bc: {  	[tilespmem:v0+s1+$0x0] =	vst.idx.msk vm14, v3;
	v0 =	vld [tilespmem:$0x1F950];
	_ =	sdelay $0x7  }
0x2bd: {  	[tilespmem:v0+s1+$0x0] =	vst.idx.msk vm14, v3;
	v0 =	vld [tilespmem:$0x1F960];
	_ =	sdelay $0x7  }
0x2be: {  	[tilespmem:v0+s1+$0x0] =	vst.idx.msk vm14, v3;
	v0 =	vld [tilespmem:$0x1F970];
	_ =	sdelay $0x7  }
0x2bf: {  	[tilespmem:v0+s1+$0x0] =	vst.idx.msk vm14, v3;
	v0 =	vld [tilespmem:$0x1F980];
	_ =	sdelay $0x7  }
0x2c0: {  	[tilespmem:v0+s1+$0x0] =	vst.idx.msk vm14, v3;
	v0 =	vld [tilespmem:$0x1F990];
	_ =	sdelay $0x7  }
0x2c1: {  	[tilespmem:v0+s1+$0x0] =	vst.idx.msk vm14, v3;
	v0 =	vld [tilespmem:$0x1F9A0];
	_ =	sdelay $0x7  }
0x2c2: {  	[tilespmem:v0+s1+$0x0] =	vst.idx.msk vm14, v3;
	v0 =	vld [tilespmem:$0x1F9B0];
	_ =	sdelay $0x7  }
0x2c3: {  	[tilespmem:v0+s1+$0x0] =	vst.idx.msk vm14, v3;
	v0 =	vld [tilespmem:$0x1F9C0];
	_ =	sdelay $0x7  }
0x2c4: {  	[tilespmem:v0+s1+$0x0] =	vst.idx.msk vm14, v3;
	v0 =	vld [tilespmem:$0x1F9D0];
	_ =	sdelay $0x7  }
0x2c5: {  	[tilespmem:v0+s1+$0x0] =	vst.idx.msk vm14, v3;
	v0 =	vld [tilespmem:$0x1F9E0]  }
0x2c6: {  	v5 =	vld [tilespmem:$0x1FA00];
	_ =	sdelay $0x6  }
0x2c7: {  	[tilespmem:v0+s1+$0x0] =	vst.idx.msk vm14, v3  }
0x2c8: {  	[tilespmem:v5+s1+$0x0] =	vst.idx.msk vm14, v3;
	v5 =	vld [tilespmem:$0x1FA10]  }
0x2c9: {  	v0 =	vld [tilespmem:$0x1F9F0];
	_ =	sdelay $0x4  }
0x2ca: {  	v0 =	vadd.s32 v17, v0  }
0x2cb: {  	v0 =	vadd.s32 v12, v0  }
0x2cc: {  	v0 =	vadd.s32 v57, v0;
	[tilespmem:v5+s1+$0x0] =	vst.idx.msk vm14, v3;
	v5 =	vld [tilespmem:$0x1FA20]  }
0x2cd: {  	v0 =	vadd.s32 v2, v0;
	v2 =	vld [tilespmem:$0x1FA30];
	_ =	sdelay $0x6  }
0x2ce: {  	[tilespmem:v5+s1+$0x0] =	vst.idx.msk vm14, v3  }
0x2cf: {  	v0 =	vadd.s32 v8, v0;
	[tilespmem:v2+s1+$0x0] =	vst.idx.msk vm14, v3;
	v2 =	vld [tilespmem:$0x1FA40]  }
0x2d0: {  	v0 =	vadd.s32 v4, v0;
	v4 =	vld [tilespmem:$0x1FA50];
	_ =	sdelay $0x6  }
0x2d1: {  	[tilespmem:v2+s1+$0x0] =	vst.idx.msk vm14, v3  }
0x2d2: {  	[tilespmem:v4+s1+$0x0] =	vst.idx.msk vm14, v3;
	v4 =	vld [tilespmem:$0x1FA60];
	_ =	sdelay $0x7  }
0x2d3: {  	[tilespmem:v4+s1+$0x0] =	vst.idx.msk vm14, v3;
	v4 =	vld [tilespmem:$0x1FA70];
	_ =	sdelay $0x7  }
0x2d4: {  	[tilespmem:v4+s1+$0x0] =	vst.idx.msk vm14, v3;
	v4 =	vld [tilespmem:$0x1FA80];
	_ =	sdelay $0x7  }
0x2d5: {  	[tilespmem:v4+s1+$0x0] =	vst.idx.msk vm14, v3;
	v4 =	vld [tilespmem:$0x1FA90];
	_ =	sdelay $0x7  }
0x2d6: {  	[tilespmem:v4+s1+$0x0] =	vst.idx.msk vm14, v3;
	v4 =	vld [tilespmem:$0x1FAA0];
	_ =	sdelay $0x3  }
0x2d7: {  	vm15 =	vgt.u32 v0, $0x3;
	v0 =	vor.u32 $0x7, v61;
	_ =	sdelay $0x2  }
0x2d8: {  	v2 =	vimm.f32 $1.000000000e+00  }
0x2d9: {  	v2 =	vsel vm15, $0x0, v2;
	[tilespmem:v4+s1+$0x0] =	vst.idx.msk vm14, v3  }
0x2da: {  	[tilespmem:v0+s8+$0x0] =	vst.idx.msk $0xffff, v2;
	v0 =	vld [tilespmem:$0x1FAB0];
	_ =	sdelay $0x7  }
0x2db: {  	[tilespmem:v0+s1+$0x0] =	vst.idx.msk vm15, v3;
	v0 =	vld [tilespmem:$0x1FAC0];
	_ =	sdelay $0x7  }
0x2dc: {  	[tilespmem:v0+s1+$0x0] =	vst.idx.msk vm15, v3;
	v0 =	vld [tilespmem:$0x1FAD0];
	_ =	sdelay $0x7  }
0x2dd: {  	[tilespmem:v0+s1+$0x0] =	vst.idx.msk vm15, v3;
	v0 =	vld [tilespmem:$0x1FAE0];
	_ =	sdelay $0x7  }
0x2de: {  	[tilespmem:v0+s1+$0x0] =	vst.idx.msk vm15, v3;
	v0 =	vld [tilespmem:$0x1FAF0];
	_ =	sdelay $0x7  }
0x2df: {  	[tilespmem:v0+s1+$0x0] =	vst.idx.msk vm15, v3;
	v0 =	vld [tilespmem:$0x1FB00];
	_ =	sdelay $0x7  }
0x2e0: {  	[tilespmem:v0+s1+$0x0] =	vst.idx.msk vm15, v3;
	v0 =	vld [tilespmem:$0x1FB10];
	_ =	sdelay $0x7  }
0x2e1: {  	[tilespmem:v0+s1+$0x0] =	vst.idx.msk vm15, v3;
	v0 =	vld [tilespmem:$0x1FB20];
	_ =	sdelay $0x7  }
0x2e2: {  	[tilespmem:v0+s1+$0x0] =	vst.idx.msk vm15, v3;
	v0 =	vld [tilespmem:$0x1FB30];
	_ =	sdelay $0x7  }
0x2e3: {  	[tilespmem:v0+s1+$0x0] =	vst.idx.msk vm15, v3;
	v0 =	vld [tilespmem:$0x1FB40];
	_ =	sdelay $0x7  }
0x2e4: {  	[tilespmem:v0+s1+$0x0] =	vst.idx.msk vm15, v3;
	v0 =	vld [tilespmem:$0x1FB50];
	_ =	sdelay $0x7  }
0x2e5: {  	[tilespmem:v0+s1+$0x0] =	vst.idx.msk vm15, v3;
	v0 =	vld [tilespmem:$0x1FB60];
	_ =	sdelay $0x7  }
0x2e6: {  	[tilespmem:v0+s1+$0x0] =	vst.idx.msk vm15, v3;
	v0 =	vld [tilespmem:$0x1FB70];
	_ =	sdelay $0x7  }
0x2e7: {  	[tilespmem:v0+s1+$0x0] =	vst.idx.msk vm15, v3;
	v0 =	vld [tilespmem:$0x1FB80];
	_ =	sdelay $0x7  }
0x2e8: {  	[tilespmem:v0+s1+$0x0] =	vst.idx.msk vm15, v3;
	v0 =	vld [tilespmem:$0x1FB90];
	_ =	sdelay $0x7  }
0x2e9: {  	[tilespmem:v0+s1+$0x0] =	vst.idx.msk vm15, v3;
	v0 =	vld [tilespmem:$0x1FBA0];
	_ =	sdelay $0x7  }
0x2ea: {  	[tilespmem:v0+s1+$0x0] =	vst.idx.msk vm15, v3;
	v0 =	vld [tilespmem:$0x1FBB0];
	_ =	sdelay $0x7  }
0x2eb: {  	[tilespmem:v0+s1+$0x0] =	vst.idx.msk vm15, v3;
	v0 =	vld [tilespmem:$0x1FBC0];
	_ =	sdelay $0x7  }
0x2ec: {  	[tilespmem:v0+s1+$0x0] =	vst.idx.msk vm15, v3;
	v0 =	vld [tilespmem:$0x1FBD0];
	_ =	sdelay $0x7  }
0x2ed: {  	[tilespmem:v0+s1+$0x0] =	vst.idx.msk vm15, v3;
	v0 =	vld [tilespmem:$0x1FBE0];
	_ =	sdelay $0x7  }
0x2ee: {  	[tilespmem:v0+s1+$0x0] =	vst.idx.msk vm15, v3;
	v0 =	vld [tilespmem:$0x1FBF0];
	_ =	sdelay $0x7  }
0x2ef: {  	[tilespmem:v0+s1+$0x0] =	vst.idx.msk vm15, v3;
	v0 =	vld [tilespmem:$0x1FC00];
	_ =	sdelay $0x7  }
0x2f0: {  	[tilespmem:v0+s1+$0x0] =	vst.idx.msk vm15, v3;
	v0 =	vld [tilespmem:$0x1FC10];
	_ =	sdelay $0x7  }
0x2f1: {  	[tilespmem:v0+s1+$0x0] =	vst.idx.msk vm15, v3;
	v0 =	vld [tilespmem:$0x1FC20];
	_ =	sdelay $0x7  }
0x2f2: {  	[tilespmem:v0+s1+$0x0] =	vst.idx.msk vm15, v3;
	v0 =	vld [tilespmem:$0x1FC30];
	_ =	sdelay $0x7  }
0x2f3: {  	[tilespmem:v0+s1+$0x0] =	vst.idx.msk vm15, v3;
	v0 =	vld [tilespmem:$0x1FC40];
	_ =	sdelay $0x7  }
0x2f4: {  	[tilespmem:v0+s1+$0x0] =	vst.idx.msk vm15, v3;
	v0 =	vld [tilespmem:$0x1FC50];
	_ =	sdelay $0x7  }
0x2f5: {  	[tilespmem:v0+s1+$0x0] =	vst.idx.msk vm15, v3;
	v0 =	vld [tilespmem:$0x1FC60];
	_ =	sdelay $0x7  }
0x2f6: {  	[tilespmem:v0+s1+$0x0] =	vst.idx.msk vm15, v3;
	v0 =	vld [tilespmem:$0x1FC70];
	_ =	sdelay $0x7  }
0x2f7: {  	[tilespmem:v0+s1+$0x0] =	vst.idx.msk vm15, v3;
	v0 =	vld [tilespmem:$0x1FC80];
	_ =	sdelay $0x7  }
0x2f8: {  	[tilespmem:v0+s1+$0x0] =	vst.idx.msk vm15, v3;
	v0 =	vld [tilespmem:$0x1FC90];
	_ =	sdelay $0x2  }
0x2f9: {  	v63 =	vld [tilespmem:$0x1FE40]  }
0x2fa: {  	v52 =	vld [tilespmem:$0x1FD90]  }
0x2fb: {  	v60 =	vld [tilespmem:$0x1FE20]  }
0x2fc: {  	v11 =	vmovc v27;
	v27 =	vmov v34;
	v34 =	vmov v41;
	v41 =	vmov v48;
	v48 =	vld [tilespmem:$0x1FDF0]  }
0x2fd: {  	v62 =	vmovc v22;
	v22 =	vmov v28;
	v28 =	vmov v35;
	v35 =	vmov v42;
	v42 =	vld [tilespmem:$0x1FD80]  }
0x2fe: {  	[tilespmem:v0+s1+$0x0] =	vst.idx.msk vm15, v3;
	v0 =	vld [tilespmem:$0x1FCA0]  }
0x2ff: {  	v58 =	vld [tilespmem:$0x1FDE0]  }
0x300: {  	v55 =	vmovc v20;
	v20 =	vmovc v26;
	v26 =	vmov v33;
	v33 =	vmov v40;
	v40 =	vmov v47;
	v47 =	vld [tilespmem:$0x1FE00]  }
0x301: {  	v51 =	vmovc v30;
	v30 =	vmov v37;
	v37 =	vmov v44;
	v44 =	vmov v50;
	v50 =	vld [tilespmem:$0x1FDB0]  }
0x302: {  	v10 =	vmovc v24;
	v24 =	vmov v31;
	v31 =	vmov v38;
	v38 =	vmov v45;
	v45 =	vld [tilespmem:$0x1FE10]  }
0x303: {  	v14 =	vld [tilespmem:$0x1FD70]  }
0x304: {  	v23 =	vmovc v29;
	v29 =	vmov v36;
	v36 =	vmov v43;
	v43 =	vmov v49;
	v49 =	vld [tilespmem:$0x1FDC0]  }
0x305: {  	v13 =	vmovc v25;
	v25 =	vmov v32;
	v32 =	vmov v39;
	v39 =	vmov v46;
	v46 =	vld [tilespmem:$0x1FD50]  }
0x306: {  	s31 =	sadd.s32 s11, s4;
	v54 =	vld [tilespmem:$0x1FDA0];
	[tilespmem:v0+s1+$0x0] =	vst.idx.msk vm15, v3  }
0x307: {  	v57 =	vld [tilespmem:$0x1FDD0];
	[hbm4b:s31+s1] =	stream.linear.scatter [tilespmem:s1], [sflag:$0x1], $0x1000, $0x38  }
0x308: {  	v61 =	vld [tilespmem:$0x1FE30];
	_ =	swait.ge [sflag:s7], $0x1000  }
0x309: {  	p0 =	sne.s32 s11, $0x7E00;
	[sflag:s7] =	ssyncset.done $0x0  }
.Ltmp0:
0x30a: {  	[sflag:s7] =	ssyncadd.s32 $0xFFFFF000;
	(pc) =	sbr.rel @p0 .LBB2_2-.Ltmp0, $4  }
0x30b: {  	[hbm4b:s10+s1] =	stream.linear.scatter [tilespmem:s8], [sflag:$0x1], $0x80, $0x38;
	[tilespmem:$0x1080] =	vst v63  }
0x30c: {  	_ =	swait.ge [sflag:s7], $0x80  }
0x30d: {  	[sflag:s7] =	ssyncset.done $0x0  }
0x30e: {  	s11 =	sadd.s32 $0x200, s11;
	s10 =	sadd.s32 $0x10, s10;
	[sflag:s7] =	ssyncadd.s32 $0xFFFFFF80  }
0x30f: {  	s9 =	sadd.s32 $0x1, s9  }
0x310: {  	p0 =	sne.s32 s9, s3  }
.Ltmp1:
0x311: {  	_ = 	snop;
	(pc) =	sbr.rel @p0 .LBB2_1-.Ltmp1, $1  }
0x312: {  	_ =	sdelay $0x3  }
0x313: {  	_ =	sfence.sel $0x180000  }
0x314: {  	[bflag:$0x0] =	sbarrier.arrive $0xFFFF  }
0x315: {  	p0 =	sne.s32 s2, $0x0;
	_ =	strace $0x9000004A  }
0x316: {  	s0 =	sadd.s32 @!p0 $0x100000, s0;
	[bflag:$0x2] =	sbarrier.arrive $0xFFFF  }
0x317: {  	[sflag:s0] =	ssyncadd.tile.s32 @!p0 $0x1;
	_ =	shalt  }
.Lfunc_end2:
_tile_overlayer_lowered:
.L_overlay_start_2:
0x318: {  	(tag) =	ssettag $0x2  }
0x319: {  	s0 =	rddreg [dreg:$0x0];
	s2 =	stileid.u32  }
0x31a: {  	s1 =	rddreg [dreg:$0x1];
	p0 =	sne.s32 s2, $0x0  }
0x31b: {  	s3 =	rddreg [dreg:$0x2];
	[bflag:$0x3] =	sbarrier.arrive $0xFFFF;
	s2 =	simm.s32 @!p0 $0x1C01  }
0x31c: {  	[timem:s3], [sflag:s2] =	dma.local @!p0 [hbm:s0], s1  }
0x31d: {  	s0 =	simm.s32 @!p0 $0x1  }
0x31e: {  	_ =	swait.ge @!p0 [sflag:s0], s1  }
0x31f: {  	s1 =	ssub.s32 @!p0 $0x0, s1;
	[sflag:s0] =	ssyncset.done @!p0 $0x0  }
0x320: {  	[sflag:s0] =	ssyncadd.s32 @!p0 s1  }
0x321: {  	[bflag:$0x3] =	sbarrier.arrive $0xFFFF  }
0x322: {  	_ =	shalt  }

// kernel: sparse-core-data-format-call.cloned.1.call-start
scs
called_computation_lowered:
.L_overlay_start_0:
0x0: {  	s2 =	sld [smem:$0x3FD9]  }
0x1: {  	s3 =	sld [smem:$0x3FFE];
	_ =	sdelay $0x1  }
0x2: {  	s1 =	srdreg.scid  }
0x3: {  	s0 =	sand.u32 $0x1, s1  }
0x4: {  	s16 =	sshll.u32 s0, $0xA;
	s2 =	sadd.s32 s3, s2  }
0x5: {  	s2 =	sadd.s32 s2, s16  }
0x6: {  	[smem:$0x3FC7] =	sst s2  }
0x7: {  	_ = 	snop  }
0x8: {  	s2 =	sld [smem:$0x3FD0];
	_ =	sdelay $0x2  }
0x9: {  	s4 =	simm.s32 $0xA;
	s5 =	simm.s32 $0x10;
	s17 =	sld [smem:$0x3FC9]  }
0xa: {  	[smem:s5], [sflag:s4] =	dma.local [hbm:s2], $0x1  }
0xb: {  	_ =	swait.eq [sflag:s4], $0x1  }
0xc: {  	[sflag:s4] =	ssyncset.done $0x0  }
0xd: {  	[sflag:s4] =	ssyncadd.s32 $0xFFFFFFFF  }
0xe: {  	s18 =	sld [smem:$0x10];
	(tm) =	ssettm $0x1  }
0xf: {  	s19 =	sld [smem:$0x3FFB];
	_ =	sdelay $0x3  }
0x10: {  	_ =	strace s19  }
0x11: {  	s4 =	sld [smem:$0x3FFC];
	_ =	sdelay $0x3  }
0x12: {  	_ =	strace s4  }
0x13: {  	s4 =	sld [smem:$0x3FFD];
	_ =	sdelay $0x3  }
0x14: {  	_ =	strace s4  }
0x15: {  	_ =	strace $0x8FFFFFFF  }
0x16: {  	s20 =	sld [smem:$0x3FDB];
	_ =	sdelay $0x1  }
0x17: {  	s21 =	simm.s32 $_scs_section_size  }
0x18: {  	s6 =	simm.s32 $_size__tile_overlayer_lowered;
	s7 =	simm.s32 $_tile_overlayer_lowered  }
0x19: {  	s24 =	simm.s32 $0x1BFF;
	s23 =	sshll.u32 s7, $0x1;
	s4 =	sadd.s32 s21, s20  }
0x1a: {  	s8 =	simm.s32 $0x0;
	s22 =	sshll.u32 s6, $0x1;
	s6 =	sadd.s32 s23, s4  }
0x1b: {  	[timem:s8], [sflag:s24] =	dma.local [hbm:s6], s22  }
0x1c: {  	_ =	swait.ge [sflag:s24], s22  }
0x1d: {  	s5 =	ssub.s32 $0x0, s22;
	[sflag:s24] =	ssyncset.done $0x0  }
0x1e: {  	[sflag:s24] =	ssyncadd.s32 s5;
	_ =	sdelay $0x1  }
0x1f: {  	s25 =	simm.s32 $0x1B8B  }
0x20: {  	_ =	swait.ge [sflag:s25], $0x1  }
0x21: {  	[sflag:s25] =	ssyncset.done $0x0  }
0x22: {  	s26 =	simm.s32 $0x1B8E;
	[sflag:s25] =	ssyncadd.s32 $0xFFFFFFFF  }
0x23: {  	s27 =	simm.s32 $execute0_lowered;
	[smem:$0x3FD2] =	sst s26  }
0x24: {  	s5 =	sshll.u32 s27, $0x1;
	_ =	strace $0x80000046;
	[dreg:$0x1] =	wrdreg $0xFFFFFFFF  }
0x25: {  	s28 =	simm.s32 $_size_execute0_lowered;
	s4 =	sadd.s32 s4, s5;
	[dreg:$0x0] =	wrdreg $0x0  }
0x26: {  	s5 =	sshll.u32 s28, $0x1;
	[dreg:$0x2] =	wrdreg s4  }
0x27: {  	[dreg:$0x3] =	wrdreg s5  }
0x28: {  	[dreg:$0x4] =	wrdreg $0xC0  }
0x29: {  	_ =	task [dreg:s8], $0x5FFFF  }
0x2a: {  	[dreg:$0x1] =	wrdreg $0xFFFFFFFF  }
0x2b: {  	[dreg:$0x0] =	wrdreg $0x60  }
0x2c: {  	[dreg:$0x2] =	wrdreg s17  }
0x2d: {  	[dreg:$0x3] =	wrdreg s18  }
0x2e: {  	[dreg:$0x4] =	wrdreg $0x9  }
0x2f: {  	_ =	task.clear_ibuf [dreg:s8], $0x5FFFF;
	_ =	strace $0x90000046  }
0x30: {  	s29 =	simm.s32 $0x9;
	_ =	strace $0x80000048  }
0x31: {  	_ =	swait.ge [sflag:s29], $0x1  }
0x32: {  	[sflag:s29] =	ssyncadd.s32 $0xFFFFFFFF  }
0x33: {  	_ =	strace $0x90000048  }
0x34: {  	_ =	sfence  }
0x35: {  	s30 =	sld [smem:$0x0];
	_ =	sdelay $0x2  }
0x36: {  	s31 =	sshll.u32 s1, $0xD;
	s1 =	sshrl.u32 s1, $0x2  }
0x37: {  	s3 =	sand.u32 $0x4000, s31;
	s1 =	sadd.s32 s1, s30  }
0x38: {  	s0 =	sor.u32 s3, s0;
	s1 =	sshll.u32 s1, $0x11  }
0x39: {  	s0 =	sor.u32 s1, s0  }
0x3a: {  	s0 =	sadd.s32 $0x8F2B, s0  }
0x3b: {  	[sflag:s0] =	ssyncadd.remote.s32 $0x1  }
0x3c: {  	_ =	sfence.sel $0xFFFF  }
0x3d: {  	[dreg:$0x0] =	wrdreg $0xFFFFFFFF;
	(pc) =	sbr.abs _section_cstart, $3  }
0x3e: {  	[dreg:$0x1] =	wrdreg $0xFFFFFFFF  }
0x3f: {  	_ =	task.clear_ibuf [dreg:s8], $0x2FFFF;
	_ =	strace $0x9FFFFFFF  }
0x40: {  	(tm) =	ssettm $0x7FFFFFFF  }
0x41: {  	_ =	shalt  }
tec
execute0_lowered:
.L_overlay_start_1:
0x0: {  	(tag) =	ssettag $0x1  }
0x1: {  	s0 =	srdreg.scid  }
0x2: {  	s1 =	sshll.u32 s0, $0x4  }
0x3: {  	s2 =	rddreg [dreg:$0x0];
	s0 =	stileid.u32;
	s1 =	sand.u32 $0x10, s1  }
0x4: {  	s4 =	rddreg [dreg:$0x1];
	s1 =	sor.u32 s0, s1  }
0x5: {  	s7 =	simm.s32 $0x1;
	s8 =	simm.s32 $0x2;
	s3 =	sshll.u32 s1, $0x3  }
0x6: {  	s9 =	simm.s32 $0x0;
	s12 =	simm.s32 $0x0;
	s6 =	ssub.s32 $0x1000, s3  }
.Ltmp0:
0x7: {  	s11 =	simm.s32 $0x0;
	s5 =	sand.u32 $0xF8, s6;
	(pc) =	sbr.rel .LBB1_1-.Ltmp0, $4  }
0x8: {  	s1 =	rddreg [dreg:$0x2];
	_ =	strace $0x80000047;
	p0 =	sne.s32 s5, $0x0  }
0x9: {  	s6 =	sshrl.u32 s6, $0x8;
	s5 =	simm.s32 $0x1;
	s7 =	simm.s32 @!p0 $0x0  }
0xa: {  	s10 =	smov.u32 s3;
	[sflag:s5] =	ssyncpa.u1 $0x0;
	s6 =	sadd.s32 s7, s6  }
0xb: {  	[sflag:s8] =	ssyncpa.u1 $0x0;
	s8 =	simm.s32 $0x0;
	s7 =	sadd.s32 $0x1, s6  }
.LBB1_9:
0xc: {  	s14 =	sadd.s32 $0x100, s10  }
0xd: {  	p1 =	sgt.s32 s14, $0xFFF  }
0xe: {  	s14 =	smov.u32 @p1 s3;
	p1 =	sne.s32 s11, s7  }
.Ltmp1:
0xf: {  	p0 =	slt.u32 s11, $0x2;
	(pc) =	sbr.rel @!p1 .LBB1_10-.Ltmp1, $4  }
0x10: {  	s13 =	simm.s32 @!p0 $0x2  }
0x11: {  	s15 =	sadd.s32 $0x1, s11;
	_ =	swait.ge @!p0 [sflag:s13], $0x4000  }
0x12: {  	s12 =	smov.u32 s10;
	s9 =	sadd.s32 $0x4000, s9;
	[sflag:s13] =	ssyncset.done @!p0 $0x0  }
0x13: {  	s11 =	smov.u32 s15;
	s10 =	smov.u32 s14;
	[sflag:s13] =	ssyncadd.s32 @!p0 $0xFFFFC000  }
.LBB1_1:
0x14: {  	p0 =	sge.u32 s11, s6  }
0x15: {  	s13 =	sxor.u32 @!p0 $0xFFFFFFFF, s11  }
0x16: {  	s31 =	sadd.s32 $0xFFFFFFFF, s11;
	s14 =	sshll.u32 @!p0 s10, $0x8;
	s13 =	sshll.u32 @!p0 s13, $0xE  }
0x17: {  	s15 =	simm.s32 @!p0 $0x0;
	s14 =	sadd.s32 @!p0 s2, s14;
	s13 =	sand.u32 @!p0 $0x4000, s13  }
0x18: {  	[tilespmem:s13], [sflag:$0x1] =	stream.linear.gather @!p0 [hbm4b:s14+s15], $0x4000, $0x38;
	[tilespmem:$0x10000] =	vst v63  }
0x19: {  	p0 =	sge.u32 s31, s6  }
.Ltmp2:
0x1a: {  	_ = 	snop;
	(pc) =	sbr.rel @p0 .LBB1_9-.Ltmp2, $1  }
0x1b: {  	_ =	sdelay $0x3  }
0x1c: {  	s13 =	sshll.u32 s9, $0x2;
	_ =	swait.ge [sflag:s5], $0x4000;
	s14 =	sshll.u32 s11, $0xE  }
0x1d: {  	s16 =	simm.s32 $0x0;
	s17 =	simm.s32 $0x0;
	s15 =	sand.u32 $0x10000, s13  }
0x1e: {  	[sflag:s5] =	ssyncset.done $0x0;
	s31 =	sand.u32 $0x4000, s14;
	s14 =	sshrl.u32 s15, $0x2  }
0x1f: {  	[sflag:s5] =	ssyncadd.s32 $0xFFFFC000;
	s13 =	sor.u32 $0x8000, s31;
	s15 =	sor.u32 $0x8000, s14  }
.LBB1_3:
0x20: {  	s18 =	sshra.s32 s16, $0x2  }
0x21: {  	v0 =	vmov s18;
	_ =	sdelay $0x3  }
0x22: {  	p1 =	por $0x1, $0x1;
	s18 =	simm.s32 $0x0  }
.LBB1_4:
0x23: {  	_ = 	snop  }
0x24: {  	s19 =	sshll.u32 s18, $0xA  }
0x25: {  	s19 =	sand.u32 $0x3FFFFC00, s19  }
0x26: {  	s19 =	sadd.s32 s19, s14  }
0x27: {  	v5 =	vld.idx.msk [tilespmem:v0+s19+$0x70 ss:$0x1], $0xffff  }
0x28: {  	v6 =	vld.idx.msk [tilespmem:v0+s19+$0x10 ss:$0x1], $0xffff  }
0x29: {  	v7 =	vld.idx.msk [tilespmem:v0+s19+$0x20 ss:$0x1], $0xffff  }
0x2a: {  	s31 =	sshll.u32 s18, $0x7;
	v1 =	vld.idx.msk [tilespmem:v0+s19+$0x30 ss:$0x1], $0xffff  }
0x2b: {  	s18 =	sand.u32 $0x3FFFFF80, s31;
	v2 =	vld.idx.msk [tilespmem:v0+s19+$0x40 ss:$0x1], $0xffff  }
0x2c: {  	s18 =	sadd.s32 s18, s15;
	v3 =	vld.idx.msk [tilespmem:v0+s19+$0x50 ss:$0x1], $0xffff  }
0x2d: {  	v4 =	vld.idx.msk [tilespmem:v0+s19+$0x60 ss:$0x1], $0xffff;
	[tilespmem:v0+s18+$0x70 ss:$0x1] =	vst.idx.msk $0xffff, v5  }
0x2e: {  	v5 =	vld.idx.msk [tilespmem:v0+s19+$0x0 ss:$0x1], $0xffff;
	[tilespmem:v0+s18+$0x10 ss:$0x1] =	vst.idx.msk $0xffff, v6;
	s19 =	sadd.s32 $0x80, s19  }
0x2f: {  	p0 =	por p1, p1;
	s20 =	simm.s32 $0x6;
	[tilespmem:v0+s18+$0x20 ss:$0x1] =	vst.idx.msk $0xffff, v7;
	v6 =	vld.idx.msk [tilespmem:v0+s19+$0x70 ss:$0x1], $0xffff  }
.LBB1_5:
0x30: {  	p1 =	sne.s32 s20, $0x1;
	v7 =	vld.idx.msk [tilespmem:v0+s19+$0x10 ss:$0x1], $0xffff;
	[tilespmem:v0+s18+$0x30 ss:$0x1] =	vst.idx.msk $0xffff, v1  }
0x31: {  	v8 =	vld.idx.msk [tilespmem:v0+s19+$0x20 ss:$0x1], $0xffff;
	[tilespmem:v0+s18+$0x40 ss:$0x1] =	vst.idx.msk $0xffff, v2  }
0x32: {  	v1 =	vld.idx.msk [tilespmem:v0+s19+$0x30 ss:$0x1], $0xffff;
	[tilespmem:v0+s18+$0x50 ss:$0x1] =	vst.idx.msk $0xffff, v3  }
.Ltmp3:
0x33: {  	v2 =	vld.idx.msk [tilespmem:v0+s19+$0x40 ss:$0x1], $0xffff;
	[tilespmem:v0+s18+$0x60 ss:$0x1] =	vst.idx.msk $0xffff, v4;
	(pc) =	sbr.rel @p1 .LBB1_5-.Ltmp3, $4  }
0x34: {  	v3 =	vld.idx.msk [tilespmem:v0+s19+$0x50 ss:$0x1], $0xffff;
	[tilespmem:v0+s18+$0x0 ss:$0x1] =	vst.idx.msk $0xffff, v5;
	s18 =	sadd.s32 $0x100, s18  }
0x35: {  	v4 =	vld.idx.msk [tilespmem:v0+s19+$0x60 ss:$0x1], $0xffff;
	[tilespmem:v0+s18+$0x70 ss:$0x1] =	vst.idx.msk $0xffff, v6  }
0x36: {  	v5 =	vld.idx.msk [tilespmem:v0+s19+$0x0 ss:$0x1], $0xffff;
	[tilespmem:v0+s18+$0x10 ss:$0x1] =	vst.idx.msk $0xffff, v7;
	s19 =	sadd.s32 $0x80, s19  }
0x37: {  	s20 =	sadd.s32 $0xFFFFFFFF, s20;
	v6 =	vld.idx.msk [tilespmem:v0+s19+$0x70 ss:$0x1], $0xffff;
	[tilespmem:v0+s18+$0x20 ss:$0x1] =	vst.idx.msk $0xffff, v8  }
0x38: {  	_ =	sdelay $0x3  }
0x39: {  	[tilespmem:v0+s18+$0x30 ss:$0x1] =	vst.idx.msk $0xffff, v1  }
0x3a: {  	v1 =	vld.idx.msk [tilespmem:v0+s19+$0x10 ss:$0x1], $0xffff;
	[tilespmem:v0+s18+$0x40 ss:$0x1] =	vst.idx.msk $0xffff, v2  }
0x3b: {  	v2 =	vld.idx.msk [tilespmem:v0+s19+$0x20 ss:$0x1], $0xffff;
	[tilespmem:v0+s18+$0x50 ss:$0x1] =	vst.idx.msk $0xffff, v3  }
0x3c: {  	v61 =	vld.idx.msk [tilespmem:v0+s19+$0x40 ss:$0x1], $0xffff;
	[tilespmem:v0+s18+$0x60 ss:$0x1] =	vst.idx.msk $0xffff, v4  }
0x3d: {  	s31 =	sadd.s32 $0x100, s18;
	v62 =	vld.idx.msk [tilespmem:v0+s19+$0x50 ss:$0x1], $0xffff;
	[tilespmem:v0+s18+$0x0 ss:$0x1] =	vst.idx.msk $0xffff, v5  }
0x3e: {  	v63 =	vld.idx.msk [tilespmem:v0+s19+$0x60 ss:$0x1], $0xffff;
	[tilespmem:v0+s31+$0x70 ss:$0x1] =	vst.idx.msk $0xffff, v6  }
0x3f: {  	v3 =	vld.idx.msk [tilespmem:v0+s19+$0x30 ss:$0x1], $0xffff;
	[tilespmem:v0+s31+$0x10 ss:$0x1] =	vst.idx.msk $0xffff, v1  }
0x40: {  	v1 =	vld.idx.msk [tilespmem:v0+s19+$0x0 ss:$0x1], $0xffff;
	[tilespmem:v0+s31+$0x20 ss:$0x1] =	vst.idx.msk $0xffff, v2  }
.Ltmp4:
0x41: {  	[tilespmem:v0+s31+$0x40 ss:$0x1] =	vst.idx.msk $0xffff, v61;
	(pc) =	sbr.rel @p0 .LBB1_4-.Ltmp4, $4  }
0x42: {  	[tilespmem:v0+s31+$0x50 ss:$0x1] =	vst.idx.msk $0xffff, v62  }
0x43: {  	[tilespmem:v0+s31+$0x60 ss:$0x1] =	vst.idx.msk $0xffff, v63  }
0x44: {  	[tilespmem:v0+s31+$0x30 ss:$0x1] =	vst.idx.msk $0xffff, v3  }
0x45: {  	p1 =	por $0x0, $0x0;
	s18 =	simm.s32 $0x1;
	[tilespmem:v0+s31+$0x0 ss:$0x1] =	vst.idx.msk $0xffff, v1  }
0x46: {  	s17 =	sadd.s32 $0x1, s17  }
0x47: {  	p0 =	sne.s32 s17, $0x8  }
.Ltmp5:
0x48: {  	_ = 	snop;
	(pc) =	sbr.rel @p0 .LBB1_3-.Ltmp5, $2  }
0x49: {  	_ =	sdelay $0x2  }
0x4a: {  	s16 =	sadd.s32 $0x2000, s16  }
.Ltmp6:
0x4b: {  	(pc) =	sbr.rel .LBB1_9-.Ltmp6, $4  }
0x4c: {  	_ = 	snop  }
0x4d: {  	s12 =	sshll.u32 s12, $0x8  }
0x4e: {  	s12 =	sadd.s32 s4, s12  }
0x4f: {  	[hbm4b:s12+s8] =	stream.linear.scatter [tilespmem:s13], [sflag:$0x2], $0x4000, $0x38;
	[tilespmem:$0x10000] =	vst v63  }
.LBB1_10:
0x50: {  	_ =	sfence.sel $0x180000  }
0x51: {  	s2 =	simm.s32 $0x1;
	[bflag:$0x0] =	sbarrier.arrive $0xFFFF  }
0x52: {  	s31 =	simm.s32 $0x2;
	[sflag:s2] =	ssyncpa.u1 $0x1  }
0x53: {  	[sflag:s31] =	ssyncpa.u1 $0x1  }
0x54: {  	p0 =	sne.s32 s0, $0x0;
	_ =	strace $0x90000047  }
0x55: {  	s0 =	sadd.s32 @!p0 $0x100000, s1;
	[bflag:$0x2] =	sbarrier.arrive $0xFFFF  }
0x56: {  	[sflag:s0] =	ssyncadd.tile.s32 @!p0 $0x1;
	_ =	shalt  }
.Lfunc_end1:
_tile_overlayer_lowered:
.L_overlay_start_2:
0x57: {  	(tag) =	ssettag $0x2  }
0x58: {  	s0 =	rddreg [dreg:$0x0];
	s2 =	stileid.u32  }
0x59: {  	s1 =	rddreg [dreg:$0x1];
	p0 =	sne.s32 s2, $0x0  }
0x5a: {  	s3 =	rddreg [dreg:$0x2];
	[bflag:$0x3] =	sbarrier.arrive $0xFFFF;
	s2 =	simm.s32 @!p0 $0x1C01  }
0x5b: {  	[timem:s3], [sflag:s2] =	dma.local @!p0 [hbm:s0], s1  }
0x5c: {  	s0 =	simm.s32 @!p0 $0x1  }
0x5d: {  	_ =	swait.ge @!p0 [sflag:s0], s1  }
0x5e: {  	s1 =	ssub.s32 @!p0 $0x0, s1;
	[sflag:s0] =	ssyncset.done @!p0 $0x0  }
0x5f: {  	[sflag:s0] =	ssyncadd.s32 @!p0 s1  }
0x60: {  	[bflag:$0x3] =	sbarrier.arrive $0xFFFF  }
0x61: {  	_ =	shalt  }

</sc_bundles>
